<compile_context>
chip_gen: v7x
topology: tpu7x:2x2x1
jax: 0.10.2.dev20260603
libtpu: 0.0.44.dev20260713+nightly
codegen_flags: <defaults>
</compile_context>

<pallas_src>
import functools

import jax
import jax.numpy as jnp
from jax import lax
from jax.experimental import pallas as pl
from jax.experimental.pallas import tpu as pltpu
from jax.experimental.pallas import tpu_sc as plsc

F32 = jnp.float32

N_TOTAL = 10000
NP = 10240
N_FEAT = 128
HID = 64
N_EDGES = 320000
NC, NS = 2, 16
NW = NC * NS
CHUNK = 128
K_CH = 80
E_PAD = NW * K_CH * CHUNK
RPT = NP // NS
BATCH, WIN_IN, WIN_OUT = 5, 20, 5
LSTM_IN = 12800
LSTM_H = 32
NCLS = 10
BLK = 1024
NSLOT = 5
NAHEAD = 4



def _agg_pipeline(g_hbm, src_v, dst_v, bufs, gsems, ssems, acc, K):
    for b in range(NAHEAD):
        pltpu.async_copy(g_hbm.at[src_v.at[b]], bufs[b], gsems[b])

    def body(gi, carry):
        for b in range(NSLOT):
            j = gi * NSLOT + b
            b2 = (b + NAHEAD) % NSLOT
            pltpu.make_async_copy(g_hbm.at[src_v.at[j]], bufs[b], gsems[b]).wait()
            pltpu.async_copy(bufs[b], acc.at[dst_v.at[j]], ssems[b], add=True)

            @pl.when(j + NAHEAD < K)
            def _next():
                @pl.when(j >= NSLOT - NAHEAD)
                def _drain_prev():
                    pltpu.make_async_copy(
                        bufs[b2], acc.at[dst_v.at[j + NAHEAD - NSLOT]],
                        ssems[b2]).wait()
                pltpu.async_copy(g_hbm.at[src_v.at[j + NAHEAD]], bufs[b2], gsems[b2])
        return carry

    lax.fori_loop(0, K // NSLOT, body, 0)
    for j in range(K - NSLOT, K):
        b = j % NSLOT
        pltpu.make_async_copy(bufs[b], acc.at[dst_v.at[j]], ssems[b]).wait()

@functools.cache
def _deg_call():
    mesh = plsc.VectorSubcoreMesh(core_axis_name="c", subcore_axis_name="s")

    @functools.partial(
        pl.kernel,
        mesh=mesh,
        compiler_params=pltpu.CompilerParams(use_tc_tiling_on_sc=False),
        out_type=jax.ShapeDtypeStruct((NC, NP, 16), F32),
        scratch_types=[
            pltpu.VMEM((K_CH, CHUNK), jnp.int32),
            pltpu.VMEM((CHUNK, 16), F32),
            pltpu.VMEM((16, 16), F32),
            pltpu.VMEM_SHARED((NP, 16), F32),
        ],
    )
    def deg_kernel(dst_hbm, out_hbm, dst_v, ones_v, zt_v, acc):
        c = lax.axis_index("c")
        s = lax.axis_index("s")
        wid = s * NC + c
        pltpu.sync_copy(dst_hbm.at[wid], dst_v)
        for r in range(16):
            zt_v[r, :] = jnp.zeros((16,), F32)
        for r in range(CHUNK):
            ones_v[r, :] = jnp.ones((16,), F32)

        def zbody(i, carry):
            pltpu.sync_copy(zt_v, acc.at[pl.ds(s * RPT + i * 16, 16)])
            return carry

        lax.fori_loop(0, RPT // 16, zbody, 0)
        plsc.subcore_barrier()

        def sbody(j, carry):
            pltpu.sync_copy(ones_v, acc.at[dst_v.at[j]], add=True)
            return carry

        lax.fori_loop(0, K_CH, sbody, 0)
        plsc.subcore_barrier()
        pltpu.sync_copy(acc.at[pl.ds(s * RPT, RPT)],
                        out_hbm.at[c, pl.ds(s * RPT, RPT)])

    return deg_kernel


@functools.cache
def _agg_call(D):
    mesh = plsc.VectorSubcoreMesh(core_axis_name="c", subcore_axis_name="s")

    @functools.partial(
        pl.kernel,
        mesh=mesh,
        compiler_params=pltpu.CompilerParams(use_tc_tiling_on_sc=False),
        out_type=jax.ShapeDtypeStruct((NC, NP, D), F32),
        scratch_types=[
            pltpu.VMEM((K_CH, CHUNK), jnp.int32),
            pltpu.VMEM((K_CH, CHUNK), jnp.int32),
            pltpu.VMEM((NSLOT * CHUNK, D), F32),
            pltpu.VMEM((16, D), F32),
            pltpu.VMEM_SHARED((NP, D), F32),
        ] + [pltpu.SemaphoreType.DMA] * (2 * NSLOT),
    )
    def agg_kernel(g_hbm, src_hbm, dst_hbm, out_hbm,
                   src_v, dst_v, bufs_v, zt_v, acc, *sems):
        c = lax.axis_index("c")
        s = lax.axis_index("s")
        wid = s * NC + c
        pltpu.sync_copy(src_hbm.at[wid], src_v)
        pltpu.sync_copy(dst_hbm.at[wid], dst_v)
        for r in range(16):
            for q in range(D // 16):
                zt_v[r, pl.ds(q * 16, 16)] = jnp.zeros((16,), F32)

        def zbody(i, carry):
            pltpu.sync_copy(zt_v, acc.at[pl.ds(s * RPT + i * 16, 16)])
            return carry

        lax.fori_loop(0, RPT // 16, zbody, 0)
        plsc.subcore_barrier()

        bufs = [bufs_v.at[pl.ds(b * CHUNK, CHUNK)] for b in range(NSLOT)]
        _agg_pipeline(g_hbm.at[c], src_v, dst_v, bufs,
                      sems[:NSLOT], sems[NSLOT:], acc, K_CH)
        plsc.subcore_barrier()
        pltpu.sync_copy(acc.at[pl.ds(s * RPT, RPT)],
                        out_hbm.at[c, pl.ds(s * RPT, RPT)])

    return agg_kernel


K2 = 160


@functools.cache
def _agg_feat_call():
    mesh = plsc.VectorSubcoreMesh(core_axis_name="c", subcore_axis_name="s")

    @functools.partial(
        pl.kernel,
        mesh=mesh,
        compiler_params=pltpu.CompilerParams(use_tc_tiling_on_sc=False),
        out_type=jax.ShapeDtypeStruct((NC, NP, HID), F32),
        scratch_types=[
            pltpu.VMEM((K2, CHUNK), jnp.int32),
            pltpu.VMEM((K2, CHUNK), jnp.int32),
            pltpu.VMEM((NSLOT * CHUNK, HID), F32),
            pltpu.VMEM((16, HID), F32),
            pltpu.VMEM_SHARED((NP, HID), F32),
        ] + [pltpu.SemaphoreType.DMA] * (2 * NSLOT),
    )
    def agg2_kernel(g_hbm, src_hbm, dst_hbm, out_hbm,
                    src_v, dst_v, bufs_v, zt_v, acc, *sems):
        c = lax.axis_index("c")
        s = lax.axis_index("s")
        pltpu.sync_copy(src_hbm.at[s], src_v)
        pltpu.sync_copy(dst_hbm.at[s], dst_v)
        for r in range(16):
            for q in range(HID // 16):
                zt_v[r, pl.ds(q * 16, 16)] = jnp.zeros((16,), F32)

        def zbody(i, carry):
            pltpu.sync_copy(zt_v, acc.at[pl.ds(s * RPT + i * 16, 16)])
            return carry

        lax.fori_loop(0, RPT // 16, zbody, 0)
        plsc.subcore_barrier()

        bufs = [bufs_v.at[pl.ds(b * CHUNK, CHUNK)] for b in range(NSLOT)]
        _agg_pipeline(g_hbm.at[c], src_v, dst_v, bufs,
                      sems[:NSLOT], sems[NSLOT:], acc, K2)
        plsc.subcore_barrier()
        pltpu.sync_copy(acc.at[pl.ds(s * RPT, RPT)],
                        out_hbm.at[c, pl.ds(s * RPT, RPT)])

    return agg2_kernel


def _sc_degree(dstp):
    return _deg_call()(dstp)


def _sc_aggregate(g, srcp, dstp, D):
    return _agg_call(D)(g, srcp, dstp)


def _sc_aggregate_feat(g2d, srcq, dstq):
    return _agg_feat_call()(g2d, srcq, dstq)



def _dinv_col(deg_ref):
    d = deg_ref[0] + deg_ref[1]
    return lax.rsqrt(d[:, 0:1] + 1.0)


def _prep_body(x_ref, w_ref, deg_ref, h1_ref, g1_ref):
    h = jnp.dot(x_ref[...], w_ref[...], preferred_element_type=F32)
    h1_ref[...] = h
    g1 = h * _dinv_col(deg_ref)
    g1_ref[0] = g1
    g1_ref[1] = g1


def _tc_prep(xp, W1, deg_p):
    return pl.pallas_call(
        _prep_body,
        grid=(NP // BLK,),
        in_specs=[
            pl.BlockSpec((BLK, N_FEAT), lambda i: (i, 0)),
            pl.BlockSpec((N_FEAT, HID), lambda i: (0, 0)),
            pl.BlockSpec((NC, BLK, 16), lambda i: (0, i, 0)),
        ],
        out_specs=[
            pl.BlockSpec((BLK, HID), lambda i: (i, 0)),
            pl.BlockSpec((NC, BLK, HID), lambda i: (0, i, 0)),
        ],
        out_shape=[
            jax.ShapeDtypeStruct((NP, HID), F32),
            jax.ShapeDtypeStruct((NC, NP, HID), F32),
        ],
    )(xp, W1, deg_p)


def _mid_body(agg_ref, h1_ref, deg_ref, b1_ref, w2_ref, h2_ref, g2_ref):
    dv = _dinv_col(deg_ref)
    agg = agg_ref[0] + agg_ref[1]
    out1 = jnp.maximum(dv * agg + dv * dv * h1_ref[...] + b1_ref[...], 0.0)
    h2 = jnp.dot(out1, w2_ref[...], preferred_element_type=F32)
    h2_ref[...] = h2
    g2 = h2 * dv
    g2_ref[0] = g2[:, 0:HID]
    g2_ref[1] = g2[:, HID:N_FEAT]


def _tc_mid(agg1, H1, deg_p, b1, W2):
    return pl.pallas_call(
        _mid_body,
        grid=(NP // BLK,),
        in_specs=[
            pl.BlockSpec((NC, BLK, HID), lambda i: (0, i, 0)),
            pl.BlockSpec((BLK, HID), lambda i: (i, 0)),
            pl.BlockSpec((NC, BLK, 16), lambda i: (0, i, 0)),
            pl.BlockSpec((1, HID), lambda i: (0, 0)),
            pl.BlockSpec((HID, N_FEAT), lambda i: (0, 0)),
        ],
        out_specs=[
            pl.BlockSpec((BLK, N_FEAT), lambda i: (i, 0)),
            pl.BlockSpec((NC, BLK, HID), lambda i: (0, i, 0)),
        ],
        out_shape=[
            jax.ShapeDtypeStruct((NP, N_FEAT), F32),
            jax.ShapeDtypeStruct((NC, NP, HID), F32),
        ],
    )(agg1, H1, deg_p, b1, W2)


def _post_body(agg_ref, h2_ref, deg_ref, b2_ref, out_ref):
    dv = _dinv_col(deg_ref)
    agg = jnp.concatenate([agg_ref[0], agg_ref[1]], axis=1)
    out_ref[...] = jnp.maximum(dv * agg + dv * dv * h2_ref[...] + b2_ref[...], 0.0)


def _tc_post(agg2, H2, deg_p, b2):
    return pl.pallas_call(
        _post_body,
        grid=(NP // BLK,),
        in_specs=[
            pl.BlockSpec((NC, BLK, HID), lambda i: (0, i, 0)),
            pl.BlockSpec((BLK, N_FEAT), lambda i: (i, 0)),
            pl.BlockSpec((NC, BLK, 16), lambda i: (0, i, 0)),
            pl.BlockSpec((1, N_FEAT), lambda i: (0, 0)),
        ],
        out_specs=pl.BlockSpec((BLK, N_FEAT), lambda i: (i, 0)),
        out_shape=jax.ShapeDtypeStruct((NP, N_FEAT), F32),
    )(agg2, H2, deg_p, b2)


def _lstm_in_body(x_ref, w_ref, bi_ref, bh_ref, out_ref):
    k = pl.program_id(0)

    @pl.when(k == 0)
    def _init():
        out_ref[...] = jnp.zeros_like(out_ref)

    out_ref[...] += jnp.dot(x_ref[...], w_ref[...], preferred_element_type=F32)

    @pl.when(k == pl.num_programs(0) - 1)
    def _bias():
        out_ref[...] += bi_ref[...] + bh_ref[...]


def _tc_lstm_in(xl, W_ihT, bi, bh):
    kb = 512
    return pl.pallas_call(
        _lstm_in_body,
        grid=(LSTM_IN // kb,),
        in_specs=[
            pl.BlockSpec((104, kb), lambda k: (0, k)),
            pl.BlockSpec((kb, 4 * LSTM_H), lambda k: (k, 0)),
            pl.BlockSpec((1, 4 * LSTM_H), lambda k: (0, 0)),
            pl.BlockSpec((1, 4 * LSTM_H), lambda k: (0, 0)),
        ],
        out_specs=pl.BlockSpec((104, 4 * LSTM_H), lambda k: (0, 0)),
        out_shape=jax.ShapeDtypeStruct((104, 4 * LSTM_H), F32),
    )(xl, W_ihT, bi, bh)


def _lstm_fc_body(g_ref, whh_ref, fc1w_ref, fc1b_ref, fc2w_ref, fc2b_ref, out_ref):
    whh = whh_ref[...]
    h = jnp.zeros((BATCH, LSTM_H), F32)
    cst = jnp.zeros((BATCH, LSTM_H), F32)
    hs = []
    for t in range(WIN_IN):
        gt = jnp.concatenate(
            [g_ref[pl.ds(b * WIN_IN + t, 1), :] for b in range(BATCH)], axis=0)
        gates = gt + jnp.dot(h, whh, preferred_element_type=F32)
        i_g = jax.nn.sigmoid(gates[:, 0:LSTM_H])
        f_g = jax.nn.sigmoid(gates[:, LSTM_H:2 * LSTM_H])
        g_g = jnp.tanh(gates[:, 2 * LSTM_H:3 * LSTM_H])
        o_g = jax.nn.sigmoid(gates[:, 3 * LSTM_H:4 * LSTM_H])
        cst = f_g * cst + i_g * g_g
        h = o_g * jnp.tanh(cst)
        if t >= WIN_IN - WIN_OUT:
            hs.append(h)
    hcat = jnp.concatenate(hs, axis=0)
    z = jnp.maximum(
        jnp.dot(hcat, fc1w_ref[...], preferred_element_type=F32) + fc1b_ref[...], 0.0)
    out_ref[...] = jnp.dot(z, fc2w_ref[...], preferred_element_type=F32) + fc2b_ref[...]


def _tc_lstm_fc(G, W_hhT, fc1_W, fc1_b, fc2_W, fc2_b):
    return pl.pallas_call(
        _lstm_fc_body,
        out_shape=jax.ShapeDtypeStruct((BATCH * WIN_OUT, NCLS), F32),
    )(G, W_hhT, fc1_W, fc1_b, fc2_W, fc2_b)



def kernel(x, edge_index, W1, b1, W2, b2, W_ih, W_hh, b_ih, b_hh,
           fc1_W, fc1_b, fc2_W, fc2_b):
    xp = jnp.pad(x, ((0, NP - N_TOTAL), (0, 0)))
    pad = jnp.full((E_PAD - N_EDGES,), N_TOTAL, jnp.int32)
    src_f = jnp.concatenate([edge_index[0], pad])
    dst_f = jnp.concatenate([edge_index[1], pad])
    srcp = src_f.reshape(NW, K_CH, CHUNK)
    dstp = dst_f.reshape(NW, K_CH, CHUNK)
    srcq = src_f.reshape(NS, K2, CHUNK)
    dstq = dst_f.reshape(NS, K2, CHUNK)

    deg_p = _sc_degree(dstp)

    H1, g1 = _tc_prep(xp, W1, deg_p)
    agg1 = _sc_aggregate(g1, srcp, dstp, HID)
    H2, g2h = _tc_mid(agg1, H1, deg_p, b1.reshape(1, HID), W2)
    agg2 = _sc_aggregate_feat(g2h, srcq, dstq)
    out2 = _tc_post(agg2, H2, deg_p, b2.reshape(1, N_FEAT))

    xl = out2[:N_TOTAL].reshape(BATCH * WIN_IN, LSTM_IN)
    xl = jnp.pad(xl, ((0, 4), (0, 0)))
    G = _tc_lstm_in(xl, W_ih.T, b_ih.reshape(1, -1), b_hh.reshape(1, -1))
    out_t = _tc_lstm_fc(G, W_hh.T, fc1_W, fc1_b.reshape(1, -1),
                        fc2_W, fc2_b.reshape(1, -1))
    return (out_t.reshape(WIN_OUT, BATCH, NCLS)
            .transpose(1, 0, 2).reshape(BATCH * WIN_OUT, NCLS))

# --- scband reference (transcript-rebuilt; emitter-appended) ---
"""Pipeline reference for scband-stgcnlstm-29901562315329 (READ-ONLY COPY).

The authoritative reference and input builder live on the scoring server;
editing this copy changes nothing except your own understanding.
"""

import jax, jax.numpy as jnp
import numpy as np

N_TOTAL = 10000      # total nodes = batch(5) * win_size_in(20) * num_nodes(100)
N_EDGES = 320000
N_FEAT = 128
HID_GCN = 64
N_CLASSES = 10
BATCH = 5
WIN_IN = 20
WIN_OUT = 5
NUM_NODES = 100
LSTM_IN = NUM_NODES * N_FEAT  # 12800
LSTM_H = 32


def gcn_conv(x, edge_index, W, b):
    # PyG GCNConv: add self-loops, symmetric normalization, scatter-add aggregation
    N = x.shape[0]
    loop = jnp.arange(N, dtype=edge_index.dtype)
    src = jnp.concatenate([edge_index[0], loop])
    dst = jnp.concatenate([edge_index[1], loop])
    deg = jnp.zeros((N,), dtype=x.dtype).at[dst].add(1.0)
    dinv = jnp.where(deg > 0, jax.lax.rsqrt(deg), 0.0)
    norm = dinv[src] * dinv[dst]
    h = x @ W
    msg = h[src] * norm[:, None]
    out = jnp.zeros((N, W.shape[1]), dtype=x.dtype).at[dst].add(msg)
    return out + b


def lstm_forward(xs, W_ih, W_hh, b_ih, b_hh):
    # xs: [B, T, D]; PyTorch gate order i, f, g, o
    B = xs.shape[0]
    H = W_hh.shape[1]

    def step(carry, xt):
        h, c = carry
        gates = xt @ W_ih.T + h @ W_hh.T + b_ih + b_hh
        i, f, g, o = jnp.split(gates, 4, axis=-1)
        i = jax.nn.sigmoid(i)
        f = jax.nn.sigmoid(f)
        g = jnp.tanh(g)
        o = jax.nn.sigmoid(o)
        c = f * c + i * g
        h = o * jnp.tanh(c)
        return (h, c), h

    init = (jnp.zeros((B, H), dtype=xs.dtype), jnp.zeros((B, H), dtype=xs.dtype))
    _, hs = jax.lax.scan(step, init, jnp.swapaxes(xs, 0, 1))
    return jnp.swapaxes(hs, 0, 1)


def setup_inputs(seed: int = 0):
    key = jax.random.key(seed)
    ks = jax.random.split(key, 16)
    inp = {}
    inp['x'] = jax.random.normal(ks[0], (N_TOTAL, N_FEAT), dtype=jnp.float32)
    inp['edge_index'] = jax.random.randint(ks[1], (2, N_EDGES), 0, N_TOTAL, dtype=jnp.int32)
    inp['W1'] = jax.random.normal(ks[2], (N_FEAT, HID_GCN), dtype=jnp.float32) / np.sqrt(N_FEAT)
    inp['b1'] = jnp.zeros((HID_GCN,), dtype=jnp.float32)
    inp['W2'] = jax.random.normal(ks[3], (HID_GCN, N_FEAT), dtype=jnp.float32) / np.sqrt(HID_GCN)
    inp['b2'] = jnp.zeros((N_FEAT,), dtype=jnp.float32)
    inp['W_ih'] = jax.random.normal(ks[4], (4 * LSTM_H, LSTM_IN), dtype=jnp.float32) / np.sqrt(LSTM_IN)
    inp['W_hh'] = jax.random.normal(ks[5], (4 * LSTM_H, LSTM_H), dtype=jnp.float32) / np.sqrt(LSTM_H)
    inp['b_ih'] = jnp.zeros((4 * LSTM_H,), dtype=jnp.float32)
    inp['b_hh'] = jnp.zeros((4 * LSTM_H,), dtype=jnp.float32)
    inp['fc1_W'] = jax.random.normal(ks[6], (LSTM_H, 16), dtype=jnp.float32) / np.sqrt(LSTM_H)
    inp['fc1_b'] = jnp.zeros((16,), dtype=jnp.float32)
    inp['fc2_W'] = jax.random.normal(ks[7], (16, N_CLASSES), dtype=jnp.float32) / np.sqrt(16.0)
    inp['fc2_b'] = jnp.zeros((N_CLASSES,), dtype=jnp.float32)
    return inp


def reference(x, edge_index, W1, b1, W2, b2, W_ih, W_hh, b_ih, b_hh, fc1_W, fc1_b, fc2_W, fc2_b):
    h = jax.nn.relu(gcn_conv(x, edge_index, W1, b1))
    h = jax.nn.relu(gcn_conv(h, edge_index, W2, b2))
    h = h.reshape(BATCH, WIN_IN, -1)          # [5, 20, 12800]
    h = lstm_forward(h, W_ih, W_hh, b_ih, b_hh)  # [5, 20, 32]
    h = h[:, -WIN_OUT:, :]                     # [5, 5, 32]
    h = jax.nn.relu(h @ fc1_W + fc1_b)
    h = h @ fc2_W + fc2_b
    return h.reshape(-1, N_CLASSES)            # [25, 10]

if __name__ == "__main__":
    import jax
    _d = setup_inputs()
    print(jax.jit(kernel)(*tuple(_d.values())))

</pallas_src>

<mosaic_0001>
#map = affine_map<(d0, d1) -> (0, 0, 0)>
module attributes {stable_mosaic.version = 14 : i64} {
  func.func @deg_kernel(%arg0: i32, %arg1: i32, %arg2: memref<32x80x128xi32, #tpu.memory_space<hbm>>, %arg3: memref<2x10240x16xf32, #tpu.memory_space<hbm>>, %arg4: memref<80x128xi32, #tpu.memory_space<vmem>>, %arg5: memref<128x16xf32, #tpu.memory_space<vmem>>, %arg6: memref<16x16xf32, #tpu.memory_space<vmem>>, %arg7: memref<10240x16xf32, #tpu.memory_space<vmem_shared>>) attributes {dimension_semantics = [#tpu.dimension_semantics<core_parallel>, #tpu.dimension_semantics<subcore_parallel>], iteration_bounds = array<i64: 2, 16>, scalar_prefetch = 0 : i64, scratch_operands = 4 : i64, tpu.core_type = #tpu.core_type<sc_vector_subcore>, window_params = [{transform_indices = #map}, {transform_indices = #map}]} {
    %mul3A = arith.constant 2 : i32
    %mul3A_0 = arith.muli %arg1, %mul3A : i32
    %add3A = arith.addi %mul3A_0, %arg0 : i32
    "tpu.region"() ({
      %run_scoped3A = tpu.sem_alloc : memref<!tpu.dma_semaphore, #tpu.memory_space<semaphore_mem>>
      %dma_start3A = arith.constant 0 : i32
      %dma_start3A_1167 = arith.constant 0 : i32
      %dma_start3A_1168 = tpu.memref_slice %arg2[%add3A, %dma_start3A, %dma_start3A_1167] : memref<32x80x128xi32, #tpu.memory_space<hbm>> -> memref<1x80x128xi32, #tpu.memory_space<hbm>>
      %dma_start3A_1169 = tpu.memref_squeeze %dma_start3A_1168 : memref<1x80x128xi32, #tpu.memory_space<hbm>> -> memref<80x128xi32, #tpu.memory_space<hbm>>
      %dma_start3A_1170 = arith.constant 0 : i32
      %dma_start3A_1171 = arith.constant 0 : i32
      %dma_start3A_1172 = tpu.memref_slice %arg2[%add3A, %dma_start3A_1170, %dma_start3A_1171] : memref<32x80x128xi32, #tpu.memory_space<hbm>> -> memref<1x80x128xi32, #tpu.memory_space<hbm>>
      %dma_start3A_1173 = tpu.memref_squeeze %dma_start3A_1172 : memref<1x80x128xi32, #tpu.memory_space<hbm>> -> memref<80x128xi32, #tpu.memory_space<hbm>>
      tpu.enqueue_dma source(%dma_start3A_1173 : memref<80x128xi32, #tpu.memory_space<hbm>>) target(%arg4 : memref<80x128xi32, #tpu.memory_space<vmem>>) target_semaphore(%run_scoped3A : memref<!tpu.dma_semaphore, #tpu.memory_space<semaphore_mem>>)
      %dma_wait3A = arith.constant 0 : i32
      %dma_wait3A_1174 = arith.constant 0 : i32
      %dma_wait3A_1175 = tpu.memref_slice %arg2[%add3A, %dma_wait3A, %dma_wait3A_1174] : memref<32x80x128xi32, #tpu.memory_space<hbm>> -> memref<1x80x128xi32, #tpu.memory_space<hbm>>
      %dma_wait3A_1176 = tpu.memref_squeeze %dma_wait3A_1175 : memref<1x80x128xi32, #tpu.memory_space<hbm>> -> memref<80x128xi32, #tpu.memory_space<hbm>>
      %dma_wait3A_1177 = arith.constant 0 : i32
      %dma_wait3A_1178 = arith.constant 0 : i32
      %dma_wait3A_1179 = tpu.memref_slice %arg2[%add3A, %dma_wait3A_1177, %dma_wait3A_1178] : memref<32x80x128xi32, #tpu.memory_space<hbm>> -> memref<1x80x128xi32, #tpu.memory_space<hbm>>
      %dma_wait3A_1180 = tpu.memref_squeeze %dma_wait3A_1179 : memref<1x80x128xi32, #tpu.memory_space<hbm>> -> memref<80x128xi32, #tpu.memory_space<hbm>>
      tpu.wait_dma2 semaphore(%run_scoped3A : memref<!tpu.dma_semaphore, #tpu.memory_space<semaphore_mem>>) src(%dma_wait3A_1180 : memref<80x128xi32, #tpu.memory_space<hbm>>) dst(%arg4 : memref<80x128xi32, #tpu.memory_space<vmem>>)
      tpu.yield
    }) : () -> ()
    %broadcast_in_dim3A = arith.constant 0.000000e+00 : f32
    %broadcast_in_dim3A_1 = vector.broadcast %broadcast_in_dim3A : f32 to vector<16xf32>
    %swap3A = arith.constant 0 : i32
    %swap3A_2 = arith.index_cast %swap3A : i32 to index
    %swap3A_3 = arith.constant 0 : index
    %swap3A_4 = tpu.vector_load %arg6[%swap3A_2, %swap3A_3] {strides = array<i32>} : memref<16x16xf32, #tpu.memory_space<vmem>>, vector<1x16xf32>,
    %swap3A_5 = vector.shape_cast %swap3A_4 : vector<1x16xf32> to vector<16xf32>
    %swap3A_6 = vector.shape_cast %broadcast_in_dim3A_1 : vector<16xf32> to vector<1x16xf32>
    tpu.vector_store %arg6[%swap3A_2, %swap3A_3], %swap3A_6 {strides = array<i32>} : memref<16x16xf32, #tpu.memory_space<vmem>>, vector<1x16xf32>,
    %broadcast_in_dim3A_7 = arith.constant 0.000000e+00 : f32
    %broadcast_in_dim3A_8 = vector.broadcast %broadcast_in_dim3A_7 : f32 to vector<16xf32>
    %swap3A_9 = arith.constant 1 : i32
    %swap3A_10 = arith.index_cast %swap3A_9 : i32 to index
    %swap3A_11 = arith.constant 0 : index
    %swap3A_12 = tpu.vector_load %arg6[%swap3A_10, %swap3A_11] {strides = array<i32>} : memref<16x16xf32, #tpu.memory_space<vmem>>, vector<1x16xf32>,
    %swap3A_13 = vector.shape_cast %swap3A_12 : vector<1x16xf32> to vector<16xf32>
    %swap3A_14 = vector.shape_cast %broadcast_in_dim3A_8 : vector<16xf32> to vector<1x16xf32>
    tpu.vector_store %arg6[%swap3A_10, %swap3A_11], %swap3A_14 {strides = array<i32>} : memref<16x16xf32, #tpu.memory_space<vmem>>, vector<1x16xf32>,
    %broadcast_in_dim3A_15 = arith.constant 0.000000e+00 : f32
    %broadcast_in_dim3A_16 = vector.broadcast %broadcast_in_dim3A_15 : f32 to vector<16xf32>
    %swap3A_17 = arith.constant 2 : i32
    %swap3A_18 = arith.index_cast %swap3A_17 : i32 to index
    %swap3A_19 = arith.constant 0 : index
    %swap3A_20 = tpu.vector_load %arg6[%swap3A_18, %swap3A_19] {strides = array<i32>} : memref<16x16xf32, #tpu.memory_space<vmem>>, vector<1x16xf32>,
    %swap3A_21 = vector.shape_cast %swap3A_20 : vector<1x16xf32> to vector<16xf32>
    %swap3A_22 = vector.shape_cast %broadcast_in_dim3A_16 : vector<16xf32> to vector<1x16xf32>
    tpu.vector_store %arg6[%swap3A_18, %swap3A_19], %swap3A_22 {strides = array<i32>} : memref<16x16xf32, #tpu.memory_space<vmem>>, vector<1x16xf32>,
    %broadcast_in_dim3A_23 = arith.constant 0.000000e+00 : f32
    %broadcast_in_dim3A_24 = vector.broadcast %broadcast_in_dim3A_23 : f32 to vector<16xf32>
    %swap3A_25 = arith.constant 3 : i32
    %swap3A_26 = arith.index_cast %swap3A_25 : i32 to index
    %swap3A_27 = arith.constant 0 : index
    %swap3A_28 = tpu.vector_load %arg6[%swap3A_26, %swap3A_27] {strides = array<i32>} : memref<16x16xf32, #tpu.memory_space<vmem>>, vector<1x16xf32>,
    %swap3A_29 = vector.shape_cast %swap3A_28 : vector<1x16xf32> to vector<16xf32>
    %swap3A_30 = vector.shape_cast %broadcast_in_dim3A_24 : vector<16xf32> to vector<1x16xf32>
    tpu.vector_store %arg6[%swap3A_26, %swap3A_27], %swap3A_30 {strides = array<i32>} : memref<16x16xf32, #tpu.memory_space<vmem>>, vector<1x16xf32>,
    %broadcast_in_dim3A_31 = arith.constant 0.000000e+00 : f32
    %broadcast_in_dim3A_32 = vector.broadcast %broadcast_in_dim3A_31 : f32 to vector<16xf32>
    %swap3A_33 = arith.constant 4 : i32
    %swap3A_34 = arith.index_cast %swap3A_33 : i32 to index
    %swap3A_35 = arith.constant 0 : index
    %swap3A_36 = tpu.vector_load %arg6[%swap3A_34, %swap3A_35] {strides = array<i32>} : memref<16x16xf32, #tpu.memory_space<vmem>>, vector<1x16xf32>,
    %swap3A_37 = vector.shape_cast %swap3A_36 : vector<1x16xf32> to vector<16xf32>
    %swap3A_38 = vector.shape_cast %broadcast_in_dim3A_32 : vector<16xf32> to vector<1x16xf32>
    tpu.vector_store %arg6[%swap3A_34, %swap3A_35], %swap3A_38 {strides = array<i32>} : memref<16x16xf32, #tpu.memory_space<vmem>>, vector<1x16xf32>,
    %broadcast_in_dim3A_39 = arith.constant 0.000000e+00 : f32
    %broadcast_in_dim3A_40 = vector.broadcast %broadcast_in_dim3A_39 : f32 to vector<16xf32>
    %swap3A_41 = arith.constant 5 : i32
    %swap3A_42 = arith.index_cast %swap3A_41 : i32 to index
    %swap3A_43 = arith.constant 0 : index
    %swap3A_44 = tpu.vector_load %arg6[%swap3A_42, %swap3A_43] {strides = array<i32>} : memref<16x16xf32, #tpu.memory_space<vmem>>, vector<1x16xf32>,
    %swap3A_45 = vector.shape_cast %swap3A_44 : vector<1x16xf32> to vector<16xf32>
    %swap3A_46 = vector.shape_cast %broadcast_in_dim3A_40 : vector<16xf32> to vector<1x16xf32>
    tpu.vector_store %arg6[%swap3A_42, %swap3A_43], %swap3A_46 {strides = array<i32>} : memref<16x16xf32, #tpu.memory_space<vmem>>, vector<1x16xf32>,
    %broadcast_in_dim3A_47 = arith.constant 0.000000e+00 : f32
    %broadcast_in_dim3A_48 = vector.broadcast %broadcast_in_dim3A_47 : f32 to vector<16xf32>
    %swap3A_49 = arith.constant 6 : i32
    %swap3A_50 = arith.index_cast %swap3A_49 : i32 to index
    %swap3A_51 = arith.constant 0 : index
    %swap3A_52 = tpu.vector_load %arg6[%swap3A_50, %swap3A_51] {strides = array<i32>} : memref<16x16xf32, #tpu.memory_space<vmem>>, vector<1x16xf32>,
    %swap3A_53 = vector.shape_cast %swap3A_52 : vector<1x16xf32> to vector<16xf32>
    %swap3A_54 = vector.shape_cast %broadcast_in_dim3A_48 : vector<16xf32> to vector<1x16xf32>
    tpu.vector_store %arg6[%swap3A_50, %swap3A_51], %swap3A_54 {strides = array<i32>} : memref<16x16xf32, #tpu.memory_space<vmem>>, vector<1x16xf32>,
    %broadcast_in_dim3A_55 = arith.constant 0.000000e+00 : f32
    %broadcast_in_dim3A_56 = vector.broadcast %broadcast_in_dim3A_55 : f32 to vector<16xf32>
    %swap3A_57 = arith.constant 7 : i32
    %swap3A_58 = arith.index_cast %swap3A_57 : i32 to index
    %swap3A_59 = arith.constant 0 : index
    %swap3A_60 = tpu.vector_load %arg6[%swap3A_58, %swap3A_59] {strides = array<i32>} : memref<16x16xf32, #tpu.memory_space<vmem>>, vector<1x16xf32>,
    %swap3A_61 = vector.shape_cast %swap3A_60 : vector<1x16xf32> to vector<16xf32>
    %swap3A_62 = vector.shape_cast %broadcast_in_dim3A_56 : vector<16xf32> to vector<1x16xf32>
    tpu.vector_store %arg6[%swap3A_58, %swap3A_59], %swap3A_62 {strides = array<i32>} : memref<16x16xf32, #tpu.memory_space<vmem>>, vector<1x16xf32>,
    %broadcast_in_dim3A_63 = arith.constant 0.000000e+00 : f32
    %broadcast_in_dim3A_64 = vector.broadcast %broadcast_in_dim3A_63 : f32 to vector<16xf32>
    %swap3A_65 = arith.constant 8 : i32
    %swap3A_66 = arith.index_cast %swap3A_65 : i32 to index
    %swap3A_67 = arith.constant 0 : index
    %swap3A_68 = tpu.vector_load %arg6[%swap3A_66, %swap3A_67] {strides = array<i32>} : memref<16x16xf32, #tpu.memory_space<vmem>>, vector<1x16xf32>,
    %swap3A_69 = vector.shape_cast %swap3A_68 : vector<1x16xf32> to vector<16xf32>
    %swap3A_70 = vector.shape_cast %broadcast_in_dim3A_64 : vector<16xf32> to vector<1x16xf32>
    tpu.vector_store %arg6[%swap3A_66, %swap3A_67], %swap3A_70 {strides = array<i32>} : memref<16x16xf32, #tpu.memory_space<vmem>>, vector<1x16xf32>,
    %broadcast_in_dim3A_71 = arith.constant 0.000000e+00 : f32
    %broadcast_in_dim3A_72 = vector.broadcast %broadcast_in_dim3A_71 : f32 to vector<16xf32>
    %swap3A_73 = arith.constant 9 : i32
    %swap3A_74 = arith.index_cast %swap3A_73 : i32 to index
    %swap3A_75 = arith.constant 0 : index
    %swap3A_76 = tpu.vector_load %arg6[%swap3A_74, %swap3A_75] {strides = array<i32>} : memref<16x16xf32, #tpu.memory_space<vmem>>, vector<1x16xf32>,
    %swap3A_77 = vector.shape_cast %swap3A_76 : vector<1x16xf32> to vector<16xf32>
    %swap3A_78 = vector.shape_cast %broadcast_in_dim3A_72 : vector<16xf32> to vector<1x16xf32>
    tpu.vector_store %arg6[%swap3A_74, %swap3A_75], %swap3A_78 {strides = array<i32>} : memref<16x16xf32, #tpu.memory_space<vmem>>, vector<1x16xf32>,
    %broadcast_in_dim3A_79 = arith.constant 0.000000e+00 : f32
    %broadcast_in_dim3A_80 = vector.broadcast %broadcast_in_dim3A_79 : f32 to vector<16xf32>
    %swap3A_81 = arith.constant 10 : i32
    %swap3A_82 = arith.index_cast %swap3A_81 : i32 to index
    %swap3A_83 = arith.constant 0 : index
    %swap3A_84 = tpu.vector_load %arg6[%swap3A_82, %swap3A_83] {strides = array<i32>} : memref<16x16xf32, #tpu.memory_space<vmem>>, vector<1x16xf32>,
    %swap3A_85 = vector.shape_cast %swap3A_84 : vector<1x16xf32> to vector<16xf32>
    %swap3A_86 = vector.shape_cast %broadcast_in_dim3A_80 : vector<16xf32> to vector<1x16xf32>
    tpu.vector_store %arg6[%swap3A_82, %swap3A_83], %swap3A_86 {strides = array<i32>} : memref<16x16xf32, #tpu.memory_space<vmem>>, vector<1x16xf32>,
    %broadcast_in_dim3A_87 = arith.constant 0.000000e+00 : f32
    %broadcast_in_dim3A_88 = vector.broadcast %broadcast_in_dim3A_87 : f32 to vector<16xf32>
    %swap3A_89 = arith.constant 11 : i32
    %swap3A_90 = arith.index_cast %swap3A_89 : i32 to index
    %swap3A_91 = arith.constant 0 : index
    %swap3A_92 = tpu.vector_load %arg6[%swap3A_90, %swap3A_91] {strides = array<i32>} : memref<16x16xf32, #tpu.memory_space<vmem>>, vector<1x16xf32>,
    %swap3A_93 = vector.shape_cast %swap3A_92 : vector<1x16xf32> to vector<16xf32>
    %swap3A_94 = vector.shape_cast %broadcast_in_dim3A_88 : vector<16xf32> to vector<1x16xf32>
    tpu.vector_store %arg6[%swap3A_90, %swap3A_91], %swap3A_94 {strides = array<i32>} : memref<16x16xf32, #tpu.memory_space<vmem>>, vector<1x16xf32>,
    %broadcast_in_dim3A_95 = arith.constant 0.000000e+00 : f32
    %broadcast_in_dim3A_96 = vector.broadcast %broadcast_in_dim3A_95 : f32 to vector<16xf32>
    %swap3A_97 = arith.constant 12 : i32
    %swap3A_98 = arith.index_cast %swap3A_97 : i32 to index
    %swap3A_99 = arith.constant 0 : index
    %swap3A_100 = tpu.vector_load %arg6[%swap3A_98, %swap3A_99] {strides = array<i32>} : memref<16x16xf32, #tpu.memory_space<vmem>>, vector<1x16xf32>,
    %swap3A_101 = vector.shape_cast %swap3A_100 : vector<1x16xf32> to vector<16xf32>
    %swap3A_102 = vector.shape_cast %broadcast_in_dim3A_96 : vector<16xf32> to vector<1x16xf32>
    tpu.vector_store %arg6[%swap3A_98, %swap3A_99], %swap3A_102 {strides = array<i32>} : memref<16x16xf32, #tpu.memory_space<vmem>>, vector<1x16xf32>,
    %broadcast_in_dim3A_103 = arith.constant 0.000000e+00 : f32
    %broadcast_in_dim3A_104 = vector.broadcast %broadcast_in_dim3A_103 : f32 to vector<16xf32>
    %swap3A_105 = arith.constant 13 : i32
    %swap3A_106 = arith.index_cast %swap3A_105 : i32 to index
    %swap3A_107 = arith.constant 0 : index
    %swap3A_108 = tpu.vector_load %arg6[%swap3A_106, %swap3A_107] {strides = array<i32>} : memref<16x16xf32, #tpu.memory_space<vmem>>, vector<1x16xf32>,
    %swap3A_109 = vector.shape_cast %swap3A_108 : vector<1x16xf32> to vector<16xf32>
    %swap3A_110 = vector.shape_cast %broadcast_in_dim3A_104 : vector<16xf32> to vector<1x16xf32>
    tpu.vector_store %arg6[%swap3A_106, %swap3A_107], %swap3A_110 {strides = array<i32>} : memref<16x16xf32, #tpu.memory_space<vmem>>, vector<1x16xf32>,
    %broadcast_in_dim3A_111 = arith.constant 0.000000e+00 : f32
    %broadcast_in_dim3A_112 = vector.broadcast %broadcast_in_dim3A_111 : f32 to vector<16xf32>
    %swap3A_113 = arith.constant 14 : i32
    %swap3A_114 = arith.index_cast %swap3A_113 : i32 to index
    %swap3A_115 = arith.constant 0 : index
    %swap3A_116 = tpu.vector_load %arg6[%swap3A_114, %swap3A_115] {strides = array<i32>} : memref<16x16xf32, #tpu.memory_space<vmem>>, vector<1x16xf32>,
    %swap3A_117 = vector.shape_cast %swap3A_116 : vector<1x16xf32> to vector<16xf32>
    %swap3A_118 = vector.shape_cast %broadcast_in_dim3A_112 : vector<16xf32> to vector<1x16xf32>
    tpu.vector_store %arg6[%swap3A_114, %swap3A_115], %swap3A_118 {strides = array<i32>} : memref<16x16xf32, #tpu.memory_space<vmem>>, vector<1x16xf32>,
    %broadcast_in_dim3A_119 = arith.constant 0.000000e+00 : f32
    %broadcast_in_dim3A_120 = vector.broadcast %broadcast_in_dim3A_119 : f32 to vector<16xf32>
    %swap3A_121 = arith.constant 15 : i32
    %swap3A_122 = arith.index_cast %swap3A_121 : i32 to index
    %swap3A_123 = arith.constant 0 : index
    %swap3A_124 = tpu.vector_load %arg6[%swap3A_122, %swap3A_123] {strides = array<i32>} : memref<16x16xf32, #tpu.memory_space<vmem>>, vector<1x16xf32>,
    %swap3A_125 = vector.shape_cast %swap3A_124 : vector<1x16xf32> to vector<16xf32>
    %swap3A_126 = vector.shape_cast %broadcast_in_dim3A_120 : vector<16xf32> to vector<1x16xf32>
    tpu.vector_store %arg6[%swap3A_122, %swap3A_123], %swap3A_126 {strides = array<i32>} : memref<16x16xf32, #tpu.memory_space<vmem>>, vector<1x16xf32>,
    %broadcast_in_dim3A_127 = arith.constant 1.000000e+00 : f32
    %broadcast_in_dim3A_128 = vector.broadcast %broadcast_in_dim3A_127 : f32 to vector<16xf32>
    %swap3A_129 = arith.constant 0 : i32
    %swap3A_130 = arith.index_cast %swap3A_129 : i32 to index
    %swap3A_131 = arith.constant 0 : index
    %swap3A_132 = tpu.vector_load %arg5[%swap3A_130, %swap3A_131] {strides = array<i32>} : memref<128x16xf32, #tpu.memory_space<vmem>>, vector<1x16xf32>,
    %swap3A_133 = vector.shape_cast %swap3A_132 : vector<1x16xf32> to vector<16xf32>
    %swap3A_134 = vector.shape_cast %broadcast_in_dim3A_128 : vector<16xf32> to vector<1x16xf32>
    tpu.vector_store %arg5[%swap3A_130, %swap3A_131], %swap3A_134 {strides = array<i32>} : memref<128x16xf32, #tpu.memory_space<vmem>>, vector<1x16xf32>,
    %broadcast_in_dim3A_135 = arith.constant 1.000000e+00 : f32
    %broadcast_in_dim3A_136 = vector.broadcast %broadcast_in_dim3A_135 : f32 to vector<16xf32>
    %swap3A_137 = arith.constant 1 : i32
    %swap3A_138 = arith.index_cast %swap3A_137 : i32 to index
    %swap3A_139 = arith.constant 0 : index
    %swap3A_140 = tpu.vector_load %arg5[%swap3A_138, %swap3A_139] {strides = array<i32>} : memref<128x16xf32, #tpu.memory_space<vmem>>, vector<1x16xf32>,
    %swap3A_141 = vector.shape_cast %swap3A_140 : vector<1x16xf32> to vector<16xf32>
    %swap3A_142 = vector.shape_cast %broadcast_in_dim3A_136 : vector<16xf32> to vector<1x16xf32>
    tpu.vector_store %arg5[%swap3A_138, %swap3A_139], %swap3A_142 {strides = array<i32>} : memref<128x16xf32, #tpu.memory_space<vmem>>, vector<1x16xf32>,
    %broadcast_in_dim3A_143 = arith.constant 1.000000e+00 : f32
    %broadcast_in_dim3A_144 = vector.broadcast %broadcast_in_dim3A_143 : f32 to vector<16xf32>
    %swap3A_145 = arith.constant 2 : i32
    %swap3A_146 = arith.index_cast %swap3A_145 : i32 to index
    %swap3A_147 = arith.constant 0 : index
    %swap3A_148 = tpu.vector_load %arg5[%swap3A_146, %swap3A_147] {strides = array<i32>} : memref<128x16xf32, #tpu.memory_space<vmem>>, vector<1x16xf32>,
    %swap3A_149 = vector.shape_cast %swap3A_148 : vector<1x16xf32> to vector<16xf32>
    %swap3A_150 = vector.shape_cast %broadcast_in_dim3A_144 : vector<16xf32> to vector<1x16xf32>
    tpu.vector_store %arg5[%swap3A_146, %swap3A_147], %swap3A_150 {strides = array<i32>} : memref<128x16xf32, #tpu.memory_space<vmem>>, vector<1x16xf32>,
    %broadcast_in_dim3A_151 = arith.constant 1.000000e+00 : f32
    %broadcast_in_dim3A_152 = vector.broadcast %broadcast_in_dim3A_151 : f32 to vector<16xf32>
    %swap3A_153 = arith.constant 3 : i32
    %swap3A_154 = arith.index_cast %swap3A_153 : i32 to index
    %swap3A_155 = arith.constant 0 : index
    %swap3A_156 = tpu.vector_load %arg5[%swap3A_154, %swap3A_155] {strides = array<i32>} : memref<128x16xf32, #tpu.memory_space<vmem>>, vector<1x16xf32>,
    %swap3A_157 = vector.shape_cast %swap3A_156 : vector<1x16xf32> to vector<16xf32>
    %swap3A_158 = vector.shape_cast %broadcast_in_dim3A_152 : vector<16xf32> to vector<1x16xf32>
    tpu.vector_store %arg5[%swap3A_154, %swap3A_155], %swap3A_158 {strides = array<i32>} : memref<128x16xf32, #tpu.memory_space<vmem>>, vector<1x16xf32>,
    %broadcast_in_dim3A_159 = arith.constant 1.000000e+00 : f32
    %broadcast_in_dim3A_160 = vector.broadcast %broadcast_in_dim3A_159 : f32 to vector<16xf32>
    %swap3A_161 = arith.constant 4 : i32
    %swap3A_162 = arith.index_cast %swap3A_161 : i32 to index
    %swap3A_163 = arith.constant 0 : index
    %swap3A_164 = tpu.vector_load %arg5[%swap3A_162, %swap3A_163] {strides = array<i32>} : memref<128x16xf32, #tpu.memory_space<vmem>>, vector<1x16xf32>,
    %swap3A_165 = vector.shape_cast %swap3A_164 : vector<1x16xf32> to vector<16xf32>
    %swap3A_166 = vector.shape_cast %broadcast_in_dim3A_160 : vector<16xf32> to vector<1x16xf32>
    tpu.vector_store %arg5[%swap3A_162, %swap3A_163], %swap3A_166 {strides = array<i32>} : memref<128x16xf32, #tpu.memory_space<vmem>>, vector<1x16xf32>,
    %broadcast_in_dim3A_167 = arith.constant 1.000000e+00 : f32
    %broadcast_in_dim3A_168 = vector.broadcast %broadcast_in_dim3A_167 : f32 to vector<16xf32>
    %swap3A_169 = arith.constant 5 : i32
    %swap3A_170 = arith.index_cast %swap3A_169 : i32 to index
    %swap3A_171 = arith.constant 0 : index
    %swap3A_172 = tpu.vector_load %arg5[%swap3A_170, %swap3A_171] {strides = array<i32>} : memref<128x16xf32, #tpu.memory_space<vmem>>, vector<1x16xf32>,
    %swap3A_173 = vector.shape_cast %swap3A_172 : vector<1x16xf32> to vector<16xf32>
    %swap3A_174 = vector.shape_cast %broadcast_in_dim3A_168 : vector<16xf32> to vector<1x16xf32>
    tpu.vector_store %arg5[%swap3A_170, %swap3A_171], %swap3A_174 {strides = array<i32>} : memref<128x16xf32, #tpu.memory_space<vmem>>, vector<1x16xf32>,
    %broadcast_in_dim3A_175 = arith.constant 1.000000e+00 : f32
    %broadcast_in_dim3A_176 = vector.broadcast %broadcast_in_dim3A_175 : f32 to vector<16xf32>
    %swap3A_177 = arith.constant 6 : i32
    %swap3A_178 = arith.index_cast %swap3A_177 : i32 to index
    %swap3A_179 = arith.constant 0 : index
    %swap3A_180 = tpu.vector_load %arg5[%swap3A_178, %swap3A_179] {strides = array<i32>} : memref<128x16xf32, #tpu.memory_space<vmem>>, vector<1x16xf32>,
    %swap3A_181 = vector.shape_cast %swap3A_180 : vector<1x16xf32> to vector<16xf32>
    %swap3A_182 = vector.shape_cast %broadcast_in_dim3A_176 : vector<16xf32> to vector<1x16xf32>
    tpu.vector_store %arg5[%swap3A_178, %swap3A_179], %swap3A_182 {strides = array<i32>} : memref<128x16xf32, #tpu.memory_space<vmem>>, vector<1x16xf32>,
    %broadcast_in_dim3A_183 = arith.constant 1.000000e+00 : f32
    %broadcast_in_dim3A_184 = vector.broadcast %broadcast_in_dim3A_183 : f32 to vector<16xf32>
    %swap3A_185 = arith.constant 7 : i32
    %swap3A_186 = arith.index_cast %swap3A_185 : i32 to index
    %swap3A_187 = arith.constant 0 : index
    %swap3A_188 = tpu.vector_load %arg5[%swap3A_186, %swap3A_187] {strides = array<i32>} : memref<128x16xf32, #tpu.memory_space<vmem>>, vector<1x16xf32>,
    %swap3A_189 = vector.shape_cast %swap3A_188 : vector<1x16xf32> to vector<16xf32>
    %swap3A_190 = vector.shape_cast %broadcast_in_dim3A_184 : vector<16xf32> to vector<1x16xf32>
    tpu.vector_store %arg5[%swap3A_186, %swap3A_187], %swap3A_190 {strides = array<i32>} : memref<128x16xf32, #tpu.memory_space<vmem>>, vector<1x16xf32>,
    %broadcast_in_dim3A_191 = arith.constant 1.000000e+00 : f32
    %broadcast_in_dim3A_192 = vector.broadcast %broadcast_in_dim3A_191 : f32 to vector<16xf32>
    %swap3A_193 = arith.constant 8 : i32
    %swap3A_194 = arith.index_cast %swap3A_193 : i32 to index
    %swap3A_195 = arith.constant 0 : index
    %swap3A_196 = tpu.vector_load %arg5[%swap3A_194, %swap3A_195] {strides = array<i32>} : memref<128x16xf32, #tpu.memory_space<vmem>>, vector<1x16xf32>,
    %swap3A_197 = vector.shape_cast %swap3A_196 : vector<1x16xf32> to vector<16xf32>
    %swap3A_198 = vector.shape_cast %broadcast_in_dim3A_192 : vector<16xf32> to vector<1x16xf32>
    tpu.vector_store %arg5[%swap3A_194, %swap3A_195], %swap3A_198 {strides = array<i32>} : memref<128x16xf32, #tpu.memory_space<vmem>>, vector<1x16xf32>,
    %broadcast_in_dim3A_199 = arith.constant 1.000000e+00 : f32
    %broadcast_in_dim3A_200 = vector.broadcast %broadcast_in_dim3A_199 : f32 to vector<16xf32>
    %swap3A_201 = arith.constant 9 : i32
    %swap3A_202 = arith.index_cast %swap3A_201 : i32 to index
    %swap3A_203 = arith.constant 0 : index
    %swap3A_204 = tpu.vector_load %arg5[%swap3A_202, %swap3A_203] {strides = array<i32>} : memref<128x16xf32, #tpu.memory_space<vmem>>, vector<1x16xf32>,
    %swap3A_205 = vector.shape_cast %swap3A_204 : vector<1x16xf32> to vector<16xf32>
    %swap3A_206 = vector.shape_cast %broadcast_in_dim3A_200 : vector<16xf32> to vector<1x16xf32>
    tpu.vector_store %arg5[%swap3A_202, %swap3A_203], %swap3A_206 {strides = array<i32>} : memref<128x16xf32, #tpu.memory_space<vmem>>, vector<1x16xf32>,
    %broadcast_in_dim3A_207 = arith.constant 1.000000e+00 : f32
    %broadcast_in_dim3A_208 = vector.broadcast %broadcast_in_dim3A_207 : f32 to vector<16xf32>
    %swap3A_209 = arith.constant 10 : i32
    %swap3A_210 = arith.index_cast %swap3A_209 : i32 to index
    %swap3A_211 = arith.constant 0 : index
    %swap3A_212 = tpu.vector_load %arg5[%swap3A_210, %swap3A_211] {strides = array<i32>} : memref<128x16xf32, #tpu.memory_space<vmem>>, vector<1x16xf32>,
    %swap3A_213 = vector.shape_cast %swap3A_212 : vector<1x16xf32> to vector<16xf32>
    %swap3A_214 = vector.shape_cast %broadcast_in_dim3A_208 : vector<16xf32> to vector<1x16xf32>
    tpu.vector_store %arg5[%swap3A_210, %swap3A_211], %swap3A_214 {strides = array<i32>} : memref<128x16xf32, #tpu.memory_space<vmem>>, vector<1x16xf32>,
    %broadcast_in_dim3A_215 = arith.constant 1.000000e+00 : f32
    %broadcast_in_dim3A_216 = vector.broadcast %broadcast_in_dim3A_215 : f32 to vector<16xf32>
    %swap3A_217 = arith.constant 11 : i32
    %swap3A_218 = arith.index_cast %swap3A_217 : i32 to index
    %swap3A_219 = arith.constant 0 : index
    %swap3A_220 = tpu.vector_load %arg5[%swap3A_218, %swap3A_219] {strides = array<i32>} : memref<128x16xf32, #tpu.memory_space<vmem>>, vector<1x16xf32>,
    %swap3A_221 = vector.shape_cast %swap3A_220 : vector<1x16xf32> to vector<16xf32>
    %swap3A_222 = vector.shape_cast %broadcast_in_dim3A_216 : vector<16xf32> to vector<1x16xf32>
    tpu.vector_store %arg5[%swap3A_218, %swap3A_219], %swap3A_222 {strides = array<i32>} : memref<128x16xf32, #tpu.memory_space<vmem>>, vector<1x16xf32>,
    %broadcast_in_dim3A_223 = arith.constant 1.000000e+00 : f32
    %broadcast_in_dim3A_224 = vector.broadcast %broadcast_in_dim3A_223 : f32 to vector<16xf32>
    %swap3A_225 = arith.constant 12 : i32
    %swap3A_226 = arith.index_cast %swap3A_225 : i32 to index
    %swap3A_227 = arith.constant 0 : index
    %swap3A_228 = tpu.vector_load %arg5[%swap3A_226, %swap3A_227] {strides = array<i32>} : memref<128x16xf32, #tpu.memory_space<vmem>>, vector<1x16xf32>,
    %swap3A_229 = vector.shape_cast %swap3A_228 : vector<1x16xf32> to vector<16xf32>
    %swap3A_230 = vector.shape_cast %broadcast_in_dim3A_224 : vector<16xf32> to vector<1x16xf32>
    tpu.vector_store %arg5[%swap3A_226, %swap3A_227], %swap3A_230 {strides = array<i32>} : memref<128x16xf32, #tpu.memory_space<vmem>>, vector<1x16xf32>,
    %broadcast_in_dim3A_231 = arith.constant 1.000000e+00 : f32
    %broadcast_in_dim3A_232 = vector.broadcast %broadcast_in_dim3A_231 : f32 to vector<16xf32>
    %swap3A_233 = arith.constant 13 : i32
    %swap3A_234 = arith.index_cast %swap3A_233 : i32 to index
    %swap3A_235 = arith.constant 0 : index
    %swap3A_236 = tpu.vector_load %arg5[%swap3A_234, %swap3A_235] {strides = array<i32>} : memref<128x16xf32, #tpu.memory_space<vmem>>, vector<1x16xf32>,
    %swap3A_237 = vector.shape_cast %swap3A_236 : vector<1x16xf32> to vector<16xf32>
    %swap3A_238 = vector.shape_cast %broadcast_in_dim3A_232 : vector<16xf32> to vector<1x16xf32>
    tpu.vector_store %arg5[%swap3A_234, %swap3A_235], %swap3A_238 {strides = array<i32>} : memref<128x16xf32, #tpu.memory_space<vmem>>, vector<1x16xf32>,
    %broadcast_in_dim3A_239 = arith.constant 1.000000e+00 : f32
    %broadcast_in_dim3A_240 = vector.broadcast %broadcast_in_dim3A_239 : f32 to vector<16xf32>
    %swap3A_241 = arith.constant 14 : i32
    %swap3A_242 = arith.index_cast %swap3A_241 : i32 to index
    %swap3A_243 = arith.constant 0 : index
    %swap3A_244 = tpu.vector_load %arg5[%swap3A_242, %swap3A_243] {strides = array<i32>} : memref<128x16xf32, #tpu.memory_space<vmem>>, vector<1x16xf32>,
    %swap3A_245 = vector.shape_cast %swap3A_244 : vector<1x16xf32> to vector<16xf32>
    %swap3A_246 = vector.shape_cast %broadcast_in_dim3A_240 : vector<16xf32> to vector<1x16xf32>
    tpu.vector_store %arg5[%swap3A_242, %swap3A_243], %swap3A_246 {strides = array<i32>} : memref<128x16xf32, #tpu.memory_space<vmem>>, vector<1x16xf32>,
    %broadcast_in_dim3A_247 = arith.constant 1.000000e+00 : f32
    %broadcast_in_dim3A_248 = vector.broadcast %broadcast_in_dim3A_247 : f32 to vector<16xf32>
    %swap3A_249 = arith.constant 15 : i32
    %swap3A_250 = arith.index_cast %swap3A_249 : i32 to index
    %swap3A_251 = arith.constant 0 : index
    %swap3A_252 = tpu.vector_load %arg5[%swap3A_250, %swap3A_251] {strides = array<i32>} : memref<128x16xf32, #tpu.memory_space<vmem>>, vector<1x16xf32>,
    %swap3A_253 = vector.shape_cast %swap3A_252 : vector<1x16xf32> to vector<16xf32>
    %swap3A_254 = vector.shape_cast %broadcast_in_dim3A_248 : vector<16xf32> to vector<1x16xf32>
    tpu.vector_store %arg5[%swap3A_250, %swap3A_251], %swap3A_254 {strides = array<i32>} : memref<128x16xf32, #tpu.memory_space<vmem>>, vector<1x16xf32>,
    %broadcast_in_dim3A_255 = arith.constant 1.000000e+00 : f32
    %broadcast_in_dim3A_256 = vector.broadcast %broadcast_in_dim3A_255 : f32 to vector<16xf32>
    %swap3A_257 = arith.constant 16 : i32
    %swap3A_258 = arith.index_cast %swap3A_257 : i32 to index
    %swap3A_259 = arith.constant 0 : index
    %swap3A_260 = tpu.vector_load %arg5[%swap3A_258, %swap3A_259] {strides = array<i32>} : memref<128x16xf32, #tpu.memory_space<vmem>>, vector<1x16xf32>,
    %swap3A_261 = vector.shape_cast %swap3A_260 : vector<1x16xf32> to vector<16xf32>
    %swap3A_262 = vector.shape_cast %broadcast_in_dim3A_256 : vector<16xf32> to vector<1x16xf32>
    tpu.vector_store %arg5[%swap3A_258, %swap3A_259], %swap3A_262 {strides = array<i32>} : memref<128x16xf32, #tpu.memory_space<vmem>>, vector<1x16xf32>,
    %broadcast_in_dim3A_263 = arith.constant 1.000000e+00 : f32
    %broadcast_in_dim3A_264 = vector.broadcast %broadcast_in_dim3A_263 : f32 to vector<16xf32>
    %swap3A_265 = arith.constant 17 : i32
    %swap3A_266 = arith.index_cast %swap3A_265 : i32 to index
    %swap3A_267 = arith.constant 0 : index
    %swap3A_268 = tpu.vector_load %arg5[%swap3A_266, %swap3A_267] {strides = array<i32>} : memref<128x16xf32, #tpu.memory_space<vmem>>, vector<1x16xf32>,
    %swap3A_269 = vector.shape_cast %swap3A_268 : vector<1x16xf32> to vector<16xf32>
    %swap3A_270 = vector.shape_cast %broadcast_in_dim3A_264 : vector<16xf32> to vector<1x16xf32>
    tpu.vector_store %arg5[%swap3A_266, %swap3A_267], %swap3A_270 {strides = array<i32>} : memref<128x16xf32, #tpu.memory_space<vmem>>, vector<1x16xf32>,
    %broadcast_in_dim3A_271 = arith.constant 1.000000e+00 : f32
    %broadcast_in_dim3A_272 = vector.broadcast %broadcast_in_dim3A_271 : f32 to vector<16xf32>
    %swap3A_273 = arith.constant 18 : i32
    %swap3A_274 = arith.index_cast %swap3A_273 : i32 to index
    %swap3A_275 = arith.constant 0 : index
    %swap3A_276 = tpu.vector_load %arg5[%swap3A_274, %swap3A_275] {strides = array<i32>} : memref<128x16xf32, #tpu.memory_space<vmem>>, vector<1x16xf32>,
    %swap3A_277 = vector.shape_cast %swap3A_276 : vector<1x16xf32> to vector<16xf32>
    %swap3A_278 = vector.shape_cast %broadcast_in_dim3A_272 : vector<16xf32> to vector<1x16xf32>
    tpu.vector_store %arg5[%swap3A_274, %swap3A_275], %swap3A_278 {strides = array<i32>} : memref<128x16xf32, #tpu.memory_space<vmem>>, vector<1x16xf32>,
    %broadcast_in_dim3A_279 = arith.constant 1.000000e+00 : f32
    %broadcast_in_dim3A_280 = vector.broadcast %broadcast_in_dim3A_279 : f32 to vector<16xf32>
    %swap3A_281 = arith.constant 19 : i32
    %swap3A_282 = arith.index_cast %swap3A_281 : i32 to index
    %swap3A_283 = arith.constant 0 : index
    %swap3A_284 = tpu.vector_load %arg5[%swap3A_282, %swap3A_283] {strides = array<i32>} : memref<128x16xf32, #tpu.memory_space<vmem>>, vector<1x16xf32>,
    %swap3A_285 = vector.shape_cast %swap3A_284 : vector<1x16xf32> to vector<16xf32>
    %swap3A_286 = vector.shape_cast %broadcast_in_dim3A_280 : vector<16xf32> to vector<1x16xf32>
    tpu.vector_store %arg5[%swap3A_282, %swap3A_283], %swap3A_286 {strides = array<i32>} : memref<128x16xf32, #tpu.memory_space<vmem>>, vector<1x16xf32>,
    %broadcast_in_dim3A_287 = arith.constant 1.000000e+00 : f32
    %broadcast_in_dim3A_288 = vector.broadcast %broadcast_in_dim3A_287 : f32 to vector<16xf32>
    %swap3A_289 = arith.constant 20 : i32
    %swap3A_290 = arith.index_cast %swap3A_289 : i32 to index
    %swap3A_291 = arith.constant 0 : index
    %swap3A_292 = tpu.vector_load %arg5[%swap3A_290, %swap3A_291] {strides = array<i32>} : memref<128x16xf32, #tpu.memory_space<vmem>>, vector<1x16xf32>,
    %swap3A_293 = vector.shape_cast %swap3A_292 : vector<1x16xf32> to vector<16xf32>
    %swap3A_294 = vector.shape_cast %broadcast_in_dim3A_288 : vector<16xf32> to vector<1x16xf32>
    tpu.vector_store %arg5[%swap3A_290, %swap3A_291], %swap3A_294 {strides = array<i32>} : memref<128x16xf32, #tpu.memory_space<vmem>>, vector<1x16xf32>,
    %broadcast_in_dim3A_295 = arith.constant 1.000000e+00 : f32
    %broadcast_in_dim3A_296 = vector.broadcast %broadcast_in_dim3A_295 : f32 to vector<16xf32>
    %swap3A_297 = arith.constant 21 : i32
    %swap3A_298 = arith.index_cast %swap3A_297 : i32 to index
    %swap3A_299 = arith.constant 0 : index
    %swap3A_300 = tpu.vector_load %arg5[%swap3A_298, %swap3A_299] {strides = array<i32>} : memref<128x16xf32, #tpu.memory_space<vmem>>, vector<1x16xf32>,
    %swap3A_301 = vector.shape_cast %swap3A_300 : vector<1x16xf32> to vector<16xf32>
    %swap3A_302 = vector.shape_cast %broadcast_in_dim3A_296 : vector<16xf32> to vector<1x16xf32>
    tpu.vector_store %arg5[%swap3A_298, %swap3A_299], %swap3A_302 {strides = array<i32>} : memref<128x16xf32, #tpu.memory_space<vmem>>, vector<1x16xf32>,
    %broadcast_in_dim3A_303 = arith.constant 1.000000e+00 : f32
    %broadcast_in_dim3A_304 = vector.broadcast %broadcast_in_dim3A_303 : f32 to vector<16xf32>
    %swap3A_305 = arith.constant 22 : i32
    %swap3A_306 = arith.index_cast %swap3A_305 : i32 to index
    %swap3A_307 = arith.constant 0 : index
    %swap3A_308 = tpu.vector_load %arg5[%swap3A_306, %swap3A_307] {strides = array<i32>} : memref<128x16xf32, #tpu.memory_space<vmem>>, vector<1x16xf32>,
    %swap3A_309 = vector.shape_cast %swap3A_308 : vector<1x16xf32> to vector<16xf32>
    %swap3A_310 = vector.shape_cast %broadcast_in_dim3A_304 : vector<16xf32> to vector<1x16xf32>
    tpu.vector_store %arg5[%swap3A_306, %swap3A_307], %swap3A_310 {strides = array<i32>} : memref<128x16xf32, #tpu.memory_space<vmem>>, vector<1x16xf32>,
    %broadcast_in_dim3A_311 = arith.constant 1.000000e+00 : f32
    %broadcast_in_dim3A_312 = vector.broadcast %broadcast_in_dim3A_311 : f32 to vector<16xf32>
    %swap3A_313 = arith.constant 23 : i32
    %swap3A_314 = arith.index_cast %swap3A_313 : i32 to index
    %swap3A_315 = arith.constant 0 : index
    %swap3A_316 = tpu.vector_load %arg5[%swap3A_314, %swap3A_315] {strides = array<i32>} : memref<128x16xf32, #tpu.memory_space<vmem>>, vector<1x16xf32>,
    %swap3A_317 = vector.shape_cast %swap3A_316 : vector<1x16xf32> to vector<16xf32>
    %swap3A_318 = vector.shape_cast %broadcast_in_dim3A_312 : vector<16xf32> to vector<1x16xf32>
    tpu.vector_store %arg5[%swap3A_314, %swap3A_315], %swap3A_318 {strides = array<i32>} : memref<128x16xf32, #tpu.memory_space<vmem>>, vector<1x16xf32>,
    %broadcast_in_dim3A_319 = arith.constant 1.000000e+00 : f32
    %broadcast_in_dim3A_320 = vector.broadcast %broadcast_in_dim3A_319 : f32 to vector<16xf32>
    %swap3A_321 = arith.constant 24 : i32
    %swap3A_322 = arith.index_cast %swap3A_321 : i32 to index
    %swap3A_323 = arith.constant 0 : index
    %swap3A_324 = tpu.vector_load %arg5[%swap3A_322, %swap3A_323] {strides = array<i32>} : memref<128x16xf32, #tpu.memory_space<vmem>>, vector<1x16xf32>,
    %swap3A_325 = vector.shape_cast %swap3A_324 : vector<1x16xf32> to vector<16xf32>
    %swap3A_326 = vector.shape_cast %broadcast_in_dim3A_320 : vector<16xf32> to vector<1x16xf32>
    tpu.vector_store %arg5[%swap3A_322, %swap3A_323], %swap3A_326 {strides = array<i32>} : memref<128x16xf32, #tpu.memory_space<vmem>>, vector<1x16xf32>,
    %broadcast_in_dim3A_327 = arith.constant 1.000000e+00 : f32
    %broadcast_in_dim3A_328 = vector.broadcast %broadcast_in_dim3A_327 : f32 to vector<16xf32>
    %swap3A_329 = arith.constant 25 : i32
    %swap3A_330 = arith.index_cast %swap3A_329 : i32 to index
    %swap3A_331 = arith.constant 0 : index
    %swap3A_332 = tpu.vector_load %arg5[%swap3A_330, %swap3A_331] {strides = array<i32>} : memref<128x16xf32, #tpu.memory_space<vmem>>, vector<1x16xf32>,
    %swap3A_333 = vector.shape_cast %swap3A_332 : vector<1x16xf32> to vector<16xf32>
    %swap3A_334 = vector.shape_cast %broadcast_in_dim3A_328 : vector<16xf32> to vector<1x16xf32>
    tpu.vector_store %arg5[%swap3A_330, %swap3A_331], %swap3A_334 {strides = array<i32>} : memref<128x16xf32, #tpu.memory_space<vmem>>, vector<1x16xf32>,
    %broadcast_in_dim3A_335 = arith.constant 1.000000e+00 : f32
    %broadcast_in_dim3A_336 = vector.broadcast %broadcast_in_dim3A_335 : f32 to vector<16xf32>
    %swap3A_337 = arith.constant 26 : i32
    %swap3A_338 = arith.index_cast %swap3A_337 : i32 to index
    %swap3A_339 = arith.constant 0 : index
    %swap3A_340 = tpu.vector_load %arg5[%swap3A_338, %swap3A_339] {strides = array<i32>} : memref<128x16xf32, #tpu.memory_space<vmem>>, vector<1x16xf32>,
    %swap3A_341 = vector.shape_cast %swap3A_340 : vector<1x16xf32> to vector<16xf32>
    %swap3A_342 = vector.shape_cast %broadcast_in_dim3A_336 : vector<16xf32> to vector<1x16xf32>
    tpu.vector_store %arg5[%swap3A_338, %swap3A_339], %swap3A_342 {strides = array<i32>} : memref<128x16xf32, #tpu.memory_space<vmem>>, vector<1x16xf32>,
    %broadcast_in_dim3A_343 = arith.constant 1.000000e+00 : f32
    %broadcast_in_dim3A_344 = vector.broadcast %broadcast_in_dim3A_343 : f32 to vector<16xf32>
    %swap3A_345 = arith.constant 27 : i32
    %swap3A_346 = arith.index_cast %swap3A_345 : i32 to index
    %swap3A_347 = arith.constant 0 : index
    %swap3A_348 = tpu.vector_load %arg5[%swap3A_346, %swap3A_347] {strides = array<i32>} : memref<128x16xf32, #tpu.memory_space<vmem>>, vector<1x16xf32>,
    %swap3A_349 = vector.shape_cast %swap3A_348 : vector<1x16xf32> to vector<16xf32>
    %swap3A_350 = vector.shape_cast %broadcast_in_dim3A_344 : vector<16xf32> to vector<1x16xf32>
    tpu.vector_store %arg5[%swap3A_346, %swap3A_347], %swap3A_350 {strides = array<i32>} : memref<128x16xf32, #tpu.memory_space<vmem>>, vector<1x16xf32>,
    %broadcast_in_dim3A_351 = arith.constant 1.000000e+00 : f32
    %broadcast_in_dim3A_352 = vector.broadcast %broadcast_in_dim3A_351 : f32 to vector<16xf32>
    %swap3A_353 = arith.constant 28 : i32
    %swap3A_354 = arith.index_cast %swap3A_353 : i32 to index
    %swap3A_355 = arith.constant 0 : index
    %swap3A_356 = tpu.vector_load %arg5[%swap3A_354, %swap3A_355] {strides = array<i32>} : memref<128x16xf32, #tpu.memory_space<vmem>>, vector<1x16xf32>,
    %swap3A_357 = vector.shape_cast %swap3A_356 : vector<1x16xf32> to vector<16xf32>
    %swap3A_358 = vector.shape_cast %broadcast_in_dim3A_352 : vector<16xf32> to vector<1x16xf32>
    tpu.vector_store %arg5[%swap3A_354, %swap3A_355], %swap3A_358 {strides = array<i32>} : memref<128x16xf32, #tpu.memory_space<vmem>>, vector<1x16xf32>,
    %broadcast_in_dim3A_359 = arith.constant 1.000000e+00 : f32
    %broadcast_in_dim3A_360 = vector.broadcast %broadcast_in_dim3A_359 : f32 to vector<16xf32>
    %swap3A_361 = arith.constant 29 : i32
    %swap3A_362 = arith.index_cast %swap3A_361 : i32 to index
    %swap3A_363 = arith.constant 0 : index
    %swap3A_364 = tpu.vector_load %arg5[%swap3A_362, %swap3A_363] {strides = array<i32>} : memref<128x16xf32, #tpu.memory_space<vmem>>, vector<1x16xf32>,
    %swap3A_365 = vector.shape_cast %swap3A_364 : vector<1x16xf32> to vector<16xf32>
    %swap3A_366 = vector.shape_cast %broadcast_in_dim3A_360 : vector<16xf32> to vector<1x16xf32>
    tpu.vector_store %arg5[%swap3A_362, %swap3A_363], %swap3A_366 {strides = array<i32>} : memref<128x16xf32, #tpu.memory_space<vmem>>, vector<1x16xf32>,
    %broadcast_in_dim3A_367 = arith.constant 1.000000e+00 : f32
    %broadcast_in_dim3A_368 = vector.broadcast %broadcast_in_dim3A_367 : f32 to vector<16xf32>
    %swap3A_369 = arith.constant 30 : i32
    %swap3A_370 = arith.index_cast %swap3A_369 : i32 to index
    %swap3A_371 = arith.constant 0 : index
    %swap3A_372 = tpu.vector_load %arg5[%swap3A_370, %swap3A_371] {strides = array<i32>} : memref<128x16xf32, #tpu.memory_space<vmem>>, vector<1x16xf32>,
    %swap3A_373 = vector.shape_cast %swap3A_372 : vector<1x16xf32> to vector<16xf32>
    %swap3A_374 = vector.shape_cast %broadcast_in_dim3A_368 : vector<16xf32> to vector<1x16xf32>
    tpu.vector_store %arg5[%swap3A_370, %swap3A_371], %swap3A_374 {strides = array<i32>} : memref<128x16xf32, #tpu.memory_space<vmem>>, vector<1x16xf32>,
    %broadcast_in_dim3A_375 = arith.constant 1.000000e+00 : f32
    %broadcast_in_dim3A_376 = vector.broadcast %broadcast_in_dim3A_375 : f32 to vector<16xf32>
    %swap3A_377 = arith.constant 31 : i32
    %swap3A_378 = arith.index_cast %swap3A_377 : i32 to index
    %swap3A_379 = arith.constant 0 : index
    %swap3A_380 = tpu.vector_load %arg5[%swap3A_378, %swap3A_379] {strides = array<i32>} : memref<128x16xf32, #tpu.memory_space<vmem>>, vector<1x16xf32>,
    %swap3A_381 = vector.shape_cast %swap3A_380 : vector<1x16xf32> to vector<16xf32>
    %swap3A_382 = vector.shape_cast %broadcast_in_dim3A_376 : vector<16xf32> to vector<1x16xf32>
    tpu.vector_store %arg5[%swap3A_378, %swap3A_379], %swap3A_382 {strides = array<i32>} : memref<128x16xf32, #tpu.memory_space<vmem>>, vector<1x16xf32>,
    %broadcast_in_dim3A_383 = arith.constant 1.000000e+00 : f32
    %broadcast_in_dim3A_384 = vector.broadcast %broadcast_in_dim3A_383 : f32 to vector<16xf32>
    %swap3A_385 = arith.constant 32 : i32
    %swap3A_386 = arith.index_cast %swap3A_385 : i32 to index
    %swap3A_387 = arith.constant 0 : index
    %swap3A_388 = tpu.vector_load %arg5[%swap3A_386, %swap3A_387] {strides = array<i32>} : memref<128x16xf32, #tpu.memory_space<vmem>>, vector<1x16xf32>,
    %swap3A_389 = vector.shape_cast %swap3A_388 : vector<1x16xf32> to vector<16xf32>
    %swap3A_390 = vector.shape_cast %broadcast_in_dim3A_384 : vector<16xf32> to vector<1x16xf32>
    tpu.vector_store %arg5[%swap3A_386, %swap3A_387], %swap3A_390 {strides = array<i32>} : memref<128x16xf32, #tpu.memory_space<vmem>>, vector<1x16xf32>,
    %broadcast_in_dim3A_391 = arith.constant 1.000000e+00 : f32
    %broadcast_in_dim3A_392 = vector.broadcast %broadcast_in_dim3A_391 : f32 to vector<16xf32>
    %swap3A_393 = arith.constant 33 : i32
    %swap3A_394 = arith.index_cast %swap3A_393 : i32 to index
    %swap3A_395 = arith.constant 0 : index
    %swap3A_396 = tpu.vector_load %arg5[%swap3A_394, %swap3A_395] {strides = array<i32>} : memref<128x16xf32, #tpu.memory_space<vmem>>, vector<1x16xf32>,
    %swap3A_397 = vector.shape_cast %swap3A_396 : vector<1x16xf32> to vector<16xf32>
    %swap3A_398 = vector.shape_cast %broadcast_in_dim3A_392 : vector<16xf32> to vector<1x16xf32>
    tpu.vector_store %arg5[%swap3A_394, %swap3A_395], %swap3A_398 {strides = array<i32>} : memref<128x16xf32, #tpu.memory_space<vmem>>, vector<1x16xf32>,
    %broadcast_in_dim3A_399 = arith.constant 1.000000e+00 : f32
    %broadcast_in_dim3A_400 = vector.broadcast %broadcast_in_dim3A_399 : f32 to vector<16xf32>
    %swap3A_401 = arith.constant 34 : i32
    %swap3A_402 = arith.index_cast %swap3A_401 : i32 to index
    %swap3A_403 = arith.constant 0 : index
    %swap3A_404 = tpu.vector_load %arg5[%swap3A_402, %swap3A_403] {strides = array<i32>} : memref<128x16xf32, #tpu.memory_space<vmem>>, vector<1x16xf32>,
    %swap3A_405 = vector.shape_cast %swap3A_404 : vector<1x16xf32> to vector<16xf32>
    %swap3A_406 = vector.shape_cast %broadcast_in_dim3A_400 : vector<16xf32> to vector<1x16xf32>
    tpu.vector_store %arg5[%swap3A_402, %swap3A_403], %swap3A_406 {strides = array<i32>} : memref<128x16xf32, #tpu.memory_space<vmem>>, vector<1x16xf32>,
    %broadcast_in_dim3A_407 = arith.constant 1.000000e+00 : f32
    %broadcast_in_dim3A_408 = vector.broadcast %broadcast_in_dim3A_407 : f32 to vector<16xf32>
    %swap3A_409 = arith.constant 35 : i32
    %swap3A_410 = arith.index_cast %swap3A_409 : i32 to index
    %swap3A_411 = arith.constant 0 : index
    %swap3A_412 = tpu.vector_load %arg5[%swap3A_410, %swap3A_411] {strides = array<i32>} : memref<128x16xf32, #tpu.memory_space<vmem>>, vector<1x16xf32>,
    %swap3A_413 = vector.shape_cast %swap3A_412 : vector<1x16xf32> to vector<16xf32>
    %swap3A_414 = vector.shape_cast %broadcast_in_dim3A_408 : vector<16xf32> to vector<1x16xf32>
    tpu.vector_store %arg5[%swap3A_410, %swap3A_411], %swap3A_414 {strides = array<i32>} : memref<128x16xf32, #tpu.memory_space<vmem>>, vector<1x16xf32>,
    %broadcast_in_dim3A_415 = arith.constant 1.000000e+00 : f32
    %broadcast_in_dim3A_416 = vector.broadcast %broadcast_in_dim3A_415 : f32 to vector<16xf32>
    %swap3A_417 = arith.constant 36 : i32
    %swap3A_418 = arith.index_cast %swap3A_417 : i32 to index
    %swap3A_419 = arith.constant 0 : index
    %swap3A_420 = tpu.vector_load %arg5[%swap3A_418, %swap3A_419] {strides = array<i32>} : memref<128x16xf32, #tpu.memory_space<vmem>>, vector<1x16xf32>,
    %swap3A_421 = vector.shape_cast %swap3A_420 : vector<1x16xf32> to vector<16xf32>
    %swap3A_422 = vector.shape_cast %broadcast_in_dim3A_416 : vector<16xf32> to vector<1x16xf32>
    tpu.vector_store %arg5[%swap3A_418, %swap3A_419], %swap3A_422 {strides = array<i32>} : memref<128x16xf32, #tpu.memory_space<vmem>>, vector<1x16xf32>,
    %broadcast_in_dim3A_423 = arith.constant 1.000000e+00 : f32
    %broadcast_in_dim3A_424 = vector.broadcast %broadcast_in_dim3A_423 : f32 to vector<16xf32>
    %swap3A_425 = arith.constant 37 : i32
    %swap3A_426 = arith.index_cast %swap3A_425 : i32 to index
    %swap3A_427 = arith.constant 0 : index
    %swap3A_428 = tpu.vector_load %arg5[%swap3A_426, %swap3A_427] {strides = array<i32>} : memref<128x16xf32, #tpu.memory_space<vmem>>, vector<1x16xf32>,
    %swap3A_429 = vector.shape_cast %swap3A_428 : vector<1x16xf32> to vector<16xf32>
    %swap3A_430 = vector.shape_cast %broadcast_in_dim3A_424 : vector<16xf32> to vector<1x16xf32>
    tpu.vector_store %arg5[%swap3A_426, %swap3A_427], %swap3A_430 {strides = array<i32>} : memref<128x16xf32, #tpu.memory_space<vmem>>, vector<1x16xf32>,
    %broadcast_in_dim3A_431 = arith.constant 1.000000e+00 : f32
    %broadcast_in_dim3A_432 = vector.broadcast %broadcast_in_dim3A_431 : f32 to vector<16xf32>
    %swap3A_433 = arith.constant 38 : i32
    %swap3A_434 = arith.index_cast %swap3A_433 : i32 to index
    %swap3A_435 = arith.constant 0 : index
    %swap3A_436 = tpu.vector_load %arg5[%swap3A_434, %swap3A_435] {strides = array<i32>} : memref<128x16xf32, #tpu.memory_space<vmem>>, vector<1x16xf32>,
    %swap3A_437 = vector.shape_cast %swap3A_436 : vector<1x16xf32> to vector<16xf32>
    %swap3A_438 = vector.shape_cast %broadcast_in_dim3A_432 : vector<16xf32> to vector<1x16xf32>
    tpu.vector_store %arg5[%swap3A_434, %swap3A_435], %swap3A_438 {strides = array<i32>} : memref<128x16xf32, #tpu.memory_space<vmem>>, vector<1x16xf32>,
    %broadcast_in_dim3A_439 = arith.constant 1.000000e+00 : f32
    %broadcast_in_dim3A_440 = vector.broadcast %broadcast_in_dim3A_439 : f32 to vector<16xf32>
    %swap3A_441 = arith.constant 39 : i32
    %swap3A_442 = arith.index_cast %swap3A_441 : i32 to index
    %swap3A_443 = arith.constant 0 : index
    %swap3A_444 = tpu.vector_load %arg5[%swap3A_442, %swap3A_443] {strides = array<i32>} : memref<128x16xf32, #tpu.memory_space<vmem>>, vector<1x16xf32>,
    %swap3A_445 = vector.shape_cast %swap3A_444 : vector<1x16xf32> to vector<16xf32>
    %swap3A_446 = vector.shape_cast %broadcast_in_dim3A_440 : vector<16xf32> to vector<1x16xf32>
    tpu.vector_store %arg5[%swap3A_442, %swap3A_443], %swap3A_446 {strides = array<i32>} : memref<128x16xf32, #tpu.memory_space<vmem>>, vector<1x16xf32>,
    %broadcast_in_dim3A_447 = arith.constant 1.000000e+00 : f32
    %broadcast_in_dim3A_448 = vector.broadcast %broadcast_in_dim3A_447 : f32 to vector<16xf32>
    %swap3A_449 = arith.constant 40 : i32
    %swap3A_450 = arith.index_cast %swap3A_449 : i32 to index
    %swap3A_451 = arith.constant 0 : index
    %swap3A_452 = tpu.vector_load %arg5[%swap3A_450, %swap3A_451] {strides = array<i32>} : memref<128x16xf32, #tpu.memory_space<vmem>>, vector<1x16xf32>,
    %swap3A_453 = vector.shape_cast %swap3A_452 : vector<1x16xf32> to vector<16xf32>
    %swap3A_454 = vector.shape_cast %broadcast_in_dim3A_448 : vector<16xf32> to vector<1x16xf32>
    tpu.vector_store %arg5[%swap3A_450, %swap3A_451], %swap3A_454 {strides = array<i32>} : memref<128x16xf32, #tpu.memory_space<vmem>>, vector<1x16xf32>,
    %broadcast_in_dim3A_455 = arith.constant 1.000000e+00 : f32
    %broadcast_in_dim3A_456 = vector.broadcast %broadcast_in_dim3A_455 : f32 to vector<16xf32>
    %swap3A_457 = arith.constant 41 : i32
    %swap3A_458 = arith.index_cast %swap3A_457 : i32 to index
    %swap3A_459 = arith.constant 0 : index
    %swap3A_460 = tpu.vector_load %arg5[%swap3A_458, %swap3A_459] {strides = array<i32>} : memref<128x16xf32, #tpu.memory_space<vmem>>, vector<1x16xf32>,
    %swap3A_461 = vector.shape_cast %swap3A_460 : vector<1x16xf32> to vector<16xf32>
    %swap3A_462 = vector.shape_cast %broadcast_in_dim3A_456 : vector<16xf32> to vector<1x16xf32>
    tpu.vector_store %arg5[%swap3A_458, %swap3A_459], %swap3A_462 {strides = array<i32>} : memref<128x16xf32, #tpu.memory_space<vmem>>, vector<1x16xf32>,
    %broadcast_in_dim3A_463 = arith.constant 1.000000e+00 : f32
    %broadcast_in_dim3A_464 = vector.broadcast %broadcast_in_dim3A_463 : f32 to vector<16xf32>
    %swap3A_465 = arith.constant 42 : i32
    %swap3A_466 = arith.index_cast %swap3A_465 : i32 to index
    %swap3A_467 = arith.constant 0 : index
    %swap3A_468 = tpu.vector_load %arg5[%swap3A_466, %swap3A_467] {strides = array<i32>} : memref<128x16xf32, #tpu.memory_space<vmem>>, vector<1x16xf32>,
    %swap3A_469 = vector.shape_cast %swap3A_468 : vector<1x16xf32> to vector<16xf32>
    %swap3A_470 = vector.shape_cast %broadcast_in_dim3A_464 : vector<16xf32> to vector<1x16xf32>
    tpu.vector_store %arg5[%swap3A_466, %swap3A_467], %swap3A_470 {strides = array<i32>} : memref<128x16xf32, #tpu.memory_space<vmem>>, vector<1x16xf32>,
    %broadcast_in_dim3A_471 = arith.constant 1.000000e+00 : f32
    %broadcast_in_dim3A_472 = vector.broadcast %broadcast_in_dim3A_471 : f32 to vector<16xf32>
    %swap3A_473 = arith.constant 43 : i32
    %swap3A_474 = arith.index_cast %swap3A_473 : i32 to index
    %swap3A_475 = arith.constant 0 : index
    %swap3A_476 = tpu.vector_load %arg5[%swap3A_474, %swap3A_475] {strides = array<i32>} : memref<128x16xf32, #tpu.memory_space<vmem>>, vector<1x16xf32>,
    %swap3A_477 = vector.shape_cast %swap3A_476 : vector<1x16xf32> to vector<16xf32>
    %swap3A_478 = vector.shape_cast %broadcast_in_dim3A_472 : vector<16xf32> to vector<1x16xf32>
    tpu.vector_store %arg5[%swap3A_474, %swap3A_475], %swap3A_478 {strides = array<i32>} : memref<128x16xf32, #tpu.memory_space<vmem>>, vector<1x16xf32>,
    %broadcast_in_dim3A_479 = arith.constant 1.000000e+00 : f32
    %broadcast_in_dim3A_480 = vector.broadcast %broadcast_in_dim3A_479 : f32 to vector<16xf32>
    %swap3A_481 = arith.constant 44 : i32
    %swap3A_482 = arith.index_cast %swap3A_481 : i32 to index
    %swap3A_483 = arith.constant 0 : index
    %swap3A_484 = tpu.vector_load %arg5[%swap3A_482, %swap3A_483] {strides = array<i32>} : memref<128x16xf32, #tpu.memory_space<vmem>>, vector<1x16xf32>,
    %swap3A_485 = vector.shape_cast %swap3A_484 : vector<1x16xf32> to vector<16xf32>
    %swap3A_486 = vector.shape_cast %broadcast_in_dim3A_480 : vector<16xf32> to vector<1x16xf32>
    tpu.vector_store %arg5[%swap3A_482, %swap3A_483], %swap3A_486 {strides = array<i32>} : memref<128x16xf32, #tpu.memory_space<vmem>>, vector<1x16xf32>,
    %broadcast_in_dim3A_487 = arith.constant 1.000000e+00 : f32
    %broadcast_in_dim3A_488 = vector.broadcast %broadcast_in_dim3A_487 : f32 to vector<16xf32>
    %swap3A_489 = arith.constant 45 : i32
    %swap3A_490 = arith.index_cast %swap3A_489 : i32 to index
    %swap3A_491 = arith.constant 0 : index
    %swap3A_492 = tpu.vector_load %arg5[%swap3A_490, %swap3A_491] {strides = array<i32>} : memref<128x16xf32, #tpu.memory_space<vmem>>, vector<1x16xf32>,
    %swap3A_493 = vector.shape_cast %swap3A_492 : vector<1x16xf32> to vector<16xf32>
    %swap3A_494 = vector.shape_cast %broadcast_in_dim3A_488 : vector<16xf32> to vector<1x16xf32>
    tpu.vector_store %arg5[%swap3A_490, %swap3A_491], %swap3A_494 {strides = array<i32>} : memref<128x16xf32, #tpu.memory_space<vmem>>, vector<1x16xf32>,
    %broadcast_in_dim3A_495 = arith.constant 1.000000e+00 : f32
    %broadcast_in_dim3A_496 = vector.broadcast %broadcast_in_dim3A_495 : f32 to vector<16xf32>
    %swap3A_497 = arith.constant 46 : i32
    %swap3A_498 = arith.index_cast %swap3A_497 : i32 to index
    %swap3A_499 = arith.constant 0 : index
    %swap3A_500 = tpu.vector_load %arg5[%swap3A_498, %swap3A_499] {strides = array<i32>} : memref<128x16xf32, #tpu.memory_space<vmem>>, vector<1x16xf32>,
    %swap3A_501 = vector.shape_cast %swap3A_500 : vector<1x16xf32> to vector<16xf32>
    %swap3A_502 = vector.shape_cast %broadcast_in_dim3A_496 : vector<16xf32> to vector<1x16xf32>
    tpu.vector_store %arg5[%swap3A_498, %swap3A_499], %swap3A_502 {strides = array<i32>} : memref<128x16xf32, #tpu.memory_space<vmem>>, vector<1x16xf32>,
    %broadcast_in_dim3A_503 = arith.constant 1.000000e+00 : f32
    %broadcast_in_dim3A_504 = vector.broadcast %broadcast_in_dim3A_503 : f32 to vector<16xf32>
    %swap3A_505 = arith.constant 47 : i32
    %swap3A_506 = arith.index_cast %swap3A_505 : i32 to index
    %swap3A_507 = arith.constant 0 : index
    %swap3A_508 = tpu.vector_load %arg5[%swap3A_506, %swap3A_507] {strides = array<i32>} : memref<128x16xf32, #tpu.memory_space<vmem>>, vector<1x16xf32>,
    %swap3A_509 = vector.shape_cast %swap3A_508 : vector<1x16xf32> to vector<16xf32>
    %swap3A_510 = vector.shape_cast %broadcast_in_dim3A_504 : vector<16xf32> to vector<1x16xf32>
    tpu.vector_store %arg5[%swap3A_506, %swap3A_507], %swap3A_510 {strides = array<i32>} : memref<128x16xf32, #tpu.memory_space<vmem>>, vector<1x16xf32>,
    %broadcast_in_dim3A_511 = arith.constant 1.000000e+00 : f32
    %broadcast_in_dim3A_512 = vector.broadcast %broadcast_in_dim3A_511 : f32 to vector<16xf32>
    %swap3A_513 = arith.constant 48 : i32
    %swap3A_514 = arith.index_cast %swap3A_513 : i32 to index
    %swap3A_515 = arith.constant 0 : index
    %swap3A_516 = tpu.vector_load %arg5[%swap3A_514, %swap3A_515] {strides = array<i32>} : memref<128x16xf32, #tpu.memory_space<vmem>>, vector<1x16xf32>,
    %swap3A_517 = vector.shape_cast %swap3A_516 : vector<1x16xf32> to vector<16xf32>
    %swap3A_518 = vector.shape_cast %broadcast_in_dim3A_512 : vector<16xf32> to vector<1x16xf32>
    tpu.vector_store %arg5[%swap3A_514, %swap3A_515], %swap3A_518 {strides = array<i32>} : memref<128x16xf32, #tpu.memory_space<vmem>>, vector<1x16xf32>,
    %broadcast_in_dim3A_519 = arith.constant 1.000000e+00 : f32
    %broadcast_in_dim3A_520 = vector.broadcast %broadcast_in_dim3A_519 : f32 to vector<16xf32>
    %swap3A_521 = arith.constant 49 : i32
    %swap3A_522 = arith.index_cast %swap3A_521 : i32 to index
    %swap3A_523 = arith.constant 0 : index
    %swap3A_524 = tpu.vector_load %arg5[%swap3A_522, %swap3A_523] {strides = array<i32>} : memref<128x16xf32, #tpu.memory_space<vmem>>, vector<1x16xf32>,
    %swap3A_525 = vector.shape_cast %swap3A_524 : vector<1x16xf32> to vector<16xf32>
    %swap3A_526 = vector.shape_cast %broadcast_in_dim3A_520 : vector<16xf32> to vector<1x16xf32>
    tpu.vector_store %arg5[%swap3A_522, %swap3A_523], %swap3A_526 {strides = array<i32>} : memref<128x16xf32, #tpu.memory_space<vmem>>, vector<1x16xf32>,
    %broadcast_in_dim3A_527 = arith.constant 1.000000e+00 : f32
    %broadcast_in_dim3A_528 = vector.broadcast %broadcast_in_dim3A_527 : f32 to vector<16xf32>
    %swap3A_529 = arith.constant 50 : i32
    %swap3A_530 = arith.index_cast %swap3A_529 : i32 to index
    %swap3A_531 = arith.constant 0 : index
    %swap3A_532 = tpu.vector_load %arg5[%swap3A_530, %swap3A_531] {strides = array<i32>} : memref<128x16xf32, #tpu.memory_space<vmem>>, vector<1x16xf32>,
    %swap3A_533 = vector.shape_cast %swap3A_532 : vector<1x16xf32> to vector<16xf32>
    %swap3A_534 = vector.shape_cast %broadcast_in_dim3A_528 : vector<16xf32> to vector<1x16xf32>
    tpu.vector_store %arg5[%swap3A_530, %swap3A_531], %swap3A_534 {strides = array<i32>} : memref<128x16xf32, #tpu.memory_space<vmem>>, vector<1x16xf32>,
    %broadcast_in_dim3A_535 = arith.constant 1.000000e+00 : f32
    %broadcast_in_dim3A_536 = vector.broadcast %broadcast_in_dim3A_535 : f32 to vector<16xf32>
    %swap3A_537 = arith.constant 51 : i32
    %swap3A_538 = arith.index_cast %swap3A_537 : i32 to index
    %swap3A_539 = arith.constant 0 : index
    %swap3A_540 = tpu.vector_load %arg5[%swap3A_538, %swap3A_539] {strides = array<i32>} : memref<128x16xf32, #tpu.memory_space<vmem>>, vector<1x16xf32>,
    %swap3A_541 = vector.shape_cast %swap3A_540 : vector<1x16xf32> to vector<16xf32>
    %swap3A_542 = vector.shape_cast %broadcast_in_dim3A_536 : vector<16xf32> to vector<1x16xf32>
    tpu.vector_store %arg5[%swap3A_538, %swap3A_539], %swap3A_542 {strides = array<i32>} : memref<128x16xf32, #tpu.memory_space<vmem>>, vector<1x16xf32>,
    %broadcast_in_dim3A_543 = arith.constant 1.000000e+00 : f32
    %broadcast_in_dim3A_544 = vector.broadcast %broadcast_in_dim3A_543 : f32 to vector<16xf32>
    %swap3A_545 = arith.constant 52 : i32
    %swap3A_546 = arith.index_cast %swap3A_545 : i32 to index
    %swap3A_547 = arith.constant 0 : index
    %swap3A_548 = tpu.vector_load %arg5[%swap3A_546, %swap3A_547] {strides = array<i32>} : memref<128x16xf32, #tpu.memory_space<vmem>>, vector<1x16xf32>,
    %swap3A_549 = vector.shape_cast %swap3A_548 : vector<1x16xf32> to vector<16xf32>
    %swap3A_550 = vector.shape_cast %broadcast_in_dim3A_544 : vector<16xf32> to vector<1x16xf32>
    tpu.vector_store %arg5[%swap3A_546, %swap3A_547], %swap3A_550 {strides = array<i32>} : memref<128x16xf32, #tpu.memory_space<vmem>>, vector<1x16xf32>,
    %broadcast_in_dim3A_551 = arith.constant 1.000000e+00 : f32
    %broadcast_in_dim3A_552 = vector.broadcast %broadcast_in_dim3A_551 : f32 to vector<16xf32>
    %swap3A_553 = arith.constant 53 : i32
    %swap3A_554 = arith.index_cast %swap3A_553 : i32 to index
    %swap3A_555 = arith.constant 0 : index
    %swap3A_556 = tpu.vector_load %arg5[%swap3A_554, %swap3A_555] {strides = array<i32>} : memref<128x16xf32, #tpu.memory_space<vmem>>, vector<1x16xf32>,
    %swap3A_557 = vector.shape_cast %swap3A_556 : vector<1x16xf32> to vector<16xf32>
    %swap3A_558 = vector.shape_cast %broadcast_in_dim3A_552 : vector<16xf32> to vector<1x16xf32>
    tpu.vector_store %arg5[%swap3A_554, %swap3A_555], %swap3A_558 {strides = array<i32>} : memref<128x16xf32, #tpu.memory_space<vmem>>, vector<1x16xf32>,
    %broadcast_in_dim3A_559 = arith.constant 1.000000e+00 : f32
    %broadcast_in_dim3A_560 = vector.broadcast %broadcast_in_dim3A_559 : f32 to vector<16xf32>
    %swap3A_561 = arith.constant 54 : i32
    %swap3A_562 = arith.index_cast %swap3A_561 : i32 to index
    %swap3A_563 = arith.constant 0 : index
    %swap3A_564 = tpu.vector_load %arg5[%swap3A_562, %swap3A_563] {strides = array<i32>} : memref<128x16xf32, #tpu.memory_space<vmem>>, vector<1x16xf32>,
    %swap3A_565 = vector.shape_cast %swap3A_564 : vector<1x16xf32> to vector<16xf32>
    %swap3A_566 = vector.shape_cast %broadcast_in_dim3A_560 : vector<16xf32> to vector<1x16xf32>
    tpu.vector_store %arg5[%swap3A_562, %swap3A_563], %swap3A_566 {strides = array<i32>} : memref<128x16xf32, #tpu.memory_space<vmem>>, vector<1x16xf32>,
    %broadcast_in_dim3A_567 = arith.constant 1.000000e+00 : f32
    %broadcast_in_dim3A_568 = vector.broadcast %broadcast_in_dim3A_567 : f32 to vector<16xf32>
    %swap3A_569 = arith.constant 55 : i32
    %swap3A_570 = arith.index_cast %swap3A_569 : i32 to index
    %swap3A_571 = arith.constant 0 : index
    %swap3A_572 = tpu.vector_load %arg5[%swap3A_570, %swap3A_571] {strides = array<i32>} : memref<128x16xf32, #tpu.memory_space<vmem>>, vector<1x16xf32>,
    %swap3A_573 = vector.shape_cast %swap3A_572 : vector<1x16xf32> to vector<16xf32>
    %swap3A_574 = vector.shape_cast %broadcast_in_dim3A_568 : vector<16xf32> to vector<1x16xf32>
    tpu.vector_store %arg5[%swap3A_570, %swap3A_571], %swap3A_574 {strides = array<i32>} : memref<128x16xf32, #tpu.memory_space<vmem>>, vector<1x16xf32>,
    %broadcast_in_dim3A_575 = arith.constant 1.000000e+00 : f32
    %broadcast_in_dim3A_576 = vector.broadcast %broadcast_in_dim3A_575 : f32 to vector<16xf32>
    %swap3A_577 = arith.constant 56 : i32
    %swap3A_578 = arith.index_cast %swap3A_577 : i32 to index
    %swap3A_579 = arith.constant 0 : index
    %swap3A_580 = tpu.vector_load %arg5[%swap3A_578, %swap3A_579] {strides = array<i32>} : memref<128x16xf32, #tpu.memory_space<vmem>>, vector<1x16xf32>,
    %swap3A_581 = vector.shape_cast %swap3A_580 : vector<1x16xf32> to vector<16xf32>
    %swap3A_582 = vector.shape_cast %broadcast_in_dim3A_576 : vector<16xf32> to vector<1x16xf32>
    tpu.vector_store %arg5[%swap3A_578, %swap3A_579], %swap3A_582 {strides = array<i32>} : memref<128x16xf32, #tpu.memory_space<vmem>>, vector<1x16xf32>,
    %broadcast_in_dim3A_583 = arith.constant 1.000000e+00 : f32
    %broadcast_in_dim3A_584 = vector.broadcast %broadcast_in_dim3A_583 : f32 to vector<16xf32>
    %swap3A_585 = arith.constant 57 : i32
    %swap3A_586 = arith.index_cast %swap3A_585 : i32 to index
    %swap3A_587 = arith.constant 0 : index
    %swap3A_588 = tpu.vector_load %arg5[%swap3A_586, %swap3A_587] {strides = array<i32>} : memref<128x16xf32, #tpu.memory_space<vmem>>, vector<1x16xf32>,
    %swap3A_589 = vector.shape_cast %swap3A_588 : vector<1x16xf32> to vector<16xf32>
    %swap3A_590 = vector.shape_cast %broadcast_in_dim3A_584 : vector<16xf32> to vector<1x16xf32>
    tpu.vector_store %arg5[%swap3A_586, %swap3A_587], %swap3A_590 {strides = array<i32>} : memref<128x16xf32, #tpu.memory_space<vmem>>, vector<1x16xf32>,
    %broadcast_in_dim3A_591 = arith.constant 1.000000e+00 : f32
    %broadcast_in_dim3A_592 = vector.broadcast %broadcast_in_dim3A_591 : f32 to vector<16xf32>
    %swap3A_593 = arith.constant 58 : i32
    %swap3A_594 = arith.index_cast %swap3A_593 : i32 to index
    %swap3A_595 = arith.constant 0 : index
    %swap3A_596 = tpu.vector_load %arg5[%swap3A_594, %swap3A_595] {strides = array<i32>} : memref<128x16xf32, #tpu.memory_space<vmem>>, vector<1x16xf32>,
    %swap3A_597 = vector.shape_cast %swap3A_596 : vector<1x16xf32> to vector<16xf32>
    %swap3A_598 = vector.shape_cast %broadcast_in_dim3A_592 : vector<16xf32> to vector<1x16xf32>
    tpu.vector_store %arg5[%swap3A_594, %swap3A_595], %swap3A_598 {strides = array<i32>} : memref<128x16xf32, #tpu.memory_space<vmem>>, vector<1x16xf32>,
    %broadcast_in_dim3A_599 = arith.constant 1.000000e+00 : f32
    %broadcast_in_dim3A_600 = vector.broadcast %broadcast_in_dim3A_599 : f32 to vector<16xf32>
    %swap3A_601 = arith.constant 59 : i32
    %swap3A_602 = arith.index_cast %swap3A_601 : i32 to index
    %swap3A_603 = arith.constant 0 : index
    %swap3A_604 = tpu.vector_load %arg5[%swap3A_602, %swap3A_603] {strides = array<i32>} : memref<128x16xf32, #tpu.memory_space<vmem>>, vector<1x16xf32>,
    %swap3A_605 = vector.shape_cast %swap3A_604 : vector<1x16xf32> to vector<16xf32>
    %swap3A_606 = vector.shape_cast %broadcast_in_dim3A_600 : vector<16xf32> to vector<1x16xf32>
    tpu.vector_store %arg5[%swap3A_602, %swap3A_603], %swap3A_606 {strides = array<i32>} : memref<128x16xf32, #tpu.memory_space<vmem>>, vector<1x16xf32>,
    %broadcast_in_dim3A_607 = arith.constant 1.000000e+00 : f32
    %broadcast_in_dim3A_608 = vector.broadcast %broadcast_in_dim3A_607 : f32 to vector<16xf32>
    %swap3A_609 = arith.constant 60 : i32
    %swap3A_610 = arith.index_cast %swap3A_609 : i32 to index
    %swap3A_611 = arith.constant 0 : index
    %swap3A_612 = tpu.vector_load %arg5[%swap3A_610, %swap3A_611] {strides = array<i32>} : memref<128x16xf32, #tpu.memory_space<vmem>>, vector<1x16xf32>,
    %swap3A_613 = vector.shape_cast %swap3A_612 : vector<1x16xf32> to vector<16xf32>
    %swap3A_614 = vector.shape_cast %broadcast_in_dim3A_608 : vector<16xf32> to vector<1x16xf32>
    tpu.vector_store %arg5[%swap3A_610, %swap3A_611], %swap3A_614 {strides = array<i32>} : memref<128x16xf32, #tpu.memory_space<vmem>>, vector<1x16xf32>,
    %broadcast_in_dim3A_615 = arith.constant 1.000000e+00 : f32
    %broadcast_in_dim3A_616 = vector.broadcast %broadcast_in_dim3A_615 : f32 to vector<16xf32>
    %swap3A_617 = arith.constant 61 : i32
    %swap3A_618 = arith.index_cast %swap3A_617 : i32 to index
    %swap3A_619 = arith.constant 0 : index
    %swap3A_620 = tpu.vector_load %arg5[%swap3A_618, %swap3A_619] {strides = array<i32>} : memref<128x16xf32, #tpu.memory_space<vmem>>, vector<1x16xf32>,
    %swap3A_621 = vector.shape_cast %swap3A_620 : vector<1x16xf32> to vector<16xf32>
    %swap3A_622 = vector.shape_cast %broadcast_in_dim3A_616 : vector<16xf32> to vector<1x16xf32>
    tpu.vector_store %arg5[%swap3A_618, %swap3A_619], %swap3A_622 {strides = array<i32>} : memref<128x16xf32, #tpu.memory_space<vmem>>, vector<1x16xf32>,
    %broadcast_in_dim3A_623 = arith.constant 1.000000e+00 : f32
    %broadcast_in_dim3A_624 = vector.broadcast %broadcast_in_dim3A_623 : f32 to vector<16xf32>
    %swap3A_625 = arith.constant 62 : i32
    %swap3A_626 = arith.index_cast %swap3A_625 : i32 to index
    %swap3A_627 = arith.constant 0 : index
    %swap3A_628 = tpu.vector_load %arg5[%swap3A_626, %swap3A_627] {strides = array<i32>} : memref<128x16xf32, #tpu.memory_space<vmem>>, vector<1x16xf32>,
    %swap3A_629 = vector.shape_cast %swap3A_628 : vector<1x16xf32> to vector<16xf32>
    %swap3A_630 = vector.shape_cast %broadcast_in_dim3A_624 : vector<16xf32> to vector<1x16xf32>
    tpu.vector_store %arg5[%swap3A_626, %swap3A_627], %swap3A_630 {strides = array<i32>} : memref<128x16xf32, #tpu.memory_space<vmem>>, vector<1x16xf32>,
    %broadcast_in_dim3A_631 = arith.constant 1.000000e+00 : f32
    %broadcast_in_dim3A_632 = vector.broadcast %broadcast_in_dim3A_631 : f32 to vector<16xf32>
    %swap3A_633 = arith.constant 63 : i32
    %swap3A_634 = arith.index_cast %swap3A_633 : i32 to index
    %swap3A_635 = arith.constant 0 : index
    %swap3A_636 = tpu.vector_load %arg5[%swap3A_634, %swap3A_635] {strides = array<i32>} : memref<128x16xf32, #tpu.memory_space<vmem>>, vector<1x16xf32>,
    %swap3A_637 = vector.shape_cast %swap3A_636 : vector<1x16xf32> to vector<16xf32>
    %swap3A_638 = vector.shape_cast %broadcast_in_dim3A_632 : vector<16xf32> to vector<1x16xf32>
    tpu.vector_store %arg5[%swap3A_634, %swap3A_635], %swap3A_638 {strides = array<i32>} : memref<128x16xf32, #tpu.memory_space<vmem>>, vector<1x16xf32>,
    %broadcast_in_dim3A_639 = arith.constant 1.000000e+00 : f32
    %broadcast_in_dim3A_640 = vector.broadcast %broadcast_in_dim3A_639 : f32 to vector<16xf32>
    %swap3A_641 = arith.constant 64 : i32
    %swap3A_642 = arith.index_cast %swap3A_641 : i32 to index
    %swap3A_643 = arith.constant 0 : index
    %swap3A_644 = tpu.vector_load %arg5[%swap3A_642, %swap3A_643] {strides = array<i32>} : memref<128x16xf32, #tpu.memory_space<vmem>>, vector<1x16xf32>,
    %swap3A_645 = vector.shape_cast %swap3A_644 : vector<1x16xf32> to vector<16xf32>
    %swap3A_646 = vector.shape_cast %broadcast_in_dim3A_640 : vector<16xf32> to vector<1x16xf32>
    tpu.vector_store %arg5[%swap3A_642, %swap3A_643], %swap3A_646 {strides = array<i32>} : memref<128x16xf32, #tpu.memory_space<vmem>>, vector<1x16xf32>,
    %broadcast_in_dim3A_647 = arith.constant 1.000000e+00 : f32
    %broadcast_in_dim3A_648 = vector.broadcast %broadcast_in_dim3A_647 : f32 to vector<16xf32>
    %swap3A_649 = arith.constant 65 : i32
    %swap3A_650 = arith.index_cast %swap3A_649 : i32 to index
    %swap3A_651 = arith.constant 0 : index
    %swap3A_652 = tpu.vector_load %arg5[%swap3A_650, %swap3A_651] {strides = array<i32>} : memref<128x16xf32, #tpu.memory_space<vmem>>, vector<1x16xf32>,
    %swap3A_653 = vector.shape_cast %swap3A_652 : vector<1x16xf32> to vector<16xf32>
    %swap3A_654 = vector.shape_cast %broadcast_in_dim3A_648 : vector<16xf32> to vector<1x16xf32>
    tpu.vector_store %arg5[%swap3A_650, %swap3A_651], %swap3A_654 {strides = array<i32>} : memref<128x16xf32, #tpu.memory_space<vmem>>, vector<1x16xf32>,
    %broadcast_in_dim3A_655 = arith.constant 1.000000e+00 : f32
    %broadcast_in_dim3A_656 = vector.broadcast %broadcast_in_dim3A_655 : f32 to vector<16xf32>
    %swap3A_657 = arith.constant 66 : i32
    %swap3A_658 = arith.index_cast %swap3A_657 : i32 to index
    %swap3A_659 = arith.constant 0 : index
    %swap3A_660 = tpu.vector_load %arg5[%swap3A_658, %swap3A_659] {strides = array<i32>} : memref<128x16xf32, #tpu.memory_space<vmem>>, vector<1x16xf32>,
    %swap3A_661 = vector.shape_cast %swap3A_660 : vector<1x16xf32> to vector<16xf32>
    %swap3A_662 = vector.shape_cast %broadcast_in_dim3A_656 : vector<16xf32> to vector<1x16xf32>
    tpu.vector_store %arg5[%swap3A_658, %swap3A_659], %swap3A_662 {strides = array<i32>} : memref<128x16xf32, #tpu.memory_space<vmem>>, vector<1x16xf32>,
    %broadcast_in_dim3A_663 = arith.constant 1.000000e+00 : f32
    %broadcast_in_dim3A_664 = vector.broadcast %broadcast_in_dim3A_663 : f32 to vector<16xf32>
    %swap3A_665 = arith.constant 67 : i32
    %swap3A_666 = arith.index_cast %swap3A_665 : i32 to index
    %swap3A_667 = arith.constant 0 : index
    %swap3A_668 = tpu.vector_load %arg5[%swap3A_666, %swap3A_667] {strides = array<i32>} : memref<128x16xf32, #tpu.memory_space<vmem>>, vector<1x16xf32>,
    %swap3A_669 = vector.shape_cast %swap3A_668 : vector<1x16xf32> to vector<16xf32>
    %swap3A_670 = vector.shape_cast %broadcast_in_dim3A_664 : vector<16xf32> to vector<1x16xf32>
    tpu.vector_store %arg5[%swap3A_666, %swap3A_667], %swap3A_670 {strides = array<i32>} : memref<128x16xf32, #tpu.memory_space<vmem>>, vector<1x16xf32>,
    %broadcast_in_dim3A_671 = arith.constant 1.000000e+00 : f32
    %broadcast_in_dim3A_672 = vector.broadcast %broadcast_in_dim3A_671 : f32 to vector<16xf32>
    %swap3A_673 = arith.constant 68 : i32
    %swap3A_674 = arith.index_cast %swap3A_673 : i32 to index
    %swap3A_675 = arith.constant 0 : index
    %swap3A_676 = tpu.vector_load %arg5[%swap3A_674, %swap3A_675] {strides = array<i32>} : memref<128x16xf32, #tpu.memory_space<vmem>>, vector<1x16xf32>,
    %swap3A_677 = vector.shape_cast %swap3A_676 : vector<1x16xf32> to vector<16xf32>
    %swap3A_678 = vector.shape_cast %broadcast_in_dim3A_672 : vector<16xf32> to vector<1x16xf32>
    tpu.vector_store %arg5[%swap3A_674, %swap3A_675], %swap3A_678 {strides = array<i32>} : memref<128x16xf32, #tpu.memory_space<vmem>>, vector<1x16xf32>,
    %broadcast_in_dim3A_679 = arith.constant 1.000000e+00 : f32
    %broadcast_in_dim3A_680 = vector.broadcast %broadcast_in_dim3A_679 : f32 to vector<16xf32>
    %swap3A_681 = arith.constant 69 : i32
    %swap3A_682 = arith.index_cast %swap3A_681 : i32 to index
    %swap3A_683 = arith.constant 0 : index
    %swap3A_684 = tpu.vector_load %arg5[%swap3A_682, %swap3A_683] {strides = array<i32>} : memref<128x16xf32, #tpu.memory_space<vmem>>, vector<1x16xf32>,
    %swap3A_685 = vector.shape_cast %swap3A_684 : vector<1x16xf32> to vector<16xf32>
    %swap3A_686 = vector.shape_cast %broadcast_in_dim3A_680 : vector<16xf32> to vector<1x16xf32>
    tpu.vector_store %arg5[%swap3A_682, %swap3A_683], %swap3A_686 {strides = array<i32>} : memref<128x16xf32, #tpu.memory_space<vmem>>, vector<1x16xf32>,
    %broadcast_in_dim3A_687 = arith.constant 1.000000e+00 : f32
    %broadcast_in_dim3A_688 = vector.broadcast %broadcast_in_dim3A_687 : f32 to vector<16xf32>
    %swap3A_689 = arith.constant 70 : i32
    %swap3A_690 = arith.index_cast %swap3A_689 : i32 to index
    %swap3A_691 = arith.constant 0 : index
    %swap3A_692 = tpu.vector_load %arg5[%swap3A_690, %swap3A_691] {strides = array<i32>} : memref<128x16xf32, #tpu.memory_space<vmem>>, vector<1x16xf32>,
    %swap3A_693 = vector.shape_cast %swap3A_692 : vector<1x16xf32> to vector<16xf32>
    %swap3A_694 = vector.shape_cast %broadcast_in_dim3A_688 : vector<16xf32> to vector<1x16xf32>
    tpu.vector_store %arg5[%swap3A_690, %swap3A_691], %swap3A_694 {strides = array<i32>} : memref<128x16xf32, #tpu.memory_space<vmem>>, vector<1x16xf32>,
    %broadcast_in_dim3A_695 = arith.constant 1.000000e+00 : f32
    %broadcast_in_dim3A_696 = vector.broadcast %broadcast_in_dim3A_695 : f32 to vector<16xf32>
    %swap3A_697 = arith.constant 71 : i32
    %swap3A_698 = arith.index_cast %swap3A_697 : i32 to index
    %swap3A_699 = arith.constant 0 : index
    %swap3A_700 = tpu.vector_load %arg5[%swap3A_698, %swap3A_699] {strides = array<i32>} : memref<128x16xf32, #tpu.memory_space<vmem>>, vector<1x16xf32>,
    %swap3A_701 = vector.shape_cast %swap3A_700 : vector<1x16xf32> to vector<16xf32>
    %swap3A_702 = vector.shape_cast %broadcast_in_dim3A_696 : vector<16xf32> to vector<1x16xf32>
    tpu.vector_store %arg5[%swap3A_698, %swap3A_699], %swap3A_702 {strides = array<i32>} : memref<128x16xf32, #tpu.memory_space<vmem>>, vector<1x16xf32>,
    %broadcast_in_dim3A_703 = arith.constant 1.000000e+00 : f32
    %broadcast_in_dim3A_704 = vector.broadcast %broadcast_in_dim3A_703 : f32 to vector<16xf32>
    %swap3A_705 = arith.constant 72 : i32
    %swap3A_706 = arith.index_cast %swap3A_705 : i32 to index
    %swap3A_707 = arith.constant 0 : index
    %swap3A_708 = tpu.vector_load %arg5[%swap3A_706, %swap3A_707] {strides = array<i32>} : memref<128x16xf32, #tpu.memory_space<vmem>>, vector<1x16xf32>,
    %swap3A_709 = vector.shape_cast %swap3A_708 : vector<1x16xf32> to vector<16xf32>
    %swap3A_710 = vector.shape_cast %broadcast_in_dim3A_704 : vector<16xf32> to vector<1x16xf32>
    tpu.vector_store %arg5[%swap3A_706, %swap3A_707], %swap3A_710 {strides = array<i32>} : memref<128x16xf32, #tpu.memory_space<vmem>>, vector<1x16xf32>,
    %broadcast_in_dim3A_711 = arith.constant 1.000000e+00 : f32
    %broadcast_in_dim3A_712 = vector.broadcast %broadcast_in_dim3A_711 : f32 to vector<16xf32>
    %swap3A_713 = arith.constant 73 : i32
    %swap3A_714 = arith.index_cast %swap3A_713 : i32 to index
    %swap3A_715 = arith.constant 0 : index
    %swap3A_716 = tpu.vector_load %arg5[%swap3A_714, %swap3A_715] {strides = array<i32>} : memref<128x16xf32, #tpu.memory_space<vmem>>, vector<1x16xf32>,
    %swap3A_717 = vector.shape_cast %swap3A_716 : vector<1x16xf32> to vector<16xf32>
    %swap3A_718 = vector.shape_cast %broadcast_in_dim3A_712 : vector<16xf32> to vector<1x16xf32>
    tpu.vector_store %arg5[%swap3A_714, %swap3A_715], %swap3A_718 {strides = array<i32>} : memref<128x16xf32, #tpu.memory_space<vmem>>, vector<1x16xf32>,
    %broadcast_in_dim3A_719 = arith.constant 1.000000e+00 : f32
    %broadcast_in_dim3A_720 = vector.broadcast %broadcast_in_dim3A_719 : f32 to vector<16xf32>
    %swap3A_721 = arith.constant 74 : i32
    %swap3A_722 = arith.index_cast %swap3A_721 : i32 to index
    %swap3A_723 = arith.constant 0 : index
    %swap3A_724 = tpu.vector_load %arg5[%swap3A_722, %swap3A_723] {strides = array<i32>} : memref<128x16xf32, #tpu.memory_space<vmem>>, vector<1x16xf32>,
    %swap3A_725 = vector.shape_cast %swap3A_724 : vector<1x16xf32> to vector<16xf32>
    %swap3A_726 = vector.shape_cast %broadcast_in_dim3A_720 : vector<16xf32> to vector<1x16xf32>
    tpu.vector_store %arg5[%swap3A_722, %swap3A_723], %swap3A_726 {strides = array<i32>} : memref<128x16xf32, #tpu.memory_space<vmem>>, vector<1x16xf32>,
    %broadcast_in_dim3A_727 = arith.constant 1.000000e+00 : f32
    %broadcast_in_dim3A_728 = vector.broadcast %broadcast_in_dim3A_727 : f32 to vector<16xf32>
    %swap3A_729 = arith.constant 75 : i32
    %swap3A_730 = arith.index_cast %swap3A_729 : i32 to index
    %swap3A_731 = arith.constant 0 : index
    %swap3A_732 = tpu.vector_load %arg5[%swap3A_730, %swap3A_731] {strides = array<i32>} : memref<128x16xf32, #tpu.memory_space<vmem>>, vector<1x16xf32>,
    %swap3A_733 = vector.shape_cast %swap3A_732 : vector<1x16xf32> to vector<16xf32>
    %swap3A_734 = vector.shape_cast %broadcast_in_dim3A_728 : vector<16xf32> to vector<1x16xf32>
    tpu.vector_store %arg5[%swap3A_730, %swap3A_731], %swap3A_734 {strides = array<i32>} : memref<128x16xf32, #tpu.memory_space<vmem>>, vector<1x16xf32>,
    %broadcast_in_dim3A_735 = arith.constant 1.000000e+00 : f32
    %broadcast_in_dim3A_736 = vector.broadcast %broadcast_in_dim3A_735 : f32 to vector<16xf32>
    %swap3A_737 = arith.constant 76 : i32
    %swap3A_738 = arith.index_cast %swap3A_737 : i32 to index
    %swap3A_739 = arith.constant 0 : index
    %swap3A_740 = tpu.vector_load %arg5[%swap3A_738, %swap3A_739] {strides = array<i32>} : memref<128x16xf32, #tpu.memory_space<vmem>>, vector<1x16xf32>,
    %swap3A_741 = vector.shape_cast %swap3A_740 : vector<1x16xf32> to vector<16xf32>
    %swap3A_742 = vector.shape_cast %broadcast_in_dim3A_736 : vector<16xf32> to vector<1x16xf32>
    tpu.vector_store %arg5[%swap3A_738, %swap3A_739], %swap3A_742 {strides = array<i32>} : memref<128x16xf32, #tpu.memory_space<vmem>>, vector<1x16xf32>,
    %broadcast_in_dim3A_743 = arith.constant 1.000000e+00 : f32
    %broadcast_in_dim3A_744 = vector.broadcast %broadcast_in_dim3A_743 : f32 to vector<16xf32>
    %swap3A_745 = arith.constant 77 : i32
    %swap3A_746 = arith.index_cast %swap3A_745 : i32 to index
    %swap3A_747 = arith.constant 0 : index
    %swap3A_748 = tpu.vector_load %arg5[%swap3A_746, %swap3A_747] {strides = array<i32>} : memref<128x16xf32, #tpu.memory_space<vmem>>, vector<1x16xf32>,
    %swap3A_749 = vector.shape_cast %swap3A_748 : vector<1x16xf32> to vector<16xf32>
    %swap3A_750 = vector.shape_cast %broadcast_in_dim3A_744 : vector<16xf32> to vector<1x16xf32>
    tpu.vector_store %arg5[%swap3A_746, %swap3A_747], %swap3A_750 {strides = array<i32>} : memref<128x16xf32, #tpu.memory_space<vmem>>, vector<1x16xf32>,
    %broadcast_in_dim3A_751 = arith.constant 1.000000e+00 : f32
    %broadcast_in_dim3A_752 = vector.broadcast %broadcast_in_dim3A_751 : f32 to vector<16xf32>
    %swap3A_753 = arith.constant 78 : i32
    %swap3A_754 = arith.index_cast %swap3A_753 : i32 to index
    %swap3A_755 = arith.constant 0 : index
    %swap3A_756 = tpu.vector_load %arg5[%swap3A_754, %swap3A_755] {strides = array<i32>} : memref<128x16xf32, #tpu.memory_space<vmem>>, vector<1x16xf32>,
    %swap3A_757 = vector.shape_cast %swap3A_756 : vector<1x16xf32> to vector<16xf32>
    %swap3A_758 = vector.shape_cast %broadcast_in_dim3A_752 : vector<16xf32> to vector<1x16xf32>
    tpu.vector_store %arg5[%swap3A_754, %swap3A_755], %swap3A_758 {strides = array<i32>} : memref<128x16xf32, #tpu.memory_space<vmem>>, vector<1x16xf32>,
    %broadcast_in_dim3A_759 = arith.constant 1.000000e+00 : f32
    %broadcast_in_dim3A_760 = vector.broadcast %broadcast_in_dim3A_759 : f32 to vector<16xf32>
    %swap3A_761 = arith.constant 79 : i32
    %swap3A_762 = arith.index_cast %swap3A_761 : i32 to index
    %swap3A_763 = arith.constant 0 : index
    %swap3A_764 = tpu.vector_load %arg5[%swap3A_762, %swap3A_763] {strides = array<i32>} : memref<128x16xf32, #tpu.memory_space<vmem>>, vector<1x16xf32>,
    %swap3A_765 = vector.shape_cast %swap3A_764 : vector<1x16xf32> to vector<16xf32>
    %swap3A_766 = vector.shape_cast %broadcast_in_dim3A_760 : vector<16xf32> to vector<1x16xf32>
    tpu.vector_store %arg5[%swap3A_762, %swap3A_763], %swap3A_766 {strides = array<i32>} : memref<128x16xf32, #tpu.memory_space<vmem>>, vector<1x16xf32>,
    %broadcast_in_dim3A_767 = arith.constant 1.000000e+00 : f32
    %broadcast_in_dim3A_768 = vector.broadcast %broadcast_in_dim3A_767 : f32 to vector<16xf32>
    %swap3A_769 = arith.constant 80 : i32
    %swap3A_770 = arith.index_cast %swap3A_769 : i32 to index
    %swap3A_771 = arith.constant 0 : index
    %swap3A_772 = tpu.vector_load %arg5[%swap3A_770, %swap3A_771] {strides = array<i32>} : memref<128x16xf32, #tpu.memory_space<vmem>>, vector<1x16xf32>,
    %swap3A_773 = vector.shape_cast %swap3A_772 : vector<1x16xf32> to vector<16xf32>
    %swap3A_774 = vector.shape_cast %broadcast_in_dim3A_768 : vector<16xf32> to vector<1x16xf32>
    tpu.vector_store %arg5[%swap3A_770, %swap3A_771], %swap3A_774 {strides = array<i32>} : memref<128x16xf32, #tpu.memory_space<vmem>>, vector<1x16xf32>,
    %broadcast_in_dim3A_775 = arith.constant 1.000000e+00 : f32
    %broadcast_in_dim3A_776 = vector.broadcast %broadcast_in_dim3A_775 : f32 to vector<16xf32>
    %swap3A_777 = arith.constant 81 : i32
    %swap3A_778 = arith.index_cast %swap3A_777 : i32 to index
    %swap3A_779 = arith.constant 0 : index
    %swap3A_780 = tpu.vector_load %arg5[%swap3A_778, %swap3A_779] {strides = array<i32>} : memref<128x16xf32, #tpu.memory_space<vmem>>, vector<1x16xf32>,
    %swap3A_781 = vector.shape_cast %swap3A_780 : vector<1x16xf32> to vector<16xf32>
    %swap3A_782 = vector.shape_cast %broadcast_in_dim3A_776 : vector<16xf32> to vector<1x16xf32>
    tpu.vector_store %arg5[%swap3A_778, %swap3A_779], %swap3A_782 {strides = array<i32>} : memref<128x16xf32, #tpu.memory_space<vmem>>, vector<1x16xf32>,
    %broadcast_in_dim3A_783 = arith.constant 1.000000e+00 : f32
    %broadcast_in_dim3A_784 = vector.broadcast %broadcast_in_dim3A_783 : f32 to vector<16xf32>
    %swap3A_785 = arith.constant 82 : i32
    %swap3A_786 = arith.index_cast %swap3A_785 : i32 to index
    %swap3A_787 = arith.constant 0 : index
    %swap3A_788 = tpu.vector_load %arg5[%swap3A_786, %swap3A_787] {strides = array<i32>} : memref<128x16xf32, #tpu.memory_space<vmem>>, vector<1x16xf32>,
    %swap3A_789 = vector.shape_cast %swap3A_788 : vector<1x16xf32> to vector<16xf32>
    %swap3A_790 = vector.shape_cast %broadcast_in_dim3A_784 : vector<16xf32> to vector<1x16xf32>
    tpu.vector_store %arg5[%swap3A_786, %swap3A_787], %swap3A_790 {strides = array<i32>} : memref<128x16xf32, #tpu.memory_space<vmem>>, vector<1x16xf32>,
    %broadcast_in_dim3A_791 = arith.constant 1.000000e+00 : f32
    %broadcast_in_dim3A_792 = vector.broadcast %broadcast_in_dim3A_791 : f32 to vector<16xf32>
    %swap3A_793 = arith.constant 83 : i32
    %swap3A_794 = arith.index_cast %swap3A_793 : i32 to index
    %swap3A_795 = arith.constant 0 : index
    %swap3A_796 = tpu.vector_load %arg5[%swap3A_794, %swap3A_795] {strides = array<i32>} : memref<128x16xf32, #tpu.memory_space<vmem>>, vector<1x16xf32>,
    %swap3A_797 = vector.shape_cast %swap3A_796 : vector<1x16xf32> to vector<16xf32>
    %swap3A_798 = vector.shape_cast %broadcast_in_dim3A_792 : vector<16xf32> to vector<1x16xf32>
    tpu.vector_store %arg5[%swap3A_794, %swap3A_795], %swap3A_798 {strides = array<i32>} : memref<128x16xf32, #tpu.memory_space<vmem>>, vector<1x16xf32>,
    %broadcast_in_dim3A_799 = arith.constant 1.000000e+00 : f32
    %broadcast_in_dim3A_800 = vector.broadcast %broadcast_in_dim3A_799 : f32 to vector<16xf32>
    %swap3A_801 = arith.constant 84 : i32
    %swap3A_802 = arith.index_cast %swap3A_801 : i32 to index
    %swap3A_803 = arith.constant 0 : index
    %swap3A_804 = tpu.vector_load %arg5[%swap3A_802, %swap3A_803] {strides = array<i32>} : memref<128x16xf32, #tpu.memory_space<vmem>>, vector<1x16xf32>,
    %swap3A_805 = vector.shape_cast %swap3A_804 : vector<1x16xf32> to vector<16xf32>
    %swap3A_806 = vector.shape_cast %broadcast_in_dim3A_800 : vector<16xf32> to vector<1x16xf32>
    tpu.vector_store %arg5[%swap3A_802, %swap3A_803], %swap3A_806 {strides = array<i32>} : memref<128x16xf32, #tpu.memory_space<vmem>>, vector<1x16xf32>,
    %broadcast_in_dim3A_807 = arith.constant 1.000000e+00 : f32
    %broadcast_in_dim3A_808 = vector.broadcast %broadcast_in_dim3A_807 : f32 to vector<16xf32>
    %swap3A_809 = arith.constant 85 : i32
    %swap3A_810 = arith.index_cast %swap3A_809 : i32 to index
    %swap3A_811 = arith.constant 0 : index
    %swap3A_812 = tpu.vector_load %arg5[%swap3A_810, %swap3A_811] {strides = array<i32>} : memref<128x16xf32, #tpu.memory_space<vmem>>, vector<1x16xf32>,
    %swap3A_813 = vector.shape_cast %swap3A_812 : vector<1x16xf32> to vector<16xf32>
    %swap3A_814 = vector.shape_cast %broadcast_in_dim3A_808 : vector<16xf32> to vector<1x16xf32>
    tpu.vector_store %arg5[%swap3A_810, %swap3A_811], %swap3A_814 {strides = array<i32>} : memref<128x16xf32, #tpu.memory_space<vmem>>, vector<1x16xf32>,
    %broadcast_in_dim3A_815 = arith.constant 1.000000e+00 : f32
    %broadcast_in_dim3A_816 = vector.broadcast %broadcast_in_dim3A_815 : f32 to vector<16xf32>
    %swap3A_817 = arith.constant 86 : i32
    %swap3A_818 = arith.index_cast %swap3A_817 : i32 to index
    %swap3A_819 = arith.constant 0 : index
    %swap3A_820 = tpu.vector_load %arg5[%swap3A_818, %swap3A_819] {strides = array<i32>} : memref<128x16xf32, #tpu.memory_space<vmem>>, vector<1x16xf32>,
    %swap3A_821 = vector.shape_cast %swap3A_820 : vector<1x16xf32> to vector<16xf32>
    %swap3A_822 = vector.shape_cast %broadcast_in_dim3A_816 : vector<16xf32> to vector<1x16xf32>
    tpu.vector_store %arg5[%swap3A_818, %swap3A_819], %swap3A_822 {strides = array<i32>} : memref<128x16xf32, #tpu.memory_space<vmem>>, vector<1x16xf32>,
    %broadcast_in_dim3A_823 = arith.constant 1.000000e+00 : f32
    %broadcast_in_dim3A_824 = vector.broadcast %broadcast_in_dim3A_823 : f32 to vector<16xf32>
    %swap3A_825 = arith.constant 87 : i32
    %swap3A_826 = arith.index_cast %swap3A_825 : i32 to index
    %swap3A_827 = arith.constant 0 : index
    %swap3A_828 = tpu.vector_load %arg5[%swap3A_826, %swap3A_827] {strides = array<i32>} : memref<128x16xf32, #tpu.memory_space<vmem>>, vector<1x16xf32>,
    %swap3A_829 = vector.shape_cast %swap3A_828 : vector<1x16xf32> to vector<16xf32>
    %swap3A_830 = vector.shape_cast %broadcast_in_dim3A_824 : vector<16xf32> to vector<1x16xf32>
    tpu.vector_store %arg5[%swap3A_826, %swap3A_827], %swap3A_830 {strides = array<i32>} : memref<128x16xf32, #tpu.memory_space<vmem>>, vector<1x16xf32>,
    %broadcast_in_dim3A_831 = arith.constant 1.000000e+00 : f32
    %broadcast_in_dim3A_832 = vector.broadcast %broadcast_in_dim3A_831 : f32 to vector<16xf32>
    %swap3A_833 = arith.constant 88 : i32
    %swap3A_834 = arith.index_cast %swap3A_833 : i32 to index
    %swap3A_835 = arith.constant 0 : index
    %swap3A_836 = tpu.vector_load %arg5[%swap3A_834, %swap3A_835] {strides = array<i32>} : memref<128x16xf32, #tpu.memory_space<vmem>>, vector<1x16xf32>,
    %swap3A_837 = vector.shape_cast %swap3A_836 : vector<1x16xf32> to vector<16xf32>
    %swap3A_838 = vector.shape_cast %broadcast_in_dim3A_832 : vector<16xf32> to vector<1x16xf32>
    tpu.vector_store %arg5[%swap3A_834, %swap3A_835], %swap3A_838 {strides = array<i32>} : memref<128x16xf32, #tpu.memory_space<vmem>>, vector<1x16xf32>,
    %broadcast_in_dim3A_839 = arith.constant 1.000000e+00 : f32
    %broadcast_in_dim3A_840 = vector.broadcast %broadcast_in_dim3A_839 : f32 to vector<16xf32>
    %swap3A_841 = arith.constant 89 : i32
    %swap3A_842 = arith.index_cast %swap3A_841 : i32 to index
    %swap3A_843 = arith.constant 0 : index
    %swap3A_844 = tpu.vector_load %arg5[%swap3A_842, %swap3A_843] {strides = array<i32>} : memref<128x16xf32, #tpu.memory_space<vmem>>, vector<1x16xf32>,
    %swap3A_845 = vector.shape_cast %swap3A_844 : vector<1x16xf32> to vector<16xf32>
    %swap3A_846 = vector.shape_cast %broadcast_in_dim3A_840 : vector<16xf32> to vector<1x16xf32>
    tpu.vector_store %arg5[%swap3A_842, %swap3A_843], %swap3A_846 {strides = array<i32>} : memref<128x16xf32, #tpu.memory_space<vmem>>, vector<1x16xf32>,
    %broadcast_in_dim3A_847 = arith.constant 1.000000e+00 : f32
    %broadcast_in_dim3A_848 = vector.broadcast %broadcast_in_dim3A_847 : f32 to vector<16xf32>
    %swap3A_849 = arith.constant 90 : i32
    %swap3A_850 = arith.index_cast %swap3A_849 : i32 to index
    %swap3A_851 = arith.constant 0 : index
    %swap3A_852 = tpu.vector_load %arg5[%swap3A_850, %swap3A_851] {strides = array<i32>} : memref<128x16xf32, #tpu.memory_space<vmem>>, vector<1x16xf32>,
    %swap3A_853 = vector.shape_cast %swap3A_852 : vector<1x16xf32> to vector<16xf32>
    %swap3A_854 = vector.shape_cast %broadcast_in_dim3A_848 : vector<16xf32> to vector<1x16xf32>
    tpu.vector_store %arg5[%swap3A_850, %swap3A_851], %swap3A_854 {strides = array<i32>} : memref<128x16xf32, #tpu.memory_space<vmem>>, vector<1x16xf32>,
    %broadcast_in_dim3A_855 = arith.constant 1.000000e+00 : f32
    %broadcast_in_dim3A_856 = vector.broadcast %broadcast_in_dim3A_855 : f32 to vector<16xf32>
    %swap3A_857 = arith.constant 91 : i32
    %swap3A_858 = arith.index_cast %swap3A_857 : i32 to index
    %swap3A_859 = arith.constant 0 : index
    %swap3A_860 = tpu.vector_load %arg5[%swap3A_858, %swap3A_859] {strides = array<i32>} : memref<128x16xf32, #tpu.memory_space<vmem>>, vector<1x16xf32>,
    %swap3A_861 = vector.shape_cast %swap3A_860 : vector<1x16xf32> to vector<16xf32>
    %swap3A_862 = vector.shape_cast %broadcast_in_dim3A_856 : vector<16xf32> to vector<1x16xf32>
    tpu.vector_store %arg5[%swap3A_858, %swap3A_859], %swap3A_862 {strides = array<i32>} : memref<128x16xf32, #tpu.memory_space<vmem>>, vector<1x16xf32>,
    %broadcast_in_dim3A_863 = arith.constant 1.000000e+00 : f32
    %broadcast_in_dim3A_864 = vector.broadcast %broadcast_in_dim3A_863 : f32 to vector<16xf32>
    %swap3A_865 = arith.constant 92 : i32
    %swap3A_866 = arith.index_cast %swap3A_865 : i32 to index
    %swap3A_867 = arith.constant 0 : index
    %swap3A_868 = tpu.vector_load %arg5[%swap3A_866, %swap3A_867] {strides = array<i32>} : memref<128x16xf32, #tpu.memory_space<vmem>>, vector<1x16xf32>,
    %swap3A_869 = vector.shape_cast %swap3A_868 : vector<1x16xf32> to vector<16xf32>
    %swap3A_870 = vector.shape_cast %broadcast_in_dim3A_864 : vector<16xf32> to vector<1x16xf32>
    tpu.vector_store %arg5[%swap3A_866, %swap3A_867], %swap3A_870 {strides = array<i32>} : memref<128x16xf32, #tpu.memory_space<vmem>>, vector<1x16xf32>,
    %broadcast_in_dim3A_871 = arith.constant 1.000000e+00 : f32
    %broadcast_in_dim3A_872 = vector.broadcast %broadcast_in_dim3A_871 : f32 to vector<16xf32>
    %swap3A_873 = arith.constant 93 : i32
    %swap3A_874 = arith.index_cast %swap3A_873 : i32 to index
    %swap3A_875 = arith.constant 0 : index
    %swap3A_876 = tpu.vector_load %arg5[%swap3A_874, %swap3A_875] {strides = array<i32>} : memref<128x16xf32, #tpu.memory_space<vmem>>, vector<1x16xf32>,
    %swap3A_877 = vector.shape_cast %swap3A_876 : vector<1x16xf32> to vector<16xf32>
    %swap3A_878 = vector.shape_cast %broadcast_in_dim3A_872 : vector<16xf32> to vector<1x16xf32>
    tpu.vector_store %arg5[%swap3A_874, %swap3A_875], %swap3A_878 {strides = array<i32>} : memref<128x16xf32, #tpu.memory_space<vmem>>, vector<1x16xf32>,
    %broadcast_in_dim3A_879 = arith.constant 1.000000e+00 : f32
    %broadcast_in_dim3A_880 = vector.broadcast %broadcast_in_dim3A_879 : f32 to vector<16xf32>
    %swap3A_881 = arith.constant 94 : i32
    %swap3A_882 = arith.index_cast %swap3A_881 : i32 to index
    %swap3A_883 = arith.constant 0 : index
    %swap3A_884 = tpu.vector_load %arg5[%swap3A_882, %swap3A_883] {strides = array<i32>} : memref<128x16xf32, #tpu.memory_space<vmem>>, vector<1x16xf32>,
    %swap3A_885 = vector.shape_cast %swap3A_884 : vector<1x16xf32> to vector<16xf32>
    %swap3A_886 = vector.shape_cast %broadcast_in_dim3A_880 : vector<16xf32> to vector<1x16xf32>
    tpu.vector_store %arg5[%swap3A_882, %swap3A_883], %swap3A_886 {strides = array<i32>} : memref<128x16xf32, #tpu.memory_space<vmem>>, vector<1x16xf32>,
    %broadcast_in_dim3A_887 = arith.constant 1.000000e+00 : f32
    %broadcast_in_dim3A_888 = vector.broadcast %broadcast_in_dim3A_887 : f32 to vector<16xf32>
    %swap3A_889 = arith.constant 95 : i32
    %swap3A_890 = arith.index_cast %swap3A_889 : i32 to index
    %swap3A_891 = arith.constant 0 : index
    %swap3A_892 = tpu.vector_load %arg5[%swap3A_890, %swap3A_891] {strides = array<i32>} : memref<128x16xf32, #tpu.memory_space<vmem>>, vector<1x16xf32>,
    %swap3A_893 = vector.shape_cast %swap3A_892 : vector<1x16xf32> to vector<16xf32>
    %swap3A_894 = vector.shape_cast %broadcast_in_dim3A_888 : vector<16xf32> to vector<1x16xf32>
    tpu.vector_store %arg5[%swap3A_890, %swap3A_891], %swap3A_894 {strides = array<i32>} : memref<128x16xf32, #tpu.memory_space<vmem>>, vector<1x16xf32>,
    %broadcast_in_dim3A_895 = arith.constant 1.000000e+00 : f32
    %broadcast_in_dim3A_896 = vector.broadcast %broadcast_in_dim3A_895 : f32 to vector<16xf32>
    %swap3A_897 = arith.constant 96 : i32
    %swap3A_898 = arith.index_cast %swap3A_897 : i32 to index
    %swap3A_899 = arith.constant 0 : index
    %swap3A_900 = tpu.vector_load %arg5[%swap3A_898, %swap3A_899] {strides = array<i32>} : memref<128x16xf32, #tpu.memory_space<vmem>>, vector<1x16xf32>,
    %swap3A_901 = vector.shape_cast %swap3A_900 : vector<1x16xf32> to vector<16xf32>
    %swap3A_902 = vector.shape_cast %broadcast_in_dim3A_896 : vector<16xf32> to vector<1x16xf32>
    tpu.vector_store %arg5[%swap3A_898, %swap3A_899], %swap3A_902 {strides = array<i32>} : memref<128x16xf32, #tpu.memory_space<vmem>>, vector<1x16xf32>,
    %broadcast_in_dim3A_903 = arith.constant 1.000000e+00 : f32
    %broadcast_in_dim3A_904 = vector.broadcast %broadcast_in_dim3A_903 : f32 to vector<16xf32>
    %swap3A_905 = arith.constant 97 : i32
    %swap3A_906 = arith.index_cast %swap3A_905 : i32 to index
    %swap3A_907 = arith.constant 0 : index
    %swap3A_908 = tpu.vector_load %arg5[%swap3A_906, %swap3A_907] {strides = array<i32>} : memref<128x16xf32, #tpu.memory_space<vmem>>, vector<1x16xf32>,
    %swap3A_909 = vector.shape_cast %swap3A_908 : vector<1x16xf32> to vector<16xf32>
    %swap3A_910 = vector.shape_cast %broadcast_in_dim3A_904 : vector<16xf32> to vector<1x16xf32>
    tpu.vector_store %arg5[%swap3A_906, %swap3A_907], %swap3A_910 {strides = array<i32>} : memref<128x16xf32, #tpu.memory_space<vmem>>, vector<1x16xf32>,
    %broadcast_in_dim3A_911 = arith.constant 1.000000e+00 : f32
    %broadcast_in_dim3A_912 = vector.broadcast %broadcast_in_dim3A_911 : f32 to vector<16xf32>
    %swap3A_913 = arith.constant 98 : i32
    %swap3A_914 = arith.index_cast %swap3A_913 : i32 to index
    %swap3A_915 = arith.constant 0 : index
    %swap3A_916 = tpu.vector_load %arg5[%swap3A_914, %swap3A_915] {strides = array<i32>} : memref<128x16xf32, #tpu.memory_space<vmem>>, vector<1x16xf32>,
    %swap3A_917 = vector.shape_cast %swap3A_916 : vector<1x16xf32> to vector<16xf32>
    %swap3A_918 = vector.shape_cast %broadcast_in_dim3A_912 : vector<16xf32> to vector<1x16xf32>
    tpu.vector_store %arg5[%swap3A_914, %swap3A_915], %swap3A_918 {strides = array<i32>} : memref<128x16xf32, #tpu.memory_space<vmem>>, vector<1x16xf32>,
    %broadcast_in_dim3A_919 = arith.constant 1.000000e+00 : f32
    %broadcast_in_dim3A_920 = vector.broadcast %broadcast_in_dim3A_919 : f32 to vector<16xf32>
    %swap3A_921 = arith.constant 99 : i32
    %swap3A_922 = arith.index_cast %swap3A_921 : i32 to index
    %swap3A_923 = arith.constant 0 : index
    %swap3A_924 = tpu.vector_load %arg5[%swap3A_922, %swap3A_923] {strides = array<i32>} : memref<128x16xf32, #tpu.memory_space<vmem>>, vector<1x16xf32>,
    %swap3A_925 = vector.shape_cast %swap3A_924 : vector<1x16xf32> to vector<16xf32>
    %swap3A_926 = vector.shape_cast %broadcast_in_dim3A_920 : vector<16xf32> to vector<1x16xf32>
    tpu.vector_store %arg5[%swap3A_922, %swap3A_923], %swap3A_926 {strides = array<i32>} : memref<128x16xf32, #tpu.memory_space<vmem>>, vector<1x16xf32>,
    %broadcast_in_dim3A_927 = arith.constant 1.000000e+00 : f32
    %broadcast_in_dim3A_928 = vector.broadcast %broadcast_in_dim3A_927 : f32 to vector<16xf32>
    %swap3A_929 = arith.constant 100 : i32
    %swap3A_930 = arith.index_cast %swap3A_929 : i32 to index
    %swap3A_931 = arith.constant 0 : index
    %swap3A_932 = tpu.vector_load %arg5[%swap3A_930, %swap3A_931] {strides = array<i32>} : memref<128x16xf32, #tpu.memory_space<vmem>>, vector<1x16xf32>,
    %swap3A_933 = vector.shape_cast %swap3A_932 : vector<1x16xf32> to vector<16xf32>
    %swap3A_934 = vector.shape_cast %broadcast_in_dim3A_928 : vector<16xf32> to vector<1x16xf32>
    tpu.vector_store %arg5[%swap3A_930, %swap3A_931], %swap3A_934 {strides = array<i32>} : memref<128x16xf32, #tpu.memory_space<vmem>>, vector<1x16xf32>,
    %broadcast_in_dim3A_935 = arith.constant 1.000000e+00 : f32
    %broadcast_in_dim3A_936 = vector.broadcast %broadcast_in_dim3A_935 : f32 to vector<16xf32>
    %swap3A_937 = arith.constant 101 : i32
    %swap3A_938 = arith.index_cast %swap3A_937 : i32 to index
    %swap3A_939 = arith.constant 0 : index
    %swap3A_940 = tpu.vector_load %arg5[%swap3A_938, %swap3A_939] {strides = array<i32>} : memref<128x16xf32, #tpu.memory_space<vmem>>, vector<1x16xf32>,
    %swap3A_941 = vector.shape_cast %swap3A_940 : vector<1x16xf32> to vector<16xf32>
    %swap3A_942 = vector.shape_cast %broadcast_in_dim3A_936 : vector<16xf32> to vector<1x16xf32>
    tpu.vector_store %arg5[%swap3A_938, %swap3A_939], %swap3A_942 {strides = array<i32>} : memref<128x16xf32, #tpu.memory_space<vmem>>, vector<1x16xf32>,
    %broadcast_in_dim3A_943 = arith.constant 1.000000e+00 : f32
    %broadcast_in_dim3A_944 = vector.broadcast %broadcast_in_dim3A_943 : f32 to vector<16xf32>
    %swap3A_945 = arith.constant 102 : i32
    %swap3A_946 = arith.index_cast %swap3A_945 : i32 to index
    %swap3A_947 = arith.constant 0 : index
    %swap3A_948 = tpu.vector_load %arg5[%swap3A_946, %swap3A_947] {strides = array<i32>} : memref<128x16xf32, #tpu.memory_space<vmem>>, vector<1x16xf32>,
    %swap3A_949 = vector.shape_cast %swap3A_948 : vector<1x16xf32> to vector<16xf32>
    %swap3A_950 = vector.shape_cast %broadcast_in_dim3A_944 : vector<16xf32> to vector<1x16xf32>
    tpu.vector_store %arg5[%swap3A_946, %swap3A_947], %swap3A_950 {strides = array<i32>} : memref<128x16xf32, #tpu.memory_space<vmem>>, vector<1x16xf32>,
    %broadcast_in_dim3A_951 = arith.constant 1.000000e+00 : f32
    %broadcast_in_dim3A_952 = vector.broadcast %broadcast_in_dim3A_951 : f32 to vector<16xf32>
    %swap3A_953 = arith.constant 103 : i32
    %swap3A_954 = arith.index_cast %swap3A_953 : i32 to index
    %swap3A_955 = arith.constant 0 : index
    %swap3A_956 = tpu.vector_load %arg5[%swap3A_954, %swap3A_955] {strides = array<i32>} : memref<128x16xf32, #tpu.memory_space<vmem>>, vector<1x16xf32>,
    %swap3A_957 = vector.shape_cast %swap3A_956 : vector<1x16xf32> to vector<16xf32>
    %swap3A_958 = vector.shape_cast %broadcast_in_dim3A_952 : vector<16xf32> to vector<1x16xf32>
    tpu.vector_store %arg5[%swap3A_954, %swap3A_955], %swap3A_958 {strides = array<i32>} : memref<128x16xf32, #tpu.memory_space<vmem>>, vector<1x16xf32>,
    %broadcast_in_dim3A_959 = arith.constant 1.000000e+00 : f32
    %broadcast_in_dim3A_960 = vector.broadcast %broadcast_in_dim3A_959 : f32 to vector<16xf32>
    %swap3A_961 = arith.constant 104 : i32
    %swap3A_962 = arith.index_cast %swap3A_961 : i32 to index
    %swap3A_963 = arith.constant 0 : index
    %swap3A_964 = tpu.vector_load %arg5[%swap3A_962, %swap3A_963] {strides = array<i32>} : memref<128x16xf32, #tpu.memory_space<vmem>>, vector<1x16xf32>,
    %swap3A_965 = vector.shape_cast %swap3A_964 : vector<1x16xf32> to vector<16xf32>
    %swap3A_966 = vector.shape_cast %broadcast_in_dim3A_960 : vector<16xf32> to vector<1x16xf32>
    tpu.vector_store %arg5[%swap3A_962, %swap3A_963], %swap3A_966 {strides = array<i32>} : memref<128x16xf32, #tpu.memory_space<vmem>>, vector<1x16xf32>,
    %broadcast_in_dim3A_967 = arith.constant 1.000000e+00 : f32
    %broadcast_in_dim3A_968 = vector.broadcast %broadcast_in_dim3A_967 : f32 to vector<16xf32>
    %swap3A_969 = arith.constant 105 : i32
    %swap3A_970 = arith.index_cast %swap3A_969 : i32 to index
    %swap3A_971 = arith.constant 0 : index
    %swap3A_972 = tpu.vector_load %arg5[%swap3A_970, %swap3A_971] {strides = array<i32>} : memref<128x16xf32, #tpu.memory_space<vmem>>, vector<1x16xf32>,
    %swap3A_973 = vector.shape_cast %swap3A_972 : vector<1x16xf32> to vector<16xf32>
    %swap3A_974 = vector.shape_cast %broadcast_in_dim3A_968 : vector<16xf32> to vector<1x16xf32>
    tpu.vector_store %arg5[%swap3A_970, %swap3A_971], %swap3A_974 {strides = array<i32>} : memref<128x16xf32, #tpu.memory_space<vmem>>, vector<1x16xf32>,
    %broadcast_in_dim3A_975 = arith.constant 1.000000e+00 : f32
    %broadcast_in_dim3A_976 = vector.broadcast %broadcast_in_dim3A_975 : f32 to vector<16xf32>
    %swap3A_977 = arith.constant 106 : i32
    %swap3A_978 = arith.index_cast %swap3A_977 : i32 to index
    %swap3A_979 = arith.constant 0 : index
    %swap3A_980 = tpu.vector_load %arg5[%swap3A_978, %swap3A_979] {strides = array<i32>} : memref<128x16xf32, #tpu.memory_space<vmem>>, vector<1x16xf32>,
    %swap3A_981 = vector.shape_cast %swap3A_980 : vector<1x16xf32> to vector<16xf32>
    %swap3A_982 = vector.shape_cast %broadcast_in_dim3A_976 : vector<16xf32> to vector<1x16xf32>
    tpu.vector_store %arg5[%swap3A_978, %swap3A_979], %swap3A_982 {strides = array<i32>} : memref<128x16xf32, #tpu.memory_space<vmem>>, vector<1x16xf32>,
    %broadcast_in_dim3A_983 = arith.constant 1.000000e+00 : f32
    %broadcast_in_dim3A_984 = vector.broadcast %broadcast_in_dim3A_983 : f32 to vector<16xf32>
    %swap3A_985 = arith.constant 107 : i32
    %swap3A_986 = arith.index_cast %swap3A_985 : i32 to index
    %swap3A_987 = arith.constant 0 : index
    %swap3A_988 = tpu.vector_load %arg5[%swap3A_986, %swap3A_987] {strides = array<i32>} : memref<128x16xf32, #tpu.memory_space<vmem>>, vector<1x16xf32>,
    %swap3A_989 = vector.shape_cast %swap3A_988 : vector<1x16xf32> to vector<16xf32>
    %swap3A_990 = vector.shape_cast %broadcast_in_dim3A_984 : vector<16xf32> to vector<1x16xf32>
    tpu.vector_store %arg5[%swap3A_986, %swap3A_987], %swap3A_990 {strides = array<i32>} : memref<128x16xf32, #tpu.memory_space<vmem>>, vector<1x16xf32>,
    %broadcast_in_dim3A_991 = arith.constant 1.000000e+00 : f32
    %broadcast_in_dim3A_992 = vector.broadcast %broadcast_in_dim3A_991 : f32 to vector<16xf32>
    %swap3A_993 = arith.constant 108 : i32
    %swap3A_994 = arith.index_cast %swap3A_993 : i32 to index
    %swap3A_995 = arith.constant 0 : index
    %swap3A_996 = tpu.vector_load %arg5[%swap3A_994, %swap3A_995] {strides = array<i32>} : memref<128x16xf32, #tpu.memory_space<vmem>>, vector<1x16xf32>,
    %swap3A_997 = vector.shape_cast %swap3A_996 : vector<1x16xf32> to vector<16xf32>
    %swap3A_998 = vector.shape_cast %broadcast_in_dim3A_992 : vector<16xf32> to vector<1x16xf32>
    tpu.vector_store %arg5[%swap3A_994, %swap3A_995], %swap3A_998 {strides = array<i32>} : memref<128x16xf32, #tpu.memory_space<vmem>>, vector<1x16xf32>,
    %broadcast_in_dim3A_999 = arith.constant 1.000000e+00 : f32
    %broadcast_in_dim3A_1000 = vector.broadcast %broadcast_in_dim3A_999 : f32 to vector<16xf32>
    %swap3A_1001 = arith.constant 109 : i32
    %swap3A_1002 = arith.index_cast %swap3A_1001 : i32 to index
    %swap3A_1003 = arith.constant 0 : index
    %swap3A_1004 = tpu.vector_load %arg5[%swap3A_1002, %swap3A_1003] {strides = array<i32>} : memref<128x16xf32, #tpu.memory_space<vmem>>, vector<1x16xf32>,
    %swap3A_1005 = vector.shape_cast %swap3A_1004 : vector<1x16xf32> to vector<16xf32>
    %swap3A_1006 = vector.shape_cast %broadcast_in_dim3A_1000 : vector<16xf32> to vector<1x16xf32>
    tpu.vector_store %arg5[%swap3A_1002, %swap3A_1003], %swap3A_1006 {strides = array<i32>} : memref<128x16xf32, #tpu.memory_space<vmem>>, vector<1x16xf32>,
    %broadcast_in_dim3A_1007 = arith.constant 1.000000e+00 : f32
    %broadcast_in_dim3A_1008 = vector.broadcast %broadcast_in_dim3A_1007 : f32 to vector<16xf32>
    %swap3A_1009 = arith.constant 110 : i32
    %swap3A_1010 = arith.index_cast %swap3A_1009 : i32 to index
    %swap3A_1011 = arith.constant 0 : index
    %swap3A_1012 = tpu.vector_load %arg5[%swap3A_1010, %swap3A_1011] {strides = array<i32>} : memref<128x16xf32, #tpu.memory_space<vmem>>, vector<1x16xf32>,
    %swap3A_1013 = vector.shape_cast %swap3A_1012 : vector<1x16xf32> to vector<16xf32>
    %swap3A_1014 = vector.shape_cast %broadcast_in_dim3A_1008 : vector<16xf32> to vector<1x16xf32>
    tpu.vector_store %arg5[%swap3A_1010, %swap3A_1011], %swap3A_1014 {strides = array<i32>} : memref<128x16xf32, #tpu.memory_space<vmem>>, vector<1x16xf32>,
    %broadcast_in_dim3A_1015 = arith.constant 1.000000e+00 : f32
    %broadcast_in_dim3A_1016 = vector.broadcast %broadcast_in_dim3A_1015 : f32 to vector<16xf32>
    %swap3A_1017 = arith.constant 111 : i32
    %swap3A_1018 = arith.index_cast %swap3A_1017 : i32 to index
    %swap3A_1019 = arith.constant 0 : index
    %swap3A_1020 = tpu.vector_load %arg5[%swap3A_1018, %swap3A_1019] {strides = array<i32>} : memref<128x16xf32, #tpu.memory_space<vmem>>, vector<1x16xf32>,
    %swap3A_1021 = vector.shape_cast %swap3A_1020 : vector<1x16xf32> to vector<16xf32>
    %swap3A_1022 = vector.shape_cast %broadcast_in_dim3A_1016 : vector<16xf32> to vector<1x16xf32>
    tpu.vector_store %arg5[%swap3A_1018, %swap3A_1019], %swap3A_1022 {strides = array<i32>} : memref<128x16xf32, #tpu.memory_space<vmem>>, vector<1x16xf32>,
    %broadcast_in_dim3A_1023 = arith.constant 1.000000e+00 : f32
    %broadcast_in_dim3A_1024 = vector.broadcast %broadcast_in_dim3A_1023 : f32 to vector<16xf32>
    %swap3A_1025 = arith.constant 112 : i32
    %swap3A_1026 = arith.index_cast %swap3A_1025 : i32 to index
    %swap3A_1027 = arith.constant 0 : index
    %swap3A_1028 = tpu.vector_load %arg5[%swap3A_1026, %swap3A_1027] {strides = array<i32>} : memref<128x16xf32, #tpu.memory_space<vmem>>, vector<1x16xf32>,
    %swap3A_1029 = vector.shape_cast %swap3A_1028 : vector<1x16xf32> to vector<16xf32>
    %swap3A_1030 = vector.shape_cast %broadcast_in_dim3A_1024 : vector<16xf32> to vector<1x16xf32>
    tpu.vector_store %arg5[%swap3A_1026, %swap3A_1027], %swap3A_1030 {strides = array<i32>} : memref<128x16xf32, #tpu.memory_space<vmem>>, vector<1x16xf32>,
    %broadcast_in_dim3A_1031 = arith.constant 1.000000e+00 : f32
    %broadcast_in_dim3A_1032 = vector.broadcast %broadcast_in_dim3A_1031 : f32 to vector<16xf32>
    %swap3A_1033 = arith.constant 113 : i32
    %swap3A_1034 = arith.index_cast %swap3A_1033 : i32 to index
    %swap3A_1035 = arith.constant 0 : index
    %swap3A_1036 = tpu.vector_load %arg5[%swap3A_1034, %swap3A_1035] {strides = array<i32>} : memref<128x16xf32, #tpu.memory_space<vmem>>, vector<1x16xf32>,
    %swap3A_1037 = vector.shape_cast %swap3A_1036 : vector<1x16xf32> to vector<16xf32>
    %swap3A_1038 = vector.shape_cast %broadcast_in_dim3A_1032 : vector<16xf32> to vector<1x16xf32>
    tpu.vector_store %arg5[%swap3A_1034, %swap3A_1035], %swap3A_1038 {strides = array<i32>} : memref<128x16xf32, #tpu.memory_space<vmem>>, vector<1x16xf32>,
    %broadcast_in_dim3A_1039 = arith.constant 1.000000e+00 : f32
    %broadcast_in_dim3A_1040 = vector.broadcast %broadcast_in_dim3A_1039 : f32 to vector<16xf32>
    %swap3A_1041 = arith.constant 114 : i32
    %swap3A_1042 = arith.index_cast %swap3A_1041 : i32 to index
    %swap3A_1043 = arith.constant 0 : index
    %swap3A_1044 = tpu.vector_load %arg5[%swap3A_1042, %swap3A_1043] {strides = array<i32>} : memref<128x16xf32, #tpu.memory_space<vmem>>, vector<1x16xf32>,
    %swap3A_1045 = vector.shape_cast %swap3A_1044 : vector<1x16xf32> to vector<16xf32>
    %swap3A_1046 = vector.shape_cast %broadcast_in_dim3A_1040 : vector<16xf32> to vector<1x16xf32>
    tpu.vector_store %arg5[%swap3A_1042, %swap3A_1043], %swap3A_1046 {strides = array<i32>} : memref<128x16xf32, #tpu.memory_space<vmem>>, vector<1x16xf32>,
    %broadcast_in_dim3A_1047 = arith.constant 1.000000e+00 : f32
    %broadcast_in_dim3A_1048 = vector.broadcast %broadcast_in_dim3A_1047 : f32 to vector<16xf32>
    %swap3A_1049 = arith.constant 115 : i32
    %swap3A_1050 = arith.index_cast %swap3A_1049 : i32 to index
    %swap3A_1051 = arith.constant 0 : index
    %swap3A_1052 = tpu.vector_load %arg5[%swap3A_1050, %swap3A_1051] {strides = array<i32>} : memref<128x16xf32, #tpu.memory_space<vmem>>, vector<1x16xf32>,
    %swap3A_1053 = vector.shape_cast %swap3A_1052 : vector<1x16xf32> to vector<16xf32>
    %swap3A_1054 = vector.shape_cast %broadcast_in_dim3A_1048 : vector<16xf32> to vector<1x16xf32>
    tpu.vector_store %arg5[%swap3A_1050, %swap3A_1051], %swap3A_1054 {strides = array<i32>} : memref<128x16xf32, #tpu.memory_space<vmem>>, vector<1x16xf32>,
    %broadcast_in_dim3A_1055 = arith.constant 1.000000e+00 : f32
    %broadcast_in_dim3A_1056 = vector.broadcast %broadcast_in_dim3A_1055 : f32 to vector<16xf32>
    %swap3A_1057 = arith.constant 116 : i32
    %swap3A_1058 = arith.index_cast %swap3A_1057 : i32 to index
    %swap3A_1059 = arith.constant 0 : index
    %swap3A_1060 = tpu.vector_load %arg5[%swap3A_1058, %swap3A_1059] {strides = array<i32>} : memref<128x16xf32, #tpu.memory_space<vmem>>, vector<1x16xf32>,
    %swap3A_1061 = vector.shape_cast %swap3A_1060 : vector<1x16xf32> to vector<16xf32>
    %swap3A_1062 = vector.shape_cast %broadcast_in_dim3A_1056 : vector<16xf32> to vector<1x16xf32>
    tpu.vector_store %arg5[%swap3A_1058, %swap3A_1059], %swap3A_1062 {strides = array<i32>} : memref<128x16xf32, #tpu.memory_space<vmem>>, vector<1x16xf32>,
    %broadcast_in_dim3A_1063 = arith.constant 1.000000e+00 : f32
    %broadcast_in_dim3A_1064 = vector.broadcast %broadcast_in_dim3A_1063 : f32 to vector<16xf32>
    %swap3A_1065 = arith.constant 117 : i32
    %swap3A_1066 = arith.index_cast %swap3A_1065 : i32 to index
    %swap3A_1067 = arith.constant 0 : index
    %swap3A_1068 = tpu.vector_load %arg5[%swap3A_1066, %swap3A_1067] {strides = array<i32>} : memref<128x16xf32, #tpu.memory_space<vmem>>, vector<1x16xf32>,
    %swap3A_1069 = vector.shape_cast %swap3A_1068 : vector<1x16xf32> to vector<16xf32>
    %swap3A_1070 = vector.shape_cast %broadcast_in_dim3A_1064 : vector<16xf32> to vector<1x16xf32>
    tpu.vector_store %arg5[%swap3A_1066, %swap3A_1067], %swap3A_1070 {strides = array<i32>} : memref<128x16xf32, #tpu.memory_space<vmem>>, vector<1x16xf32>,
    %broadcast_in_dim3A_1071 = arith.constant 1.000000e+00 : f32
    %broadcast_in_dim3A_1072 = vector.broadcast %broadcast_in_dim3A_1071 : f32 to vector<16xf32>
    %swap3A_1073 = arith.constant 118 : i32
    %swap3A_1074 = arith.index_cast %swap3A_1073 : i32 to index
    %swap3A_1075 = arith.constant 0 : index
    %swap3A_1076 = tpu.vector_load %arg5[%swap3A_1074, %swap3A_1075] {strides = array<i32>} : memref<128x16xf32, #tpu.memory_space<vmem>>, vector<1x16xf32>,
    %swap3A_1077 = vector.shape_cast %swap3A_1076 : vector<1x16xf32> to vector<16xf32>
    %swap3A_1078 = vector.shape_cast %broadcast_in_dim3A_1072 : vector<16xf32> to vector<1x16xf32>
    tpu.vector_store %arg5[%swap3A_1074, %swap3A_1075], %swap3A_1078 {strides = array<i32>} : memref<128x16xf32, #tpu.memory_space<vmem>>, vector<1x16xf32>,
    %broadcast_in_dim3A_1079 = arith.constant 1.000000e+00 : f32
    %broadcast_in_dim3A_1080 = vector.broadcast %broadcast_in_dim3A_1079 : f32 to vector<16xf32>
    %swap3A_1081 = arith.constant 119 : i32
    %swap3A_1082 = arith.index_cast %swap3A_1081 : i32 to index
    %swap3A_1083 = arith.constant 0 : index
    %swap3A_1084 = tpu.vector_load %arg5[%swap3A_1082, %swap3A_1083] {strides = array<i32>} : memref<128x16xf32, #tpu.memory_space<vmem>>, vector<1x16xf32>,
    %swap3A_1085 = vector.shape_cast %swap3A_1084 : vector<1x16xf32> to vector<16xf32>
    %swap3A_1086 = vector.shape_cast %broadcast_in_dim3A_1080 : vector<16xf32> to vector<1x16xf32>
    tpu.vector_store %arg5[%swap3A_1082, %swap3A_1083], %swap3A_1086 {strides = array<i32>} : memref<128x16xf32, #tpu.memory_space<vmem>>, vector<1x16xf32>,
    %broadcast_in_dim3A_1087 = arith.constant 1.000000e+00 : f32
    %broadcast_in_dim3A_1088 = vector.broadcast %broadcast_in_dim3A_1087 : f32 to vector<16xf32>
    %swap3A_1089 = arith.constant 120 : i32
    %swap3A_1090 = arith.index_cast %swap3A_1089 : i32 to index
    %swap3A_1091 = arith.constant 0 : index
    %swap3A_1092 = tpu.vector_load %arg5[%swap3A_1090, %swap3A_1091] {strides = array<i32>} : memref<128x16xf32, #tpu.memory_space<vmem>>, vector<1x16xf32>,
    %swap3A_1093 = vector.shape_cast %swap3A_1092 : vector<1x16xf32> to vector<16xf32>
    %swap3A_1094 = vector.shape_cast %broadcast_in_dim3A_1088 : vector<16xf32> to vector<1x16xf32>
    tpu.vector_store %arg5[%swap3A_1090, %swap3A_1091], %swap3A_1094 {strides = array<i32>} : memref<128x16xf32, #tpu.memory_space<vmem>>, vector<1x16xf32>,
    %broadcast_in_dim3A_1095 = arith.constant 1.000000e+00 : f32
    %broadcast_in_dim3A_1096 = vector.broadcast %broadcast_in_dim3A_1095 : f32 to vector<16xf32>
    %swap3A_1097 = arith.constant 121 : i32
    %swap3A_1098 = arith.index_cast %swap3A_1097 : i32 to index
    %swap3A_1099 = arith.constant 0 : index
    %swap3A_1100 = tpu.vector_load %arg5[%swap3A_1098, %swap3A_1099] {strides = array<i32>} : memref<128x16xf32, #tpu.memory_space<vmem>>, vector<1x16xf32>,
    %swap3A_1101 = vector.shape_cast %swap3A_1100 : vector<1x16xf32> to vector<16xf32>
    %swap3A_1102 = vector.shape_cast %broadcast_in_dim3A_1096 : vector<16xf32> to vector<1x16xf32>
    tpu.vector_store %arg5[%swap3A_1098, %swap3A_1099], %swap3A_1102 {strides = array<i32>} : memref<128x16xf32, #tpu.memory_space<vmem>>, vector<1x16xf32>,
    %broadcast_in_dim3A_1103 = arith.constant 1.000000e+00 : f32
    %broadcast_in_dim3A_1104 = vector.broadcast %broadcast_in_dim3A_1103 : f32 to vector<16xf32>
    %swap3A_1105 = arith.constant 122 : i32
    %swap3A_1106 = arith.index_cast %swap3A_1105 : i32 to index
    %swap3A_1107 = arith.constant 0 : index
    %swap3A_1108 = tpu.vector_load %arg5[%swap3A_1106, %swap3A_1107] {strides = array<i32>} : memref<128x16xf32, #tpu.memory_space<vmem>>, vector<1x16xf32>,
    %swap3A_1109 = vector.shape_cast %swap3A_1108 : vector<1x16xf32> to vector<16xf32>
    %swap3A_1110 = vector.shape_cast %broadcast_in_dim3A_1104 : vector<16xf32> to vector<1x16xf32>
    tpu.vector_store %arg5[%swap3A_1106, %swap3A_1107], %swap3A_1110 {strides = array<i32>} : memref<128x16xf32, #tpu.memory_space<vmem>>, vector<1x16xf32>,
    %broadcast_in_dim3A_1111 = arith.constant 1.000000e+00 : f32
    %broadcast_in_dim3A_1112 = vector.broadcast %broadcast_in_dim3A_1111 : f32 to vector<16xf32>
    %swap3A_1113 = arith.constant 123 : i32
    %swap3A_1114 = arith.index_cast %swap3A_1113 : i32 to index
    %swap3A_1115 = arith.constant 0 : index
    %swap3A_1116 = tpu.vector_load %arg5[%swap3A_1114, %swap3A_1115] {strides = array<i32>} : memref<128x16xf32, #tpu.memory_space<vmem>>, vector<1x16xf32>,
    %swap3A_1117 = vector.shape_cast %swap3A_1116 : vector<1x16xf32> to vector<16xf32>
    %swap3A_1118 = vector.shape_cast %broadcast_in_dim3A_1112 : vector<16xf32> to vector<1x16xf32>
    tpu.vector_store %arg5[%swap3A_1114, %swap3A_1115], %swap3A_1118 {strides = array<i32>} : memref<128x16xf32, #tpu.memory_space<vmem>>, vector<1x16xf32>,
    %broadcast_in_dim3A_1119 = arith.constant 1.000000e+00 : f32
    %broadcast_in_dim3A_1120 = vector.broadcast %broadcast_in_dim3A_1119 : f32 to vector<16xf32>
    %swap3A_1121 = arith.constant 124 : i32
    %swap3A_1122 = arith.index_cast %swap3A_1121 : i32 to index
    %swap3A_1123 = arith.constant 0 : index
    %swap3A_1124 = tpu.vector_load %arg5[%swap3A_1122, %swap3A_1123] {strides = array<i32>} : memref<128x16xf32, #tpu.memory_space<vmem>>, vector<1x16xf32>,
    %swap3A_1125 = vector.shape_cast %swap3A_1124 : vector<1x16xf32> to vector<16xf32>
    %swap3A_1126 = vector.shape_cast %broadcast_in_dim3A_1120 : vector<16xf32> to vector<1x16xf32>
    tpu.vector_store %arg5[%swap3A_1122, %swap3A_1123], %swap3A_1126 {strides = array<i32>} : memref<128x16xf32, #tpu.memory_space<vmem>>, vector<1x16xf32>,
    %broadcast_in_dim3A_1127 = arith.constant 1.000000e+00 : f32
    %broadcast_in_dim3A_1128 = vector.broadcast %broadcast_in_dim3A_1127 : f32 to vector<16xf32>
    %swap3A_1129 = arith.constant 125 : i32
    %swap3A_1130 = arith.index_cast %swap3A_1129 : i32 to index
    %swap3A_1131 = arith.constant 0 : index
    %swap3A_1132 = tpu.vector_load %arg5[%swap3A_1130, %swap3A_1131] {strides = array<i32>} : memref<128x16xf32, #tpu.memory_space<vmem>>, vector<1x16xf32>,
    %swap3A_1133 = vector.shape_cast %swap3A_1132 : vector<1x16xf32> to vector<16xf32>
    %swap3A_1134 = vector.shape_cast %broadcast_in_dim3A_1128 : vector<16xf32> to vector<1x16xf32>
    tpu.vector_store %arg5[%swap3A_1130, %swap3A_1131], %swap3A_1134 {strides = array<i32>} : memref<128x16xf32, #tpu.memory_space<vmem>>, vector<1x16xf32>,
    %broadcast_in_dim3A_1135 = arith.constant 1.000000e+00 : f32
    %broadcast_in_dim3A_1136 = vector.broadcast %broadcast_in_dim3A_1135 : f32 to vector<16xf32>
    %swap3A_1137 = arith.constant 126 : i32
    %swap3A_1138 = arith.index_cast %swap3A_1137 : i32 to index
    %swap3A_1139 = arith.constant 0 : index
    %swap3A_1140 = tpu.vector_load %arg5[%swap3A_1138, %swap3A_1139] {strides = array<i32>} : memref<128x16xf32, #tpu.memory_space<vmem>>, vector<1x16xf32>,
    %swap3A_1141 = vector.shape_cast %swap3A_1140 : vector<1x16xf32> to vector<16xf32>
    %swap3A_1142 = vector.shape_cast %broadcast_in_dim3A_1136 : vector<16xf32> to vector<1x16xf32>
    tpu.vector_store %arg5[%swap3A_1138, %swap3A_1139], %swap3A_1142 {strides = array<i32>} : memref<128x16xf32, #tpu.memory_space<vmem>>, vector<1x16xf32>,
    %broadcast_in_dim3A_1143 = arith.constant 1.000000e+00 : f32
    %broadcast_in_dim3A_1144 = vector.broadcast %broadcast_in_dim3A_1143 : f32 to vector<16xf32>
    %swap3A_1145 = arith.constant 127 : i32
    %swap3A_1146 = arith.index_cast %swap3A_1145 : i32 to index
    %swap3A_1147 = arith.constant 0 : index
    %swap3A_1148 = tpu.vector_load %arg5[%swap3A_1146, %swap3A_1147] {strides = array<i32>} : memref<128x16xf32, #tpu.memory_space<vmem>>, vector<1x16xf32>,
    %swap3A_1149 = vector.shape_cast %swap3A_1148 : vector<1x16xf32> to vector<16xf32>
    %swap3A_1150 = vector.shape_cast %broadcast_in_dim3A_1144 : vector<16xf32> to vector<1x16xf32>
    tpu.vector_store %arg5[%swap3A_1146, %swap3A_1147], %swap3A_1150 {strides = array<i32>} : memref<128x16xf32, #tpu.memory_space<vmem>>, vector<1x16xf32>,
    %scan3A = arith.constant 0 : i32
    %scan3A_1151 = arith.constant 0 : i32
    %scan3A_1152 = arith.constant 40 : i32
    %scan3A_1153 = arith.addi %scan3A_1151, %scan3A_1152 : i32
    %scan3A_1154 = arith.constant 1 : i32
    scf.for %scan3A_1167 = %scan3A_1151 to %scan3A_1153 step %scan3A_1154  : i32 {
      %mul3A_1168 = arith.constant 640 : i32
      %mul3A_1169 = arith.muli %arg1, %mul3A_1168 : i32
      %mul3A_1170 = arith.constant 16 : i32
      %mul3A_1171 = arith.muli %scan3A_1167, %mul3A_1170 : i32
      %add3A_1172 = arith.addi %mul3A_1169, %mul3A_1171 : i32
      "tpu.region"() ({
        %run_scoped3A = tpu.sem_alloc : memref<!tpu.dma_semaphore, #tpu.memory_space<semaphore_mem>>
        %dma_start3A = arith.constant 0 : i32
        %dma_start3A_1173 = tpu.memref_slice %arg7[%add3A_1172, %dma_start3A] : memref<10240x16xf32, #tpu.memory_space<vmem_shared>> -> memref<16x16xf32, #tpu.memory_space<vmem_shared>>
        %dma_start3A_1174 = arith.constant 0 : i32
        %dma_start3A_1175 = tpu.memref_slice %arg7[%add3A_1172, %dma_start3A_1174] : memref<10240x16xf32, #tpu.memory_space<vmem_shared>> -> memref<16x16xf32, #tpu.memory_space<vmem_shared>>
        tpu.enqueue_dma source(%arg6 : memref<16x16xf32, #tpu.memory_space<vmem>>) target(%dma_start3A_1175 : memref<16x16xf32, #tpu.memory_space<vmem_shared>>) target_semaphore(%run_scoped3A : memref<!tpu.dma_semaphore, #tpu.memory_space<semaphore_mem>>)
        %dma_wait3A = arith.constant 0 : i32
        %dma_wait3A_1176 = tpu.memref_slice %arg7[%add3A_1172, %dma_wait3A] : memref<10240x16xf32, #tpu.memory_space<vmem_shared>> -> memref<16x16xf32, #tpu.memory_space<vmem_shared>>
        %dma_wait3A_1177 = arith.constant 0 : i32
        %dma_wait3A_1178 = tpu.memref_slice %arg7[%add3A_1172, %dma_wait3A_1177] : memref<10240x16xf32, #tpu.memory_space<vmem_shared>> -> memref<16x16xf32, #tpu.memory_space<vmem_shared>>
        tpu.wait_dma2 semaphore(%run_scoped3A : memref<!tpu.dma_semaphore, #tpu.memory_space<semaphore_mem>>) src(%arg6 : memref<16x16xf32, #tpu.memory_space<vmem>>) dst(%dma_wait3A_1178 : memref<16x16xf32, #tpu.memory_space<vmem_shared>>)
        tpu.yield
      }) : () -> ()
    }
    %scan3A_1155 = arith.constant 40 : i32
    %barrier3A = arith.constant 0 : index
    tpu.barrier barrier_id(%barrier3A)
    %scan3A_1156 = arith.constant 0 : i32
    %scan3A_1157 = arith.constant 0 : i32
    %scan3A_1158 = arith.constant 80 : i32
    %scan3A_1159 = arith.addi %scan3A_1157, %scan3A_1158 : i32
    %scan3A_1160 = arith.constant 1 : i32
    scf.for %scan3A_1167 = %scan3A_1157 to %scan3A_1159 step %scan3A_1160  : i32 {
      "tpu.region"() ({
        %run_scoped3A = tpu.sem_alloc : memref<!tpu.dma_semaphore, #tpu.memory_space<semaphore_mem>>
        %dma_start3A = arith.constant 0 : i32
        %dma_start3A_1168 = tpu.memref_slice %arg4[%scan3A_1167, %dma_start3A] : memref<80x128xi32, #tpu.memory_space<vmem>> -> memref<1x128xi32, #tpu.memory_space<vmem>>
        %dma_start3A_1169 = tpu.memref_squeeze %dma_start3A_1168 : memref<1x128xi32, #tpu.memory_space<vmem>> -> memref<128xi32, #tpu.memory_space<vmem>>
        %dma_start3A_1170 = arith.constant 0 : i32
        %dma_start3A_1171 = arith.constant 0 : i32
        %dma_start3A_1172 = tpu.memref_slice %arg7[%dma_start3A_1170, %dma_start3A_1171] : memref<10240x16xf32, #tpu.memory_space<vmem_shared>> -> memref<10240x16xf32, #tpu.memory_space<vmem_shared>>
        tpu.enqueue_indirect_dma source(%arg5 : memref<128x16xf32, #tpu.memory_space<vmem>>) target(%dma_start3A_1172 : memref<10240x16xf32, #tpu.memory_space<vmem_shared>>) offsets(%dma_start3A_1169 : memref<128xi32, #tpu.memory_space<vmem>>) semaphore(%run_scoped3A : memref<!tpu.dma_semaphore, #tpu.memory_space<semaphore_mem>>) {add = true}
        %dma_wait3A = arith.constant 0 : i32
        %dma_wait3A_1173 = tpu.memref_slice %arg4[%scan3A_1167, %dma_wait3A] : memref<80x128xi32, #tpu.memory_space<vmem>> -> memref<1x128xi32, #tpu.memory_space<vmem>>
        %dma_wait3A_1174 = tpu.memref_squeeze %dma_wait3A_1173 : memref<1x128xi32, #tpu.memory_space<vmem>> -> memref<128xi32, #tpu.memory_space<vmem>>
        %dma_wait3A_1175 = arith.constant 0 : i32
        %dma_wait3A_1176 = arith.constant 0 : i32
        %dma_wait3A_1177 = tpu.memref_slice %arg7[%dma_wait3A_1175, %dma_wait3A_1176] : memref<10240x16xf32, #tpu.memory_space<vmem_shared>> -> memref<10240x16xf32, #tpu.memory_space<vmem_shared>>
        tpu.wait_indirect_dma semaphore(%run_scoped3A : memref<!tpu.dma_semaphore, #tpu.memory_space<semaphore_mem>>) src(%arg5 : memref<128x16xf32, #tpu.memory_space<vmem>>) dst(%dma_wait3A_1177 : memref<10240x16xf32, #tpu.memory_space<vmem_shared>>)
        tpu.yield
      }) : () -> ()
    }
    %scan3A_1161 = arith.constant 80 : i32
    %barrier3A_1162 = arith.constant 0 : index
    tpu.barrier barrier_id(%barrier3A_1162)
    %mul3A_1163 = arith.constant 640 : i32
    %mul3A_1164 = arith.muli %arg1, %mul3A_1163 : i32
    %mul3A_1165 = arith.constant 640 : i32
    %mul3A_1166 = arith.muli %arg1, %mul3A_1165 : i32
    "tpu.region"() ({
      %run_scoped3A = tpu.sem_alloc : memref<!tpu.dma_semaphore, #tpu.memory_space<semaphore_mem>>
      %dma_start3A = arith.constant 0 : i32
      %dma_start3A_1167 = tpu.memref_slice %arg3[%arg0, %mul3A_1166, %dma_start3A] : memref<2x10240x16xf32, #tpu.memory_space<hbm>> -> memref<1x640x16xf32, #tpu.memory_space<hbm>>
      %dma_start3A_1168 = tpu.memref_squeeze %dma_start3A_1167 : memref<1x640x16xf32, #tpu.memory_space<hbm>> -> memref<640x16xf32, #tpu.memory_space<hbm>>
      %dma_start3A_1169 = arith.constant 0 : i32
      %dma_start3A_1170 = tpu.memref_slice %arg7[%mul3A_1164, %dma_start3A_1169] : memref<10240x16xf32, #tpu.memory_space<vmem_shared>> -> memref<640x16xf32, #tpu.memory_space<vmem_shared>>
      tpu.enqueue_dma source(%dma_start3A_1170 : memref<640x16xf32, #tpu.memory_space<vmem_shared>>) target(%dma_start3A_1168 : memref<640x16xf32, #tpu.memory_space<hbm>>) target_semaphore(%run_scoped3A : memref<!tpu.dma_semaphore, #tpu.memory_space<semaphore_mem>>)
      %dma_wait3A = arith.constant 0 : i32
      %dma_wait3A_1171 = tpu.memref_slice %arg3[%arg0, %mul3A_1166, %dma_wait3A] : memref<2x10240x16xf32, #tpu.memory_space<hbm>> -> memref<1x640x16xf32, #tpu.memory_space<hbm>>
      %dma_wait3A_1172 = tpu.memref_squeeze %dma_wait3A_1171 : memref<1x640x16xf32, #tpu.memory_space<hbm>> -> memref<640x16xf32, #tpu.memory_space<hbm>>
      %dma_wait3A_1173 = arith.constant 0 : i32
      %dma_wait3A_1174 = tpu.memref_slice %arg7[%mul3A_1164, %dma_wait3A_1173] : memref<10240x16xf32, #tpu.memory_space<vmem_shared>> -> memref<640x16xf32, #tpu.memory_space<vmem_shared>>
      tpu.wait_dma2 semaphore(%run_scoped3A : memref<!tpu.dma_semaphore, #tpu.memory_space<semaphore_mem>>) src(%dma_wait3A_1174 : memref<640x16xf32, #tpu.memory_space<vmem_shared>>) dst(%dma_wait3A_1172 : memref<640x16xf32, #tpu.memory_space<hbm>>)
      tpu.yield
    }) : () -> ()
    return
  }
}

#map = affine_map<(d0, d1) -> (0, 0, 0)>
module attributes {stable_mosaic.version = 14 : i64} {
  func.func @agg2_kernel(%arg0: i32, %arg1: i32, %arg2: memref<2x10240x64xf32, #tpu.memory_space<hbm>>, %arg3: memref<16x160x128xi32, #tpu.memory_space<hbm>>, %arg4: memref<16x160x128xi32, #tpu.memory_space<hbm>>, %arg5: memref<2x10240x64xf32, #tpu.memory_space<hbm>>, %arg6: memref<160x128xi32, #tpu.memory_space<vmem>>, %arg7: memref<160x128xi32, #tpu.memory_space<vmem>>, %arg8: memref<640x64xf32, #tpu.memory_space<vmem>>, %arg9: memref<16x64xf32, #tpu.memory_space<vmem>>, %arg10: memref<10240x64xf32, #tpu.memory_space<vmem_shared>>, %arg11: memref<!tpu.dma_semaphore, #tpu.memory_space<semaphore_mem>>, %arg12: memref<!tpu.dma_semaphore, #tpu.memory_space<semaphore_mem>>, %arg13: memref<!tpu.dma_semaphore, #tpu.memory_space<semaphore_mem>>, %arg14: memref<!tpu.dma_semaphore, #tpu.memory_space<semaphore_mem>>, %arg15: memref<!tpu.dma_semaphore, #tpu.memory_space<semaphore_mem>>, %arg16: memref<!tpu.dma_semaphore, #tpu.memory_space<semaphore_mem>>, %arg17: memref<!tpu.dma_semaphore, #tpu.memory_space<semaphore_mem>>, %arg18: memref<!tpu.dma_semaphore, #tpu.memory_space<semaphore_mem>>, %arg19: memref<!tpu.dma_semaphore, #tpu.memory_space<semaphore_mem>>, %arg20: memref<!tpu.dma_semaphore, #tpu.memory_space<semaphore_mem>>) attributes {dimension_semantics = [#tpu.dimension_semantics<core_parallel>, #tpu.dimension_semantics<subcore_parallel>], iteration_bounds = array<i64: 2, 16>, scalar_prefetch = 0 : i64, scratch_operands = 15 : i64, tpu.core_type = #tpu.core_type<sc_vector_subcore>, window_params = [{transform_indices = #map}, {transform_indices = #map}, {transform_indices = #map}, {transform_indices = #map}]} {
    "tpu.region"() ({
      %run_scoped3A = tpu.sem_alloc : memref<!tpu.dma_semaphore, #tpu.memory_space<semaphore_mem>>
      %dma_start3A_629 = arith.constant 0 : i32
      %dma_start3A_630 = arith.constant 0 : i32
      %dma_start3A_631 = tpu.memref_slice %arg3[%arg1, %dma_start3A_629, %dma_start3A_630] : memref<16x160x128xi32, #tpu.memory_space<hbm>> -> memref<1x160x128xi32, #tpu.memory_space<hbm>>
      %dma_start3A_632 = tpu.memref_squeeze %dma_start3A_631 : memref<1x160x128xi32, #tpu.memory_space<hbm>> -> memref<160x128xi32, #tpu.memory_space<hbm>>
      %dma_start3A_633 = arith.constant 0 : i32
      %dma_start3A_634 = arith.constant 0 : i32
      %dma_start3A_635 = tpu.memref_slice %arg3[%arg1, %dma_start3A_633, %dma_start3A_634] : memref<16x160x128xi32, #tpu.memory_space<hbm>> -> memref<1x160x128xi32, #tpu.memory_space<hbm>>
      %dma_start3A_636 = tpu.memref_squeeze %dma_start3A_635 : memref<1x160x128xi32, #tpu.memory_space<hbm>> -> memref<160x128xi32, #tpu.memory_space<hbm>>
      tpu.enqueue_dma source(%dma_start3A_636 : memref<160x128xi32, #tpu.memory_space<hbm>>) target(%arg6 : memref<160x128xi32, #tpu.memory_space<vmem>>) target_semaphore(%run_scoped3A : memref<!tpu.dma_semaphore, #tpu.memory_space<semaphore_mem>>)
      %dma_wait3A_637 = arith.constant 0 : i32
      %dma_wait3A_638 = arith.constant 0 : i32
      %dma_wait3A_639 = tpu.memref_slice %arg3[%arg1, %dma_wait3A_637, %dma_wait3A_638] : memref<16x160x128xi32, #tpu.memory_space<hbm>> -> memref<1x160x128xi32, #tpu.memory_space<hbm>>
      %dma_wait3A_640 = tpu.memref_squeeze %dma_wait3A_639 : memref<1x160x128xi32, #tpu.memory_space<hbm>> -> memref<160x128xi32, #tpu.memory_space<hbm>>
      %dma_wait3A_641 = arith.constant 0 : i32
      %dma_wait3A_642 = arith.constant 0 : i32
      %dma_wait3A_643 = tpu.memref_slice %arg3[%arg1, %dma_wait3A_641, %dma_wait3A_642] : memref<16x160x128xi32, #tpu.memory_space<hbm>> -> memref<1x160x128xi32, #tpu.memory_space<hbm>>
      %dma_wait3A_644 = tpu.memref_squeeze %dma_wait3A_643 : memref<1x160x128xi32, #tpu.memory_space<hbm>> -> memref<160x128xi32, #tpu.memory_space<hbm>>
      tpu.wait_dma2 semaphore(%run_scoped3A : memref<!tpu.dma_semaphore, #tpu.memory_space<semaphore_mem>>) src(%dma_wait3A_644 : memref<160x128xi32, #tpu.memory_space<hbm>>) dst(%arg6 : memref<160x128xi32, #tpu.memory_space<vmem>>)
      tpu.yield
    }) : () -> ()
    "tpu.region"() ({
      %run_scoped3A = tpu.sem_alloc : memref<!tpu.dma_semaphore, #tpu.memory_space<semaphore_mem>>
      %dma_start3A_629 = arith.constant 0 : i32
      %dma_start3A_630 = arith.constant 0 : i32
      %dma_start3A_631 = tpu.memref_slice %arg4[%arg1, %dma_start3A_629, %dma_start3A_630] : memref<16x160x128xi32, #tpu.memory_space<hbm>> -> memref<1x160x128xi32, #tpu.memory_space<hbm>>
      %dma_start3A_632 = tpu.memref_squeeze %dma_start3A_631 : memref<1x160x128xi32, #tpu.memory_space<hbm>> -> memref<160x128xi32, #tpu.memory_space<hbm>>
      %dma_start3A_633 = arith.constant 0 : i32
      %dma_start3A_634 = arith.constant 0 : i32
      %dma_start3A_635 = tpu.memref_slice %arg4[%arg1, %dma_start3A_633, %dma_start3A_634] : memref<16x160x128xi32, #tpu.memory_space<hbm>> -> memref<1x160x128xi32, #tpu.memory_space<hbm>>
      %dma_start3A_636 = tpu.memref_squeeze %dma_start3A_635 : memref<1x160x128xi32, #tpu.memory_space<hbm>> -> memref<160x128xi32, #tpu.memory_space<hbm>>
      tpu.enqueue_dma source(%dma_start3A_636 : memref<160x128xi32, #tpu.memory_space<hbm>>) target(%arg7 : memref<160x128xi32, #tpu.memory_space<vmem>>) target_semaphore(%run_scoped3A : memref<!tpu.dma_semaphore, #tpu.memory_space<semaphore_mem>>)
      %dma_wait3A_637 = arith.constant 0 : i32
      %dma_wait3A_638 = arith.constant 0 : i32
      %dma_wait3A_639 = tpu.memref_slice %arg4[%arg1, %dma_wait3A_637, %dma_wait3A_638] : memref<16x160x128xi32, #tpu.memory_space<hbm>> -> memref<1x160x128xi32, #tpu.memory_space<hbm>>
      %dma_wait3A_640 = tpu.memref_squeeze %dma_wait3A_639 : memref<1x160x128xi32, #tpu.memory_space<hbm>> -> memref<160x128xi32, #tpu.memory_space<hbm>>
      %dma_wait3A_641 = arith.constant 0 : i32
      %dma_wait3A_642 = arith.constant 0 : i32
      %dma_wait3A_643 = tpu.memref_slice %arg4[%arg1, %dma_wait3A_641, %dma_wait3A_642] : memref<16x160x128xi32, #tpu.memory_space<hbm>> -> memref<1x160x128xi32, #tpu.memory_space<hbm>>
      %dma_wait3A_644 = tpu.memref_squeeze %dma_wait3A_643 : memref<1x160x128xi32, #tpu.memory_space<hbm>> -> memref<160x128xi32, #tpu.memory_space<hbm>>
      tpu.wait_dma2 semaphore(%run_scoped3A : memref<!tpu.dma_semaphore, #tpu.memory_space<semaphore_mem>>) src(%dma_wait3A_644 : memref<160x128xi32, #tpu.memory_space<hbm>>) dst(%arg7 : memref<160x128xi32, #tpu.memory_space<vmem>>)
      tpu.yield
    }) : () -> ()
    %broadcast_in_dim3A = arith.constant 0.000000e+00 : f32
    %broadcast_in_dim3A_0 = vector.broadcast %broadcast_in_dim3A : f32 to vector<16xf32>
    %swap3A = arith.constant 0 : i32
    %swap3A_1 = arith.index_cast %swap3A : i32 to index
    %swap3A_2 = arith.constant 0 : index
    %swap3A_3 = tpu.vector_load %arg9[%swap3A_1, %swap3A_2] {strides = array<i32>} : memref<16x64xf32, #tpu.memory_space<vmem>>, vector<1x16xf32>,
    %swap3A_4 = vector.shape_cast %swap3A_3 : vector<1x16xf32> to vector<16xf32>
    %swap3A_5 = vector.shape_cast %broadcast_in_dim3A_0 : vector<16xf32> to vector<1x16xf32>
    tpu.vector_store %arg9[%swap3A_1, %swap3A_2], %swap3A_5 {strides = array<i32>} : memref<16x64xf32, #tpu.memory_space<vmem>>, vector<1x16xf32>,
    %broadcast_in_dim3A_6 = arith.constant 0.000000e+00 : f32
    %broadcast_in_dim3A_7 = vector.broadcast %broadcast_in_dim3A_6 : f32 to vector<16xf32>
    %swap3A_8 = arith.constant 0 : i32
    %swap3A_9 = arith.index_cast %swap3A_8 : i32 to index
    %swap3A_10 = arith.constant 16 : index
    %swap3A_11 = tpu.vector_load %arg9[%swap3A_9, %swap3A_10] {strides = array<i32>} : memref<16x64xf32, #tpu.memory_space<vmem>>, vector<1x16xf32>,
    %swap3A_12 = vector.shape_cast %swap3A_11 : vector<1x16xf32> to vector<16xf32>
    %swap3A_13 = vector.shape_cast %broadcast_in_dim3A_7 : vector<16xf32> to vector<1x16xf32>
    tpu.vector_store %arg9[%swap3A_9, %swap3A_10], %swap3A_13 {strides = array<i32>} : memref<16x64xf32, #tpu.memory_space<vmem>>, vector<1x16xf32>,
    %broadcast_in_dim3A_14 = arith.constant 0.000000e+00 : f32
    %broadcast_in_dim3A_15 = vector.broadcast %broadcast_in_dim3A_14 : f32 to vector<16xf32>
    %swap3A_16 = arith.constant 0 : i32
    %swap3A_17 = arith.index_cast %swap3A_16 : i32 to index
    %swap3A_18 = arith.constant 32 : index
    %swap3A_19 = tpu.vector_load %arg9[%swap3A_17, %swap3A_18] {strides = array<i32>} : memref<16x64xf32, #tpu.memory_space<vmem>>, vector<1x16xf32>,
    %swap3A_20 = vector.shape_cast %swap3A_19 : vector<1x16xf32> to vector<16xf32>
    %swap3A_21 = vector.shape_cast %broadcast_in_dim3A_15 : vector<16xf32> to vector<1x16xf32>
    tpu.vector_store %arg9[%swap3A_17, %swap3A_18], %swap3A_21 {strides = array<i32>} : memref<16x64xf32, #tpu.memory_space<vmem>>, vector<1x16xf32>,
    %broadcast_in_dim3A_22 = arith.constant 0.000000e+00 : f32
    %broadcast_in_dim3A_23 = vector.broadcast %broadcast_in_dim3A_22 : f32 to vector<16xf32>
    %swap3A_24 = arith.constant 0 : i32
    %swap3A_25 = arith.index_cast %swap3A_24 : i32 to index
    %swap3A_26 = arith.constant 48 : index
    %swap3A_27 = tpu.vector_load %arg9[%swap3A_25, %swap3A_26] {strides = array<i32>} : memref<16x64xf32, #tpu.memory_space<vmem>>, vector<1x16xf32>,
    %swap3A_28 = vector.shape_cast %swap3A_27 : vector<1x16xf32> to vector<16xf32>
    %swap3A_29 = vector.shape_cast %broadcast_in_dim3A_23 : vector<16xf32> to vector<1x16xf32>
    tpu.vector_store %arg9[%swap3A_25, %swap3A_26], %swap3A_29 {strides = array<i32>} : memref<16x64xf32, #tpu.memory_space<vmem>>, vector<1x16xf32>,
    %broadcast_in_dim3A_30 = arith.constant 0.000000e+00 : f32
    %broadcast_in_dim3A_31 = vector.broadcast %broadcast_in_dim3A_30 : f32 to vector<16xf32>
    %swap3A_32 = arith.constant 1 : i32
    %swap3A_33 = arith.index_cast %swap3A_32 : i32 to index
    %swap3A_34 = arith.constant 0 : index
    %swap3A_35 = tpu.vector_load %arg9[%swap3A_33, %swap3A_34] {strides = array<i32>} : memref<16x64xf32, #tpu.memory_space<vmem>>, vector<1x16xf32>,
    %swap3A_36 = vector.shape_cast %swap3A_35 : vector<1x16xf32> to vector<16xf32>
    %swap3A_37 = vector.shape_cast %broadcast_in_dim3A_31 : vector<16xf32> to vector<1x16xf32>
    tpu.vector_store %arg9[%swap3A_33, %swap3A_34], %swap3A_37 {strides = array<i32>} : memref<16x64xf32, #tpu.memory_space<vmem>>, vector<1x16xf32>,
    %broadcast_in_dim3A_38 = arith.constant 0.000000e+00 : f32
    %broadcast_in_dim3A_39 = vector.broadcast %broadcast_in_dim3A_38 : f32 to vector<16xf32>
    %swap3A_40 = arith.constant 1 : i32
    %swap3A_41 = arith.index_cast %swap3A_40 : i32 to index
    %swap3A_42 = arith.constant 16 : index
    %swap3A_43 = tpu.vector_load %arg9[%swap3A_41, %swap3A_42] {strides = array<i32>} : memref<16x64xf32, #tpu.memory_space<vmem>>, vector<1x16xf32>,
    %swap3A_44 = vector.shape_cast %swap3A_43 : vector<1x16xf32> to vector<16xf32>
    %swap3A_45 = vector.shape_cast %broadcast_in_dim3A_39 : vector<16xf32> to vector<1x16xf32>
    tpu.vector_store %arg9[%swap3A_41, %swap3A_42], %swap3A_45 {strides = array<i32>} : memref<16x64xf32, #tpu.memory_space<vmem>>, vector<1x16xf32>,
    %broadcast_in_dim3A_46 = arith.constant 0.000000e+00 : f32
    %broadcast_in_dim3A_47 = vector.broadcast %broadcast_in_dim3A_46 : f32 to vector<16xf32>
    %swap3A_48 = arith.constant 1 : i32
    %swap3A_49 = arith.index_cast %swap3A_48 : i32 to index
    %swap3A_50 = arith.constant 32 : index
    %swap3A_51 = tpu.vector_load %arg9[%swap3A_49, %swap3A_50] {strides = array<i32>} : memref<16x64xf32, #tpu.memory_space<vmem>>, vector<1x16xf32>,
    %swap3A_52 = vector.shape_cast %swap3A_51 : vector<1x16xf32> to vector<16xf32>
    %swap3A_53 = vector.shape_cast %broadcast_in_dim3A_47 : vector<16xf32> to vector<1x16xf32>
    tpu.vector_store %arg9[%swap3A_49, %swap3A_50], %swap3A_53 {strides = array<i32>} : memref<16x64xf32, #tpu.memory_space<vmem>>, vector<1x16xf32>,
    %broadcast_in_dim3A_54 = arith.constant 0.000000e+00 : f32
    %broadcast_in_dim3A_55 = vector.broadcast %broadcast_in_dim3A_54 : f32 to vector<16xf32>
    %swap3A_56 = arith.constant 1 : i32
    %swap3A_57 = arith.index_cast %swap3A_56 : i32 to index
    %swap3A_58 = arith.constant 48 : index
    %swap3A_59 = tpu.vector_load %arg9[%swap3A_57, %swap3A_58] {strides = array<i32>} : memref<16x64xf32, #tpu.memory_space<vmem>>, vector<1x16xf32>,
    %swap3A_60 = vector.shape_cast %swap3A_59 : vector<1x16xf32> to vector<16xf32>
    %swap3A_61 = vector.shape_cast %broadcast_in_dim3A_55 : vector<16xf32> to vector<1x16xf32>
    tpu.vector_store %arg9[%swap3A_57, %swap3A_58], %swap3A_61 {strides = array<i32>} : memref<16x64xf32, #tpu.memory_space<vmem>>, vector<1x16xf32>,
    %broadcast_in_dim3A_62 = arith.constant 0.000000e+00 : f32
    %broadcast_in_dim3A_63 = vector.broadcast %broadcast_in_dim3A_62 : f32 to vector<16xf32>
    %swap3A_64 = arith.constant 2 : i32
    %swap3A_65 = arith.index_cast %swap3A_64 : i32 to index
    %swap3A_66 = arith.constant 0 : index
    %swap3A_67 = tpu.vector_load %arg9[%swap3A_65, %swap3A_66] {strides = array<i32>} : memref<16x64xf32, #tpu.memory_space<vmem>>, vector<1x16xf32>,
    %swap3A_68 = vector.shape_cast %swap3A_67 : vector<1x16xf32> to vector<16xf32>
    %swap3A_69 = vector.shape_cast %broadcast_in_dim3A_63 : vector<16xf32> to vector<1x16xf32>
    tpu.vector_store %arg9[%swap3A_65, %swap3A_66], %swap3A_69 {strides = array<i32>} : memref<16x64xf32, #tpu.memory_space<vmem>>, vector<1x16xf32>,
    %broadcast_in_dim3A_70 = arith.constant 0.000000e+00 : f32
    %broadcast_in_dim3A_71 = vector.broadcast %broadcast_in_dim3A_70 : f32 to vector<16xf32>
    %swap3A_72 = arith.constant 2 : i32
    %swap3A_73 = arith.index_cast %swap3A_72 : i32 to index
    %swap3A_74 = arith.constant 16 : index
    %swap3A_75 = tpu.vector_load %arg9[%swap3A_73, %swap3A_74] {strides = array<i32>} : memref<16x64xf32, #tpu.memory_space<vmem>>, vector<1x16xf32>,
    %swap3A_76 = vector.shape_cast %swap3A_75 : vector<1x16xf32> to vector<16xf32>
    %swap3A_77 = vector.shape_cast %broadcast_in_dim3A_71 : vector<16xf32> to vector<1x16xf32>
    tpu.vector_store %arg9[%swap3A_73, %swap3A_74], %swap3A_77 {strides = array<i32>} : memref<16x64xf32, #tpu.memory_space<vmem>>, vector<1x16xf32>,
    %broadcast_in_dim3A_78 = arith.constant 0.000000e+00 : f32
    %broadcast_in_dim3A_79 = vector.broadcast %broadcast_in_dim3A_78 : f32 to vector<16xf32>
    %swap3A_80 = arith.constant 2 : i32
    %swap3A_81 = arith.index_cast %swap3A_80 : i32 to index
    %swap3A_82 = arith.constant 32 : index
    %swap3A_83 = tpu.vector_load %arg9[%swap3A_81, %swap3A_82] {strides = array<i32>} : memref<16x64xf32, #tpu.memory_space<vmem>>, vector<1x16xf32>,
    %swap3A_84 = vector.shape_cast %swap3A_83 : vector<1x16xf32> to vector<16xf32>
    %swap3A_85 = vector.shape_cast %broadcast_in_dim3A_79 : vector<16xf32> to vector<1x16xf32>
    tpu.vector_store %arg9[%swap3A_81, %swap3A_82], %swap3A_85 {strides = array<i32>} : memref<16x64xf32, #tpu.memory_space<vmem>>, vector<1x16xf32>,
    %broadcast_in_dim3A_86 = arith.constant 0.000000e+00 : f32
    %broadcast_in_dim3A_87 = vector.broadcast %broadcast_in_dim3A_86 : f32 to vector<16xf32>
    %swap3A_88 = arith.constant 2 : i32
    %swap3A_89 = arith.index_cast %swap3A_88 : i32 to index
    %swap3A_90 = arith.constant 48 : index
    %swap3A_91 = tpu.vector_load %arg9[%swap3A_89, %swap3A_90] {strides = array<i32>} : memref<16x64xf32, #tpu.memory_space<vmem>>, vector<1x16xf32>,
    %swap3A_92 = vector.shape_cast %swap3A_91 : vector<1x16xf32> to vector<16xf32>
    %swap3A_93 = vector.shape_cast %broadcast_in_dim3A_87 : vector<16xf32> to vector<1x16xf32>
    tpu.vector_store %arg9[%swap3A_89, %swap3A_90], %swap3A_93 {strides = array<i32>} : memref<16x64xf32, #tpu.memory_space<vmem>>, vector<1x16xf32>,
    %broadcast_in_dim3A_94 = arith.constant 0.000000e+00 : f32
    %broadcast_in_dim3A_95 = vector.broadcast %broadcast_in_dim3A_94 : f32 to vector<16xf32>
    %swap3A_96 = arith.constant 3 : i32
    %swap3A_97 = arith.index_cast %swap3A_96 : i32 to index
    %swap3A_98 = arith.constant 0 : index
    %swap3A_99 = tpu.vector_load %arg9[%swap3A_97, %swap3A_98] {strides = array<i32>} : memref<16x64xf32, #tpu.memory_space<vmem>>, vector<1x16xf32>,
    %swap3A_100 = vector.shape_cast %swap3A_99 : vector<1x16xf32> to vector<16xf32>
    %swap3A_101 = vector.shape_cast %broadcast_in_dim3A_95 : vector<16xf32> to vector<1x16xf32>
    tpu.vector_store %arg9[%swap3A_97, %swap3A_98], %swap3A_101 {strides = array<i32>} : memref<16x64xf32, #tpu.memory_space<vmem>>, vector<1x16xf32>,
    %broadcast_in_dim3A_102 = arith.constant 0.000000e+00 : f32
    %broadcast_in_dim3A_103 = vector.broadcast %broadcast_in_dim3A_102 : f32 to vector<16xf32>
    %swap3A_104 = arith.constant 3 : i32
    %swap3A_105 = arith.index_cast %swap3A_104 : i32 to index
    %swap3A_106 = arith.constant 16 : index
    %swap3A_107 = tpu.vector_load %arg9[%swap3A_105, %swap3A_106] {strides = array<i32>} : memref<16x64xf32, #tpu.memory_space<vmem>>, vector<1x16xf32>,
    %swap3A_108 = vector.shape_cast %swap3A_107 : vector<1x16xf32> to vector<16xf32>
    %swap3A_109 = vector.shape_cast %broadcast_in_dim3A_103 : vector<16xf32> to vector<1x16xf32>
    tpu.vector_store %arg9[%swap3A_105, %swap3A_106], %swap3A_109 {strides = array<i32>} : memref<16x64xf32, #tpu.memory_space<vmem>>, vector<1x16xf32>,
    %broadcast_in_dim3A_110 = arith.constant 0.000000e+00 : f32
    %broadcast_in_dim3A_111 = vector.broadcast %broadcast_in_dim3A_110 : f32 to vector<16xf32>
    %swap3A_112 = arith.constant 3 : i32
    %swap3A_113 = arith.index_cast %swap3A_112 : i32 to index
    %swap3A_114 = arith.constant 32 : index
    %swap3A_115 = tpu.vector_load %arg9[%swap3A_113, %swap3A_114] {strides = array<i32>} : memref<16x64xf32, #tpu.memory_space<vmem>>, vector<1x16xf32>,
    %swap3A_116 = vector.shape_cast %swap3A_115 : vector<1x16xf32> to vector<16xf32>
    %swap3A_117 = vector.shape_cast %broadcast_in_dim3A_111 : vector<16xf32> to vector<1x16xf32>
    tpu.vector_store %arg9[%swap3A_113, %swap3A_114], %swap3A_117 {strides = array<i32>} : memref<16x64xf32, #tpu.memory_space<vmem>>, vector<1x16xf32>,
    %broadcast_in_dim3A_118 = arith.constant 0.000000e+00 : f32
    %broadcast_in_dim3A_119 = vector.broadcast %broadcast_in_dim3A_118 : f32 to vector<16xf32>
    %swap3A_120 = arith.constant 3 : i32
    %swap3A_121 = arith.index_cast %swap3A_120 : i32 to index
    %swap3A_122 = arith.constant 48 : index
    %swap3A_123 = tpu.vector_load %arg9[%swap3A_121, %swap3A_122] {strides = array<i32>} : memref<16x64xf32, #tpu.memory_space<vmem>>, vector<1x16xf32>,
    %swap3A_124 = vector.shape_cast %swap3A_123 : vector<1x16xf32> to vector<16xf32>
    %swap3A_125 = vector.shape_cast %broadcast_in_dim3A_119 : vector<16xf32> to vector<1x16xf32>
    tpu.vector_store %arg9[%swap3A_121, %swap3A_122], %swap3A_125 {strides = array<i32>} : memref<16x64xf32, #tpu.memory_space<vmem>>, vector<1x16xf32>,
    %broadcast_in_dim3A_126 = arith.constant 0.000000e+00 : f32
    %broadcast_in_dim3A_127 = vector.broadcast %broadcast_in_dim3A_126 : f32 to vector<16xf32>
    %swap3A_128 = arith.constant 4 : i32
    %swap3A_129 = arith.index_cast %swap3A_128 : i32 to index
    %swap3A_130 = arith.constant 0 : index
    %swap3A_131 = tpu.vector_load %arg9[%swap3A_129, %swap3A_130] {strides = array<i32>} : memref<16x64xf32, #tpu.memory_space<vmem>>, vector<1x16xf32>,
    %swap3A_132 = vector.shape_cast %swap3A_131 : vector<1x16xf32> to vector<16xf32>
    %swap3A_133 = vector.shape_cast %broadcast_in_dim3A_127 : vector<16xf32> to vector<1x16xf32>
    tpu.vector_store %arg9[%swap3A_129, %swap3A_130], %swap3A_133 {strides = array<i32>} : memref<16x64xf32, #tpu.memory_space<vmem>>, vector<1x16xf32>,
    %broadcast_in_dim3A_134 = arith.constant 0.000000e+00 : f32
    %broadcast_in_dim3A_135 = vector.broadcast %broadcast_in_dim3A_134 : f32 to vector<16xf32>
    %swap3A_136 = arith.constant 4 : i32
    %swap3A_137 = arith.index_cast %swap3A_136 : i32 to index
    %swap3A_138 = arith.constant 16 : index
    %swap3A_139 = tpu.vector_load %arg9[%swap3A_137, %swap3A_138] {strides = array<i32>} : memref<16x64xf32, #tpu.memory_space<vmem>>, vector<1x16xf32>,
    %swap3A_140 = vector.shape_cast %swap3A_139 : vector<1x16xf32> to vector<16xf32>
    %swap3A_141 = vector.shape_cast %broadcast_in_dim3A_135 : vector<16xf32> to vector<1x16xf32>
    tpu.vector_store %arg9[%swap3A_137, %swap3A_138], %swap3A_141 {strides = array<i32>} : memref<16x64xf32, #tpu.memory_space<vmem>>, vector<1x16xf32>,
    %broadcast_in_dim3A_142 = arith.constant 0.000000e+00 : f32
    %broadcast_in_dim3A_143 = vector.broadcast %broadcast_in_dim3A_142 : f32 to vector<16xf32>
    %swap3A_144 = arith.constant 4 : i32
    %swap3A_145 = arith.index_cast %swap3A_144 : i32 to index
    %swap3A_146 = arith.constant 32 : index
    %swap3A_147 = tpu.vector_load %arg9[%swap3A_145, %swap3A_146] {strides = array<i32>} : memref<16x64xf32, #tpu.memory_space<vmem>>, vector<1x16xf32>,
    %swap3A_148 = vector.shape_cast %swap3A_147 : vector<1x16xf32> to vector<16xf32>
    %swap3A_149 = vector.shape_cast %broadcast_in_dim3A_143 : vector<16xf32> to vector<1x16xf32>
    tpu.vector_store %arg9[%swap3A_145, %swap3A_146], %swap3A_149 {strides = array<i32>} : memref<16x64xf32, #tpu.memory_space<vmem>>, vector<1x16xf32>,
    %broadcast_in_dim3A_150 = arith.constant 0.000000e+00 : f32
    %broadcast_in_dim3A_151 = vector.broadcast %broadcast_in_dim3A_150 : f32 to vector<16xf32>
    %swap3A_152 = arith.constant 4 : i32
    %swap3A_153 = arith.index_cast %swap3A_152 : i32 to index
    %swap3A_154 = arith.constant 48 : index
    %swap3A_155 = tpu.vector_load %arg9[%swap3A_153, %swap3A_154] {strides = array<i32>} : memref<16x64xf32, #tpu.memory_space<vmem>>, vector<1x16xf32>,
    %swap3A_156 = vector.shape_cast %swap3A_155 : vector<1x16xf32> to vector<16xf32>
    %swap3A_157 = vector.shape_cast %broadcast_in_dim3A_151 : vector<16xf32> to vector<1x16xf32>
    tpu.vector_store %arg9[%swap3A_153, %swap3A_154], %swap3A_157 {strides = array<i32>} : memref<16x64xf32, #tpu.memory_space<vmem>>, vector<1x16xf32>,
    %broadcast_in_dim3A_158 = arith.constant 0.000000e+00 : f32
    %broadcast_in_dim3A_159 = vector.broadcast %broadcast_in_dim3A_158 : f32 to vector<16xf32>
    %swap3A_160 = arith.constant 5 : i32
    %swap3A_161 = arith.index_cast %swap3A_160 : i32 to index
    %swap3A_162 = arith.constant 0 : index
    %swap3A_163 = tpu.vector_load %arg9[%swap3A_161, %swap3A_162] {strides = array<i32>} : memref<16x64xf32, #tpu.memory_space<vmem>>, vector<1x16xf32>,
    %swap3A_164 = vector.shape_cast %swap3A_163 : vector<1x16xf32> to vector<16xf32>
    %swap3A_165 = vector.shape_cast %broadcast_in_dim3A_159 : vector<16xf32> to vector<1x16xf32>
    tpu.vector_store %arg9[%swap3A_161, %swap3A_162], %swap3A_165 {strides = array<i32>} : memref<16x64xf32, #tpu.memory_space<vmem>>, vector<1x16xf32>,
    %broadcast_in_dim3A_166 = arith.constant 0.000000e+00 : f32
    %broadcast_in_dim3A_167 = vector.broadcast %broadcast_in_dim3A_166 : f32 to vector<16xf32>
    %swap3A_168 = arith.constant 5 : i32
    %swap3A_169 = arith.index_cast %swap3A_168 : i32 to index
    %swap3A_170 = arith.constant 16 : index
    %swap3A_171 = tpu.vector_load %arg9[%swap3A_169, %swap3A_170] {strides = array<i32>} : memref<16x64xf32, #tpu.memory_space<vmem>>, vector<1x16xf32>,
    %swap3A_172 = vector.shape_cast %swap3A_171 : vector<1x16xf32> to vector<16xf32>
    %swap3A_173 = vector.shape_cast %broadcast_in_dim3A_167 : vector<16xf32> to vector<1x16xf32>
    tpu.vector_store %arg9[%swap3A_169, %swap3A_170], %swap3A_173 {strides = array<i32>} : memref<16x64xf32, #tpu.memory_space<vmem>>, vector<1x16xf32>,
    %broadcast_in_dim3A_174 = arith.constant 0.000000e+00 : f32
    %broadcast_in_dim3A_175 = vector.broadcast %broadcast_in_dim3A_174 : f32 to vector<16xf32>
    %swap3A_176 = arith.constant 5 : i32
    %swap3A_177 = arith.index_cast %swap3A_176 : i32 to index
    %swap3A_178 = arith.constant 32 : index
    %swap3A_179 = tpu.vector_load %arg9[%swap3A_177, %swap3A_178] {strides = array<i32>} : memref<16x64xf32, #tpu.memory_space<vmem>>, vector<1x16xf32>,
    %swap3A_180 = vector.shape_cast %swap3A_179 : vector<1x16xf32> to vector<16xf32>
    %swap3A_181 = vector.shape_cast %broadcast_in_dim3A_175 : vector<16xf32> to vector<1x16xf32>
    tpu.vector_store %arg9[%swap3A_177, %swap3A_178], %swap3A_181 {strides = array<i32>} : memref<16x64xf32, #tpu.memory_space<vmem>>, vector<1x16xf32>,
    %broadcast_in_dim3A_182 = arith.constant 0.000000e+00 : f32
    %broadcast_in_dim3A_183 = vector.broadcast %broadcast_in_dim3A_182 : f32 to vector<16xf32>
    %swap3A_184 = arith.constant 5 : i32
    %swap3A_185 = arith.index_cast %swap3A_184 : i32 to index
    %swap3A_186 = arith.constant 48 : index
    %swap3A_187 = tpu.vector_load %arg9[%swap3A_185, %swap3A_186] {strides = array<i32>} : memref<16x64xf32, #tpu.memory_space<vmem>>, vector<1x16xf32>,
    %swap3A_188 = vector.shape_cast %swap3A_187 : vector<1x16xf32> to vector<16xf32>
    %swap3A_189 = vector.shape_cast %broadcast_in_dim3A_183 : vector<16xf32> to vector<1x16xf32>
    tpu.vector_store %arg9[%swap3A_185, %swap3A_186], %swap3A_189 {strides = array<i32>} : memref<16x64xf32, #tpu.memory_space<vmem>>, vector<1x16xf32>,
    %broadcast_in_dim3A_190 = arith.constant 0.000000e+00 : f32
    %broadcast_in_dim3A_191 = vector.broadcast %broadcast_in_dim3A_190 : f32 to vector<16xf32>
    %swap3A_192 = arith.constant 6 : i32
    %swap3A_193 = arith.index_cast %swap3A_192 : i32 to index
    %swap3A_194 = arith.constant 0 : index
    %swap3A_195 = tpu.vector_load %arg9[%swap3A_193, %swap3A_194] {strides = array<i32>} : memref<16x64xf32, #tpu.memory_space<vmem>>, vector<1x16xf32>,
    %swap3A_196 = vector.shape_cast %swap3A_195 : vector<1x16xf32> to vector<16xf32>
    %swap3A_197 = vector.shape_cast %broadcast_in_dim3A_191 : vector<16xf32> to vector<1x16xf32>
    tpu.vector_store %arg9[%swap3A_193, %swap3A_194], %swap3A_197 {strides = array<i32>} : memref<16x64xf32, #tpu.memory_space<vmem>>, vector<1x16xf32>,
    %broadcast_in_dim3A_198 = arith.constant 0.000000e+00 : f32
    %broadcast_in_dim3A_199 = vector.broadcast %broadcast_in_dim3A_198 : f32 to vector<16xf32>
    %swap3A_200 = arith.constant 6 : i32
    %swap3A_201 = arith.index_cast %swap3A_200 : i32 to index
    %swap3A_202 = arith.constant 16 : index
    %swap3A_203 = tpu.vector_load %arg9[%swap3A_201, %swap3A_202] {strides = array<i32>} : memref<16x64xf32, #tpu.memory_space<vmem>>, vector<1x16xf32>,
    %swap3A_204 = vector.shape_cast %swap3A_203 : vector<1x16xf32> to vector<16xf32>
    %swap3A_205 = vector.shape_cast %broadcast_in_dim3A_199 : vector<16xf32> to vector<1x16xf32>
    tpu.vector_store %arg9[%swap3A_201, %swap3A_202], %swap3A_205 {strides = array<i32>} : memref<16x64xf32, #tpu.memory_space<vmem>>, vector<1x16xf32>,
    %broadcast_in_dim3A_206 = arith.constant 0.000000e+00 : f32
    %broadcast_in_dim3A_207 = vector.broadcast %broadcast_in_dim3A_206 : f32 to vector<16xf32>
    %swap3A_208 = arith.constant 6 : i32
    %swap3A_209 = arith.index_cast %swap3A_208 : i32 to index
    %swap3A_210 = arith.constant 32 : index
    %swap3A_211 = tpu.vector_load %arg9[%swap3A_209, %swap3A_210] {strides = array<i32>} : memref<16x64xf32, #tpu.memory_space<vmem>>, vector<1x16xf32>,
    %swap3A_212 = vector.shape_cast %swap3A_211 : vector<1x16xf32> to vector<16xf32>
    %swap3A_213 = vector.shape_cast %broadcast_in_dim3A_207 : vector<16xf32> to vector<1x16xf32>
    tpu.vector_store %arg9[%swap3A_209, %swap3A_210], %swap3A_213 {strides = array<i32>} : memref<16x64xf32, #tpu.memory_space<vmem>>, vector<1x16xf32>,
    %broadcast_in_dim3A_214 = arith.constant 0.000000e+00 : f32
    %broadcast_in_dim3A_215 = vector.broadcast %broadcast_in_dim3A_214 : f32 to vector<16xf32>
    %swap3A_216 = arith.constant 6 : i32
    %swap3A_217 = arith.index_cast %swap3A_216 : i32 to index
    %swap3A_218 = arith.constant 48 : index
    %swap3A_219 = tpu.vector_load %arg9[%swap3A_217, %swap3A_218] {strides = array<i32>} : memref<16x64xf32, #tpu.memory_space<vmem>>, vector<1x16xf32>,
    %swap3A_220 = vector.shape_cast %swap3A_219 : vector<1x16xf32> to vector<16xf32>
    %swap3A_221 = vector.shape_cast %broadcast_in_dim3A_215 : vector<16xf32> to vector<1x16xf32>
    tpu.vector_store %arg9[%swap3A_217, %swap3A_218], %swap3A_221 {strides = array<i32>} : memref<16x64xf32, #tpu.memory_space<vmem>>, vector<1x16xf32>,
    %broadcast_in_dim3A_222 = arith.constant 0.000000e+00 : f32
    %broadcast_in_dim3A_223 = vector.broadcast %broadcast_in_dim3A_222 : f32 to vector<16xf32>
    %swap3A_224 = arith.constant 7 : i32
    %swap3A_225 = arith.index_cast %swap3A_224 : i32 to index
    %swap3A_226 = arith.constant 0 : index
    %swap3A_227 = tpu.vector_load %arg9[%swap3A_225, %swap3A_226] {strides = array<i32>} : memref<16x64xf32, #tpu.memory_space<vmem>>, vector<1x16xf32>,
    %swap3A_228 = vector.shape_cast %swap3A_227 : vector<1x16xf32> to vector<16xf32>
    %swap3A_229 = vector.shape_cast %broadcast_in_dim3A_223 : vector<16xf32> to vector<1x16xf32>
    tpu.vector_store %arg9[%swap3A_225, %swap3A_226], %swap3A_229 {strides = array<i32>} : memref<16x64xf32, #tpu.memory_space<vmem>>, vector<1x16xf32>,
    %broadcast_in_dim3A_230 = arith.constant 0.000000e+00 : f32
    %broadcast_in_dim3A_231 = vector.broadcast %broadcast_in_dim3A_230 : f32 to vector<16xf32>
    %swap3A_232 = arith.constant 7 : i32
    %swap3A_233 = arith.index_cast %swap3A_232 : i32 to index
    %swap3A_234 = arith.constant 16 : index
    %swap3A_235 = tpu.vector_load %arg9[%swap3A_233, %swap3A_234] {strides = array<i32>} : memref<16x64xf32, #tpu.memory_space<vmem>>, vector<1x16xf32>,
    %swap3A_236 = vector.shape_cast %swap3A_235 : vector<1x16xf32> to vector<16xf32>
    %swap3A_237 = vector.shape_cast %broadcast_in_dim3A_231 : vector<16xf32> to vector<1x16xf32>
    tpu.vector_store %arg9[%swap3A_233, %swap3A_234], %swap3A_237 {strides = array<i32>} : memref<16x64xf32, #tpu.memory_space<vmem>>, vector<1x16xf32>,
    %broadcast_in_dim3A_238 = arith.constant 0.000000e+00 : f32
    %broadcast_in_dim3A_239 = vector.broadcast %broadcast_in_dim3A_238 : f32 to vector<16xf32>
    %swap3A_240 = arith.constant 7 : i32
    %swap3A_241 = arith.index_cast %swap3A_240 : i32 to index
    %swap3A_242 = arith.constant 32 : index
    %swap3A_243 = tpu.vector_load %arg9[%swap3A_241, %swap3A_242] {strides = array<i32>} : memref<16x64xf32, #tpu.memory_space<vmem>>, vector<1x16xf32>,
    %swap3A_244 = vector.shape_cast %swap3A_243 : vector<1x16xf32> to vector<16xf32>
    %swap3A_245 = vector.shape_cast %broadcast_in_dim3A_239 : vector<16xf32> to vector<1x16xf32>
    tpu.vector_store %arg9[%swap3A_241, %swap3A_242], %swap3A_245 {strides = array<i32>} : memref<16x64xf32, #tpu.memory_space<vmem>>, vector<1x16xf32>,
    %broadcast_in_dim3A_246 = arith.constant 0.000000e+00 : f32
    %broadcast_in_dim3A_247 = vector.broadcast %broadcast_in_dim3A_246 : f32 to vector<16xf32>
    %swap3A_248 = arith.constant 7 : i32
    %swap3A_249 = arith.index_cast %swap3A_248 : i32 to index
    %swap3A_250 = arith.constant 48 : index
    %swap3A_251 = tpu.vector_load %arg9[%swap3A_249, %swap3A_250] {strides = array<i32>} : memref<16x64xf32, #tpu.memory_space<vmem>>, vector<1x16xf32>,
    %swap3A_252 = vector.shape_cast %swap3A_251 : vector<1x16xf32> to vector<16xf32>
    %swap3A_253 = vector.shape_cast %broadcast_in_dim3A_247 : vector<16xf32> to vector<1x16xf32>
    tpu.vector_store %arg9[%swap3A_249, %swap3A_250], %swap3A_253 {strides = array<i32>} : memref<16x64xf32, #tpu.memory_space<vmem>>, vector<1x16xf32>,
    %broadcast_in_dim3A_254 = arith.constant 0.000000e+00 : f32
    %broadcast_in_dim3A_255 = vector.broadcast %broadcast_in_dim3A_254 : f32 to vector<16xf32>
    %swap3A_256 = arith.constant 8 : i32
    %swap3A_257 = arith.index_cast %swap3A_256 : i32 to index
    %swap3A_258 = arith.constant 0 : index
    %swap3A_259 = tpu.vector_load %arg9[%swap3A_257, %swap3A_258] {strides = array<i32>} : memref<16x64xf32, #tpu.memory_space<vmem>>, vector<1x16xf32>,
    %swap3A_260 = vector.shape_cast %swap3A_259 : vector<1x16xf32> to vector<16xf32>
    %swap3A_261 = vector.shape_cast %broadcast_in_dim3A_255 : vector<16xf32> to vector<1x16xf32>
    tpu.vector_store %arg9[%swap3A_257, %swap3A_258], %swap3A_261 {strides = array<i32>} : memref<16x64xf32, #tpu.memory_space<vmem>>, vector<1x16xf32>,
    %broadcast_in_dim3A_262 = arith.constant 0.000000e+00 : f32
    %broadcast_in_dim3A_263 = vector.broadcast %broadcast_in_dim3A_262 : f32 to vector<16xf32>
    %swap3A_264 = arith.constant 8 : i32
    %swap3A_265 = arith.index_cast %swap3A_264 : i32 to index
    %swap3A_266 = arith.constant 16 : index
    %swap3A_267 = tpu.vector_load %arg9[%swap3A_265, %swap3A_266] {strides = array<i32>} : memref<16x64xf32, #tpu.memory_space<vmem>>, vector<1x16xf32>,
    %swap3A_268 = vector.shape_cast %swap3A_267 : vector<1x16xf32> to vector<16xf32>
    %swap3A_269 = vector.shape_cast %broadcast_in_dim3A_263 : vector<16xf32> to vector<1x16xf32>
    tpu.vector_store %arg9[%swap3A_265, %swap3A_266], %swap3A_269 {strides = array<i32>} : memref<16x64xf32, #tpu.memory_space<vmem>>, vector<1x16xf32>,
    %broadcast_in_dim3A_270 = arith.constant 0.000000e+00 : f32
    %broadcast_in_dim3A_271 = vector.broadcast %broadcast_in_dim3A_270 : f32 to vector<16xf32>
    %swap3A_272 = arith.constant 8 : i32
    %swap3A_273 = arith.index_cast %swap3A_272 : i32 to index
    %swap3A_274 = arith.constant 32 : index
    %swap3A_275 = tpu.vector_load %arg9[%swap3A_273, %swap3A_274] {strides = array<i32>} : memref<16x64xf32, #tpu.memory_space<vmem>>, vector<1x16xf32>,
    %swap3A_276 = vector.shape_cast %swap3A_275 : vector<1x16xf32> to vector<16xf32>
    %swap3A_277 = vector.shape_cast %broadcast_in_dim3A_271 : vector<16xf32> to vector<1x16xf32>
    tpu.vector_store %arg9[%swap3A_273, %swap3A_274], %swap3A_277 {strides = array<i32>} : memref<16x64xf32, #tpu.memory_space<vmem>>, vector<1x16xf32>,
    %broadcast_in_dim3A_278 = arith.constant 0.000000e+00 : f32
    %broadcast_in_dim3A_279 = vector.broadcast %broadcast_in_dim3A_278 : f32 to vector<16xf32>
    %swap3A_280 = arith.constant 8 : i32
    %swap3A_281 = arith.index_cast %swap3A_280 : i32 to index
    %swap3A_282 = arith.constant 48 : index
    %swap3A_283 = tpu.vector_load %arg9[%swap3A_281, %swap3A_282] {strides = array<i32>} : memref<16x64xf32, #tpu.memory_space<vmem>>, vector<1x16xf32>,
    %swap3A_284 = vector.shape_cast %swap3A_283 : vector<1x16xf32> to vector<16xf32>
    %swap3A_285 = vector.shape_cast %broadcast_in_dim3A_279 : vector<16xf32> to vector<1x16xf32>
    tpu.vector_store %arg9[%swap3A_281, %swap3A_282], %swap3A_285 {strides = array<i32>} : memref<16x64xf32, #tpu.memory_space<vmem>>, vector<1x16xf32>,
    %broadcast_in_dim3A_286 = arith.constant 0.000000e+00 : f32
    %broadcast_in_dim3A_287 = vector.broadcast %broadcast_in_dim3A_286 : f32 to vector<16xf32>
    %swap3A_288 = arith.constant 9 : i32
    %swap3A_289 = arith.index_cast %swap3A_288 : i32 to index
    %swap3A_290 = arith.constant 0 : index
    %swap3A_291 = tpu.vector_load %arg9[%swap3A_289, %swap3A_290] {strides = array<i32>} : memref<16x64xf32, #tpu.memory_space<vmem>>, vector<1x16xf32>,
    %swap3A_292 = vector.shape_cast %swap3A_291 : vector<1x16xf32> to vector<16xf32>
    %swap3A_293 = vector.shape_cast %broadcast_in_dim3A_287 : vector<16xf32> to vector<1x16xf32>
    tpu.vector_store %arg9[%swap3A_289, %swap3A_290], %swap3A_293 {strides = array<i32>} : memref<16x64xf32, #tpu.memory_space<vmem>>, vector<1x16xf32>,
    %broadcast_in_dim3A_294 = arith.constant 0.000000e+00 : f32
    %broadcast_in_dim3A_295 = vector.broadcast %broadcast_in_dim3A_294 : f32 to vector<16xf32>
    %swap3A_296 = arith.constant 9 : i32
    %swap3A_297 = arith.index_cast %swap3A_296 : i32 to index
    %swap3A_298 = arith.constant 16 : index
    %swap3A_299 = tpu.vector_load %arg9[%swap3A_297, %swap3A_298] {strides = array<i32>} : memref<16x64xf32, #tpu.memory_space<vmem>>, vector<1x16xf32>,
    %swap3A_300 = vector.shape_cast %swap3A_299 : vector<1x16xf32> to vector<16xf32>
    %swap3A_301 = vector.shape_cast %broadcast_in_dim3A_295 : vector<16xf32> to vector<1x16xf32>
    tpu.vector_store %arg9[%swap3A_297, %swap3A_298], %swap3A_301 {strides = array<i32>} : memref<16x64xf32, #tpu.memory_space<vmem>>, vector<1x16xf32>,
    %broadcast_in_dim3A_302 = arith.constant 0.000000e+00 : f32
    %broadcast_in_dim3A_303 = vector.broadcast %broadcast_in_dim3A_302 : f32 to vector<16xf32>
    %swap3A_304 = arith.constant 9 : i32
    %swap3A_305 = arith.index_cast %swap3A_304 : i32 to index
    %swap3A_306 = arith.constant 32 : index
    %swap3A_307 = tpu.vector_load %arg9[%swap3A_305, %swap3A_306] {strides = array<i32>} : memref<16x64xf32, #tpu.memory_space<vmem>>, vector<1x16xf32>,
    %swap3A_308 = vector.shape_cast %swap3A_307 : vector<1x16xf32> to vector<16xf32>
    %swap3A_309 = vector.shape_cast %broadcast_in_dim3A_303 : vector<16xf32> to vector<1x16xf32>
    tpu.vector_store %arg9[%swap3A_305, %swap3A_306], %swap3A_309 {strides = array<i32>} : memref<16x64xf32, #tpu.memory_space<vmem>>, vector<1x16xf32>,
    %broadcast_in_dim3A_310 = arith.constant 0.000000e+00 : f32
    %broadcast_in_dim3A_311 = vector.broadcast %broadcast_in_dim3A_310 : f32 to vector<16xf32>
    %swap3A_312 = arith.constant 9 : i32
    %swap3A_313 = arith.index_cast %swap3A_312 : i32 to index
    %swap3A_314 = arith.constant 48 : index
    %swap3A_315 = tpu.vector_load %arg9[%swap3A_313, %swap3A_314] {strides = array<i32>} : memref<16x64xf32, #tpu.memory_space<vmem>>, vector<1x16xf32>,
    %swap3A_316 = vector.shape_cast %swap3A_315 : vector<1x16xf32> to vector<16xf32>
    %swap3A_317 = vector.shape_cast %broadcast_in_dim3A_311 : vector<16xf32> to vector<1x16xf32>
    tpu.vector_store %arg9[%swap3A_313, %swap3A_314], %swap3A_317 {strides = array<i32>} : memref<16x64xf32, #tpu.memory_space<vmem>>, vector<1x16xf32>,
    %broadcast_in_dim3A_318 = arith.constant 0.000000e+00 : f32
    %broadcast_in_dim3A_319 = vector.broadcast %broadcast_in_dim3A_318 : f32 to vector<16xf32>
    %swap3A_320 = arith.constant 10 : i32
    %swap3A_321 = arith.index_cast %swap3A_320 : i32 to index
    %swap3A_322 = arith.constant 0 : index
    %swap3A_323 = tpu.vector_load %arg9[%swap3A_321, %swap3A_322] {strides = array<i32>} : memref<16x64xf32, #tpu.memory_space<vmem>>, vector<1x16xf32>,
    %swap3A_324 = vector.shape_cast %swap3A_323 : vector<1x16xf32> to vector<16xf32>
    %swap3A_325 = vector.shape_cast %broadcast_in_dim3A_319 : vector<16xf32> to vector<1x16xf32>
    tpu.vector_store %arg9[%swap3A_321, %swap3A_322], %swap3A_325 {strides = array<i32>} : memref<16x64xf32, #tpu.memory_space<vmem>>, vector<1x16xf32>,
    %broadcast_in_dim3A_326 = arith.constant 0.000000e+00 : f32
    %broadcast_in_dim3A_327 = vector.broadcast %broadcast_in_dim3A_326 : f32 to vector<16xf32>
    %swap3A_328 = arith.constant 10 : i32
    %swap3A_329 = arith.index_cast %swap3A_328 : i32 to index
    %swap3A_330 = arith.constant 16 : index
    %swap3A_331 = tpu.vector_load %arg9[%swap3A_329, %swap3A_330] {strides = array<i32>} : memref<16x64xf32, #tpu.memory_space<vmem>>, vector<1x16xf32>,
    %swap3A_332 = vector.shape_cast %swap3A_331 : vector<1x16xf32> to vector<16xf32>
    %swap3A_333 = vector.shape_cast %broadcast_in_dim3A_327 : vector<16xf32> to vector<1x16xf32>
    tpu.vector_store %arg9[%swap3A_329, %swap3A_330], %swap3A_333 {strides = array<i32>} : memref<16x64xf32, #tpu.memory_space<vmem>>, vector<1x16xf32>,
    %broadcast_in_dim3A_334 = arith.constant 0.000000e+00 : f32
    %broadcast_in_dim3A_335 = vector.broadcast %broadcast_in_dim3A_334 : f32 to vector<16xf32>
    %swap3A_336 = arith.constant 10 : i32
    %swap3A_337 = arith.index_cast %swap3A_336 : i32 to index
    %swap3A_338 = arith.constant 32 : index
    %swap3A_339 = tpu.vector_load %arg9[%swap3A_337, %swap3A_338] {strides = array<i32>} : memref<16x64xf32, #tpu.memory_space<vmem>>, vector<1x16xf32>,
    %swap3A_340 = vector.shape_cast %swap3A_339 : vector<1x16xf32> to vector<16xf32>
    %swap3A_341 = vector.shape_cast %broadcast_in_dim3A_335 : vector<16xf32> to vector<1x16xf32>
    tpu.vector_store %arg9[%swap3A_337, %swap3A_338], %swap3A_341 {strides = array<i32>} : memref<16x64xf32, #tpu.memory_space<vmem>>, vector<1x16xf32>,
    %broadcast_in_dim3A_342 = arith.constant 0.000000e+00 : f32
    %broadcast_in_dim3A_343 = vector.broadcast %broadcast_in_dim3A_342 : f32 to vector<16xf32>
    %swap3A_344 = arith.constant 10 : i32
    %swap3A_345 = arith.index_cast %swap3A_344 : i32 to index
    %swap3A_346 = arith.constant 48 : index
    %swap3A_347 = tpu.vector_load %arg9[%swap3A_345, %swap3A_346] {strides = array<i32>} : memref<16x64xf32, #tpu.memory_space<vmem>>, vector<1x16xf32>,
    %swap3A_348 = vector.shape_cast %swap3A_347 : vector<1x16xf32> to vector<16xf32>
    %swap3A_349 = vector.shape_cast %broadcast_in_dim3A_343 : vector<16xf32> to vector<1x16xf32>
    tpu.vector_store %arg9[%swap3A_345, %swap3A_346], %swap3A_349 {strides = array<i32>} : memref<16x64xf32, #tpu.memory_space<vmem>>, vector<1x16xf32>,
    %broadcast_in_dim3A_350 = arith.constant 0.000000e+00 : f32
    %broadcast_in_dim3A_351 = vector.broadcast %broadcast_in_dim3A_350 : f32 to vector<16xf32>
    %swap3A_352 = arith.constant 11 : i32
    %swap3A_353 = arith.index_cast %swap3A_352 : i32 to index
    %swap3A_354 = arith.constant 0 : index
    %swap3A_355 = tpu.vector_load %arg9[%swap3A_353, %swap3A_354] {strides = array<i32>} : memref<16x64xf32, #tpu.memory_space<vmem>>, vector<1x16xf32>,
    %swap3A_356 = vector.shape_cast %swap3A_355 : vector<1x16xf32> to vector<16xf32>
    %swap3A_357 = vector.shape_cast %broadcast_in_dim3A_351 : vector<16xf32> to vector<1x16xf32>
    tpu.vector_store %arg9[%swap3A_353, %swap3A_354], %swap3A_357 {strides = array<i32>} : memref<16x64xf32, #tpu.memory_space<vmem>>, vector<1x16xf32>,
    %broadcast_in_dim3A_358 = arith.constant 0.000000e+00 : f32
    %broadcast_in_dim3A_359 = vector.broadcast %broadcast_in_dim3A_358 : f32 to vector<16xf32>
    %swap3A_360 = arith.constant 11 : i32
    %swap3A_361 = arith.index_cast %swap3A_360 : i32 to index
    %swap3A_362 = arith.constant 16 : index
    %swap3A_363 = tpu.vector_load %arg9[%swap3A_361, %swap3A_362] {strides = array<i32>} : memref<16x64xf32, #tpu.memory_space<vmem>>, vector<1x16xf32>,
    %swap3A_364 = vector.shape_cast %swap3A_363 : vector<1x16xf32> to vector<16xf32>
    %swap3A_365 = vector.shape_cast %broadcast_in_dim3A_359 : vector<16xf32> to vector<1x16xf32>
    tpu.vector_store %arg9[%swap3A_361, %swap3A_362], %swap3A_365 {strides = array<i32>} : memref<16x64xf32, #tpu.memory_space<vmem>>, vector<1x16xf32>,
    %broadcast_in_dim3A_366 = arith.constant 0.000000e+00 : f32
    %broadcast_in_dim3A_367 = vector.broadcast %broadcast_in_dim3A_366 : f32 to vector<16xf32>
    %swap3A_368 = arith.constant 11 : i32
    %swap3A_369 = arith.index_cast %swap3A_368 : i32 to index
    %swap3A_370 = arith.constant 32 : index
    %swap3A_371 = tpu.vector_load %arg9[%swap3A_369, %swap3A_370] {strides = array<i32>} : memref<16x64xf32, #tpu.memory_space<vmem>>, vector<1x16xf32>,
    %swap3A_372 = vector.shape_cast %swap3A_371 : vector<1x16xf32> to vector<16xf32>
    %swap3A_373 = vector.shape_cast %broadcast_in_dim3A_367 : vector<16xf32> to vector<1x16xf32>
    tpu.vector_store %arg9[%swap3A_369, %swap3A_370], %swap3A_373 {strides = array<i32>} : memref<16x64xf32, #tpu.memory_space<vmem>>, vector<1x16xf32>,
    %broadcast_in_dim3A_374 = arith.constant 0.000000e+00 : f32
    %broadcast_in_dim3A_375 = vector.broadcast %broadcast_in_dim3A_374 : f32 to vector<16xf32>
    %swap3A_376 = arith.constant 11 : i32
    %swap3A_377 = arith.index_cast %swap3A_376 : i32 to index
    %swap3A_378 = arith.constant 48 : index
    %swap3A_379 = tpu.vector_load %arg9[%swap3A_377, %swap3A_378] {strides = array<i32>} : memref<16x64xf32, #tpu.memory_space<vmem>>, vector<1x16xf32>,
    %swap3A_380 = vector.shape_cast %swap3A_379 : vector<1x16xf32> to vector<16xf32>
    %swap3A_381 = vector.shape_cast %broadcast_in_dim3A_375 : vector<16xf32> to vector<1x16xf32>
    tpu.vector_store %arg9[%swap3A_377, %swap3A_378], %swap3A_381 {strides = array<i32>} : memref<16x64xf32, #tpu.memory_space<vmem>>, vector<1x16xf32>,
    %broadcast_in_dim3A_382 = arith.constant 0.000000e+00 : f32
    %broadcast_in_dim3A_383 = vector.broadcast %broadcast_in_dim3A_382 : f32 to vector<16xf32>
    %swap3A_384 = arith.constant 12 : i32
    %swap3A_385 = arith.index_cast %swap3A_384 : i32 to index
    %swap3A_386 = arith.constant 0 : index
    %swap3A_387 = tpu.vector_load %arg9[%swap3A_385, %swap3A_386] {strides = array<i32>} : memref<16x64xf32, #tpu.memory_space<vmem>>, vector<1x16xf32>,
    %swap3A_388 = vector.shape_cast %swap3A_387 : vector<1x16xf32> to vector<16xf32>
    %swap3A_389 = vector.shape_cast %broadcast_in_dim3A_383 : vector<16xf32> to vector<1x16xf32>
    tpu.vector_store %arg9[%swap3A_385, %swap3A_386], %swap3A_389 {strides = array<i32>} : memref<16x64xf32, #tpu.memory_space<vmem>>, vector<1x16xf32>,
    %broadcast_in_dim3A_390 = arith.constant 0.000000e+00 : f32
    %broadcast_in_dim3A_391 = vector.broadcast %broadcast_in_dim3A_390 : f32 to vector<16xf32>
    %swap3A_392 = arith.constant 12 : i32
    %swap3A_393 = arith.index_cast %swap3A_392 : i32 to index
    %swap3A_394 = arith.constant 16 : index
    %swap3A_395 = tpu.vector_load %arg9[%swap3A_393, %swap3A_394] {strides = array<i32>} : memref<16x64xf32, #tpu.memory_space<vmem>>, vector<1x16xf32>,
    %swap3A_396 = vector.shape_cast %swap3A_395 : vector<1x16xf32> to vector<16xf32>
    %swap3A_397 = vector.shape_cast %broadcast_in_dim3A_391 : vector<16xf32> to vector<1x16xf32>
    tpu.vector_store %arg9[%swap3A_393, %swap3A_394], %swap3A_397 {strides = array<i32>} : memref<16x64xf32, #tpu.memory_space<vmem>>, vector<1x16xf32>,
    %broadcast_in_dim3A_398 = arith.constant 0.000000e+00 : f32
    %broadcast_in_dim3A_399 = vector.broadcast %broadcast_in_dim3A_398 : f32 to vector<16xf32>
    %swap3A_400 = arith.constant 12 : i32
    %swap3A_401 = arith.index_cast %swap3A_400 : i32 to index
    %swap3A_402 = arith.constant 32 : index
    %swap3A_403 = tpu.vector_load %arg9[%swap3A_401, %swap3A_402] {strides = array<i32>} : memref<16x64xf32, #tpu.memory_space<vmem>>, vector<1x16xf32>,
    %swap3A_404 = vector.shape_cast %swap3A_403 : vector<1x16xf32> to vector<16xf32>
    %swap3A_405 = vector.shape_cast %broadcast_in_dim3A_399 : vector<16xf32> to vector<1x16xf32>
    tpu.vector_store %arg9[%swap3A_401, %swap3A_402], %swap3A_405 {strides = array<i32>} : memref<16x64xf32, #tpu.memory_space<vmem>>, vector<1x16xf32>,
    %broadcast_in_dim3A_406 = arith.constant 0.000000e+00 : f32
    %broadcast_in_dim3A_407 = vector.broadcast %broadcast_in_dim3A_406 : f32 to vector<16xf32>
    %swap3A_408 = arith.constant 12 : i32
    %swap3A_409 = arith.index_cast %swap3A_408 : i32 to index
    %swap3A_410 = arith.constant 48 : index
    %swap3A_411 = tpu.vector_load %arg9[%swap3A_409, %swap3A_410] {strides = array<i32>} : memref<16x64xf32, #tpu.memory_space<vmem>>, vector<1x16xf32>,
    %swap3A_412 = vector.shape_cast %swap3A_411 : vector<1x16xf32> to vector<16xf32>
    %swap3A_413 = vector.shape_cast %broadcast_in_dim3A_407 : vector<16xf32> to vector<1x16xf32>
    tpu.vector_store %arg9[%swap3A_409, %swap3A_410], %swap3A_413 {strides = array<i32>} : memref<16x64xf32, #tpu.memory_space<vmem>>, vector<1x16xf32>,
    %broadcast_in_dim3A_414 = arith.constant 0.000000e+00 : f32
    %broadcast_in_dim3A_415 = vector.broadcast %broadcast_in_dim3A_414 : f32 to vector<16xf32>
    %swap3A_416 = arith.constant 13 : i32
    %swap3A_417 = arith.index_cast %swap3A_416 : i32 to index
    %swap3A_418 = arith.constant 0 : index
    %swap3A_419 = tpu.vector_load %arg9[%swap3A_417, %swap3A_418] {strides = array<i32>} : memref<16x64xf32, #tpu.memory_space<vmem>>, vector<1x16xf32>,
    %swap3A_420 = vector.shape_cast %swap3A_419 : vector<1x16xf32> to vector<16xf32>
    %swap3A_421 = vector.shape_cast %broadcast_in_dim3A_415 : vector<16xf32> to vector<1x16xf32>
    tpu.vector_store %arg9[%swap3A_417, %swap3A_418], %swap3A_421 {strides = array<i32>} : memref<16x64xf32, #tpu.memory_space<vmem>>, vector<1x16xf32>,
    %broadcast_in_dim3A_422 = arith.constant 0.000000e+00 : f32
    %broadcast_in_dim3A_423 = vector.broadcast %broadcast_in_dim3A_422 : f32 to vector<16xf32>
    %swap3A_424 = arith.constant 13 : i32
    %swap3A_425 = arith.index_cast %swap3A_424 : i32 to index
    %swap3A_426 = arith.constant 16 : index
    %swap3A_427 = tpu.vector_load %arg9[%swap3A_425, %swap3A_426] {strides = array<i32>} : memref<16x64xf32, #tpu.memory_space<vmem>>, vector<1x16xf32>,
    %swap3A_428 = vector.shape_cast %swap3A_427 : vector<1x16xf32> to vector<16xf32>
    %swap3A_429 = vector.shape_cast %broadcast_in_dim3A_423 : vector<16xf32> to vector<1x16xf32>
    tpu.vector_store %arg9[%swap3A_425, %swap3A_426], %swap3A_429 {strides = array<i32>} : memref<16x64xf32, #tpu.memory_space<vmem>>, vector<1x16xf32>,
    %broadcast_in_dim3A_430 = arith.constant 0.000000e+00 : f32
    %broadcast_in_dim3A_431 = vector.broadcast %broadcast_in_dim3A_430 : f32 to vector<16xf32>
    %swap3A_432 = arith.constant 13 : i32
    %swap3A_433 = arith.index_cast %swap3A_432 : i32 to index
    %swap3A_434 = arith.constant 32 : index
    %swap3A_435 = tpu.vector_load %arg9[%swap3A_433, %swap3A_434] {strides = array<i32>} : memref<16x64xf32, #tpu.memory_space<vmem>>, vector<1x16xf32>,
    %swap3A_436 = vector.shape_cast %swap3A_435 : vector<1x16xf32> to vector<16xf32>
    %swap3A_437 = vector.shape_cast %broadcast_in_dim3A_431 : vector<16xf32> to vector<1x16xf32>
    tpu.vector_store %arg9[%swap3A_433, %swap3A_434], %swap3A_437 {strides = array<i32>} : memref<16x64xf32, #tpu.memory_space<vmem>>, vector<1x16xf32>,
    %broadcast_in_dim3A_438 = arith.constant 0.000000e+00 : f32
    %broadcast_in_dim3A_439 = vector.broadcast %broadcast_in_dim3A_438 : f32 to vector<16xf32>
    %swap3A_440 = arith.constant 13 : i32
    %swap3A_441 = arith.index_cast %swap3A_440 : i32 to index
    %swap3A_442 = arith.constant 48 : index
    %swap3A_443 = tpu.vector_load %arg9[%swap3A_441, %swap3A_442] {strides = array<i32>} : memref<16x64xf32, #tpu.memory_space<vmem>>, vector<1x16xf32>,
    %swap3A_444 = vector.shape_cast %swap3A_443 : vector<1x16xf32> to vector<16xf32>
    %swap3A_445 = vector.shape_cast %broadcast_in_dim3A_439 : vector<16xf32> to vector<1x16xf32>
    tpu.vector_store %arg9[%swap3A_441, %swap3A_442], %swap3A_445 {strides = array<i32>} : memref<16x64xf32, #tpu.memory_space<vmem>>, vector<1x16xf32>,
    %broadcast_in_dim3A_446 = arith.constant 0.000000e+00 : f32
    %broadcast_in_dim3A_447 = vector.broadcast %broadcast_in_dim3A_446 : f32 to vector<16xf32>
    %swap3A_448 = arith.constant 14 : i32
    %swap3A_449 = arith.index_cast %swap3A_448 : i32 to index
    %swap3A_450 = arith.constant 0 : index
    %swap3A_451 = tpu.vector_load %arg9[%swap3A_449, %swap3A_450] {strides = array<i32>} : memref<16x64xf32, #tpu.memory_space<vmem>>, vector<1x16xf32>,
    %swap3A_452 = vector.shape_cast %swap3A_451 : vector<1x16xf32> to vector<16xf32>
    %swap3A_453 = vector.shape_cast %broadcast_in_dim3A_447 : vector<16xf32> to vector<1x16xf32>
    tpu.vector_store %arg9[%swap3A_449, %swap3A_450], %swap3A_453 {strides = array<i32>} : memref<16x64xf32, #tpu.memory_space<vmem>>, vector<1x16xf32>,
    %broadcast_in_dim3A_454 = arith.constant 0.000000e+00 : f32
    %broadcast_in_dim3A_455 = vector.broadcast %broadcast_in_dim3A_454 : f32 to vector<16xf32>
    %swap3A_456 = arith.constant 14 : i32
    %swap3A_457 = arith.index_cast %swap3A_456 : i32 to index
    %swap3A_458 = arith.constant 16 : index
    %swap3A_459 = tpu.vector_load %arg9[%swap3A_457, %swap3A_458] {strides = array<i32>} : memref<16x64xf32, #tpu.memory_space<vmem>>, vector<1x16xf32>,
    %swap3A_460 = vector.shape_cast %swap3A_459 : vector<1x16xf32> to vector<16xf32>
    %swap3A_461 = vector.shape_cast %broadcast_in_dim3A_455 : vector<16xf32> to vector<1x16xf32>
    tpu.vector_store %arg9[%swap3A_457, %swap3A_458], %swap3A_461 {strides = array<i32>} : memref<16x64xf32, #tpu.memory_space<vmem>>, vector<1x16xf32>,
    %broadcast_in_dim3A_462 = arith.constant 0.000000e+00 : f32
    %broadcast_in_dim3A_463 = vector.broadcast %broadcast_in_dim3A_462 : f32 to vector<16xf32>
    %swap3A_464 = arith.constant 14 : i32
    %swap3A_465 = arith.index_cast %swap3A_464 : i32 to index
    %swap3A_466 = arith.constant 32 : index
    %swap3A_467 = tpu.vector_load %arg9[%swap3A_465, %swap3A_466] {strides = array<i32>} : memref<16x64xf32, #tpu.memory_space<vmem>>, vector<1x16xf32>,
    %swap3A_468 = vector.shape_cast %swap3A_467 : vector<1x16xf32> to vector<16xf32>
    %swap3A_469 = vector.shape_cast %broadcast_in_dim3A_463 : vector<16xf32> to vector<1x16xf32>
    tpu.vector_store %arg9[%swap3A_465, %swap3A_466], %swap3A_469 {strides = array<i32>} : memref<16x64xf32, #tpu.memory_space<vmem>>, vector<1x16xf32>,
    %broadcast_in_dim3A_470 = arith.constant 0.000000e+00 : f32
    %broadcast_in_dim3A_471 = vector.broadcast %broadcast_in_dim3A_470 : f32 to vector<16xf32>
    %swap3A_472 = arith.constant 14 : i32
    %swap3A_473 = arith.index_cast %swap3A_472 : i32 to index
    %swap3A_474 = arith.constant 48 : index
    %swap3A_475 = tpu.vector_load %arg9[%swap3A_473, %swap3A_474] {strides = array<i32>} : memref<16x64xf32, #tpu.memory_space<vmem>>, vector<1x16xf32>,
    %swap3A_476 = vector.shape_cast %swap3A_475 : vector<1x16xf32> to vector<16xf32>
    %swap3A_477 = vector.shape_cast %broadcast_in_dim3A_471 : vector<16xf32> to vector<1x16xf32>
    tpu.vector_store %arg9[%swap3A_473, %swap3A_474], %swap3A_477 {strides = array<i32>} : memref<16x64xf32, #tpu.memory_space<vmem>>, vector<1x16xf32>,
    %broadcast_in_dim3A_478 = arith.constant 0.000000e+00 : f32
    %broadcast_in_dim3A_479 = vector.broadcast %broadcast_in_dim3A_478 : f32 to vector<16xf32>
    %swap3A_480 = arith.constant 15 : i32
    %swap3A_481 = arith.index_cast %swap3A_480 : i32 to index
    %swap3A_482 = arith.constant 0 : index
    %swap3A_483 = tpu.vector_load %arg9[%swap3A_481, %swap3A_482] {strides = array<i32>} : memref<16x64xf32, #tpu.memory_space<vmem>>, vector<1x16xf32>,
    %swap3A_484 = vector.shape_cast %swap3A_483 : vector<1x16xf32> to vector<16xf32>
    %swap3A_485 = vector.shape_cast %broadcast_in_dim3A_479 : vector<16xf32> to vector<1x16xf32>
    tpu.vector_store %arg9[%swap3A_481, %swap3A_482], %swap3A_485 {strides = array<i32>} : memref<16x64xf32, #tpu.memory_space<vmem>>, vector<1x16xf32>,
    %broadcast_in_dim3A_486 = arith.constant 0.000000e+00 : f32
    %broadcast_in_dim3A_487 = vector.broadcast %broadcast_in_dim3A_486 : f32 to vector<16xf32>
    %swap3A_488 = arith.constant 15 : i32
    %swap3A_489 = arith.index_cast %swap3A_488 : i32 to index
    %swap3A_490 = arith.constant 16 : index
    %swap3A_491 = tpu.vector_load %arg9[%swap3A_489, %swap3A_490] {strides = array<i32>} : memref<16x64xf32, #tpu.memory_space<vmem>>, vector<1x16xf32>,
    %swap3A_492 = vector.shape_cast %swap3A_491 : vector<1x16xf32> to vector<16xf32>
    %swap3A_493 = vector.shape_cast %broadcast_in_dim3A_487 : vector<16xf32> to vector<1x16xf32>
    tpu.vector_store %arg9[%swap3A_489, %swap3A_490], %swap3A_493 {strides = array<i32>} : memref<16x64xf32, #tpu.memory_space<vmem>>, vector<1x16xf32>,
    %broadcast_in_dim3A_494 = arith.constant 0.000000e+00 : f32
    %broadcast_in_dim3A_495 = vector.broadcast %broadcast_in_dim3A_494 : f32 to vector<16xf32>
    %swap3A_496 = arith.constant 15 : i32
    %swap3A_497 = arith.index_cast %swap3A_496 : i32 to index
    %swap3A_498 = arith.constant 32 : index
    %swap3A_499 = tpu.vector_load %arg9[%swap3A_497, %swap3A_498] {strides = array<i32>} : memref<16x64xf32, #tpu.memory_space<vmem>>, vector<1x16xf32>,
    %swap3A_500 = vector.shape_cast %swap3A_499 : vector<1x16xf32> to vector<16xf32>
    %swap3A_501 = vector.shape_cast %broadcast_in_dim3A_495 : vector<16xf32> to vector<1x16xf32>
    tpu.vector_store %arg9[%swap3A_497, %swap3A_498], %swap3A_501 {strides = array<i32>} : memref<16x64xf32, #tpu.memory_space<vmem>>, vector<1x16xf32>,
    %broadcast_in_dim3A_502 = arith.constant 0.000000e+00 : f32
    %broadcast_in_dim3A_503 = vector.broadcast %broadcast_in_dim3A_502 : f32 to vector<16xf32>
    %swap3A_504 = arith.constant 15 : i32
    %swap3A_505 = arith.index_cast %swap3A_504 : i32 to index
    %swap3A_506 = arith.constant 48 : index
    %swap3A_507 = tpu.vector_load %arg9[%swap3A_505, %swap3A_506] {strides = array<i32>} : memref<16x64xf32, #tpu.memory_space<vmem>>, vector<1x16xf32>,
    %swap3A_508 = vector.shape_cast %swap3A_507 : vector<1x16xf32> to vector<16xf32>
    %swap3A_509 = vector.shape_cast %broadcast_in_dim3A_503 : vector<16xf32> to vector<1x16xf32>
    tpu.vector_store %arg9[%swap3A_505, %swap3A_506], %swap3A_509 {strides = array<i32>} : memref<16x64xf32, #tpu.memory_space<vmem>>, vector<1x16xf32>,
    %scan3A = arith.constant 0 : i32
    %scan3A_510 = arith.constant 0 : i32
    %scan3A_511 = arith.constant 40 : i32
    %scan3A_512 = arith.addi %scan3A_510, %scan3A_511 : i32
    %scan3A_513 = arith.constant 1 : i32
    scf.for %scan3A_629 = %scan3A_510 to %scan3A_512 step %scan3A_513  : i32 {
      %mul3A_630 = arith.constant 640 : i32
      %mul3A_631 = arith.muli %arg1, %mul3A_630 : i32
      %mul3A_632 = arith.constant 16 : i32
      %mul3A_633 = arith.muli %scan3A_629, %mul3A_632 : i32
      %add3A = arith.addi %mul3A_631, %mul3A_633 : i32
      "tpu.region"() ({
        %run_scoped3A = tpu.sem_alloc : memref<!tpu.dma_semaphore, #tpu.memory_space<semaphore_mem>>
        %dma_start3A_634 = arith.constant 0 : i32
        %dma_start3A_635 = tpu.memref_slice %arg10[%add3A, %dma_start3A_634] : memref<10240x64xf32, #tpu.memory_space<vmem_shared>> -> memref<16x64xf32, #tpu.memory_space<vmem_shared>>
        %dma_start3A_636 = arith.constant 0 : i32
        %dma_start3A_637 = tpu.memref_slice %arg10[%add3A, %dma_start3A_636] : memref<10240x64xf32, #tpu.memory_space<vmem_shared>> -> memref<16x64xf32, #tpu.memory_space<vmem_shared>>
        tpu.enqueue_dma source(%arg9 : memref<16x64xf32, #tpu.memory_space<vmem>>) target(%dma_start3A_637 : memref<16x64xf32, #tpu.memory_space<vmem_shared>>) target_semaphore(%run_scoped3A : memref<!tpu.dma_semaphore, #tpu.memory_space<semaphore_mem>>)
        %dma_wait3A_638 = arith.constant 0 : i32
        %dma_wait3A_639 = tpu.memref_slice %arg10[%add3A, %dma_wait3A_638] : memref<10240x64xf32, #tpu.memory_space<vmem_shared>> -> memref<16x64xf32, #tpu.memory_space<vmem_shared>>
        %dma_wait3A_640 = arith.constant 0 : i32
        %dma_wait3A_641 = tpu.memref_slice %arg10[%add3A, %dma_wait3A_640] : memref<10240x64xf32, #tpu.memory_space<vmem_shared>> -> memref<16x64xf32, #tpu.memory_space<vmem_shared>>
        tpu.wait_dma2 semaphore(%run_scoped3A : memref<!tpu.dma_semaphore, #tpu.memory_space<semaphore_mem>>) src(%arg9 : memref<16x64xf32, #tpu.memory_space<vmem>>) dst(%dma_wait3A_641 : memref<16x64xf32, #tpu.memory_space<vmem_shared>>)
        tpu.yield
      }) : () -> ()
    }
    %scan3A_514 = arith.constant 40 : i32
    %barrier3A = arith.constant 0 : index
    tpu.barrier barrier_id(%barrier3A)
    %dma_start3A = arith.constant 0 : i32
    %dma_start3A_515 = arith.constant 0 : i32
    %dma_start3A_516 = arith.constant 0 : i32
    %dma_start3A_517 = tpu.memref_slice %arg8[%dma_start3A_515, %dma_start3A_516] : memref<640x64xf32, #tpu.memory_space<vmem>> -> memref<128x64xf32, #tpu.memory_space<vmem>>
    %dma_start3A_518 = arith.constant 0 : i32
    %dma_start3A_519 = tpu.memref_slice %arg6[%dma_start3A, %dma_start3A_518] : memref<160x128xi32, #tpu.memory_space<vmem>> -> memref<1x128xi32, #tpu.memory_space<vmem>>
    %dma_start3A_520 = tpu.memref_squeeze %dma_start3A_519 : memref<1x128xi32, #tpu.memory_space<vmem>> -> memref<128xi32, #tpu.memory_space<vmem>>
    %dma_start3A_521 = arith.constant 0 : i32
    %dma_start3A_522 = arith.constant 0 : i32
    %dma_start3A_523 = tpu.memref_slice %arg2[%arg0, %dma_start3A_521, %dma_start3A_522] : memref<2x10240x64xf32, #tpu.memory_space<hbm>> -> memref<1x10240x64xf32, #tpu.memory_space<hbm>>
    %dma_start3A_524 = tpu.memref_squeeze %dma_start3A_523 : memref<1x10240x64xf32, #tpu.memory_space<hbm>> -> memref<10240x64xf32, #tpu.memory_space<hbm>>
    %dma_start3A_525 = arith.constant 0 : i32
    %dma_start3A_526 = arith.constant 0 : i32
    %dma_start3A_527 = tpu.memref_slice %dma_start3A_524[%dma_start3A_525, %dma_start3A_526] : memref<10240x64xf32, #tpu.memory_space<hbm>> -> memref<10240x64xf32, #tpu.memory_space<hbm>>
    tpu.enqueue_indirect_dma source(%dma_start3A_527 : memref<10240x64xf32, #tpu.memory_space<hbm>>) target(%dma_start3A_517 : memref<128x64xf32, #tpu.memory_space<vmem>>) offsets(%dma_start3A_520 : memref<128xi32, #tpu.memory_space<vmem>>) semaphore(%arg11 : memref<!tpu.dma_semaphore, #tpu.memory_space<semaphore_mem>>)
    %dma_start3A_528 = arith.constant 1 : i32
    %dma_start3A_529 = arith.constant 128 : i32
    %dma_start3A_530 = arith.constant 0 : i32
    %dma_start3A_531 = tpu.memref_slice %arg8[%dma_start3A_529, %dma_start3A_530] : memref<640x64xf32, #tpu.memory_space<vmem>> -> memref<128x64xf32, #tpu.memory_space<vmem>>
    %dma_start3A_532 = arith.constant 0 : i32
    %dma_start3A_533 = tpu.memref_slice %arg6[%dma_start3A_528, %dma_start3A_532] : memref<160x128xi32, #tpu.memory_space<vmem>> -> memref<1x128xi32, #tpu.memory_space<vmem>>
    %dma_start3A_534 = tpu.memref_squeeze %dma_start3A_533 : memref<1x128xi32, #tpu.memory_space<vmem>> -> memref<128xi32, #tpu.memory_space<vmem>>
    %dma_start3A_535 = arith.constant 0 : i32
    %dma_start3A_536 = arith.constant 0 : i32
    %dma_start3A_537 = tpu.memref_slice %arg2[%arg0, %dma_start3A_535, %dma_start3A_536] : memref<2x10240x64xf32, #tpu.memory_space<hbm>> -> memref<1x10240x64xf32, #tpu.memory_space<hbm>>
    %dma_start3A_538 = tpu.memref_squeeze %dma_start3A_537 : memref<1x10240x64xf32, #tpu.memory_space<hbm>> -> memref<10240x64xf32, #tpu.memory_space<hbm>>
    %dma_start3A_539 = arith.constant 0 : i32
    %dma_start3A_540 = arith.constant 0 : i32
    %dma_start3A_541 = tpu.memref_slice %dma_start3A_538[%dma_start3A_539, %dma_start3A_540] : memref<10240x64xf32, #tpu.memory_space<hbm>> -> memref<10240x64xf32, #tpu.memory_space<hbm>>
    tpu.enqueue_indirect_dma source(%dma_start3A_541 : memref<10240x64xf32, #tpu.memory_space<hbm>>) target(%dma_start3A_531 : memref<128x64xf32, #tpu.memory_space<vmem>>) offsets(%dma_start3A_534 : memref<128xi32, #tpu.memory_space<vmem>>) semaphore(%arg12 : memref<!tpu.dma_semaphore, #tpu.memory_space<semaphore_mem>>)
    %dma_start3A_542 = arith.constant 2 : i32
    %dma_start3A_543 = arith.constant 256 : i32
    %dma_start3A_544 = arith.constant 0 : i32
    %dma_start3A_545 = tpu.memref_slice %arg8[%dma_start3A_543, %dma_start3A_544] : memref<640x64xf32, #tpu.memory_space<vmem>> -> memref<128x64xf32, #tpu.memory_space<vmem>>
    %dma_start3A_546 = arith.constant 0 : i32
    %dma_start3A_547 = tpu.memref_slice %arg6[%dma_start3A_542, %dma_start3A_546] : memref<160x128xi32, #tpu.memory_space<vmem>> -> memref<1x128xi32, #tpu.memory_space<vmem>>
    %dma_start3A_548 = tpu.memref_squeeze %dma_start3A_547 : memref<1x128xi32, #tpu.memory_space<vmem>> -> memref<128xi32, #tpu.memory_space<vmem>>
    %dma_start3A_549 = arith.constant 0 : i32
    %dma_start3A_550 = arith.constant 0 : i32
    %dma_start3A_551 = tpu.memref_slice %arg2[%arg0, %dma_start3A_549, %dma_start3A_550] : memref<2x10240x64xf32, #tpu.memory_space<hbm>> -> memref<1x10240x64xf32, #tpu.memory_space<hbm>>
    %dma_start3A_552 = tpu.memref_squeeze %dma_start3A_551 : memref<1x10240x64xf32, #tpu.memory_space<hbm>> -> memref<10240x64xf32, #tpu.memory_space<hbm>>
    %dma_start3A_553 = arith.constant 0 : i32
    %dma_start3A_554 = arith.constant 0 : i32
    %dma_start3A_555 = tpu.memref_slice %dma_start3A_552[%dma_start3A_553, %dma_start3A_554] : memref<10240x64xf32, #tpu.memory_space<hbm>> -> memref<10240x64xf32, #tpu.memory_space<hbm>>
    tpu.enqueue_indirect_dma source(%dma_start3A_555 : memref<10240x64xf32, #tpu.memory_space<hbm>>) target(%dma_start3A_545 : memref<128x64xf32, #tpu.memory_space<vmem>>) offsets(%dma_start3A_548 : memref<128xi32, #tpu.memory_space<vmem>>) semaphore(%arg13 : memref<!tpu.dma_semaphore, #tpu.memory_space<semaphore_mem>>)
    %dma_start3A_556 = arith.constant 3 : i32
    %dma_start3A_557 = arith.constant 384 : i32
    %dma_start3A_558 = arith.constant 0 : i32
    %dma_start3A_559 = tpu.memref_slice %arg8[%dma_start3A_557, %dma_start3A_558] : memref<640x64xf32, #tpu.memory_space<vmem>> -> memref<128x64xf32, #tpu.memory_space<vmem>>
    %dma_start3A_560 = arith.constant 0 : i32
    %dma_start3A_561 = tpu.memref_slice %arg6[%dma_start3A_556, %dma_start3A_560] : memref<160x128xi32, #tpu.memory_space<vmem>> -> memref<1x128xi32, #tpu.memory_space<vmem>>
    %dma_start3A_562 = tpu.memref_squeeze %dma_start3A_561 : memref<1x128xi32, #tpu.memory_space<vmem>> -> memref<128xi32, #tpu.memory_space<vmem>>
    %dma_start3A_563 = arith.constant 0 : i32
    %dma_start3A_564 = arith.constant 0 : i32
    %dma_start3A_565 = tpu.memref_slice %arg2[%arg0, %dma_start3A_563, %dma_start3A_564] : memref<2x10240x64xf32, #tpu.memory_space<hbm>> -> memref<1x10240x64xf32, #tpu.memory_space<hbm>>
    %dma_start3A_566 = tpu.memref_squeeze %dma_start3A_565 : memref<1x10240x64xf32, #tpu.memory_space<hbm>> -> memref<10240x64xf32, #tpu.memory_space<hbm>>
    %dma_start3A_567 = arith.constant 0 : i32
    %dma_start3A_568 = arith.constant 0 : i32
    %dma_start3A_569 = tpu.memref_slice %dma_start3A_566[%dma_start3A_567, %dma_start3A_568] : memref<10240x64xf32, #tpu.memory_space<hbm>> -> memref<10240x64xf32, #tpu.memory_space<hbm>>
    tpu.enqueue_indirect_dma source(%dma_start3A_569 : memref<10240x64xf32, #tpu.memory_space<hbm>>) target(%dma_start3A_559 : memref<128x64xf32, #tpu.memory_space<vmem>>) offsets(%dma_start3A_562 : memref<128xi32, #tpu.memory_space<vmem>>) semaphore(%arg14 : memref<!tpu.dma_semaphore, #tpu.memory_space<semaphore_mem>>)
    %scan3A_570 = arith.constant 0 : i32
    %scan3A_571 = arith.constant 0 : i32
    %scan3A_572 = arith.constant 32 : i32
    %scan3A_573 = arith.addi %scan3A_571, %scan3A_572 : i32
    %scan3A_574 = arith.constant 1 : i32
    scf.for %scan3A_629 = %scan3A_571 to %scan3A_573 step %scan3A_574  : i32 {
      %mul3A_630 = arith.constant 5 : i32
      %mul3A_631 = arith.muli %scan3A_629, %mul3A_630 : i32
      %add3A = arith.constant 0 : i32
      %add3A_632 = arith.addi %mul3A_631, %add3A : i32
      %dma_wait3A_633 = arith.constant 0 : i32
      %dma_wait3A_634 = arith.constant 0 : i32
      %dma_wait3A_635 = tpu.memref_slice %arg8[%dma_wait3A_633, %dma_wait3A_634] : memref<640x64xf32, #tpu.memory_space<vmem>> -> memref<128x64xf32, #tpu.memory_space<vmem>>
      %dma_wait3A_636 = arith.constant 0 : i32
      %dma_wait3A_637 = tpu.memref_slice %arg6[%add3A_632, %dma_wait3A_636] : memref<160x128xi32, #tpu.memory_space<vmem>> -> memref<1x128xi32, #tpu.memory_space<vmem>>
      %dma_wait3A_638 = tpu.memref_squeeze %dma_wait3A_637 : memref<1x128xi32, #tpu.memory_space<vmem>> -> memref<128xi32, #tpu.memory_space<vmem>>
      %dma_wait3A_639 = arith.constant 0 : i32
      %dma_wait3A_640 = arith.constant 0 : i32
      %dma_wait3A_641 = tpu.memref_slice %arg2[%arg0, %dma_wait3A_639, %dma_wait3A_640] : memref<2x10240x64xf32, #tpu.memory_space<hbm>> -> memref<1x10240x64xf32, #tpu.memory_space<hbm>>
      %dma_wait3A_642 = tpu.memref_squeeze %dma_wait3A_641 : memref<1x10240x64xf32, #tpu.memory_space<hbm>> -> memref<10240x64xf32, #tpu.memory_space<hbm>>
      %dma_wait3A_643 = arith.constant 0 : i32
      %dma_wait3A_644 = arith.constant 0 : i32
      %dma_wait3A_645 = tpu.memref_slice %dma_wait3A_642[%dma_wait3A_643, %dma_wait3A_644] : memref<10240x64xf32, #tpu.memory_space<hbm>> -> memref<10240x64xf32, #tpu.memory_space<hbm>>
      tpu.wait_indirect_dma semaphore(%arg11 : memref<!tpu.dma_semaphore, #tpu.memory_space<semaphore_mem>>) src(%dma_wait3A_645 : memref<10240x64xf32, #tpu.memory_space<hbm>>) dst(%dma_wait3A_635 : memref<128x64xf32, #tpu.memory_space<vmem>>)
      %dma_start3A_646 = arith.constant 0 : i32
      %dma_start3A_647 = arith.constant 0 : i32
      %dma_start3A_648 = tpu.memref_slice %arg8[%dma_start3A_646, %dma_start3A_647] : memref<640x64xf32, #tpu.memory_space<vmem>> -> memref<128x64xf32, #tpu.memory_space<vmem>>
      %dma_start3A_649 = arith.constant 0 : i32
      %dma_start3A_650 = tpu.memref_slice %arg7[%add3A_632, %dma_start3A_649] : memref<160x128xi32, #tpu.memory_space<vmem>> -> memref<1x128xi32, #tpu.memory_space<vmem>>
      %dma_start3A_651 = tpu.memref_squeeze %dma_start3A_650 : memref<1x128xi32, #tpu.memory_space<vmem>> -> memref<128xi32, #tpu.memory_space<vmem>>
      %dma_start3A_652 = arith.constant 0 : i32
      %dma_start3A_653 = arith.constant 0 : i32
      %dma_start3A_654 = tpu.memref_slice %arg10[%dma_start3A_652, %dma_start3A_653] : memref<10240x64xf32, #tpu.memory_space<vmem_shared>> -> memref<10240x64xf32, #tpu.memory_space<vmem_shared>>
      tpu.enqueue_indirect_dma source(%dma_start3A_648 : memref<128x64xf32, #tpu.memory_space<vmem>>) target(%dma_start3A_654 : memref<10240x64xf32, #tpu.memory_space<vmem_shared>>) offsets(%dma_start3A_651 : memref<128xi32, #tpu.memory_space<vmem>>) semaphore(%arg16 : memref<!tpu.dma_semaphore, #tpu.memory_space<semaphore_mem>>) {add = true}
      %add3A_655 = arith.constant 4 : i32
      %add3A_656 = arith.addi %add3A_632, %add3A_655 : i32
      %lt3A = arith.constant 160 : i32
      %lt3A_657 = arith.cmpi slt, %add3A_656, %lt3A : i32
      %convert_element_type3A = arith.extui %lt3A_657 : i1 to i32
      %cond3A = arith.constant 0 : i32
      %cond3A_658 = arith.cmpi ne, %convert_element_type3A, %cond3A : i32
      scf.if %cond3A_658 {
        %ge3A = arith.constant 1 : i32
        %ge3A_791 = arith.cmpi sge, %add3A_632, %ge3A : i32
        %convert_element_type3A_792 = arith.extui %ge3A_791 : i1 to i32
        %cond3A_793 = arith.constant 0 : i32
        %cond3A_794 = arith.cmpi ne, %convert_element_type3A_792, %cond3A_793 : i32
        scf.if %cond3A_794 {
          %add3A_810 = arith.constant 4 : i32
          %add3A_811 = arith.addi %add3A_632, %add3A_810 : i32
          %sub3A = arith.constant 5 : i32
          %sub3A_812 = arith.subi %add3A_811, %sub3A : i32
          %dma_wait3A_813 = arith.constant 512 : i32
          %dma_wait3A_814 = arith.constant 0 : i32
          %dma_wait3A_815 = tpu.memref_slice %arg8[%dma_wait3A_813, %dma_wait3A_814] : memref<640x64xf32, #tpu.memory_space<vmem>> -> memref<128x64xf32, #tpu.memory_space<vmem>>
          %dma_wait3A_816 = arith.constant 0 : i32
          %dma_wait3A_817 = tpu.memref_slice %arg7[%sub3A_812, %dma_wait3A_816] : memref<160x128xi32, #tpu.memory_space<vmem>> -> memref<1x128xi32, #tpu.memory_space<vmem>>
          %dma_wait3A_818 = tpu.memref_squeeze %dma_wait3A_817 : memref<1x128xi32, #tpu.memory_space<vmem>> -> memref<128xi32, #tpu.memory_space<vmem>>
          %dma_wait3A_819 = arith.constant 0 : i32
          %dma_wait3A_820 = arith.constant 0 : i32
          %dma_wait3A_821 = tpu.memref_slice %arg10[%dma_wait3A_819, %dma_wait3A_820] : memref<10240x64xf32, #tpu.memory_space<vmem_shared>> -> memref<10240x64xf32, #tpu.memory_space<vmem_shared>>
          tpu.wait_indirect_dma semaphore(%arg20 : memref<!tpu.dma_semaphore, #tpu.memory_space<semaphore_mem>>) src(%dma_wait3A_815 : memref<128x64xf32, #tpu.memory_space<vmem>>) dst(%dma_wait3A_821 : memref<10240x64xf32, #tpu.memory_space<vmem_shared>>)
        } else {
        }
        %add3A_795 = arith.constant 4 : i32
        %add3A_796 = arith.addi %add3A_632, %add3A_795 : i32
        %dma_start3A_797 = arith.constant 512 : i32
        %dma_start3A_798 = arith.constant 0 : i32
        %dma_start3A_799 = tpu.memref_slice %arg8[%dma_start3A_797, %dma_start3A_798] : memref<640x64xf32, #tpu.memory_space<vmem>> -> memref<128x64xf32, #tpu.memory_space<vmem>>
        %dma_start3A_800 = arith.constant 0 : i32
        %dma_start3A_801 = tpu.memref_slice %arg6[%add3A_796, %dma_start3A_800] : memref<160x128xi32, #tpu.memory_space<vmem>> -> memref<1x128xi32, #tpu.memory_space<vmem>>
        %dma_start3A_802 = tpu.memref_squeeze %dma_start3A_801 : memref<1x128xi32, #tpu.memory_space<vmem>> -> memref<128xi32, #tpu.memory_space<vmem>>
        %dma_start3A_803 = arith.constant 0 : i32
        %dma_start3A_804 = arith.constant 0 : i32
        %dma_start3A_805 = tpu.memref_slice %arg2[%arg0, %dma_start3A_803, %dma_start3A_804] : memref<2x10240x64xf32, #tpu.memory_space<hbm>> -> memref<1x10240x64xf32, #tpu.memory_space<hbm>>
        %dma_start3A_806 = tpu.memref_squeeze %dma_start3A_805 : memref<1x10240x64xf32, #tpu.memory_space<hbm>> -> memref<10240x64xf32, #tpu.memory_space<hbm>>
        %dma_start3A_807 = arith.constant 0 : i32
        %dma_start3A_808 = arith.constant 0 : i32
        %dma_start3A_809 = tpu.memref_slice %dma_start3A_806[%dma_start3A_807, %dma_start3A_808] : memref<10240x64xf32, #tpu.memory_space<hbm>> -> memref<10240x64xf32, #tpu.memory_space<hbm>>
        tpu.enqueue_indirect_dma source(%dma_start3A_809 : memref<10240x64xf32, #tpu.memory_space<hbm>>) target(%dma_start3A_799 : memref<128x64xf32, #tpu.memory_space<vmem>>) offsets(%dma_start3A_802 : memref<128xi32, #tpu.memory_space<vmem>>) semaphore(%arg15 : memref<!tpu.dma_semaphore, #tpu.memory_space<semaphore_mem>>)
      } else {
      }
      %mul3A_659 = arith.constant 5 : i32
      %mul3A_660 = arith.muli %scan3A_629, %mul3A_659 : i32
      %add3A_661 = arith.constant 1 : i32
      %add3A_662 = arith.addi %mul3A_660, %add3A_661 : i32
      %dma_wait3A_663 = arith.constant 128 : i32
      %dma_wait3A_664 = arith.constant 0 : i32
      %dma_wait3A_665 = tpu.memref_slice %arg8[%dma_wait3A_663, %dma_wait3A_664] : memref<640x64xf32, #tpu.memory_space<vmem>> -> memref<128x64xf32, #tpu.memory_space<vmem>>
      %dma_wait3A_666 = arith.constant 0 : i32
      %dma_wait3A_667 = tpu.memref_slice %arg6[%add3A_662, %dma_wait3A_666] : memref<160x128xi32, #tpu.memory_space<vmem>> -> memref<1x128xi32, #tpu.memory_space<vmem>>
      %dma_wait3A_668 = tpu.memref_squeeze %dma_wait3A_667 : memref<1x128xi32, #tpu.memory_space<vmem>> -> memref<128xi32, #tpu.memory_space<vmem>>
      %dma_wait3A_669 = arith.constant 0 : i32
      %dma_wait3A_670 = arith.constant 0 : i32
      %dma_wait3A_671 = tpu.memref_slice %arg2[%arg0, %dma_wait3A_669, %dma_wait3A_670] : memref<2x10240x64xf32, #tpu.memory_space<hbm>> -> memref<1x10240x64xf32, #tpu.memory_space<hbm>>
      %dma_wait3A_672 = tpu.memref_squeeze %dma_wait3A_671 : memref<1x10240x64xf32, #tpu.memory_space<hbm>> -> memref<10240x64xf32, #tpu.memory_space<hbm>>
      %dma_wait3A_673 = arith.constant 0 : i32
      %dma_wait3A_674 = arith.constant 0 : i32
      %dma_wait3A_675 = tpu.memref_slice %dma_wait3A_672[%dma_wait3A_673, %dma_wait3A_674] : memref<10240x64xf32, #tpu.memory_space<hbm>> -> memref<10240x64xf32, #tpu.memory_space<hbm>>
      tpu.wait_indirect_dma semaphore(%arg12 : memref<!tpu.dma_semaphore, #tpu.memory_space<semaphore_mem>>) src(%dma_wait3A_675 : memref<10240x64xf32, #tpu.memory_space<hbm>>) dst(%dma_wait3A_665 : memref<128x64xf32, #tpu.memory_space<vmem>>)
      %dma_start3A_676 = arith.constant 128 : i32
      %dma_start3A_677 = arith.constant 0 : i32
      %dma_start3A_678 = tpu.memref_slice %arg8[%dma_start3A_676, %dma_start3A_677] : memref<640x64xf32, #tpu.memory_space<vmem>> -> memref<128x64xf32, #tpu.memory_space<vmem>>
      %dma_start3A_679 = arith.constant 0 : i32
      %dma_start3A_680 = tpu.memref_slice %arg7[%add3A_662, %dma_start3A_679] : memref<160x128xi32, #tpu.memory_space<vmem>> -> memref<1x128xi32, #tpu.memory_space<vmem>>
      %dma_start3A_681 = tpu.memref_squeeze %dma_start3A_680 : memref<1x128xi32, #tpu.memory_space<vmem>> -> memref<128xi32, #tpu.memory_space<vmem>>
      %dma_start3A_682 = arith.constant 0 : i32
      %dma_start3A_683 = arith.constant 0 : i32
      %dma_start3A_684 = tpu.memref_slice %arg10[%dma_start3A_682, %dma_start3A_683] : memref<10240x64xf32, #tpu.memory_space<vmem_shared>> -> memref<10240x64xf32, #tpu.memory_space<vmem_shared>>
      tpu.enqueue_indirect_dma source(%dma_start3A_678 : memref<128x64xf32, #tpu.memory_space<vmem>>) target(%dma_start3A_684 : memref<10240x64xf32, #tpu.memory_space<vmem_shared>>) offsets(%dma_start3A_681 : memref<128xi32, #tpu.memory_space<vmem>>) semaphore(%arg17 : memref<!tpu.dma_semaphore, #tpu.memory_space<semaphore_mem>>) {add = true}
      %add3A_685 = arith.constant 4 : i32
      %add3A_686 = arith.addi %add3A_662, %add3A_685 : i32
      %lt3A_687 = arith.constant 160 : i32
      %lt3A_688 = arith.cmpi slt, %add3A_686, %lt3A_687 : i32
      %convert_element_type3A_689 = arith.extui %lt3A_688 : i1 to i32
      %cond3A_690 = arith.constant 0 : i32
      %cond3A_691 = arith.cmpi ne, %convert_element_type3A_689, %cond3A_690 : i32
      scf.if %cond3A_691 {
        %ge3A = arith.constant 1 : i32
        %ge3A_791 = arith.cmpi sge, %add3A_662, %ge3A : i32
        %convert_element_type3A_792 = arith.extui %ge3A_791 : i1 to i32
        %cond3A_793 = arith.constant 0 : i32
        %cond3A_794 = arith.cmpi ne, %convert_element_type3A_792, %cond3A_793 : i32
        scf.if %cond3A_794 {
          %add3A_810 = arith.constant 4 : i32
          %add3A_811 = arith.addi %add3A_662, %add3A_810 : i32
          %sub3A = arith.constant 5 : i32
          %sub3A_812 = arith.subi %add3A_811, %sub3A : i32
          %dma_wait3A_813 = arith.constant 0 : i32
          %dma_wait3A_814 = arith.constant 0 : i32
          %dma_wait3A_815 = tpu.memref_slice %arg8[%dma_wait3A_813, %dma_wait3A_814] : memref<640x64xf32, #tpu.memory_space<vmem>> -> memref<128x64xf32, #tpu.memory_space<vmem>>
          %dma_wait3A_816 = arith.constant 0 : i32
          %dma_wait3A_817 = tpu.memref_slice %arg7[%sub3A_812, %dma_wait3A_816] : memref<160x128xi32, #tpu.memory_space<vmem>> -> memref<1x128xi32, #tpu.memory_space<vmem>>
          %dma_wait3A_818 = tpu.memref_squeeze %dma_wait3A_817 : memref<1x128xi32, #tpu.memory_space<vmem>> -> memref<128xi32, #tpu.memory_space<vmem>>
          %dma_wait3A_819 = arith.constant 0 : i32
          %dma_wait3A_820 = arith.constant 0 : i32
          %dma_wait3A_821 = tpu.memref_slice %arg10[%dma_wait3A_819, %dma_wait3A_820] : memref<10240x64xf32, #tpu.memory_space<vmem_shared>> -> memref<10240x64xf32, #tpu.memory_space<vmem_shared>>
          tpu.wait_indirect_dma semaphore(%arg16 : memref<!tpu.dma_semaphore, #tpu.memory_space<semaphore_mem>>) src(%dma_wait3A_815 : memref<128x64xf32, #tpu.memory_space<vmem>>) dst(%dma_wait3A_821 : memref<10240x64xf32, #tpu.memory_space<vmem_shared>>)
        } else {
        }
        %add3A_795 = arith.constant 4 : i32
        %add3A_796 = arith.addi %add3A_662, %add3A_795 : i32
        %dma_start3A_797 = arith.constant 0 : i32
        %dma_start3A_798 = arith.constant 0 : i32
        %dma_start3A_799 = tpu.memref_slice %arg8[%dma_start3A_797, %dma_start3A_798] : memref<640x64xf32, #tpu.memory_space<vmem>> -> memref<128x64xf32, #tpu.memory_space<vmem>>
        %dma_start3A_800 = arith.constant 0 : i32
        %dma_start3A_801 = tpu.memref_slice %arg6[%add3A_796, %dma_start3A_800] : memref<160x128xi32, #tpu.memory_space<vmem>> -> memref<1x128xi32, #tpu.memory_space<vmem>>
        %dma_start3A_802 = tpu.memref_squeeze %dma_start3A_801 : memref<1x128xi32, #tpu.memory_space<vmem>> -> memref<128xi32, #tpu.memory_space<vmem>>
        %dma_start3A_803 = arith.constant 0 : i32
        %dma_start3A_804 = arith.constant 0 : i32
        %dma_start3A_805 = tpu.memref_slice %arg2[%arg0, %dma_start3A_803, %dma_start3A_804] : memref<2x10240x64xf32, #tpu.memory_space<hbm>> -> memref<1x10240x64xf32, #tpu.memory_space<hbm>>
        %dma_start3A_806 = tpu.memref_squeeze %dma_start3A_805 : memref<1x10240x64xf32, #tpu.memory_space<hbm>> -> memref<10240x64xf32, #tpu.memory_space<hbm>>
        %dma_start3A_807 = arith.constant 0 : i32
        %dma_start3A_808 = arith.constant 0 : i32
        %dma_start3A_809 = tpu.memref_slice %dma_start3A_806[%dma_start3A_807, %dma_start3A_808] : memref<10240x64xf32, #tpu.memory_space<hbm>> -> memref<10240x64xf32, #tpu.memory_space<hbm>>
        tpu.enqueue_indirect_dma source(%dma_start3A_809 : memref<10240x64xf32, #tpu.memory_space<hbm>>) target(%dma_start3A_799 : memref<128x64xf32, #tpu.memory_space<vmem>>) offsets(%dma_start3A_802 : memref<128xi32, #tpu.memory_space<vmem>>) semaphore(%arg11 : memref<!tpu.dma_semaphore, #tpu.memory_space<semaphore_mem>>)
      } else {
      }
      %mul3A_692 = arith.constant 5 : i32
      %mul3A_693 = arith.muli %scan3A_629, %mul3A_692 : i32
      %add3A_694 = arith.constant 2 : i32
      %add3A_695 = arith.addi %mul3A_693, %add3A_694 : i32
      %dma_wait3A_696 = arith.constant 256 : i32
      %dma_wait3A_697 = arith.constant 0 : i32
      %dma_wait3A_698 = tpu.memref_slice %arg8[%dma_wait3A_696, %dma_wait3A_697] : memref<640x64xf32, #tpu.memory_space<vmem>> -> memref<128x64xf32, #tpu.memory_space<vmem>>
      %dma_wait3A_699 = arith.constant 0 : i32
      %dma_wait3A_700 = tpu.memref_slice %arg6[%add3A_695, %dma_wait3A_699] : memref<160x128xi32, #tpu.memory_space<vmem>> -> memref<1x128xi32, #tpu.memory_space<vmem>>
      %dma_wait3A_701 = tpu.memref_squeeze %dma_wait3A_700 : memref<1x128xi32, #tpu.memory_space<vmem>> -> memref<128xi32, #tpu.memory_space<vmem>>
      %dma_wait3A_702 = arith.constant 0 : i32
      %dma_wait3A_703 = arith.constant 0 : i32
      %dma_wait3A_704 = tpu.memref_slice %arg2[%arg0, %dma_wait3A_702, %dma_wait3A_703] : memref<2x10240x64xf32, #tpu.memory_space<hbm>> -> memref<1x10240x64xf32, #tpu.memory_space<hbm>>
      %dma_wait3A_705 = tpu.memref_squeeze %dma_wait3A_704 : memref<1x10240x64xf32, #tpu.memory_space<hbm>> -> memref<10240x64xf32, #tpu.memory_space<hbm>>
      %dma_wait3A_706 = arith.constant 0 : i32
      %dma_wait3A_707 = arith.constant 0 : i32
      %dma_wait3A_708 = tpu.memref_slice %dma_wait3A_705[%dma_wait3A_706, %dma_wait3A_707] : memref<10240x64xf32, #tpu.memory_space<hbm>> -> memref<10240x64xf32, #tpu.memory_space<hbm>>
      tpu.wait_indirect_dma semaphore(%arg13 : memref<!tpu.dma_semaphore, #tpu.memory_space<semaphore_mem>>) src(%dma_wait3A_708 : memref<10240x64xf32, #tpu.memory_space<hbm>>) dst(%dma_wait3A_698 : memref<128x64xf32, #tpu.memory_space<vmem>>)
      %dma_start3A_709 = arith.constant 256 : i32
      %dma_start3A_710 = arith.constant 0 : i32
      %dma_start3A_711 = tpu.memref_slice %arg8[%dma_start3A_709, %dma_start3A_710] : memref<640x64xf32, #tpu.memory_space<vmem>> -> memref<128x64xf32, #tpu.memory_space<vmem>>
      %dma_start3A_712 = arith.constant 0 : i32
      %dma_start3A_713 = tpu.memref_slice %arg7[%add3A_695, %dma_start3A_712] : memref<160x128xi32, #tpu.memory_space<vmem>> -> memref<1x128xi32, #tpu.memory_space<vmem>>
      %dma_start3A_714 = tpu.memref_squeeze %dma_start3A_713 : memref<1x128xi32, #tpu.memory_space<vmem>> -> memref<128xi32, #tpu.memory_space<vmem>>
      %dma_start3A_715 = arith.constant 0 : i32
      %dma_start3A_716 = arith.constant 0 : i32
      %dma_start3A_717 = tpu.memref_slice %arg10[%dma_start3A_715, %dma_start3A_716] : memref<10240x64xf32, #tpu.memory_space<vmem_shared>> -> memref<10240x64xf32, #tpu.memory_space<vmem_shared>>
      tpu.enqueue_indirect_dma source(%dma_start3A_711 : memref<128x64xf32, #tpu.memory_space<vmem>>) target(%dma_start3A_717 : memref<10240x64xf32, #tpu.memory_space<vmem_shared>>) offsets(%dma_start3A_714 : memref<128xi32, #tpu.memory_space<vmem>>) semaphore(%arg18 : memref<!tpu.dma_semaphore, #tpu.memory_space<semaphore_mem>>) {add = true}
      %add3A_718 = arith.constant 4 : i32
      %add3A_719 = arith.addi %add3A_695, %add3A_718 : i32
      %lt3A_720 = arith.constant 160 : i32
      %lt3A_721 = arith.cmpi slt, %add3A_719, %lt3A_720 : i32
      %convert_element_type3A_722 = arith.extui %lt3A_721 : i1 to i32
      %cond3A_723 = arith.constant 0 : i32
      %cond3A_724 = arith.cmpi ne, %convert_element_type3A_722, %cond3A_723 : i32
      scf.if %cond3A_724 {
        %ge3A = arith.constant 1 : i32
        %ge3A_791 = arith.cmpi sge, %add3A_695, %ge3A : i32
        %convert_element_type3A_792 = arith.extui %ge3A_791 : i1 to i32
        %cond3A_793 = arith.constant 0 : i32
        %cond3A_794 = arith.cmpi ne, %convert_element_type3A_792, %cond3A_793 : i32
        scf.if %cond3A_794 {
          %add3A_810 = arith.constant 4 : i32
          %add3A_811 = arith.addi %add3A_695, %add3A_810 : i32
          %sub3A = arith.constant 5 : i32
          %sub3A_812 = arith.subi %add3A_811, %sub3A : i32
          %dma_wait3A_813 = arith.constant 128 : i32
          %dma_wait3A_814 = arith.constant 0 : i32
          %dma_wait3A_815 = tpu.memref_slice %arg8[%dma_wait3A_813, %dma_wait3A_814] : memref<640x64xf32, #tpu.memory_space<vmem>> -> memref<128x64xf32, #tpu.memory_space<vmem>>
          %dma_wait3A_816 = arith.constant 0 : i32
          %dma_wait3A_817 = tpu.memref_slice %arg7[%sub3A_812, %dma_wait3A_816] : memref<160x128xi32, #tpu.memory_space<vmem>> -> memref<1x128xi32, #tpu.memory_space<vmem>>
          %dma_wait3A_818 = tpu.memref_squeeze %dma_wait3A_817 : memref<1x128xi32, #tpu.memory_space<vmem>> -> memref<128xi32, #tpu.memory_space<vmem>>
          %dma_wait3A_819 = arith.constant 0 : i32
          %dma_wait3A_820 = arith.constant 0 : i32
          %dma_wait3A_821 = tpu.memref_slice %arg10[%dma_wait3A_819, %dma_wait3A_820] : memref<10240x64xf32, #tpu.memory_space<vmem_shared>> -> memref<10240x64xf32, #tpu.memory_space<vmem_shared>>
          tpu.wait_indirect_dma semaphore(%arg17 : memref<!tpu.dma_semaphore, #tpu.memory_space<semaphore_mem>>) src(%dma_wait3A_815 : memref<128x64xf32, #tpu.memory_space<vmem>>) dst(%dma_wait3A_821 : memref<10240x64xf32, #tpu.memory_space<vmem_shared>>)
        } else {
        }
        %add3A_795 = arith.constant 4 : i32
        %add3A_796 = arith.addi %add3A_695, %add3A_795 : i32
        %dma_start3A_797 = arith.constant 128 : i32
        %dma_start3A_798 = arith.constant 0 : i32
        %dma_start3A_799 = tpu.memref_slice %arg8[%dma_start3A_797, %dma_start3A_798] : memref<640x64xf32, #tpu.memory_space<vmem>> -> memref<128x64xf32, #tpu.memory_space<vmem>>
        %dma_start3A_800 = arith.constant 0 : i32
        %dma_start3A_801 = tpu.memref_slice %arg6[%add3A_796, %dma_start3A_800] : memref<160x128xi32, #tpu.memory_space<vmem>> -> memref<1x128xi32, #tpu.memory_space<vmem>>
        %dma_start3A_802 = tpu.memref_squeeze %dma_start3A_801 : memref<1x128xi32, #tpu.memory_space<vmem>> -> memref<128xi32, #tpu.memory_space<vmem>>
        %dma_start3A_803 = arith.constant 0 : i32
        %dma_start3A_804 = arith.constant 0 : i32
        %dma_start3A_805 = tpu.memref_slice %arg2[%arg0, %dma_start3A_803, %dma_start3A_804] : memref<2x10240x64xf32, #tpu.memory_space<hbm>> -> memref<1x10240x64xf32, #tpu.memory_space<hbm>>
        %dma_start3A_806 = tpu.memref_squeeze %dma_start3A_805 : memref<1x10240x64xf32, #tpu.memory_space<hbm>> -> memref<10240x64xf32, #tpu.memory_space<hbm>>
        %dma_start3A_807 = arith.constant 0 : i32
        %dma_start3A_808 = arith.constant 0 : i32
        %dma_start3A_809 = tpu.memref_slice %dma_start3A_806[%dma_start3A_807, %dma_start3A_808] : memref<10240x64xf32, #tpu.memory_space<hbm>> -> memref<10240x64xf32, #tpu.memory_space<hbm>>
        tpu.enqueue_indirect_dma source(%dma_start3A_809 : memref<10240x64xf32, #tpu.memory_space<hbm>>) target(%dma_start3A_799 : memref<128x64xf32, #tpu.memory_space<vmem>>) offsets(%dma_start3A_802 : memref<128xi32, #tpu.memory_space<vmem>>) semaphore(%arg12 : memref<!tpu.dma_semaphore, #tpu.memory_space<semaphore_mem>>)
      } else {
      }
      %mul3A_725 = arith.constant 5 : i32
      %mul3A_726 = arith.muli %scan3A_629, %mul3A_725 : i32
      %add3A_727 = arith.constant 3 : i32
      %add3A_728 = arith.addi %mul3A_726, %add3A_727 : i32
      %dma_wait3A_729 = arith.constant 384 : i32
      %dma_wait3A_730 = arith.constant 0 : i32
      %dma_wait3A_731 = tpu.memref_slice %arg8[%dma_wait3A_729, %dma_wait3A_730] : memref<640x64xf32, #tpu.memory_space<vmem>> -> memref<128x64xf32, #tpu.memory_space<vmem>>
      %dma_wait3A_732 = arith.constant 0 : i32
      %dma_wait3A_733 = tpu.memref_slice %arg6[%add3A_728, %dma_wait3A_732] : memref<160x128xi32, #tpu.memory_space<vmem>> -> memref<1x128xi32, #tpu.memory_space<vmem>>
      %dma_wait3A_734 = tpu.memref_squeeze %dma_wait3A_733 : memref<1x128xi32, #tpu.memory_space<vmem>> -> memref<128xi32, #tpu.memory_space<vmem>>
      %dma_wait3A_735 = arith.constant 0 : i32
      %dma_wait3A_736 = arith.constant 0 : i32
      %dma_wait3A_737 = tpu.memref_slice %arg2[%arg0, %dma_wait3A_735, %dma_wait3A_736] : memref<2x10240x64xf32, #tpu.memory_space<hbm>> -> memref<1x10240x64xf32, #tpu.memory_space<hbm>>
      %dma_wait3A_738 = tpu.memref_squeeze %dma_wait3A_737 : memref<1x10240x64xf32, #tpu.memory_space<hbm>> -> memref<10240x64xf32, #tpu.memory_space<hbm>>
      %dma_wait3A_739 = arith.constant 0 : i32
      %dma_wait3A_740 = arith.constant 0 : i32
      %dma_wait3A_741 = tpu.memref_slice %dma_wait3A_738[%dma_wait3A_739, %dma_wait3A_740] : memref<10240x64xf32, #tpu.memory_space<hbm>> -> memref<10240x64xf32, #tpu.memory_space<hbm>>
      tpu.wait_indirect_dma semaphore(%arg14 : memref<!tpu.dma_semaphore, #tpu.memory_space<semaphore_mem>>) src(%dma_wait3A_741 : memref<10240x64xf32, #tpu.memory_space<hbm>>) dst(%dma_wait3A_731 : memref<128x64xf32, #tpu.memory_space<vmem>>)
      %dma_start3A_742 = arith.constant 384 : i32
      %dma_start3A_743 = arith.constant 0 : i32
      %dma_start3A_744 = tpu.memref_slice %arg8[%dma_start3A_742, %dma_start3A_743] : memref<640x64xf32, #tpu.memory_space<vmem>> -> memref<128x64xf32, #tpu.memory_space<vmem>>
      %dma_start3A_745 = arith.constant 0 : i32
      %dma_start3A_746 = tpu.memref_slice %arg7[%add3A_728, %dma_start3A_745] : memref<160x128xi32, #tpu.memory_space<vmem>> -> memref<1x128xi32, #tpu.memory_space<vmem>>
      %dma_start3A_747 = tpu.memref_squeeze %dma_start3A_746 : memref<1x128xi32, #tpu.memory_space<vmem>> -> memref<128xi32, #tpu.memory_space<vmem>>
      %dma_start3A_748 = arith.constant 0 : i32
      %dma_start3A_749 = arith.constant 0 : i32
      %dma_start3A_750 = tpu.memref_slice %arg10[%dma_start3A_748, %dma_start3A_749] : memref<10240x64xf32, #tpu.memory_space<vmem_shared>> -> memref<10240x64xf32, #tpu.memory_space<vmem_shared>>
      tpu.enqueue_indirect_dma source(%dma_start3A_744 : memref<128x64xf32, #tpu.memory_space<vmem>>) target(%dma_start3A_750 : memref<10240x64xf32, #tpu.memory_space<vmem_shared>>) offsets(%dma_start3A_747 : memref<128xi32, #tpu.memory_space<vmem>>) semaphore(%arg19 : memref<!tpu.dma_semaphore, #tpu.memory_space<semaphore_mem>>) {add = true}
      %add3A_751 = arith.constant 4 : i32
      %add3A_752 = arith.addi %add3A_728, %add3A_751 : i32
      %lt3A_753 = arith.constant 160 : i32
      %lt3A_754 = arith.cmpi slt, %add3A_752, %lt3A_753 : i32
      %convert_element_type3A_755 = arith.extui %lt3A_754 : i1 to i32
      %cond3A_756 = arith.constant 0 : i32
      %cond3A_757 = arith.cmpi ne, %convert_element_type3A_755, %cond3A_756 : i32
      scf.if %cond3A_757 {
        %ge3A = arith.constant 1 : i32
        %ge3A_791 = arith.cmpi sge, %add3A_728, %ge3A : i32
        %convert_element_type3A_792 = arith.extui %ge3A_791 : i1 to i32
        %cond3A_793 = arith.constant 0 : i32
        %cond3A_794 = arith.cmpi ne, %convert_element_type3A_792, %cond3A_793 : i32
        scf.if %cond3A_794 {
          %add3A_810 = arith.constant 4 : i32
          %add3A_811 = arith.addi %add3A_728, %add3A_810 : i32
          %sub3A = arith.constant 5 : i32
          %sub3A_812 = arith.subi %add3A_811, %sub3A : i32
          %dma_wait3A_813 = arith.constant 256 : i32
          %dma_wait3A_814 = arith.constant 0 : i32
          %dma_wait3A_815 = tpu.memref_slice %arg8[%dma_wait3A_813, %dma_wait3A_814] : memref<640x64xf32, #tpu.memory_space<vmem>> -> memref<128x64xf32, #tpu.memory_space<vmem>>
          %dma_wait3A_816 = arith.constant 0 : i32
          %dma_wait3A_817 = tpu.memref_slice %arg7[%sub3A_812, %dma_wait3A_816] : memref<160x128xi32, #tpu.memory_space<vmem>> -> memref<1x128xi32, #tpu.memory_space<vmem>>
          %dma_wait3A_818 = tpu.memref_squeeze %dma_wait3A_817 : memref<1x128xi32, #tpu.memory_space<vmem>> -> memref<128xi32, #tpu.memory_space<vmem>>
          %dma_wait3A_819 = arith.constant 0 : i32
          %dma_wait3A_820 = arith.constant 0 : i32
          %dma_wait3A_821 = tpu.memref_slice %arg10[%dma_wait3A_819, %dma_wait3A_820] : memref<10240x64xf32, #tpu.memory_space<vmem_shared>> -> memref<10240x64xf32, #tpu.memory_space<vmem_shared>>
          tpu.wait_indirect_dma semaphore(%arg18 : memref<!tpu.dma_semaphore, #tpu.memory_space<semaphore_mem>>) src(%dma_wait3A_815 : memref<128x64xf32, #tpu.memory_space<vmem>>) dst(%dma_wait3A_821 : memref<10240x64xf32, #tpu.memory_space<vmem_shared>>)
        } else {
        }
        %add3A_795 = arith.constant 4 : i32
        %add3A_796 = arith.addi %add3A_728, %add3A_795 : i32
        %dma_start3A_797 = arith.constant 256 : i32
        %dma_start3A_798 = arith.constant 0 : i32
        %dma_start3A_799 = tpu.memref_slice %arg8[%dma_start3A_797, %dma_start3A_798] : memref<640x64xf32, #tpu.memory_space<vmem>> -> memref<128x64xf32, #tpu.memory_space<vmem>>
        %dma_start3A_800 = arith.constant 0 : i32
        %dma_start3A_801 = tpu.memref_slice %arg6[%add3A_796, %dma_start3A_800] : memref<160x128xi32, #tpu.memory_space<vmem>> -> memref<1x128xi32, #tpu.memory_space<vmem>>
        %dma_start3A_802 = tpu.memref_squeeze %dma_start3A_801 : memref<1x128xi32, #tpu.memory_space<vmem>> -> memref<128xi32, #tpu.memory_space<vmem>>
        %dma_start3A_803 = arith.constant 0 : i32
        %dma_start3A_804 = arith.constant 0 : i32
        %dma_start3A_805 = tpu.memref_slice %arg2[%arg0, %dma_start3A_803, %dma_start3A_804] : memref<2x10240x64xf32, #tpu.memory_space<hbm>> -> memref<1x10240x64xf32, #tpu.memory_space<hbm>>
        %dma_start3A_806 = tpu.memref_squeeze %dma_start3A_805 : memref<1x10240x64xf32, #tpu.memory_space<hbm>> -> memref<10240x64xf32, #tpu.memory_space<hbm>>
        %dma_start3A_807 = arith.constant 0 : i32
        %dma_start3A_808 = arith.constant 0 : i32
        %dma_start3A_809 = tpu.memref_slice %dma_start3A_806[%dma_start3A_807, %dma_start3A_808] : memref<10240x64xf32, #tpu.memory_space<hbm>> -> memref<10240x64xf32, #tpu.memory_space<hbm>>
        tpu.enqueue_indirect_dma source(%dma_start3A_809 : memref<10240x64xf32, #tpu.memory_space<hbm>>) target(%dma_start3A_799 : memref<128x64xf32, #tpu.memory_space<vmem>>) offsets(%dma_start3A_802 : memref<128xi32, #tpu.memory_space<vmem>>) semaphore(%arg13 : memref<!tpu.dma_semaphore, #tpu.memory_space<semaphore_mem>>)
      } else {
      }
      %mul3A_758 = arith.constant 5 : i32
      %mul3A_759 = arith.muli %scan3A_629, %mul3A_758 : i32
      %add3A_760 = arith.constant 4 : i32
      %add3A_761 = arith.addi %mul3A_759, %add3A_760 : i32
      %dma_wait3A_762 = arith.constant 512 : i32
      %dma_wait3A_763 = arith.constant 0 : i32
      %dma_wait3A_764 = tpu.memref_slice %arg8[%dma_wait3A_762, %dma_wait3A_763] : memref<640x64xf32, #tpu.memory_space<vmem>> -> memref<128x64xf32, #tpu.memory_space<vmem>>
      %dma_wait3A_765 = arith.constant 0 : i32
      %dma_wait3A_766 = tpu.memref_slice %arg6[%add3A_761, %dma_wait3A_765] : memref<160x128xi32, #tpu.memory_space<vmem>> -> memref<1x128xi32, #tpu.memory_space<vmem>>
      %dma_wait3A_767 = tpu.memref_squeeze %dma_wait3A_766 : memref<1x128xi32, #tpu.memory_space<vmem>> -> memref<128xi32, #tpu.memory_space<vmem>>
      %dma_wait3A_768 = arith.constant 0 : i32
      %dma_wait3A_769 = arith.constant 0 : i32
      %dma_wait3A_770 = tpu.memref_slice %arg2[%arg0, %dma_wait3A_768, %dma_wait3A_769] : memref<2x10240x64xf32, #tpu.memory_space<hbm>> -> memref<1x10240x64xf32, #tpu.memory_space<hbm>>
      %dma_wait3A_771 = tpu.memref_squeeze %dma_wait3A_770 : memref<1x10240x64xf32, #tpu.memory_space<hbm>> -> memref<10240x64xf32, #tpu.memory_space<hbm>>
      %dma_wait3A_772 = arith.constant 0 : i32
      %dma_wait3A_773 = arith.constant 0 : i32
      %dma_wait3A_774 = tpu.memref_slice %dma_wait3A_771[%dma_wait3A_772, %dma_wait3A_773] : memref<10240x64xf32, #tpu.memory_space<hbm>> -> memref<10240x64xf32, #tpu.memory_space<hbm>>
      tpu.wait_indirect_dma semaphore(%arg15 : memref<!tpu.dma_semaphore, #tpu.memory_space<semaphore_mem>>) src(%dma_wait3A_774 : memref<10240x64xf32, #tpu.memory_space<hbm>>) dst(%dma_wait3A_764 : memref<128x64xf32, #tpu.memory_space<vmem>>)
      %dma_start3A_775 = arith.constant 512 : i32
      %dma_start3A_776 = arith.constant 0 : i32
      %dma_start3A_777 = tpu.memref_slice %arg8[%dma_start3A_775, %dma_start3A_776] : memref<640x64xf32, #tpu.memory_space<vmem>> -> memref<128x64xf32, #tpu.memory_space<vmem>>
      %dma_start3A_778 = arith.constant 0 : i32
      %dma_start3A_779 = tpu.memref_slice %arg7[%add3A_761, %dma_start3A_778] : memref<160x128xi32, #tpu.memory_space<vmem>> -> memref<1x128xi32, #tpu.memory_space<vmem>>
      %dma_start3A_780 = tpu.memref_squeeze %dma_start3A_779 : memref<1x128xi32, #tpu.memory_space<vmem>> -> memref<128xi32, #tpu.memory_space<vmem>>
      %dma_start3A_781 = arith.constant 0 : i32
      %dma_start3A_782 = arith.constant 0 : i32
      %dma_start3A_783 = tpu.memref_slice %arg10[%dma_start3A_781, %dma_start3A_782] : memref<10240x64xf32, #tpu.memory_space<vmem_shared>> -> memref<10240x64xf32, #tpu.memory_space<vmem_shared>>
      tpu.enqueue_indirect_dma source(%dma_start3A_777 : memref<128x64xf32, #tpu.memory_space<vmem>>) target(%dma_start3A_783 : memref<10240x64xf32, #tpu.memory_space<vmem_shared>>) offsets(%dma_start3A_780 : memref<128xi32, #tpu.memory_space<vmem>>) semaphore(%arg20 : memref<!tpu.dma_semaphore, #tpu.memory_space<semaphore_mem>>) {add = true}
      %add3A_784 = arith.constant 4 : i32
      %add3A_785 = arith.addi %add3A_761, %add3A_784 : i32
      %lt3A_786 = arith.constant 160 : i32
      %lt3A_787 = arith.cmpi slt, %add3A_785, %lt3A_786 : i32
      %convert_element_type3A_788 = arith.extui %lt3A_787 : i1 to i32
      %cond3A_789 = arith.constant 0 : i32
      %cond3A_790 = arith.cmpi ne, %convert_element_type3A_788, %cond3A_789 : i32
      scf.if %cond3A_790 {
        %ge3A = arith.constant 1 : i32
        %ge3A_791 = arith.cmpi sge, %add3A_761, %ge3A : i32
        %convert_element_type3A_792 = arith.extui %ge3A_791 : i1 to i32
        %cond3A_793 = arith.constant 0 : i32
        %cond3A_794 = arith.cmpi ne, %convert_element_type3A_792, %cond3A_793 : i32
        scf.if %cond3A_794 {
          %add3A_810 = arith.constant 4 : i32
          %add3A_811 = arith.addi %add3A_761, %add3A_810 : i32
          %sub3A = arith.constant 5 : i32
          %sub3A_812 = arith.subi %add3A_811, %sub3A : i32
          %dma_wait3A_813 = arith.constant 384 : i32
          %dma_wait3A_814 = arith.constant 0 : i32
          %dma_wait3A_815 = tpu.memref_slice %arg8[%dma_wait3A_813, %dma_wait3A_814] : memref<640x64xf32, #tpu.memory_space<vmem>> -> memref<128x64xf32, #tpu.memory_space<vmem>>
          %dma_wait3A_816 = arith.constant 0 : i32
          %dma_wait3A_817 = tpu.memref_slice %arg7[%sub3A_812, %dma_wait3A_816] : memref<160x128xi32, #tpu.memory_space<vmem>> -> memref<1x128xi32, #tpu.memory_space<vmem>>
          %dma_wait3A_818 = tpu.memref_squeeze %dma_wait3A_817 : memref<1x128xi32, #tpu.memory_space<vmem>> -> memref<128xi32, #tpu.memory_space<vmem>>
          %dma_wait3A_819 = arith.constant 0 : i32
          %dma_wait3A_820 = arith.constant 0 : i32
          %dma_wait3A_821 = tpu.memref_slice %arg10[%dma_wait3A_819, %dma_wait3A_820] : memref<10240x64xf32, #tpu.memory_space<vmem_shared>> -> memref<10240x64xf32, #tpu.memory_space<vmem_shared>>
          tpu.wait_indirect_dma semaphore(%arg19 : memref<!tpu.dma_semaphore, #tpu.memory_space<semaphore_mem>>) src(%dma_wait3A_815 : memref<128x64xf32, #tpu.memory_space<vmem>>) dst(%dma_wait3A_821 : memref<10240x64xf32, #tpu.memory_space<vmem_shared>>)
        } else {
        }
        %add3A_795 = arith.constant 4 : i32
        %add3A_796 = arith.addi %add3A_761, %add3A_795 : i32
        %dma_start3A_797 = arith.constant 384 : i32
        %dma_start3A_798 = arith.constant 0 : i32
        %dma_start3A_799 = tpu.memref_slice %arg8[%dma_start3A_797, %dma_start3A_798] : memref<640x64xf32, #tpu.memory_space<vmem>> -> memref<128x64xf32, #tpu.memory_space<vmem>>
        %dma_start3A_800 = arith.constant 0 : i32
        %dma_start3A_801 = tpu.memref_slice %arg6[%add3A_796, %dma_start3A_800] : memref<160x128xi32, #tpu.memory_space<vmem>> -> memref<1x128xi32, #tpu.memory_space<vmem>>
        %dma_start3A_802 = tpu.memref_squeeze %dma_start3A_801 : memref<1x128xi32, #tpu.memory_space<vmem>> -> memref<128xi32, #tpu.memory_space<vmem>>
        %dma_start3A_803 = arith.constant 0 : i32
        %dma_start3A_804 = arith.constant 0 : i32
        %dma_start3A_805 = tpu.memref_slice %arg2[%arg0, %dma_start3A_803, %dma_start3A_804] : memref<2x10240x64xf32, #tpu.memory_space<hbm>> -> memref<1x10240x64xf32, #tpu.memory_space<hbm>>
        %dma_start3A_806 = tpu.memref_squeeze %dma_start3A_805 : memref<1x10240x64xf32, #tpu.memory_space<hbm>> -> memref<10240x64xf32, #tpu.memory_space<hbm>>
        %dma_start3A_807 = arith.constant 0 : i32
        %dma_start3A_808 = arith.constant 0 : i32
        %dma_start3A_809 = tpu.memref_slice %dma_start3A_806[%dma_start3A_807, %dma_start3A_808] : memref<10240x64xf32, #tpu.memory_space<hbm>> -> memref<10240x64xf32, #tpu.memory_space<hbm>>
        tpu.enqueue_indirect_dma source(%dma_start3A_809 : memref<10240x64xf32, #tpu.memory_space<hbm>>) target(%dma_start3A_799 : memref<128x64xf32, #tpu.memory_space<vmem>>) offsets(%dma_start3A_802 : memref<128xi32, #tpu.memory_space<vmem>>) semaphore(%arg14 : memref<!tpu.dma_semaphore, #tpu.memory_space<semaphore_mem>>)
      } else {
      }
    }
    %scan3A_575 = arith.constant 32 : i32
    %dma_wait3A = arith.constant 155 : i32
    %dma_wait3A_576 = arith.constant 0 : i32
    %dma_wait3A_577 = arith.constant 0 : i32
    %dma_wait3A_578 = tpu.memref_slice %arg8[%dma_wait3A_576, %dma_wait3A_577] : memref<640x64xf32, #tpu.memory_space<vmem>> -> memref<128x64xf32, #tpu.memory_space<vmem>>
    %dma_wait3A_579 = arith.constant 0 : i32
    %dma_wait3A_580 = tpu.memref_slice %arg7[%dma_wait3A, %dma_wait3A_579] : memref<160x128xi32, #tpu.memory_space<vmem>> -> memref<1x128xi32, #tpu.memory_space<vmem>>
    %dma_wait3A_581 = tpu.memref_squeeze %dma_wait3A_580 : memref<1x128xi32, #tpu.memory_space<vmem>> -> memref<128xi32, #tpu.memory_space<vmem>>
    %dma_wait3A_582 = arith.constant 0 : i32
    %dma_wait3A_583 = arith.constant 0 : i32
    %dma_wait3A_584 = tpu.memref_slice %arg10[%dma_wait3A_582, %dma_wait3A_583] : memref<10240x64xf32, #tpu.memory_space<vmem_shared>> -> memref<10240x64xf32, #tpu.memory_space<vmem_shared>>
    tpu.wait_indirect_dma semaphore(%arg16 : memref<!tpu.dma_semaphore, #tpu.memory_space<semaphore_mem>>) src(%dma_wait3A_578 : memref<128x64xf32, #tpu.memory_space<vmem>>) dst(%dma_wait3A_584 : memref<10240x64xf32, #tpu.memory_space<vmem_shared>>)
    %dma_wait3A_585 = arith.constant 156 : i32
    %dma_wait3A_586 = arith.constant 128 : i32
    %dma_wait3A_587 = arith.constant 0 : i32
    %dma_wait3A_588 = tpu.memref_slice %arg8[%dma_wait3A_586, %dma_wait3A_587] : memref<640x64xf32, #tpu.memory_space<vmem>> -> memref<128x64xf32, #tpu.memory_space<vmem>>
    %dma_wait3A_589 = arith.constant 0 : i32
    %dma_wait3A_590 = tpu.memref_slice %arg7[%dma_wait3A_585, %dma_wait3A_589] : memref<160x128xi32, #tpu.memory_space<vmem>> -> memref<1x128xi32, #tpu.memory_space<vmem>>
    %dma_wait3A_591 = tpu.memref_squeeze %dma_wait3A_590 : memref<1x128xi32, #tpu.memory_space<vmem>> -> memref<128xi32, #tpu.memory_space<vmem>>
    %dma_wait3A_592 = arith.constant 0 : i32
    %dma_wait3A_593 = arith.constant 0 : i32
    %dma_wait3A_594 = tpu.memref_slice %arg10[%dma_wait3A_592, %dma_wait3A_593] : memref<10240x64xf32, #tpu.memory_space<vmem_shared>> -> memref<10240x64xf32, #tpu.memory_space<vmem_shared>>
    tpu.wait_indirect_dma semaphore(%arg17 : memref<!tpu.dma_semaphore, #tpu.memory_space<semaphore_mem>>) src(%dma_wait3A_588 : memref<128x64xf32, #tpu.memory_space<vmem>>) dst(%dma_wait3A_594 : memref<10240x64xf32, #tpu.memory_space<vmem_shared>>)
    %dma_wait3A_595 = arith.constant 157 : i32
    %dma_wait3A_596 = arith.constant 256 : i32
    %dma_wait3A_597 = arith.constant 0 : i32
    %dma_wait3A_598 = tpu.memref_slice %arg8[%dma_wait3A_596, %dma_wait3A_597] : memref<640x64xf32, #tpu.memory_space<vmem>> -> memref<128x64xf32, #tpu.memory_space<vmem>>
    %dma_wait3A_599 = arith.constant 0 : i32
    %dma_wait3A_600 = tpu.memref_slice %arg7[%dma_wait3A_595, %dma_wait3A_599] : memref<160x128xi32, #tpu.memory_space<vmem>> -> memref<1x128xi32, #tpu.memory_space<vmem>>
    %dma_wait3A_601 = tpu.memref_squeeze %dma_wait3A_600 : memref<1x128xi32, #tpu.memory_space<vmem>> -> memref<128xi32, #tpu.memory_space<vmem>>
    %dma_wait3A_602 = arith.constant 0 : i32
    %dma_wait3A_603 = arith.constant 0 : i32
    %dma_wait3A_604 = tpu.memref_slice %arg10[%dma_wait3A_602, %dma_wait3A_603] : memref<10240x64xf32, #tpu.memory_space<vmem_shared>> -> memref<10240x64xf32, #tpu.memory_space<vmem_shared>>
    tpu.wait_indirect_dma semaphore(%arg18 : memref<!tpu.dma_semaphore, #tpu.memory_space<semaphore_mem>>) src(%dma_wait3A_598 : memref<128x64xf32, #tpu.memory_space<vmem>>) dst(%dma_wait3A_604 : memref<10240x64xf32, #tpu.memory_space<vmem_shared>>)
    %dma_wait3A_605 = arith.constant 158 : i32
    %dma_wait3A_606 = arith.constant 384 : i32
    %dma_wait3A_607 = arith.constant 0 : i32
    %dma_wait3A_608 = tpu.memref_slice %arg8[%dma_wait3A_606, %dma_wait3A_607] : memref<640x64xf32, #tpu.memory_space<vmem>> -> memref<128x64xf32, #tpu.memory_space<vmem>>
    %dma_wait3A_609 = arith.constant 0 : i32
    %dma_wait3A_610 = tpu.memref_slice %arg7[%dma_wait3A_605, %dma_wait3A_609] : memref<160x128xi32, #tpu.memory_space<vmem>> -> memref<1x128xi32, #tpu.memory_space<vmem>>
    %dma_wait3A_611 = tpu.memref_squeeze %dma_wait3A_610 : memref<1x128xi32, #tpu.memory_space<vmem>> -> memref<128xi32, #tpu.memory_space<vmem>>
    %dma_wait3A_612 = arith.constant 0 : i32
    %dma_wait3A_613 = arith.constant 0 : i32
    %dma_wait3A_614 = tpu.memref_slice %arg10[%dma_wait3A_612, %dma_wait3A_613] : memref<10240x64xf32, #tpu.memory_space<vmem_shared>> -> memref<10240x64xf32, #tpu.memory_space<vmem_shared>>
    tpu.wait_indirect_dma semaphore(%arg19 : memref<!tpu.dma_semaphore, #tpu.memory_space<semaphore_mem>>) src(%dma_wait3A_608 : memref<128x64xf32, #tpu.memory_space<vmem>>) dst(%dma_wait3A_614 : memref<10240x64xf32, #tpu.memory_space<vmem_shared>>)
    %dma_wait3A_615 = arith.constant 159 : i32
    %dma_wait3A_616 = arith.constant 512 : i32
    %dma_wait3A_617 = arith.constant 0 : i32
    %dma_wait3A_618 = tpu.memref_slice %arg8[%dma_wait3A_616, %dma_wait3A_617] : memref<640x64xf32, #tpu.memory_space<vmem>> -> memref<128x64xf32, #tpu.memory_space<vmem>>
    %dma_wait3A_619 = arith.constant 0 : i32
    %dma_wait3A_620 = tpu.memref_slice %arg7[%dma_wait3A_615, %dma_wait3A_619] : memref<160x128xi32, #tpu.memory_space<vmem>> -> memref<1x128xi32, #tpu.memory_space<vmem>>
    %dma_wait3A_621 = tpu.memref_squeeze %dma_wait3A_620 : memref<1x128xi32, #tpu.memory_space<vmem>> -> memref<128xi32, #tpu.memory_space<vmem>>
    %dma_wait3A_622 = arith.constant 0 : i32
    %dma_wait3A_623 = arith.constant 0 : i32
    %dma_wait3A_624 = tpu.memref_slice %arg10[%dma_wait3A_622, %dma_wait3A_623] : memref<10240x64xf32, #tpu.memory_space<vmem_shared>> -> memref<10240x64xf32, #tpu.memory_space<vmem_shared>>
    tpu.wait_indirect_dma semaphore(%arg20 : memref<!tpu.dma_semaphore, #tpu.memory_space<semaphore_mem>>) src(%dma_wait3A_618 : memref<128x64xf32, #tpu.memory_space<vmem>>) dst(%dma_wait3A_624 : memref<10240x64xf32, #tpu.memory_space<vmem_shared>>)
    %barrier3A_625 = arith.constant 0 : index
    tpu.barrier barrier_id(%barrier3A_625)
    %mul3A = arith.constant 640 : i32
    %mul3A_626 = arith.muli %arg1, %mul3A : i32
    %mul3A_627 = arith.constant 640 : i32
    %mul3A_628 = arith.muli %arg1, %mul3A_627 : i32
    "tpu.region"() ({
      %run_scoped3A = tpu.sem_alloc : memref<!tpu.dma_semaphore, #tpu.memory_space<semaphore_mem>>
      %dma_start3A_629 = arith.constant 0 : i32
      %dma_start3A_630 = tpu.memref_slice %arg5[%arg0, %mul3A_628, %dma_start3A_629] : memref<2x10240x64xf32, #tpu.memory_space<hbm>> -> memref<1x640x64xf32, #tpu.memory_space<hbm>>
      %dma_start3A_631 = tpu.memref_squeeze %dma_start3A_630 : memref<1x640x64xf32, #tpu.memory_space<hbm>> -> memref<640x64xf32, #tpu.memory_space<hbm>>
      %dma_start3A_632 = arith.constant 0 : i32
      %dma_start3A_633 = tpu.memref_slice %arg10[%mul3A_626, %dma_start3A_632] : memref<10240x64xf32, #tpu.memory_space<vmem_shared>> -> memref<640x64xf32, #tpu.memory_space<vmem_shared>>
      tpu.enqueue_dma source(%dma_start3A_633 : memref<640x64xf32, #tpu.memory_space<vmem_shared>>) target(%dma_start3A_631 : memref<640x64xf32, #tpu.memory_space<hbm>>) target_semaphore(%run_scoped3A : memref<!tpu.dma_semaphore, #tpu.memory_space<semaphore_mem>>)
      %dma_wait3A_634 = arith.constant 0 : i32
      %dma_wait3A_635 = tpu.memref_slice %arg5[%arg0, %mul3A_628, %dma_wait3A_634] : memref<2x10240x64xf32, #tpu.memory_space<hbm>> -> memref<1x640x64xf32, #tpu.memory_space<hbm>>
      %dma_wait3A_636 = tpu.memref_squeeze %dma_wait3A_635 : memref<1x640x64xf32, #tpu.memory_space<hbm>> -> memref<640x64xf32, #tpu.memory_space<hbm>>
      %dma_wait3A_637 = arith.constant 0 : i32
      %dma_wait3A_638 = tpu.memref_slice %arg10[%mul3A_626, %dma_wait3A_637] : memref<10240x64xf32, #tpu.memory_space<vmem_shared>> -> memref<640x64xf32, #tpu.memory_space<vmem_shared>>
      tpu.wait_dma2 semaphore(%run_scoped3A : memref<!tpu.dma_semaphore, #tpu.memory_space<semaphore_mem>>) src(%dma_wait3A_638 : memref<640x64xf32, #tpu.memory_space<vmem_shared>>) dst(%dma_wait3A_636 : memref<640x64xf32, #tpu.memory_space<hbm>>)
      tpu.yield
    }) : () -> ()
    return
  }
}

#map = affine_map<(d0, d1) -> (0, 0, 0)>
module attributes {stable_mosaic.version = 14 : i64} {
  func.func @agg_kernel(%arg0: i32, %arg1: i32, %arg2: memref<2x10240x64xf32, #tpu.memory_space<hbm>>, %arg3: memref<32x80x128xi32, #tpu.memory_space<hbm>>, %arg4: memref<32x80x128xi32, #tpu.memory_space<hbm>>, %arg5: memref<2x10240x64xf32, #tpu.memory_space<hbm>>, %arg6: memref<80x128xi32, #tpu.memory_space<vmem>>, %arg7: memref<80x128xi32, #tpu.memory_space<vmem>>, %arg8: memref<640x64xf32, #tpu.memory_space<vmem>>, %arg9: memref<16x64xf32, #tpu.memory_space<vmem>>, %arg10: memref<10240x64xf32, #tpu.memory_space<vmem_shared>>, %arg11: memref<!tpu.dma_semaphore, #tpu.memory_space<semaphore_mem>>, %arg12: memref<!tpu.dma_semaphore, #tpu.memory_space<semaphore_mem>>, %arg13: memref<!tpu.dma_semaphore, #tpu.memory_space<semaphore_mem>>, %arg14: memref<!tpu.dma_semaphore, #tpu.memory_space<semaphore_mem>>, %arg15: memref<!tpu.dma_semaphore, #tpu.memory_space<semaphore_mem>>, %arg16: memref<!tpu.dma_semaphore, #tpu.memory_space<semaphore_mem>>, %arg17: memref<!tpu.dma_semaphore, #tpu.memory_space<semaphore_mem>>, %arg18: memref<!tpu.dma_semaphore, #tpu.memory_space<semaphore_mem>>, %arg19: memref<!tpu.dma_semaphore, #tpu.memory_space<semaphore_mem>>, %arg20: memref<!tpu.dma_semaphore, #tpu.memory_space<semaphore_mem>>) attributes {dimension_semantics = [#tpu.dimension_semantics<core_parallel>, #tpu.dimension_semantics<subcore_parallel>], iteration_bounds = array<i64: 2, 16>, scalar_prefetch = 0 : i64, scratch_operands = 15 : i64, tpu.core_type = #tpu.core_type<sc_vector_subcore>, window_params = [{transform_indices = #map}, {transform_indices = #map}, {transform_indices = #map}, {transform_indices = #map}]} {
    %mul3A = arith.constant 2 : i32
    %mul3A_0 = arith.muli %arg1, %mul3A : i32
    %add3A = arith.addi %mul3A_0, %arg0 : i32
    "tpu.region"() ({
      %run_scoped3A = tpu.sem_alloc : memref<!tpu.dma_semaphore, #tpu.memory_space<semaphore_mem>>
      %dma_start3A_631 = arith.constant 0 : i32
      %dma_start3A_632 = arith.constant 0 : i32
      %dma_start3A_633 = tpu.memref_slice %arg3[%add3A, %dma_start3A_631, %dma_start3A_632] : memref<32x80x128xi32, #tpu.memory_space<hbm>> -> memref<1x80x128xi32, #tpu.memory_space<hbm>>
      %dma_start3A_634 = tpu.memref_squeeze %dma_start3A_633 : memref<1x80x128xi32, #tpu.memory_space<hbm>> -> memref<80x128xi32, #tpu.memory_space<hbm>>
      %dma_start3A_635 = arith.constant 0 : i32
      %dma_start3A_636 = arith.constant 0 : i32
      %dma_start3A_637 = tpu.memref_slice %arg3[%add3A, %dma_start3A_635, %dma_start3A_636] : memref<32x80x128xi32, #tpu.memory_space<hbm>> -> memref<1x80x128xi32, #tpu.memory_space<hbm>>
      %dma_start3A_638 = tpu.memref_squeeze %dma_start3A_637 : memref<1x80x128xi32, #tpu.memory_space<hbm>> -> memref<80x128xi32, #tpu.memory_space<hbm>>
      tpu.enqueue_dma source(%dma_start3A_638 : memref<80x128xi32, #tpu.memory_space<hbm>>) target(%arg6 : memref<80x128xi32, #tpu.memory_space<vmem>>) target_semaphore(%run_scoped3A : memref<!tpu.dma_semaphore, #tpu.memory_space<semaphore_mem>>)
      %dma_wait3A_639 = arith.constant 0 : i32
      %dma_wait3A_640 = arith.constant 0 : i32
      %dma_wait3A_641 = tpu.memref_slice %arg3[%add3A, %dma_wait3A_639, %dma_wait3A_640] : memref<32x80x128xi32, #tpu.memory_space<hbm>> -> memref<1x80x128xi32, #tpu.memory_space<hbm>>
      %dma_wait3A_642 = tpu.memref_squeeze %dma_wait3A_641 : memref<1x80x128xi32, #tpu.memory_space<hbm>> -> memref<80x128xi32, #tpu.memory_space<hbm>>
      %dma_wait3A_643 = arith.constant 0 : i32
      %dma_wait3A_644 = arith.constant 0 : i32
      %dma_wait3A_645 = tpu.memref_slice %arg3[%add3A, %dma_wait3A_643, %dma_wait3A_644] : memref<32x80x128xi32, #tpu.memory_space<hbm>> -> memref<1x80x128xi32, #tpu.memory_space<hbm>>
      %dma_wait3A_646 = tpu.memref_squeeze %dma_wait3A_645 : memref<1x80x128xi32, #tpu.memory_space<hbm>> -> memref<80x128xi32, #tpu.memory_space<hbm>>
      tpu.wait_dma2 semaphore(%run_scoped3A : memref<!tpu.dma_semaphore, #tpu.memory_space<semaphore_mem>>) src(%dma_wait3A_646 : memref<80x128xi32, #tpu.memory_space<hbm>>) dst(%arg6 : memref<80x128xi32, #tpu.memory_space<vmem>>)
      tpu.yield
    }) : () -> ()
    "tpu.region"() ({
      %run_scoped3A = tpu.sem_alloc : memref<!tpu.dma_semaphore, #tpu.memory_space<semaphore_mem>>
      %dma_start3A_631 = arith.constant 0 : i32
      %dma_start3A_632 = arith.constant 0 : i32
      %dma_start3A_633 = tpu.memref_slice %arg4[%add3A, %dma_start3A_631, %dma_start3A_632] : memref<32x80x128xi32, #tpu.memory_space<hbm>> -> memref<1x80x128xi32, #tpu.memory_space<hbm>>
      %dma_start3A_634 = tpu.memref_squeeze %dma_start3A_633 : memref<1x80x128xi32, #tpu.memory_space<hbm>> -> memref<80x128xi32, #tpu.memory_space<hbm>>
      %dma_start3A_635 = arith.constant 0 : i32
      %dma_start3A_636 = arith.constant 0 : i32
      %dma_start3A_637 = tpu.memref_slice %arg4[%add3A, %dma_start3A_635, %dma_start3A_636] : memref<32x80x128xi32, #tpu.memory_space<hbm>> -> memref<1x80x128xi32, #tpu.memory_space<hbm>>
      %dma_start3A_638 = tpu.memref_squeeze %dma_start3A_637 : memref<1x80x128xi32, #tpu.memory_space<hbm>> -> memref<80x128xi32, #tpu.memory_space<hbm>>
      tpu.enqueue_dma source(%dma_start3A_638 : memref<80x128xi32, #tpu.memory_space<hbm>>) target(%arg7 : memref<80x128xi32, #tpu.memory_space<vmem>>) target_semaphore(%run_scoped3A : memref<!tpu.dma_semaphore, #tpu.memory_space<semaphore_mem>>)
      %dma_wait3A_639 = arith.constant 0 : i32
      %dma_wait3A_640 = arith.constant 0 : i32
      %dma_wait3A_641 = tpu.memref_slice %arg4[%add3A, %dma_wait3A_639, %dma_wait3A_640] : memref<32x80x128xi32, #tpu.memory_space<hbm>> -> memref<1x80x128xi32, #tpu.memory_space<hbm>>
      %dma_wait3A_642 = tpu.memref_squeeze %dma_wait3A_641 : memref<1x80x128xi32, #tpu.memory_space<hbm>> -> memref<80x128xi32, #tpu.memory_space<hbm>>
      %dma_wait3A_643 = arith.constant 0 : i32
      %dma_wait3A_644 = arith.constant 0 : i32
      %dma_wait3A_645 = tpu.memref_slice %arg4[%add3A, %dma_wait3A_643, %dma_wait3A_644] : memref<32x80x128xi32, #tpu.memory_space<hbm>> -> memref<1x80x128xi32, #tpu.memory_space<hbm>>
      %dma_wait3A_646 = tpu.memref_squeeze %dma_wait3A_645 : memref<1x80x128xi32, #tpu.memory_space<hbm>> -> memref<80x128xi32, #tpu.memory_space<hbm>>
      tpu.wait_dma2 semaphore(%run_scoped3A : memref<!tpu.dma_semaphore, #tpu.memory_space<semaphore_mem>>) src(%dma_wait3A_646 : memref<80x128xi32, #tpu.memory_space<hbm>>) dst(%arg7 : memref<80x128xi32, #tpu.memory_space<vmem>>)
      tpu.yield
    }) : () -> ()
    %broadcast_in_dim3A = arith.constant 0.000000e+00 : f32
    %broadcast_in_dim3A_1 = vector.broadcast %broadcast_in_dim3A : f32 to vector<16xf32>
    %swap3A = arith.constant 0 : i32
    %swap3A_2 = arith.index_cast %swap3A : i32 to index
    %swap3A_3 = arith.constant 0 : index
    %swap3A_4 = tpu.vector_load %arg9[%swap3A_2, %swap3A_3] {strides = array<i32>} : memref<16x64xf32, #tpu.memory_space<vmem>>, vector<1x16xf32>,
    %swap3A_5 = vector.shape_cast %swap3A_4 : vector<1x16xf32> to vector<16xf32>
    %swap3A_6 = vector.shape_cast %broadcast_in_dim3A_1 : vector<16xf32> to vector<1x16xf32>
    tpu.vector_store %arg9[%swap3A_2, %swap3A_3], %swap3A_6 {strides = array<i32>} : memref<16x64xf32, #tpu.memory_space<vmem>>, vector<1x16xf32>,
    %broadcast_in_dim3A_7 = arith.constant 0.000000e+00 : f32
    %broadcast_in_dim3A_8 = vector.broadcast %broadcast_in_dim3A_7 : f32 to vector<16xf32>
    %swap3A_9 = arith.constant 0 : i32
    %swap3A_10 = arith.index_cast %swap3A_9 : i32 to index
    %swap3A_11 = arith.constant 16 : index
    %swap3A_12 = tpu.vector_load %arg9[%swap3A_10, %swap3A_11] {strides = array<i32>} : memref<16x64xf32, #tpu.memory_space<vmem>>, vector<1x16xf32>,
    %swap3A_13 = vector.shape_cast %swap3A_12 : vector<1x16xf32> to vector<16xf32>
    %swap3A_14 = vector.shape_cast %broadcast_in_dim3A_8 : vector<16xf32> to vector<1x16xf32>
    tpu.vector_store %arg9[%swap3A_10, %swap3A_11], %swap3A_14 {strides = array<i32>} : memref<16x64xf32, #tpu.memory_space<vmem>>, vector<1x16xf32>,
    %broadcast_in_dim3A_15 = arith.constant 0.000000e+00 : f32
    %broadcast_in_dim3A_16 = vector.broadcast %broadcast_in_dim3A_15 : f32 to vector<16xf32>
    %swap3A_17 = arith.constant 0 : i32
    %swap3A_18 = arith.index_cast %swap3A_17 : i32 to index
    %swap3A_19 = arith.constant 32 : index
    %swap3A_20 = tpu.vector_load %arg9[%swap3A_18, %swap3A_19] {strides = array<i32>} : memref<16x64xf32, #tpu.memory_space<vmem>>, vector<1x16xf32>,
    %swap3A_21 = vector.shape_cast %swap3A_20 : vector<1x16xf32> to vector<16xf32>
    %swap3A_22 = vector.shape_cast %broadcast_in_dim3A_16 : vector<16xf32> to vector<1x16xf32>
    tpu.vector_store %arg9[%swap3A_18, %swap3A_19], %swap3A_22 {strides = array<i32>} : memref<16x64xf32, #tpu.memory_space<vmem>>, vector<1x16xf32>,
    %broadcast_in_dim3A_23 = arith.constant 0.000000e+00 : f32
    %broadcast_in_dim3A_24 = vector.broadcast %broadcast_in_dim3A_23 : f32 to vector<16xf32>
    %swap3A_25 = arith.constant 0 : i32
    %swap3A_26 = arith.index_cast %swap3A_25 : i32 to index
    %swap3A_27 = arith.constant 48 : index
    %swap3A_28 = tpu.vector_load %arg9[%swap3A_26, %swap3A_27] {strides = array<i32>} : memref<16x64xf32, #tpu.memory_space<vmem>>, vector<1x16xf32>,
    %swap3A_29 = vector.shape_cast %swap3A_28 : vector<1x16xf32> to vector<16xf32>
    %swap3A_30 = vector.shape_cast %broadcast_in_dim3A_24 : vector<16xf32> to vector<1x16xf32>
    tpu.vector_store %arg9[%swap3A_26, %swap3A_27], %swap3A_30 {strides = array<i32>} : memref<16x64xf32, #tpu.memory_space<vmem>>, vector<1x16xf32>,
    %broadcast_in_dim3A_31 = arith.constant 0.000000e+00 : f32
    %broadcast_in_dim3A_32 = vector.broadcast %broadcast_in_dim3A_31 : f32 to vector<16xf32>
    %swap3A_33 = arith.constant 1 : i32
    %swap3A_34 = arith.index_cast %swap3A_33 : i32 to index
    %swap3A_35 = arith.constant 0 : index
    %swap3A_36 = tpu.vector_load %arg9[%swap3A_34, %swap3A_35] {strides = array<i32>} : memref<16x64xf32, #tpu.memory_space<vmem>>, vector<1x16xf32>,
    %swap3A_37 = vector.shape_cast %swap3A_36 : vector<1x16xf32> to vector<16xf32>
    %swap3A_38 = vector.shape_cast %broadcast_in_dim3A_32 : vector<16xf32> to vector<1x16xf32>
    tpu.vector_store %arg9[%swap3A_34, %swap3A_35], %swap3A_38 {strides = array<i32>} : memref<16x64xf32, #tpu.memory_space<vmem>>, vector<1x16xf32>,
    %broadcast_in_dim3A_39 = arith.constant 0.000000e+00 : f32
    %broadcast_in_dim3A_40 = vector.broadcast %broadcast_in_dim3A_39 : f32 to vector<16xf32>
    %swap3A_41 = arith.constant 1 : i32
    %swap3A_42 = arith.index_cast %swap3A_41 : i32 to index
    %swap3A_43 = arith.constant 16 : index
    %swap3A_44 = tpu.vector_load %arg9[%swap3A_42, %swap3A_43] {strides = array<i32>} : memref<16x64xf32, #tpu.memory_space<vmem>>, vector<1x16xf32>,
    %swap3A_45 = vector.shape_cast %swap3A_44 : vector<1x16xf32> to vector<16xf32>
    %swap3A_46 = vector.shape_cast %broadcast_in_dim3A_40 : vector<16xf32> to vector<1x16xf32>
    tpu.vector_store %arg9[%swap3A_42, %swap3A_43], %swap3A_46 {strides = array<i32>} : memref<16x64xf32, #tpu.memory_space<vmem>>, vector<1x16xf32>,
    %broadcast_in_dim3A_47 = arith.constant 0.000000e+00 : f32
    %broadcast_in_dim3A_48 = vector.broadcast %broadcast_in_dim3A_47 : f32 to vector<16xf32>
    %swap3A_49 = arith.constant 1 : i32
    %swap3A_50 = arith.index_cast %swap3A_49 : i32 to index
    %swap3A_51 = arith.constant 32 : index
    %swap3A_52 = tpu.vector_load %arg9[%swap3A_50, %swap3A_51] {strides = array<i32>} : memref<16x64xf32, #tpu.memory_space<vmem>>, vector<1x16xf32>,
    %swap3A_53 = vector.shape_cast %swap3A_52 : vector<1x16xf32> to vector<16xf32>
    %swap3A_54 = vector.shape_cast %broadcast_in_dim3A_48 : vector<16xf32> to vector<1x16xf32>
    tpu.vector_store %arg9[%swap3A_50, %swap3A_51], %swap3A_54 {strides = array<i32>} : memref<16x64xf32, #tpu.memory_space<vmem>>, vector<1x16xf32>,
    %broadcast_in_dim3A_55 = arith.constant 0.000000e+00 : f32
    %broadcast_in_dim3A_56 = vector.broadcast %broadcast_in_dim3A_55 : f32 to vector<16xf32>
    %swap3A_57 = arith.constant 1 : i32
    %swap3A_58 = arith.index_cast %swap3A_57 : i32 to index
    %swap3A_59 = arith.constant 48 : index
    %swap3A_60 = tpu.vector_load %arg9[%swap3A_58, %swap3A_59] {strides = array<i32>} : memref<16x64xf32, #tpu.memory_space<vmem>>, vector<1x16xf32>,
    %swap3A_61 = vector.shape_cast %swap3A_60 : vector<1x16xf32> to vector<16xf32>
    %swap3A_62 = vector.shape_cast %broadcast_in_dim3A_56 : vector<16xf32> to vector<1x16xf32>
    tpu.vector_store %arg9[%swap3A_58, %swap3A_59], %swap3A_62 {strides = array<i32>} : memref<16x64xf32, #tpu.memory_space<vmem>>, vector<1x16xf32>,
    %broadcast_in_dim3A_63 = arith.constant 0.000000e+00 : f32
    %broadcast_in_dim3A_64 = vector.broadcast %broadcast_in_dim3A_63 : f32 to vector<16xf32>
    %swap3A_65 = arith.constant 2 : i32
    %swap3A_66 = arith.index_cast %swap3A_65 : i32 to index
    %swap3A_67 = arith.constant 0 : index
    %swap3A_68 = tpu.vector_load %arg9[%swap3A_66, %swap3A_67] {strides = array<i32>} : memref<16x64xf32, #tpu.memory_space<vmem>>, vector<1x16xf32>,
    %swap3A_69 = vector.shape_cast %swap3A_68 : vector<1x16xf32> to vector<16xf32>
    %swap3A_70 = vector.shape_cast %broadcast_in_dim3A_64 : vector<16xf32> to vector<1x16xf32>
    tpu.vector_store %arg9[%swap3A_66, %swap3A_67], %swap3A_70 {strides = array<i32>} : memref<16x64xf32, #tpu.memory_space<vmem>>, vector<1x16xf32>,
    %broadcast_in_dim3A_71 = arith.constant 0.000000e+00 : f32
    %broadcast_in_dim3A_72 = vector.broadcast %broadcast_in_dim3A_71 : f32 to vector<16xf32>
    %swap3A_73 = arith.constant 2 : i32
    %swap3A_74 = arith.index_cast %swap3A_73 : i32 to index
    %swap3A_75 = arith.constant 16 : index
    %swap3A_76 = tpu.vector_load %arg9[%swap3A_74, %swap3A_75] {strides = array<i32>} : memref<16x64xf32, #tpu.memory_space<vmem>>, vector<1x16xf32>,
    %swap3A_77 = vector.shape_cast %swap3A_76 : vector<1x16xf32> to vector<16xf32>
    %swap3A_78 = vector.shape_cast %broadcast_in_dim3A_72 : vector<16xf32> to vector<1x16xf32>
    tpu.vector_store %arg9[%swap3A_74, %swap3A_75], %swap3A_78 {strides = array<i32>} : memref<16x64xf32, #tpu.memory_space<vmem>>, vector<1x16xf32>,
    %broadcast_in_dim3A_79 = arith.constant 0.000000e+00 : f32
    %broadcast_in_dim3A_80 = vector.broadcast %broadcast_in_dim3A_79 : f32 to vector<16xf32>
    %swap3A_81 = arith.constant 2 : i32
    %swap3A_82 = arith.index_cast %swap3A_81 : i32 to index
    %swap3A_83 = arith.constant 32 : index
    %swap3A_84 = tpu.vector_load %arg9[%swap3A_82, %swap3A_83] {strides = array<i32>} : memref<16x64xf32, #tpu.memory_space<vmem>>, vector<1x16xf32>,
    %swap3A_85 = vector.shape_cast %swap3A_84 : vector<1x16xf32> to vector<16xf32>
    %swap3A_86 = vector.shape_cast %broadcast_in_dim3A_80 : vector<16xf32> to vector<1x16xf32>
    tpu.vector_store %arg9[%swap3A_82, %swap3A_83], %swap3A_86 {strides = array<i32>} : memref<16x64xf32, #tpu.memory_space<vmem>>, vector<1x16xf32>,
    %broadcast_in_dim3A_87 = arith.constant 0.000000e+00 : f32
    %broadcast_in_dim3A_88 = vector.broadcast %broadcast_in_dim3A_87 : f32 to vector<16xf32>
    %swap3A_89 = arith.constant 2 : i32
    %swap3A_90 = arith.index_cast %swap3A_89 : i32 to index
    %swap3A_91 = arith.constant 48 : index
    %swap3A_92 = tpu.vector_load %arg9[%swap3A_90, %swap3A_91] {strides = array<i32>} : memref<16x64xf32, #tpu.memory_space<vmem>>, vector<1x16xf32>,
    %swap3A_93 = vector.shape_cast %swap3A_92 : vector<1x16xf32> to vector<16xf32>
    %swap3A_94 = vector.shape_cast %broadcast_in_dim3A_88 : vector<16xf32> to vector<1x16xf32>
    tpu.vector_store %arg9[%swap3A_90, %swap3A_91], %swap3A_94 {strides = array<i32>} : memref<16x64xf32, #tpu.memory_space<vmem>>, vector<1x16xf32>,
    %broadcast_in_dim3A_95 = arith.constant 0.000000e+00 : f32
    %broadcast_in_dim3A_96 = vector.broadcast %broadcast_in_dim3A_95 : f32 to vector<16xf32>
    %swap3A_97 = arith.constant 3 : i32
    %swap3A_98 = arith.index_cast %swap3A_97 : i32 to index
    %swap3A_99 = arith.constant 0 : index
    %swap3A_100 = tpu.vector_load %arg9[%swap3A_98, %swap3A_99] {strides = array<i32>} : memref<16x64xf32, #tpu.memory_space<vmem>>, vector<1x16xf32>,
    %swap3A_101 = vector.shape_cast %swap3A_100 : vector<1x16xf32> to vector<16xf32>
    %swap3A_102 = vector.shape_cast %broadcast_in_dim3A_96 : vector<16xf32> to vector<1x16xf32>
    tpu.vector_store %arg9[%swap3A_98, %swap3A_99], %swap3A_102 {strides = array<i32>} : memref<16x64xf32, #tpu.memory_space<vmem>>, vector<1x16xf32>,
    %broadcast_in_dim3A_103 = arith.constant 0.000000e+00 : f32
    %broadcast_in_dim3A_104 = vector.broadcast %broadcast_in_dim3A_103 : f32 to vector<16xf32>
    %swap3A_105 = arith.constant 3 : i32
    %swap3A_106 = arith.index_cast %swap3A_105 : i32 to index
    %swap3A_107 = arith.constant 16 : index
    %swap3A_108 = tpu.vector_load %arg9[%swap3A_106, %swap3A_107] {strides = array<i32>} : memref<16x64xf32, #tpu.memory_space<vmem>>, vector<1x16xf32>,
    %swap3A_109 = vector.shape_cast %swap3A_108 : vector<1x16xf32> to vector<16xf32>
    %swap3A_110 = vector.shape_cast %broadcast_in_dim3A_104 : vector<16xf32> to vector<1x16xf32>
    tpu.vector_store %arg9[%swap3A_106, %swap3A_107], %swap3A_110 {strides = array<i32>} : memref<16x64xf32, #tpu.memory_space<vmem>>, vector<1x16xf32>,
    %broadcast_in_dim3A_111 = arith.constant 0.000000e+00 : f32
    %broadcast_in_dim3A_112 = vector.broadcast %broadcast_in_dim3A_111 : f32 to vector<16xf32>
    %swap3A_113 = arith.constant 3 : i32
    %swap3A_114 = arith.index_cast %swap3A_113 : i32 to index
    %swap3A_115 = arith.constant 32 : index
    %swap3A_116 = tpu.vector_load %arg9[%swap3A_114, %swap3A_115] {strides = array<i32>} : memref<16x64xf32, #tpu.memory_space<vmem>>, vector<1x16xf32>,
    %swap3A_117 = vector.shape_cast %swap3A_116 : vector<1x16xf32> to vector<16xf32>
    %swap3A_118 = vector.shape_cast %broadcast_in_dim3A_112 : vector<16xf32> to vector<1x16xf32>
    tpu.vector_store %arg9[%swap3A_114, %swap3A_115], %swap3A_118 {strides = array<i32>} : memref<16x64xf32, #tpu.memory_space<vmem>>, vector<1x16xf32>,
    %broadcast_in_dim3A_119 = arith.constant 0.000000e+00 : f32
    %broadcast_in_dim3A_120 = vector.broadcast %broadcast_in_dim3A_119 : f32 to vector<16xf32>
    %swap3A_121 = arith.constant 3 : i32
    %swap3A_122 = arith.index_cast %swap3A_121 : i32 to index
    %swap3A_123 = arith.constant 48 : index
    %swap3A_124 = tpu.vector_load %arg9[%swap3A_122, %swap3A_123] {strides = array<i32>} : memref<16x64xf32, #tpu.memory_space<vmem>>, vector<1x16xf32>,
    %swap3A_125 = vector.shape_cast %swap3A_124 : vector<1x16xf32> to vector<16xf32>
    %swap3A_126 = vector.shape_cast %broadcast_in_dim3A_120 : vector<16xf32> to vector<1x16xf32>
    tpu.vector_store %arg9[%swap3A_122, %swap3A_123], %swap3A_126 {strides = array<i32>} : memref<16x64xf32, #tpu.memory_space<vmem>>, vector<1x16xf32>,
    %broadcast_in_dim3A_127 = arith.constant 0.000000e+00 : f32
    %broadcast_in_dim3A_128 = vector.broadcast %broadcast_in_dim3A_127 : f32 to vector<16xf32>
    %swap3A_129 = arith.constant 4 : i32
    %swap3A_130 = arith.index_cast %swap3A_129 : i32 to index
    %swap3A_131 = arith.constant 0 : index
    %swap3A_132 = tpu.vector_load %arg9[%swap3A_130, %swap3A_131] {strides = array<i32>} : memref<16x64xf32, #tpu.memory_space<vmem>>, vector<1x16xf32>,
    %swap3A_133 = vector.shape_cast %swap3A_132 : vector<1x16xf32> to vector<16xf32>
    %swap3A_134 = vector.shape_cast %broadcast_in_dim3A_128 : vector<16xf32> to vector<1x16xf32>
    tpu.vector_store %arg9[%swap3A_130, %swap3A_131], %swap3A_134 {strides = array<i32>} : memref<16x64xf32, #tpu.memory_space<vmem>>, vector<1x16xf32>,
    %broadcast_in_dim3A_135 = arith.constant 0.000000e+00 : f32
    %broadcast_in_dim3A_136 = vector.broadcast %broadcast_in_dim3A_135 : f32 to vector<16xf32>
    %swap3A_137 = arith.constant 4 : i32
    %swap3A_138 = arith.index_cast %swap3A_137 : i32 to index
    %swap3A_139 = arith.constant 16 : index
    %swap3A_140 = tpu.vector_load %arg9[%swap3A_138, %swap3A_139] {strides = array<i32>} : memref<16x64xf32, #tpu.memory_space<vmem>>, vector<1x16xf32>,
    %swap3A_141 = vector.shape_cast %swap3A_140 : vector<1x16xf32> to vector<16xf32>
    %swap3A_142 = vector.shape_cast %broadcast_in_dim3A_136 : vector<16xf32> to vector<1x16xf32>
    tpu.vector_store %arg9[%swap3A_138, %swap3A_139], %swap3A_142 {strides = array<i32>} : memref<16x64xf32, #tpu.memory_space<vmem>>, vector<1x16xf32>,
    %broadcast_in_dim3A_143 = arith.constant 0.000000e+00 : f32
    %broadcast_in_dim3A_144 = vector.broadcast %broadcast_in_dim3A_143 : f32 to vector<16xf32>
    %swap3A_145 = arith.constant 4 : i32
    %swap3A_146 = arith.index_cast %swap3A_145 : i32 to index
    %swap3A_147 = arith.constant 32 : index
    %swap3A_148 = tpu.vector_load %arg9[%swap3A_146, %swap3A_147] {strides = array<i32>} : memref<16x64xf32, #tpu.memory_space<vmem>>, vector<1x16xf32>,
    %swap3A_149 = vector.shape_cast %swap3A_148 : vector<1x16xf32> to vector<16xf32>
    %swap3A_150 = vector.shape_cast %broadcast_in_dim3A_144 : vector<16xf32> to vector<1x16xf32>
    tpu.vector_store %arg9[%swap3A_146, %swap3A_147], %swap3A_150 {strides = array<i32>} : memref<16x64xf32, #tpu.memory_space<vmem>>, vector<1x16xf32>,
    %broadcast_in_dim3A_151 = arith.constant 0.000000e+00 : f32
    %broadcast_in_dim3A_152 = vector.broadcast %broadcast_in_dim3A_151 : f32 to vector<16xf32>
    %swap3A_153 = arith.constant 4 : i32
    %swap3A_154 = arith.index_cast %swap3A_153 : i32 to index
    %swap3A_155 = arith.constant 48 : index
    %swap3A_156 = tpu.vector_load %arg9[%swap3A_154, %swap3A_155] {strides = array<i32>} : memref<16x64xf32, #tpu.memory_space<vmem>>, vector<1x16xf32>,
    %swap3A_157 = vector.shape_cast %swap3A_156 : vector<1x16xf32> to vector<16xf32>
    %swap3A_158 = vector.shape_cast %broadcast_in_dim3A_152 : vector<16xf32> to vector<1x16xf32>
    tpu.vector_store %arg9[%swap3A_154, %swap3A_155], %swap3A_158 {strides = array<i32>} : memref<16x64xf32, #tpu.memory_space<vmem>>, vector<1x16xf32>,
    %broadcast_in_dim3A_159 = arith.constant 0.000000e+00 : f32
    %broadcast_in_dim3A_160 = vector.broadcast %broadcast_in_dim3A_159 : f32 to vector<16xf32>
    %swap3A_161 = arith.constant 5 : i32
    %swap3A_162 = arith.index_cast %swap3A_161 : i32 to index
    %swap3A_163 = arith.constant 0 : index
    %swap3A_164 = tpu.vector_load %arg9[%swap3A_162, %swap3A_163] {strides = array<i32>} : memref<16x64xf32, #tpu.memory_space<vmem>>, vector<1x16xf32>,
    %swap3A_165 = vector.shape_cast %swap3A_164 : vector<1x16xf32> to vector<16xf32>
    %swap3A_166 = vector.shape_cast %broadcast_in_dim3A_160 : vector<16xf32> to vector<1x16xf32>
    tpu.vector_store %arg9[%swap3A_162, %swap3A_163], %swap3A_166 {strides = array<i32>} : memref<16x64xf32, #tpu.memory_space<vmem>>, vector<1x16xf32>,
    %broadcast_in_dim3A_167 = arith.constant 0.000000e+00 : f32
    %broadcast_in_dim3A_168 = vector.broadcast %broadcast_in_dim3A_167 : f32 to vector<16xf32>
    %swap3A_169 = arith.constant 5 : i32
    %swap3A_170 = arith.index_cast %swap3A_169 : i32 to index
    %swap3A_171 = arith.constant 16 : index
    %swap3A_172 = tpu.vector_load %arg9[%swap3A_170, %swap3A_171] {strides = array<i32>} : memref<16x64xf32, #tpu.memory_space<vmem>>, vector<1x16xf32>,
    %swap3A_173 = vector.shape_cast %swap3A_172 : vector<1x16xf32> to vector<16xf32>
    %swap3A_174 = vector.shape_cast %broadcast_in_dim3A_168 : vector<16xf32> to vector<1x16xf32>
    tpu.vector_store %arg9[%swap3A_170, %swap3A_171], %swap3A_174 {strides = array<i32>} : memref<16x64xf32, #tpu.memory_space<vmem>>, vector<1x16xf32>,
    %broadcast_in_dim3A_175 = arith.constant 0.000000e+00 : f32
    %broadcast_in_dim3A_176 = vector.broadcast %broadcast_in_dim3A_175 : f32 to vector<16xf32>
    %swap3A_177 = arith.constant 5 : i32
    %swap3A_178 = arith.index_cast %swap3A_177 : i32 to index
    %swap3A_179 = arith.constant 32 : index
    %swap3A_180 = tpu.vector_load %arg9[%swap3A_178, %swap3A_179] {strides = array<i32>} : memref<16x64xf32, #tpu.memory_space<vmem>>, vector<1x16xf32>,
    %swap3A_181 = vector.shape_cast %swap3A_180 : vector<1x16xf32> to vector<16xf32>
    %swap3A_182 = vector.shape_cast %broadcast_in_dim3A_176 : vector<16xf32> to vector<1x16xf32>
    tpu.vector_store %arg9[%swap3A_178, %swap3A_179], %swap3A_182 {strides = array<i32>} : memref<16x64xf32, #tpu.memory_space<vmem>>, vector<1x16xf32>,
    %broadcast_in_dim3A_183 = arith.constant 0.000000e+00 : f32
    %broadcast_in_dim3A_184 = vector.broadcast %broadcast_in_dim3A_183 : f32 to vector<16xf32>
    %swap3A_185 = arith.constant 5 : i32
    %swap3A_186 = arith.index_cast %swap3A_185 : i32 to index
    %swap3A_187 = arith.constant 48 : index
    %swap3A_188 = tpu.vector_load %arg9[%swap3A_186, %swap3A_187] {strides = array<i32>} : memref<16x64xf32, #tpu.memory_space<vmem>>, vector<1x16xf32>,
    %swap3A_189 = vector.shape_cast %swap3A_188 : vector<1x16xf32> to vector<16xf32>
    %swap3A_190 = vector.shape_cast %broadcast_in_dim3A_184 : vector<16xf32> to vector<1x16xf32>
    tpu.vector_store %arg9[%swap3A_186, %swap3A_187], %swap3A_190 {strides = array<i32>} : memref<16x64xf32, #tpu.memory_space<vmem>>, vector<1x16xf32>,
    %broadcast_in_dim3A_191 = arith.constant 0.000000e+00 : f32
    %broadcast_in_dim3A_192 = vector.broadcast %broadcast_in_dim3A_191 : f32 to vector<16xf32>
    %swap3A_193 = arith.constant 6 : i32
    %swap3A_194 = arith.index_cast %swap3A_193 : i32 to index
    %swap3A_195 = arith.constant 0 : index
    %swap3A_196 = tpu.vector_load %arg9[%swap3A_194, %swap3A_195] {strides = array<i32>} : memref<16x64xf32, #tpu.memory_space<vmem>>, vector<1x16xf32>,
    %swap3A_197 = vector.shape_cast %swap3A_196 : vector<1x16xf32> to vector<16xf32>
    %swap3A_198 = vector.shape_cast %broadcast_in_dim3A_192 : vector<16xf32> to vector<1x16xf32>
    tpu.vector_store %arg9[%swap3A_194, %swap3A_195], %swap3A_198 {strides = array<i32>} : memref<16x64xf32, #tpu.memory_space<vmem>>, vector<1x16xf32>,
    %broadcast_in_dim3A_199 = arith.constant 0.000000e+00 : f32
    %broadcast_in_dim3A_200 = vector.broadcast %broadcast_in_dim3A_199 : f32 to vector<16xf32>
    %swap3A_201 = arith.constant 6 : i32
    %swap3A_202 = arith.index_cast %swap3A_201 : i32 to index
    %swap3A_203 = arith.constant 16 : index
    %swap3A_204 = tpu.vector_load %arg9[%swap3A_202, %swap3A_203] {strides = array<i32>} : memref<16x64xf32, #tpu.memory_space<vmem>>, vector<1x16xf32>,
    %swap3A_205 = vector.shape_cast %swap3A_204 : vector<1x16xf32> to vector<16xf32>
    %swap3A_206 = vector.shape_cast %broadcast_in_dim3A_200 : vector<16xf32> to vector<1x16xf32>
    tpu.vector_store %arg9[%swap3A_202, %swap3A_203], %swap3A_206 {strides = array<i32>} : memref<16x64xf32, #tpu.memory_space<vmem>>, vector<1x16xf32>,
    %broadcast_in_dim3A_207 = arith.constant 0.000000e+00 : f32
    %broadcast_in_dim3A_208 = vector.broadcast %broadcast_in_dim3A_207 : f32 to vector<16xf32>
    %swap3A_209 = arith.constant 6 : i32
    %swap3A_210 = arith.index_cast %swap3A_209 : i32 to index
    %swap3A_211 = arith.constant 32 : index
    %swap3A_212 = tpu.vector_load %arg9[%swap3A_210, %swap3A_211] {strides = array<i32>} : memref<16x64xf32, #tpu.memory_space<vmem>>, vector<1x16xf32>,
    %swap3A_213 = vector.shape_cast %swap3A_212 : vector<1x16xf32> to vector<16xf32>
    %swap3A_214 = vector.shape_cast %broadcast_in_dim3A_208 : vector<16xf32> to vector<1x16xf32>
    tpu.vector_store %arg9[%swap3A_210, %swap3A_211], %swap3A_214 {strides = array<i32>} : memref<16x64xf32, #tpu.memory_space<vmem>>, vector<1x16xf32>,
    %broadcast_in_dim3A_215 = arith.constant 0.000000e+00 : f32
    %broadcast_in_dim3A_216 = vector.broadcast %broadcast_in_dim3A_215 : f32 to vector<16xf32>
    %swap3A_217 = arith.constant 6 : i32
    %swap3A_218 = arith.index_cast %swap3A_217 : i32 to index
    %swap3A_219 = arith.constant 48 : index
    %swap3A_220 = tpu.vector_load %arg9[%swap3A_218, %swap3A_219] {strides = array<i32>} : memref<16x64xf32, #tpu.memory_space<vmem>>, vector<1x16xf32>,
    %swap3A_221 = vector.shape_cast %swap3A_220 : vector<1x16xf32> to vector<16xf32>
    %swap3A_222 = vector.shape_cast %broadcast_in_dim3A_216 : vector<16xf32> to vector<1x16xf32>
    tpu.vector_store %arg9[%swap3A_218, %swap3A_219], %swap3A_222 {strides = array<i32>} : memref<16x64xf32, #tpu.memory_space<vmem>>, vector<1x16xf32>,
    %broadcast_in_dim3A_223 = arith.constant 0.000000e+00 : f32
    %broadcast_in_dim3A_224 = vector.broadcast %broadcast_in_dim3A_223 : f32 to vector<16xf32>
    %swap3A_225 = arith.constant 7 : i32
    %swap3A_226 = arith.index_cast %swap3A_225 : i32 to index
    %swap3A_227 = arith.constant 0 : index
    %swap3A_228 = tpu.vector_load %arg9[%swap3A_226, %swap3A_227] {strides = array<i32>} : memref<16x64xf32, #tpu.memory_space<vmem>>, vector<1x16xf32>,
    %swap3A_229 = vector.shape_cast %swap3A_228 : vector<1x16xf32> to vector<16xf32>
    %swap3A_230 = vector.shape_cast %broadcast_in_dim3A_224 : vector<16xf32> to vector<1x16xf32>
    tpu.vector_store %arg9[%swap3A_226, %swap3A_227], %swap3A_230 {strides = array<i32>} : memref<16x64xf32, #tpu.memory_space<vmem>>, vector<1x16xf32>,
    %broadcast_in_dim3A_231 = arith.constant 0.000000e+00 : f32
    %broadcast_in_dim3A_232 = vector.broadcast %broadcast_in_dim3A_231 : f32 to vector<16xf32>
    %swap3A_233 = arith.constant 7 : i32
    %swap3A_234 = arith.index_cast %swap3A_233 : i32 to index
    %swap3A_235 = arith.constant 16 : index
    %swap3A_236 = tpu.vector_load %arg9[%swap3A_234, %swap3A_235] {strides = array<i32>} : memref<16x64xf32, #tpu.memory_space<vmem>>, vector<1x16xf32>,
    %swap3A_237 = vector.shape_cast %swap3A_236 : vector<1x16xf32> to vector<16xf32>
    %swap3A_238 = vector.shape_cast %broadcast_in_dim3A_232 : vector<16xf32> to vector<1x16xf32>
    tpu.vector_store %arg9[%swap3A_234, %swap3A_235], %swap3A_238 {strides = array<i32>} : memref<16x64xf32, #tpu.memory_space<vmem>>, vector<1x16xf32>,
    %broadcast_in_dim3A_239 = arith.constant 0.000000e+00 : f32
    %broadcast_in_dim3A_240 = vector.broadcast %broadcast_in_dim3A_239 : f32 to vector<16xf32>
    %swap3A_241 = arith.constant 7 : i32
    %swap3A_242 = arith.index_cast %swap3A_241 : i32 to index
    %swap3A_243 = arith.constant 32 : index
    %swap3A_244 = tpu.vector_load %arg9[%swap3A_242, %swap3A_243] {strides = array<i32>} : memref<16x64xf32, #tpu.memory_space<vmem>>, vector<1x16xf32>,
    %swap3A_245 = vector.shape_cast %swap3A_244 : vector<1x16xf32> to vector<16xf32>
    %swap3A_246 = vector.shape_cast %broadcast_in_dim3A_240 : vector<16xf32> to vector<1x16xf32>
    tpu.vector_store %arg9[%swap3A_242, %swap3A_243], %swap3A_246 {strides = array<i32>} : memref<16x64xf32, #tpu.memory_space<vmem>>, vector<1x16xf32>,
    %broadcast_in_dim3A_247 = arith.constant 0.000000e+00 : f32
    %broadcast_in_dim3A_248 = vector.broadcast %broadcast_in_dim3A_247 : f32 to vector<16xf32>
    %swap3A_249 = arith.constant 7 : i32
    %swap3A_250 = arith.index_cast %swap3A_249 : i32 to index
    %swap3A_251 = arith.constant 48 : index
    %swap3A_252 = tpu.vector_load %arg9[%swap3A_250, %swap3A_251] {strides = array<i32>} : memref<16x64xf32, #tpu.memory_space<vmem>>, vector<1x16xf32>,
    %swap3A_253 = vector.shape_cast %swap3A_252 : vector<1x16xf32> to vector<16xf32>
    %swap3A_254 = vector.shape_cast %broadcast_in_dim3A_248 : vector<16xf32> to vector<1x16xf32>
    tpu.vector_store %arg9[%swap3A_250, %swap3A_251], %swap3A_254 {strides = array<i32>} : memref<16x64xf32, #tpu.memory_space<vmem>>, vector<1x16xf32>,
    %broadcast_in_dim3A_255 = arith.constant 0.000000e+00 : f32
    %broadcast_in_dim3A_256 = vector.broadcast %broadcast_in_dim3A_255 : f32 to vector<16xf32>
    %swap3A_257 = arith.constant 8 : i32
    %swap3A_258 = arith.index_cast %swap3A_257 : i32 to index
    %swap3A_259 = arith.constant 0 : index
    %swap3A_260 = tpu.vector_load %arg9[%swap3A_258, %swap3A_259] {strides = array<i32>} : memref<16x64xf32, #tpu.memory_space<vmem>>, vector<1x16xf32>,
    %swap3A_261 = vector.shape_cast %swap3A_260 : vector<1x16xf32> to vector<16xf32>
    %swap3A_262 = vector.shape_cast %broadcast_in_dim3A_256 : vector<16xf32> to vector<1x16xf32>
    tpu.vector_store %arg9[%swap3A_258, %swap3A_259], %swap3A_262 {strides = array<i32>} : memref<16x64xf32, #tpu.memory_space<vmem>>, vector<1x16xf32>,
    %broadcast_in_dim3A_263 = arith.constant 0.000000e+00 : f32
    %broadcast_in_dim3A_264 = vector.broadcast %broadcast_in_dim3A_263 : f32 to vector<16xf32>
    %swap3A_265 = arith.constant 8 : i32
    %swap3A_266 = arith.index_cast %swap3A_265 : i32 to index
    %swap3A_267 = arith.constant 16 : index
    %swap3A_268 = tpu.vector_load %arg9[%swap3A_266, %swap3A_267] {strides = array<i32>} : memref<16x64xf32, #tpu.memory_space<vmem>>, vector<1x16xf32>,
    %swap3A_269 = vector.shape_cast %swap3A_268 : vector<1x16xf32> to vector<16xf32>
    %swap3A_270 = vector.shape_cast %broadcast_in_dim3A_264 : vector<16xf32> to vector<1x16xf32>
    tpu.vector_store %arg9[%swap3A_266, %swap3A_267], %swap3A_270 {strides = array<i32>} : memref<16x64xf32, #tpu.memory_space<vmem>>, vector<1x16xf32>,
    %broadcast_in_dim3A_271 = arith.constant 0.000000e+00 : f32
    %broadcast_in_dim3A_272 = vector.broadcast %broadcast_in_dim3A_271 : f32 to vector<16xf32>
    %swap3A_273 = arith.constant 8 : i32
    %swap3A_274 = arith.index_cast %swap3A_273 : i32 to index
    %swap3A_275 = arith.constant 32 : index
    %swap3A_276 = tpu.vector_load %arg9[%swap3A_274, %swap3A_275] {strides = array<i32>} : memref<16x64xf32, #tpu.memory_space<vmem>>, vector<1x16xf32>,
    %swap3A_277 = vector.shape_cast %swap3A_276 : vector<1x16xf32> to vector<16xf32>
    %swap3A_278 = vector.shape_cast %broadcast_in_dim3A_272 : vector<16xf32> to vector<1x16xf32>
    tpu.vector_store %arg9[%swap3A_274, %swap3A_275], %swap3A_278 {strides = array<i32>} : memref<16x64xf32, #tpu.memory_space<vmem>>, vector<1x16xf32>,
    %broadcast_in_dim3A_279 = arith.constant 0.000000e+00 : f32
    %broadcast_in_dim3A_280 = vector.broadcast %broadcast_in_dim3A_279 : f32 to vector<16xf32>
    %swap3A_281 = arith.constant 8 : i32
    %swap3A_282 = arith.index_cast %swap3A_281 : i32 to index
    %swap3A_283 = arith.constant 48 : index
    %swap3A_284 = tpu.vector_load %arg9[%swap3A_282, %swap3A_283] {strides = array<i32>} : memref<16x64xf32, #tpu.memory_space<vmem>>, vector<1x16xf32>,
    %swap3A_285 = vector.shape_cast %swap3A_284 : vector<1x16xf32> to vector<16xf32>
    %swap3A_286 = vector.shape_cast %broadcast_in_dim3A_280 : vector<16xf32> to vector<1x16xf32>
    tpu.vector_store %arg9[%swap3A_282, %swap3A_283], %swap3A_286 {strides = array<i32>} : memref<16x64xf32, #tpu.memory_space<vmem>>, vector<1x16xf32>,
    %broadcast_in_dim3A_287 = arith.constant 0.000000e+00 : f32
    %broadcast_in_dim3A_288 = vector.broadcast %broadcast_in_dim3A_287 : f32 to vector<16xf32>
    %swap3A_289 = arith.constant 9 : i32
    %swap3A_290 = arith.index_cast %swap3A_289 : i32 to index
    %swap3A_291 = arith.constant 0 : index
    %swap3A_292 = tpu.vector_load %arg9[%swap3A_290, %swap3A_291] {strides = array<i32>} : memref<16x64xf32, #tpu.memory_space<vmem>>, vector<1x16xf32>,
    %swap3A_293 = vector.shape_cast %swap3A_292 : vector<1x16xf32> to vector<16xf32>
    %swap3A_294 = vector.shape_cast %broadcast_in_dim3A_288 : vector<16xf32> to vector<1x16xf32>
    tpu.vector_store %arg9[%swap3A_290, %swap3A_291], %swap3A_294 {strides = array<i32>} : memref<16x64xf32, #tpu.memory_space<vmem>>, vector<1x16xf32>,
    %broadcast_in_dim3A_295 = arith.constant 0.000000e+00 : f32
    %broadcast_in_dim3A_296 = vector.broadcast %broadcast_in_dim3A_295 : f32 to vector<16xf32>
    %swap3A_297 = arith.constant 9 : i32
    %swap3A_298 = arith.index_cast %swap3A_297 : i32 to index
    %swap3A_299 = arith.constant 16 : index
    %swap3A_300 = tpu.vector_load %arg9[%swap3A_298, %swap3A_299] {strides = array<i32>} : memref<16x64xf32, #tpu.memory_space<vmem>>, vector<1x16xf32>,
    %swap3A_301 = vector.shape_cast %swap3A_300 : vector<1x16xf32> to vector<16xf32>
    %swap3A_302 = vector.shape_cast %broadcast_in_dim3A_296 : vector<16xf32> to vector<1x16xf32>
    tpu.vector_store %arg9[%swap3A_298, %swap3A_299], %swap3A_302 {strides = array<i32>} : memref<16x64xf32, #tpu.memory_space<vmem>>, vector<1x16xf32>,
    %broadcast_in_dim3A_303 = arith.constant 0.000000e+00 : f32
    %broadcast_in_dim3A_304 = vector.broadcast %broadcast_in_dim3A_303 : f32 to vector<16xf32>
    %swap3A_305 = arith.constant 9 : i32
    %swap3A_306 = arith.index_cast %swap3A_305 : i32 to index
    %swap3A_307 = arith.constant 32 : index
    %swap3A_308 = tpu.vector_load %arg9[%swap3A_306, %swap3A_307] {strides = array<i32>} : memref<16x64xf32, #tpu.memory_space<vmem>>, vector<1x16xf32>,
    %swap3A_309 = vector.shape_cast %swap3A_308 : vector<1x16xf32> to vector<16xf32>
    %swap3A_310 = vector.shape_cast %broadcast_in_dim3A_304 : vector<16xf32> to vector<1x16xf32>
    tpu.vector_store %arg9[%swap3A_306, %swap3A_307], %swap3A_310 {strides = array<i32>} : memref<16x64xf32, #tpu.memory_space<vmem>>, vector<1x16xf32>,
    %broadcast_in_dim3A_311 = arith.constant 0.000000e+00 : f32
    %broadcast_in_dim3A_312 = vector.broadcast %broadcast_in_dim3A_311 : f32 to vector<16xf32>
    %swap3A_313 = arith.constant 9 : i32
    %swap3A_314 = arith.index_cast %swap3A_313 : i32 to index
    %swap3A_315 = arith.constant 48 : index
    %swap3A_316 = tpu.vector_load %arg9[%swap3A_314, %swap3A_315] {strides = array<i32>} : memref<16x64xf32, #tpu.memory_space<vmem>>, vector<1x16xf32>,
    %swap3A_317 = vector.shape_cast %swap3A_316 : vector<1x16xf32> to vector<16xf32>
    %swap3A_318 = vector.shape_cast %broadcast_in_dim3A_312 : vector<16xf32> to vector<1x16xf32>
    tpu.vector_store %arg9[%swap3A_314, %swap3A_315], %swap3A_318 {strides = array<i32>} : memref<16x64xf32, #tpu.memory_space<vmem>>, vector<1x16xf32>,
    %broadcast_in_dim3A_319 = arith.constant 0.000000e+00 : f32
    %broadcast_in_dim3A_320 = vector.broadcast %broadcast_in_dim3A_319 : f32 to vector<16xf32>
    %swap3A_321 = arith.constant 10 : i32
    %swap3A_322 = arith.index_cast %swap3A_321 : i32 to index
    %swap3A_323 = arith.constant 0 : index
    %swap3A_324 = tpu.vector_load %arg9[%swap3A_322, %swap3A_323] {strides = array<i32>} : memref<16x64xf32, #tpu.memory_space<vmem>>, vector<1x16xf32>,
    %swap3A_325 = vector.shape_cast %swap3A_324 : vector<1x16xf32> to vector<16xf32>
    %swap3A_326 = vector.shape_cast %broadcast_in_dim3A_320 : vector<16xf32> to vector<1x16xf32>
    tpu.vector_store %arg9[%swap3A_322, %swap3A_323], %swap3A_326 {strides = array<i32>} : memref<16x64xf32, #tpu.memory_space<vmem>>, vector<1x16xf32>,
    %broadcast_in_dim3A_327 = arith.constant 0.000000e+00 : f32
    %broadcast_in_dim3A_328 = vector.broadcast %broadcast_in_dim3A_327 : f32 to vector<16xf32>
    %swap3A_329 = arith.constant 10 : i32
    %swap3A_330 = arith.index_cast %swap3A_329 : i32 to index
    %swap3A_331 = arith.constant 16 : index
    %swap3A_332 = tpu.vector_load %arg9[%swap3A_330, %swap3A_331] {strides = array<i32>} : memref<16x64xf32, #tpu.memory_space<vmem>>, vector<1x16xf32>,
    %swap3A_333 = vector.shape_cast %swap3A_332 : vector<1x16xf32> to vector<16xf32>
    %swap3A_334 = vector.shape_cast %broadcast_in_dim3A_328 : vector<16xf32> to vector<1x16xf32>
    tpu.vector_store %arg9[%swap3A_330, %swap3A_331], %swap3A_334 {strides = array<i32>} : memref<16x64xf32, #tpu.memory_space<vmem>>, vector<1x16xf32>,
    %broadcast_in_dim3A_335 = arith.constant 0.000000e+00 : f32
    %broadcast_in_dim3A_336 = vector.broadcast %broadcast_in_dim3A_335 : f32 to vector<16xf32>
    %swap3A_337 = arith.constant 10 : i32
    %swap3A_338 = arith.index_cast %swap3A_337 : i32 to index
    %swap3A_339 = arith.constant 32 : index
    %swap3A_340 = tpu.vector_load %arg9[%swap3A_338, %swap3A_339] {strides = array<i32>} : memref<16x64xf32, #tpu.memory_space<vmem>>, vector<1x16xf32>,
    %swap3A_341 = vector.shape_cast %swap3A_340 : vector<1x16xf32> to vector<16xf32>
    %swap3A_342 = vector.shape_cast %broadcast_in_dim3A_336 : vector<16xf32> to vector<1x16xf32>
    tpu.vector_store %arg9[%swap3A_338, %swap3A_339], %swap3A_342 {strides = array<i32>} : memref<16x64xf32, #tpu.memory_space<vmem>>, vector<1x16xf32>,
    %broadcast_in_dim3A_343 = arith.constant 0.000000e+00 : f32
    %broadcast_in_dim3A_344 = vector.broadcast %broadcast_in_dim3A_343 : f32 to vector<16xf32>
    %swap3A_345 = arith.constant 10 : i32
    %swap3A_346 = arith.index_cast %swap3A_345 : i32 to index
    %swap3A_347 = arith.constant 48 : index
    %swap3A_348 = tpu.vector_load %arg9[%swap3A_346, %swap3A_347] {strides = array<i32>} : memref<16x64xf32, #tpu.memory_space<vmem>>, vector<1x16xf32>,
    %swap3A_349 = vector.shape_cast %swap3A_348 : vector<1x16xf32> to vector<16xf32>
    %swap3A_350 = vector.shape_cast %broadcast_in_dim3A_344 : vector<16xf32> to vector<1x16xf32>
    tpu.vector_store %arg9[%swap3A_346, %swap3A_347], %swap3A_350 {strides = array<i32>} : memref<16x64xf32, #tpu.memory_space<vmem>>, vector<1x16xf32>,
    %broadcast_in_dim3A_351 = arith.constant 0.000000e+00 : f32
    %broadcast_in_dim3A_352 = vector.broadcast %broadcast_in_dim3A_351 : f32 to vector<16xf32>
    %swap3A_353 = arith.constant 11 : i32
    %swap3A_354 = arith.index_cast %swap3A_353 : i32 to index
    %swap3A_355 = arith.constant 0 : index
    %swap3A_356 = tpu.vector_load %arg9[%swap3A_354, %swap3A_355] {strides = array<i32>} : memref<16x64xf32, #tpu.memory_space<vmem>>, vector<1x16xf32>,
    %swap3A_357 = vector.shape_cast %swap3A_356 : vector<1x16xf32> to vector<16xf32>
    %swap3A_358 = vector.shape_cast %broadcast_in_dim3A_352 : vector<16xf32> to vector<1x16xf32>
    tpu.vector_store %arg9[%swap3A_354, %swap3A_355], %swap3A_358 {strides = array<i32>} : memref<16x64xf32, #tpu.memory_space<vmem>>, vector<1x16xf32>,
    %broadcast_in_dim3A_359 = arith.constant 0.000000e+00 : f32
    %broadcast_in_dim3A_360 = vector.broadcast %broadcast_in_dim3A_359 : f32 to vector<16xf32>
    %swap3A_361 = arith.constant 11 : i32
    %swap3A_362 = arith.index_cast %swap3A_361 : i32 to index
    %swap3A_363 = arith.constant 16 : index
    %swap3A_364 = tpu.vector_load %arg9[%swap3A_362, %swap3A_363] {strides = array<i32>} : memref<16x64xf32, #tpu.memory_space<vmem>>, vector<1x16xf32>,
    %swap3A_365 = vector.shape_cast %swap3A_364 : vector<1x16xf32> to vector<16xf32>
    %swap3A_366 = vector.shape_cast %broadcast_in_dim3A_360 : vector<16xf32> to vector<1x16xf32>
    tpu.vector_store %arg9[%swap3A_362, %swap3A_363], %swap3A_366 {strides = array<i32>} : memref<16x64xf32, #tpu.memory_space<vmem>>, vector<1x16xf32>,
    %broadcast_in_dim3A_367 = arith.constant 0.000000e+00 : f32
    %broadcast_in_dim3A_368 = vector.broadcast %broadcast_in_dim3A_367 : f32 to vector<16xf32>
    %swap3A_369 = arith.constant 11 : i32
    %swap3A_370 = arith.index_cast %swap3A_369 : i32 to index
    %swap3A_371 = arith.constant 32 : index
    %swap3A_372 = tpu.vector_load %arg9[%swap3A_370, %swap3A_371] {strides = array<i32>} : memref<16x64xf32, #tpu.memory_space<vmem>>, vector<1x16xf32>,
    %swap3A_373 = vector.shape_cast %swap3A_372 : vector<1x16xf32> to vector<16xf32>
    %swap3A_374 = vector.shape_cast %broadcast_in_dim3A_368 : vector<16xf32> to vector<1x16xf32>
    tpu.vector_store %arg9[%swap3A_370, %swap3A_371], %swap3A_374 {strides = array<i32>} : memref<16x64xf32, #tpu.memory_space<vmem>>, vector<1x16xf32>,
    %broadcast_in_dim3A_375 = arith.constant 0.000000e+00 : f32
    %broadcast_in_dim3A_376 = vector.broadcast %broadcast_in_dim3A_375 : f32 to vector<16xf32>
    %swap3A_377 = arith.constant 11 : i32
    %swap3A_378 = arith.index_cast %swap3A_377 : i32 to index
    %swap3A_379 = arith.constant 48 : index
    %swap3A_380 = tpu.vector_load %arg9[%swap3A_378, %swap3A_379] {strides = array<i32>} : memref<16x64xf32, #tpu.memory_space<vmem>>, vector<1x16xf32>,
    %swap3A_381 = vector.shape_cast %swap3A_380 : vector<1x16xf32> to vector<16xf32>
    %swap3A_382 = vector.shape_cast %broadcast_in_dim3A_376 : vector<16xf32> to vector<1x16xf32>
    tpu.vector_store %arg9[%swap3A_378, %swap3A_379], %swap3A_382 {strides = array<i32>} : memref<16x64xf32, #tpu.memory_space<vmem>>, vector<1x16xf32>,
    %broadcast_in_dim3A_383 = arith.constant 0.000000e+00 : f32
    %broadcast_in_dim3A_384 = vector.broadcast %broadcast_in_dim3A_383 : f32 to vector<16xf32>
    %swap3A_385 = arith.constant 12 : i32
    %swap3A_386 = arith.index_cast %swap3A_385 : i32 to index
    %swap3A_387 = arith.constant 0 : index
    %swap3A_388 = tpu.vector_load %arg9[%swap3A_386, %swap3A_387] {strides = array<i32>} : memref<16x64xf32, #tpu.memory_space<vmem>>, vector<1x16xf32>,
    %swap3A_389 = vector.shape_cast %swap3A_388 : vector<1x16xf32> to vector<16xf32>
    %swap3A_390 = vector.shape_cast %broadcast_in_dim3A_384 : vector<16xf32> to vector<1x16xf32>
    tpu.vector_store %arg9[%swap3A_386, %swap3A_387], %swap3A_390 {strides = array<i32>} : memref<16x64xf32, #tpu.memory_space<vmem>>, vector<1x16xf32>,
    %broadcast_in_dim3A_391 = arith.constant 0.000000e+00 : f32
    %broadcast_in_dim3A_392 = vector.broadcast %broadcast_in_dim3A_391 : f32 to vector<16xf32>
    %swap3A_393 = arith.constant 12 : i32
    %swap3A_394 = arith.index_cast %swap3A_393 : i32 to index
    %swap3A_395 = arith.constant 16 : index
    %swap3A_396 = tpu.vector_load %arg9[%swap3A_394, %swap3A_395] {strides = array<i32>} : memref<16x64xf32, #tpu.memory_space<vmem>>, vector<1x16xf32>,
    %swap3A_397 = vector.shape_cast %swap3A_396 : vector<1x16xf32> to vector<16xf32>
    %swap3A_398 = vector.shape_cast %broadcast_in_dim3A_392 : vector<16xf32> to vector<1x16xf32>
    tpu.vector_store %arg9[%swap3A_394, %swap3A_395], %swap3A_398 {strides = array<i32>} : memref<16x64xf32, #tpu.memory_space<vmem>>, vector<1x16xf32>,
    %broadcast_in_dim3A_399 = arith.constant 0.000000e+00 : f32
    %broadcast_in_dim3A_400 = vector.broadcast %broadcast_in_dim3A_399 : f32 to vector<16xf32>
    %swap3A_401 = arith.constant 12 : i32
    %swap3A_402 = arith.index_cast %swap3A_401 : i32 to index
    %swap3A_403 = arith.constant 32 : index
    %swap3A_404 = tpu.vector_load %arg9[%swap3A_402, %swap3A_403] {strides = array<i32>} : memref<16x64xf32, #tpu.memory_space<vmem>>, vector<1x16xf32>,
    %swap3A_405 = vector.shape_cast %swap3A_404 : vector<1x16xf32> to vector<16xf32>
    %swap3A_406 = vector.shape_cast %broadcast_in_dim3A_400 : vector<16xf32> to vector<1x16xf32>
    tpu.vector_store %arg9[%swap3A_402, %swap3A_403], %swap3A_406 {strides = array<i32>} : memref<16x64xf32, #tpu.memory_space<vmem>>, vector<1x16xf32>,
    %broadcast_in_dim3A_407 = arith.constant 0.000000e+00 : f32
    %broadcast_in_dim3A_408 = vector.broadcast %broadcast_in_dim3A_407 : f32 to vector<16xf32>
    %swap3A_409 = arith.constant 12 : i32
    %swap3A_410 = arith.index_cast %swap3A_409 : i32 to index
    %swap3A_411 = arith.constant 48 : index
    %swap3A_412 = tpu.vector_load %arg9[%swap3A_410, %swap3A_411] {strides = array<i32>} : memref<16x64xf32, #tpu.memory_space<vmem>>, vector<1x16xf32>,
    %swap3A_413 = vector.shape_cast %swap3A_412 : vector<1x16xf32> to vector<16xf32>
    %swap3A_414 = vector.shape_cast %broadcast_in_dim3A_408 : vector<16xf32> to vector<1x16xf32>
    tpu.vector_store %arg9[%swap3A_410, %swap3A_411], %swap3A_414 {strides = array<i32>} : memref<16x64xf32, #tpu.memory_space<vmem>>, vector<1x16xf32>,
    %broadcast_in_dim3A_415 = arith.constant 0.000000e+00 : f32
    %broadcast_in_dim3A_416 = vector.broadcast %broadcast_in_dim3A_415 : f32 to vector<16xf32>
    %swap3A_417 = arith.constant 13 : i32
    %swap3A_418 = arith.index_cast %swap3A_417 : i32 to index
    %swap3A_419 = arith.constant 0 : index
    %swap3A_420 = tpu.vector_load %arg9[%swap3A_418, %swap3A_419] {strides = array<i32>} : memref<16x64xf32, #tpu.memory_space<vmem>>, vector<1x16xf32>,
    %swap3A_421 = vector.shape_cast %swap3A_420 : vector<1x16xf32> to vector<16xf32>
    %swap3A_422 = vector.shape_cast %broadcast_in_dim3A_416 : vector<16xf32> to vector<1x16xf32>
    tpu.vector_store %arg9[%swap3A_418, %swap3A_419], %swap3A_422 {strides = array<i32>} : memref<16x64xf32, #tpu.memory_space<vmem>>, vector<1x16xf32>,
    %broadcast_in_dim3A_423 = arith.constant 0.000000e+00 : f32
    %broadcast_in_dim3A_424 = vector.broadcast %broadcast_in_dim3A_423 : f32 to vector<16xf32>
    %swap3A_425 = arith.constant 13 : i32
    %swap3A_426 = arith.index_cast %swap3A_425 : i32 to index
    %swap3A_427 = arith.constant 16 : index
    %swap3A_428 = tpu.vector_load %arg9[%swap3A_426, %swap3A_427] {strides = array<i32>} : memref<16x64xf32, #tpu.memory_space<vmem>>, vector<1x16xf32>,
    %swap3A_429 = vector.shape_cast %swap3A_428 : vector<1x16xf32> to vector<16xf32>
    %swap3A_430 = vector.shape_cast %broadcast_in_dim3A_424 : vector<16xf32> to vector<1x16xf32>
    tpu.vector_store %arg9[%swap3A_426, %swap3A_427], %swap3A_430 {strides = array<i32>} : memref<16x64xf32, #tpu.memory_space<vmem>>, vector<1x16xf32>,
    %broadcast_in_dim3A_431 = arith.constant 0.000000e+00 : f32
    %broadcast_in_dim3A_432 = vector.broadcast %broadcast_in_dim3A_431 : f32 to vector<16xf32>
    %swap3A_433 = arith.constant 13 : i32
    %swap3A_434 = arith.index_cast %swap3A_433 : i32 to index
    %swap3A_435 = arith.constant 32 : index
    %swap3A_436 = tpu.vector_load %arg9[%swap3A_434, %swap3A_435] {strides = array<i32>} : memref<16x64xf32, #tpu.memory_space<vmem>>, vector<1x16xf32>,
    %swap3A_437 = vector.shape_cast %swap3A_436 : vector<1x16xf32> to vector<16xf32>
    %swap3A_438 = vector.shape_cast %broadcast_in_dim3A_432 : vector<16xf32> to vector<1x16xf32>
    tpu.vector_store %arg9[%swap3A_434, %swap3A_435], %swap3A_438 {strides = array<i32>} : memref<16x64xf32, #tpu.memory_space<vmem>>, vector<1x16xf32>,
    %broadcast_in_dim3A_439 = arith.constant 0.000000e+00 : f32
    %broadcast_in_dim3A_440 = vector.broadcast %broadcast_in_dim3A_439 : f32 to vector<16xf32>
    %swap3A_441 = arith.constant 13 : i32
    %swap3A_442 = arith.index_cast %swap3A_441 : i32 to index
    %swap3A_443 = arith.constant 48 : index
    %swap3A_444 = tpu.vector_load %arg9[%swap3A_442, %swap3A_443] {strides = array<i32>} : memref<16x64xf32, #tpu.memory_space<vmem>>, vector<1x16xf32>,
    %swap3A_445 = vector.shape_cast %swap3A_444 : vector<1x16xf32> to vector<16xf32>
    %swap3A_446 = vector.shape_cast %broadcast_in_dim3A_440 : vector<16xf32> to vector<1x16xf32>
    tpu.vector_store %arg9[%swap3A_442, %swap3A_443], %swap3A_446 {strides = array<i32>} : memref<16x64xf32, #tpu.memory_space<vmem>>, vector<1x16xf32>,
    %broadcast_in_dim3A_447 = arith.constant 0.000000e+00 : f32
    %broadcast_in_dim3A_448 = vector.broadcast %broadcast_in_dim3A_447 : f32 to vector<16xf32>
    %swap3A_449 = arith.constant 14 : i32
    %swap3A_450 = arith.index_cast %swap3A_449 : i32 to index
    %swap3A_451 = arith.constant 0 : index
    %swap3A_452 = tpu.vector_load %arg9[%swap3A_450, %swap3A_451] {strides = array<i32>} : memref<16x64xf32, #tpu.memory_space<vmem>>, vector<1x16xf32>,
    %swap3A_453 = vector.shape_cast %swap3A_452 : vector<1x16xf32> to vector<16xf32>
    %swap3A_454 = vector.shape_cast %broadcast_in_dim3A_448 : vector<16xf32> to vector<1x16xf32>
    tpu.vector_store %arg9[%swap3A_450, %swap3A_451], %swap3A_454 {strides = array<i32>} : memref<16x64xf32, #tpu.memory_space<vmem>>, vector<1x16xf32>,
    %broadcast_in_dim3A_455 = arith.constant 0.000000e+00 : f32
    %broadcast_in_dim3A_456 = vector.broadcast %broadcast_in_dim3A_455 : f32 to vector<16xf32>
    %swap3A_457 = arith.constant 14 : i32
    %swap3A_458 = arith.index_cast %swap3A_457 : i32 to index
    %swap3A_459 = arith.constant 16 : index
    %swap3A_460 = tpu.vector_load %arg9[%swap3A_458, %swap3A_459] {strides = array<i32>} : memref<16x64xf32, #tpu.memory_space<vmem>>, vector<1x16xf32>,
    %swap3A_461 = vector.shape_cast %swap3A_460 : vector<1x16xf32> to vector<16xf32>
    %swap3A_462 = vector.shape_cast %broadcast_in_dim3A_456 : vector<16xf32> to vector<1x16xf32>
    tpu.vector_store %arg9[%swap3A_458, %swap3A_459], %swap3A_462 {strides = array<i32>} : memref<16x64xf32, #tpu.memory_space<vmem>>, vector<1x16xf32>,
    %broadcast_in_dim3A_463 = arith.constant 0.000000e+00 : f32
    %broadcast_in_dim3A_464 = vector.broadcast %broadcast_in_dim3A_463 : f32 to vector<16xf32>
    %swap3A_465 = arith.constant 14 : i32
    %swap3A_466 = arith.index_cast %swap3A_465 : i32 to index
    %swap3A_467 = arith.constant 32 : index
    %swap3A_468 = tpu.vector_load %arg9[%swap3A_466, %swap3A_467] {strides = array<i32>} : memref<16x64xf32, #tpu.memory_space<vmem>>, vector<1x16xf32>,
    %swap3A_469 = vector.shape_cast %swap3A_468 : vector<1x16xf32> to vector<16xf32>
    %swap3A_470 = vector.shape_cast %broadcast_in_dim3A_464 : vector<16xf32> to vector<1x16xf32>
    tpu.vector_store %arg9[%swap3A_466, %swap3A_467], %swap3A_470 {strides = array<i32>} : memref<16x64xf32, #tpu.memory_space<vmem>>, vector<1x16xf32>,
    %broadcast_in_dim3A_471 = arith.constant 0.000000e+00 : f32
    %broadcast_in_dim3A_472 = vector.broadcast %broadcast_in_dim3A_471 : f32 to vector<16xf32>
    %swap3A_473 = arith.constant 14 : i32
    %swap3A_474 = arith.index_cast %swap3A_473 : i32 to index
    %swap3A_475 = arith.constant 48 : index
    %swap3A_476 = tpu.vector_load %arg9[%swap3A_474, %swap3A_475] {strides = array<i32>} : memref<16x64xf32, #tpu.memory_space<vmem>>, vector<1x16xf32>,
    %swap3A_477 = vector.shape_cast %swap3A_476 : vector<1x16xf32> to vector<16xf32>
    %swap3A_478 = vector.shape_cast %broadcast_in_dim3A_472 : vector<16xf32> to vector<1x16xf32>
    tpu.vector_store %arg9[%swap3A_474, %swap3A_475], %swap3A_478 {strides = array<i32>} : memref<16x64xf32, #tpu.memory_space<vmem>>, vector<1x16xf32>,
    %broadcast_in_dim3A_479 = arith.constant 0.000000e+00 : f32
    %broadcast_in_dim3A_480 = vector.broadcast %broadcast_in_dim3A_479 : f32 to vector<16xf32>
    %swap3A_481 = arith.constant 15 : i32
    %swap3A_482 = arith.index_cast %swap3A_481 : i32 to index
    %swap3A_483 = arith.constant 0 : index
    %swap3A_484 = tpu.vector_load %arg9[%swap3A_482, %swap3A_483] {strides = array<i32>} : memref<16x64xf32, #tpu.memory_space<vmem>>, vector<1x16xf32>,
    %swap3A_485 = vector.shape_cast %swap3A_484 : vector<1x16xf32> to vector<16xf32>
    %swap3A_486 = vector.shape_cast %broadcast_in_dim3A_480 : vector<16xf32> to vector<1x16xf32>
    tpu.vector_store %arg9[%swap3A_482, %swap3A_483], %swap3A_486 {strides = array<i32>} : memref<16x64xf32, #tpu.memory_space<vmem>>, vector<1x16xf32>,
    %broadcast_in_dim3A_487 = arith.constant 0.000000e+00 : f32
    %broadcast_in_dim3A_488 = vector.broadcast %broadcast_in_dim3A_487 : f32 to vector<16xf32>
    %swap3A_489 = arith.constant 15 : i32
    %swap3A_490 = arith.index_cast %swap3A_489 : i32 to index
    %swap3A_491 = arith.constant 16 : index
    %swap3A_492 = tpu.vector_load %arg9[%swap3A_490, %swap3A_491] {strides = array<i32>} : memref<16x64xf32, #tpu.memory_space<vmem>>, vector<1x16xf32>,
    %swap3A_493 = vector.shape_cast %swap3A_492 : vector<1x16xf32> to vector<16xf32>
    %swap3A_494 = vector.shape_cast %broadcast_in_dim3A_488 : vector<16xf32> to vector<1x16xf32>
    tpu.vector_store %arg9[%swap3A_490, %swap3A_491], %swap3A_494 {strides = array<i32>} : memref<16x64xf32, #tpu.memory_space<vmem>>, vector<1x16xf32>,
    %broadcast_in_dim3A_495 = arith.constant 0.000000e+00 : f32
    %broadcast_in_dim3A_496 = vector.broadcast %broadcast_in_dim3A_495 : f32 to vector<16xf32>
    %swap3A_497 = arith.constant 15 : i32
    %swap3A_498 = arith.index_cast %swap3A_497 : i32 to index
    %swap3A_499 = arith.constant 32 : index
    %swap3A_500 = tpu.vector_load %arg9[%swap3A_498, %swap3A_499] {strides = array<i32>} : memref<16x64xf32, #tpu.memory_space<vmem>>, vector<1x16xf32>,
    %swap3A_501 = vector.shape_cast %swap3A_500 : vector<1x16xf32> to vector<16xf32>
    %swap3A_502 = vector.shape_cast %broadcast_in_dim3A_496 : vector<16xf32> to vector<1x16xf32>
    tpu.vector_store %arg9[%swap3A_498, %swap3A_499], %swap3A_502 {strides = array<i32>} : memref<16x64xf32, #tpu.memory_space<vmem>>, vector<1x16xf32>,
    %broadcast_in_dim3A_503 = arith.constant 0.000000e+00 : f32
    %broadcast_in_dim3A_504 = vector.broadcast %broadcast_in_dim3A_503 : f32 to vector<16xf32>
    %swap3A_505 = arith.constant 15 : i32
    %swap3A_506 = arith.index_cast %swap3A_505 : i32 to index
    %swap3A_507 = arith.constant 48 : index
    %swap3A_508 = tpu.vector_load %arg9[%swap3A_506, %swap3A_507] {strides = array<i32>} : memref<16x64xf32, #tpu.memory_space<vmem>>, vector<1x16xf32>,
    %swap3A_509 = vector.shape_cast %swap3A_508 : vector<1x16xf32> to vector<16xf32>
    %swap3A_510 = vector.shape_cast %broadcast_in_dim3A_504 : vector<16xf32> to vector<1x16xf32>
    tpu.vector_store %arg9[%swap3A_506, %swap3A_507], %swap3A_510 {strides = array<i32>} : memref<16x64xf32, #tpu.memory_space<vmem>>, vector<1x16xf32>,
    %scan3A = arith.constant 0 : i32
    %scan3A_511 = arith.constant 0 : i32
    %scan3A_512 = arith.constant 40 : i32
    %scan3A_513 = arith.addi %scan3A_511, %scan3A_512 : i32
    %scan3A_514 = arith.constant 1 : i32
    scf.for %scan3A_631 = %scan3A_511 to %scan3A_513 step %scan3A_514  : i32 {
      %mul3A_632 = arith.constant 640 : i32
      %mul3A_633 = arith.muli %arg1, %mul3A_632 : i32
      %mul3A_634 = arith.constant 16 : i32
      %mul3A_635 = arith.muli %scan3A_631, %mul3A_634 : i32
      %add3A_636 = arith.addi %mul3A_633, %mul3A_635 : i32
      "tpu.region"() ({
        %run_scoped3A = tpu.sem_alloc : memref<!tpu.dma_semaphore, #tpu.memory_space<semaphore_mem>>
        %dma_start3A_637 = arith.constant 0 : i32
        %dma_start3A_638 = tpu.memref_slice %arg10[%add3A_636, %dma_start3A_637] : memref<10240x64xf32, #tpu.memory_space<vmem_shared>> -> memref<16x64xf32, #tpu.memory_space<vmem_shared>>
        %dma_start3A_639 = arith.constant 0 : i32
        %dma_start3A_640 = tpu.memref_slice %arg10[%add3A_636, %dma_start3A_639] : memref<10240x64xf32, #tpu.memory_space<vmem_shared>> -> memref<16x64xf32, #tpu.memory_space<vmem_shared>>
        tpu.enqueue_dma source(%arg9 : memref<16x64xf32, #tpu.memory_space<vmem>>) target(%dma_start3A_640 : memref<16x64xf32, #tpu.memory_space<vmem_shared>>) target_semaphore(%run_scoped3A : memref<!tpu.dma_semaphore, #tpu.memory_space<semaphore_mem>>)
        %dma_wait3A_641 = arith.constant 0 : i32
        %dma_wait3A_642 = tpu.memref_slice %arg10[%add3A_636, %dma_wait3A_641] : memref<10240x64xf32, #tpu.memory_space<vmem_shared>> -> memref<16x64xf32, #tpu.memory_space<vmem_shared>>
        %dma_wait3A_643 = arith.constant 0 : i32
        %dma_wait3A_644 = tpu.memref_slice %arg10[%add3A_636, %dma_wait3A_643] : memref<10240x64xf32, #tpu.memory_space<vmem_shared>> -> memref<16x64xf32, #tpu.memory_space<vmem_shared>>
        tpu.wait_dma2 semaphore(%run_scoped3A : memref<!tpu.dma_semaphore, #tpu.memory_space<semaphore_mem>>) src(%arg9 : memref<16x64xf32, #tpu.memory_space<vmem>>) dst(%dma_wait3A_644 : memref<16x64xf32, #tpu.memory_space<vmem_shared>>)
        tpu.yield
      }) : () -> ()
    }
    %scan3A_515 = arith.constant 40 : i32
    %barrier3A = arith.constant 0 : index
    tpu.barrier barrier_id(%barrier3A)
    %dma_start3A = arith.constant 0 : i32
    %dma_start3A_516 = arith.constant 0 : i32
    %dma_start3A_517 = arith.constant 0 : i32
    %dma_start3A_518 = tpu.memref_slice %arg8[%dma_start3A_516, %dma_start3A_517] : memref<640x64xf32, #tpu.memory_space<vmem>> -> memref<128x64xf32, #tpu.memory_space<vmem>>
    %dma_start3A_519 = arith.constant 0 : i32
    %dma_start3A_520 = tpu.memref_slice %arg6[%dma_start3A, %dma_start3A_519] : memref<80x128xi32, #tpu.memory_space<vmem>> -> memref<1x128xi32, #tpu.memory_space<vmem>>
    %dma_start3A_521 = tpu.memref_squeeze %dma_start3A_520 : memref<1x128xi32, #tpu.memory_space<vmem>> -> memref<128xi32, #tpu.memory_space<vmem>>
    %dma_start3A_522 = arith.constant 0 : i32
    %dma_start3A_523 = arith.constant 0 : i32
    %dma_start3A_524 = tpu.memref_slice %arg2[%arg0, %dma_start3A_522, %dma_start3A_523] : memref<2x10240x64xf32, #tpu.memory_space<hbm>> -> memref<1x10240x64xf32, #tpu.memory_space<hbm>>
    %dma_start3A_525 = tpu.memref_squeeze %dma_start3A_524 : memref<1x10240x64xf32, #tpu.memory_space<hbm>> -> memref<10240x64xf32, #tpu.memory_space<hbm>>
    %dma_start3A_526 = arith.constant 0 : i32
    %dma_start3A_527 = arith.constant 0 : i32
    %dma_start3A_528 = tpu.memref_slice %dma_start3A_525[%dma_start3A_526, %dma_start3A_527] : memref<10240x64xf32, #tpu.memory_space<hbm>> -> memref<10240x64xf32, #tpu.memory_space<hbm>>
    tpu.enqueue_indirect_dma source(%dma_start3A_528 : memref<10240x64xf32, #tpu.memory_space<hbm>>) target(%dma_start3A_518 : memref<128x64xf32, #tpu.memory_space<vmem>>) offsets(%dma_start3A_521 : memref<128xi32, #tpu.memory_space<vmem>>) semaphore(%arg11 : memref<!tpu.dma_semaphore, #tpu.memory_space<semaphore_mem>>)
    %dma_start3A_529 = arith.constant 1 : i32
    %dma_start3A_530 = arith.constant 128 : i32
    %dma_start3A_531 = arith.constant 0 : i32
    %dma_start3A_532 = tpu.memref_slice %arg8[%dma_start3A_530, %dma_start3A_531] : memref<640x64xf32, #tpu.memory_space<vmem>> -> memref<128x64xf32, #tpu.memory_space<vmem>>
    %dma_start3A_533 = arith.constant 0 : i32
    %dma_start3A_534 = tpu.memref_slice %arg6[%dma_start3A_529, %dma_start3A_533] : memref<80x128xi32, #tpu.memory_space<vmem>> -> memref<1x128xi32, #tpu.memory_space<vmem>>
    %dma_start3A_535 = tpu.memref_squeeze %dma_start3A_534 : memref<1x128xi32, #tpu.memory_space<vmem>> -> memref<128xi32, #tpu.memory_space<vmem>>
    %dma_start3A_536 = arith.constant 0 : i32
    %dma_start3A_537 = arith.constant 0 : i32
    %dma_start3A_538 = tpu.memref_slice %arg2[%arg0, %dma_start3A_536, %dma_start3A_537] : memref<2x10240x64xf32, #tpu.memory_space<hbm>> -> memref<1x10240x64xf32, #tpu.memory_space<hbm>>
    %dma_start3A_539 = tpu.memref_squeeze %dma_start3A_538 : memref<1x10240x64xf32, #tpu.memory_space<hbm>> -> memref<10240x64xf32, #tpu.memory_space<hbm>>
    %dma_start3A_540 = arith.constant 0 : i32
    %dma_start3A_541 = arith.constant 0 : i32
    %dma_start3A_542 = tpu.memref_slice %dma_start3A_539[%dma_start3A_540, %dma_start3A_541] : memref<10240x64xf32, #tpu.memory_space<hbm>> -> memref<10240x64xf32, #tpu.memory_space<hbm>>
    tpu.enqueue_indirect_dma source(%dma_start3A_542 : memref<10240x64xf32, #tpu.memory_space<hbm>>) target(%dma_start3A_532 : memref<128x64xf32, #tpu.memory_space<vmem>>) offsets(%dma_start3A_535 : memref<128xi32, #tpu.memory_space<vmem>>) semaphore(%arg12 : memref<!tpu.dma_semaphore, #tpu.memory_space<semaphore_mem>>)
    %dma_start3A_543 = arith.constant 2 : i32
    %dma_start3A_544 = arith.constant 256 : i32
    %dma_start3A_545 = arith.constant 0 : i32
    %dma_start3A_546 = tpu.memref_slice %arg8[%dma_start3A_544, %dma_start3A_545] : memref<640x64xf32, #tpu.memory_space<vmem>> -> memref<128x64xf32, #tpu.memory_space<vmem>>
    %dma_start3A_547 = arith.constant 0 : i32
    %dma_start3A_548 = tpu.memref_slice %arg6[%dma_start3A_543, %dma_start3A_547] : memref<80x128xi32, #tpu.memory_space<vmem>> -> memref<1x128xi32, #tpu.memory_space<vmem>>
    %dma_start3A_549 = tpu.memref_squeeze %dma_start3A_548 : memref<1x128xi32, #tpu.memory_space<vmem>> -> memref<128xi32, #tpu.memory_space<vmem>>
    %dma_start3A_550 = arith.constant 0 : i32
    %dma_start3A_551 = arith.constant 0 : i32
    %dma_start3A_552 = tpu.memref_slice %arg2[%arg0, %dma_start3A_550, %dma_start3A_551] : memref<2x10240x64xf32, #tpu.memory_space<hbm>> -> memref<1x10240x64xf32, #tpu.memory_space<hbm>>
    %dma_start3A_553 = tpu.memref_squeeze %dma_start3A_552 : memref<1x10240x64xf32, #tpu.memory_space<hbm>> -> memref<10240x64xf32, #tpu.memory_space<hbm>>
    %dma_start3A_554 = arith.constant 0 : i32
    %dma_start3A_555 = arith.constant 0 : i32
    %dma_start3A_556 = tpu.memref_slice %dma_start3A_553[%dma_start3A_554, %dma_start3A_555] : memref<10240x64xf32, #tpu.memory_space<hbm>> -> memref<10240x64xf32, #tpu.memory_space<hbm>>
    tpu.enqueue_indirect_dma source(%dma_start3A_556 : memref<10240x64xf32, #tpu.memory_space<hbm>>) target(%dma_start3A_546 : memref<128x64xf32, #tpu.memory_space<vmem>>) offsets(%dma_start3A_549 : memref<128xi32, #tpu.memory_space<vmem>>) semaphore(%arg13 : memref<!tpu.dma_semaphore, #tpu.memory_space<semaphore_mem>>)
    %dma_start3A_557 = arith.constant 3 : i32
    %dma_start3A_558 = arith.constant 384 : i32
    %dma_start3A_559 = arith.constant 0 : i32
    %dma_start3A_560 = tpu.memref_slice %arg8[%dma_start3A_558, %dma_start3A_559] : memref<640x64xf32, #tpu.memory_space<vmem>> -> memref<128x64xf32, #tpu.memory_space<vmem>>
    %dma_start3A_561 = arith.constant 0 : i32
    %dma_start3A_562 = tpu.memref_slice %arg6[%dma_start3A_557, %dma_start3A_561] : memref<80x128xi32, #tpu.memory_space<vmem>> -> memref<1x128xi32, #tpu.memory_space<vmem>>
    %dma_start3A_563 = tpu.memref_squeeze %dma_start3A_562 : memref<1x128xi32, #tpu.memory_space<vmem>> -> memref<128xi32, #tpu.memory_space<vmem>>
    %dma_start3A_564 = arith.constant 0 : i32
    %dma_start3A_565 = arith.constant 0 : i32
    %dma_start3A_566 = tpu.memref_slice %arg2[%arg0, %dma_start3A_564, %dma_start3A_565] : memref<2x10240x64xf32, #tpu.memory_space<hbm>> -> memref<1x10240x64xf32, #tpu.memory_space<hbm>>
    %dma_start3A_567 = tpu.memref_squeeze %dma_start3A_566 : memref<1x10240x64xf32, #tpu.memory_space<hbm>> -> memref<10240x64xf32, #tpu.memory_space<hbm>>
    %dma_start3A_568 = arith.constant 0 : i32
    %dma_start3A_569 = arith.constant 0 : i32
    %dma_start3A_570 = tpu.memref_slice %dma_start3A_567[%dma_start3A_568, %dma_start3A_569] : memref<10240x64xf32, #tpu.memory_space<hbm>> -> memref<10240x64xf32, #tpu.memory_space<hbm>>
    tpu.enqueue_indirect_dma source(%dma_start3A_570 : memref<10240x64xf32, #tpu.memory_space<hbm>>) target(%dma_start3A_560 : memref<128x64xf32, #tpu.memory_space<vmem>>) offsets(%dma_start3A_563 : memref<128xi32, #tpu.memory_space<vmem>>) semaphore(%arg14 : memref<!tpu.dma_semaphore, #tpu.memory_space<semaphore_mem>>)
    %scan3A_571 = arith.constant 0 : i32
    %scan3A_572 = arith.constant 0 : i32
    %scan3A_573 = arith.constant 16 : i32
    %scan3A_574 = arith.addi %scan3A_572, %scan3A_573 : i32
    %scan3A_575 = arith.constant 1 : i32
    scf.for %scan3A_631 = %scan3A_572 to %scan3A_574 step %scan3A_575  : i32 {
      %mul3A_632 = arith.constant 5 : i32
      %mul3A_633 = arith.muli %scan3A_631, %mul3A_632 : i32
      %add3A_634 = arith.constant 0 : i32
      %add3A_635 = arith.addi %mul3A_633, %add3A_634 : i32
      %dma_wait3A_636 = arith.constant 0 : i32
      %dma_wait3A_637 = arith.constant 0 : i32
      %dma_wait3A_638 = tpu.memref_slice %arg8[%dma_wait3A_636, %dma_wait3A_637] : memref<640x64xf32, #tpu.memory_space<vmem>> -> memref<128x64xf32, #tpu.memory_space<vmem>>
      %dma_wait3A_639 = arith.constant 0 : i32
      %dma_wait3A_640 = tpu.memref_slice %arg6[%add3A_635, %dma_wait3A_639] : memref<80x128xi32, #tpu.memory_space<vmem>> -> memref<1x128xi32, #tpu.memory_space<vmem>>
      %dma_wait3A_641 = tpu.memref_squeeze %dma_wait3A_640 : memref<1x128xi32, #tpu.memory_space<vmem>> -> memref<128xi32, #tpu.memory_space<vmem>>
      %dma_wait3A_642 = arith.constant 0 : i32
      %dma_wait3A_643 = arith.constant 0 : i32
      %dma_wait3A_644 = tpu.memref_slice %arg2[%arg0, %dma_wait3A_642, %dma_wait3A_643] : memref<2x10240x64xf32, #tpu.memory_space<hbm>> -> memref<1x10240x64xf32, #tpu.memory_space<hbm>>
      %dma_wait3A_645 = tpu.memref_squeeze %dma_wait3A_644 : memref<1x10240x64xf32, #tpu.memory_space<hbm>> -> memref<10240x64xf32, #tpu.memory_space<hbm>>
      %dma_wait3A_646 = arith.constant 0 : i32
      %dma_wait3A_647 = arith.constant 0 : i32
      %dma_wait3A_648 = tpu.memref_slice %dma_wait3A_645[%dma_wait3A_646, %dma_wait3A_647] : memref<10240x64xf32, #tpu.memory_space<hbm>> -> memref<10240x64xf32, #tpu.memory_space<hbm>>
      tpu.wait_indirect_dma semaphore(%arg11 : memref<!tpu.dma_semaphore, #tpu.memory_space<semaphore_mem>>) src(%dma_wait3A_648 : memref<10240x64xf32, #tpu.memory_space<hbm>>) dst(%dma_wait3A_638 : memref<128x64xf32, #tpu.memory_space<vmem>>)
      %dma_start3A_649 = arith.constant 0 : i32
      %dma_start3A_650 = arith.constant 0 : i32
      %dma_start3A_651 = tpu.memref_slice %arg8[%dma_start3A_649, %dma_start3A_650] : memref<640x64xf32, #tpu.memory_space<vmem>> -> memref<128x64xf32, #tpu.memory_space<vmem>>
      %dma_start3A_652 = arith.constant 0 : i32
      %dma_start3A_653 = tpu.memref_slice %arg7[%add3A_635, %dma_start3A_652] : memref<80x128xi32, #tpu.memory_space<vmem>> -> memref<1x128xi32, #tpu.memory_space<vmem>>
      %dma_start3A_654 = tpu.memref_squeeze %dma_start3A_653 : memref<1x128xi32, #tpu.memory_space<vmem>> -> memref<128xi32, #tpu.memory_space<vmem>>
      %dma_start3A_655 = arith.constant 0 : i32
      %dma_start3A_656 = arith.constant 0 : i32
      %dma_start3A_657 = tpu.memref_slice %arg10[%dma_start3A_655, %dma_start3A_656] : memref<10240x64xf32, #tpu.memory_space<vmem_shared>> -> memref<10240x64xf32, #tpu.memory_space<vmem_shared>>
      tpu.enqueue_indirect_dma source(%dma_start3A_651 : memref<128x64xf32, #tpu.memory_space<vmem>>) target(%dma_start3A_657 : memref<10240x64xf32, #tpu.memory_space<vmem_shared>>) offsets(%dma_start3A_654 : memref<128xi32, #tpu.memory_space<vmem>>) semaphore(%arg16 : memref<!tpu.dma_semaphore, #tpu.memory_space<semaphore_mem>>) {add = true}
      %add3A_658 = arith.constant 4 : i32
      %add3A_659 = arith.addi %add3A_635, %add3A_658 : i32
      %lt3A = arith.constant 80 : i32
      %lt3A_660 = arith.cmpi slt, %add3A_659, %lt3A : i32
      %convert_element_type3A = arith.extui %lt3A_660 : i1 to i32
      %cond3A = arith.constant 0 : i32
      %cond3A_661 = arith.cmpi ne, %convert_element_type3A, %cond3A : i32
      scf.if %cond3A_661 {
        %ge3A = arith.constant 1 : i32
        %ge3A_794 = arith.cmpi sge, %add3A_635, %ge3A : i32
        %convert_element_type3A_795 = arith.extui %ge3A_794 : i1 to i32
        %cond3A_796 = arith.constant 0 : i32
        %cond3A_797 = arith.cmpi ne, %convert_element_type3A_795, %cond3A_796 : i32
        scf.if %cond3A_797 {
          %add3A_813 = arith.constant 4 : i32
          %add3A_814 = arith.addi %add3A_635, %add3A_813 : i32
          %sub3A = arith.constant 5 : i32
          %sub3A_815 = arith.subi %add3A_814, %sub3A : i32
          %dma_wait3A_816 = arith.constant 512 : i32
          %dma_wait3A_817 = arith.constant 0 : i32
          %dma_wait3A_818 = tpu.memref_slice %arg8[%dma_wait3A_816, %dma_wait3A_817] : memref<640x64xf32, #tpu.memory_space<vmem>> -> memref<128x64xf32, #tpu.memory_space<vmem>>
          %dma_wait3A_819 = arith.constant 0 : i32
          %dma_wait3A_820 = tpu.memref_slice %arg7[%sub3A_815, %dma_wait3A_819] : memref<80x128xi32, #tpu.memory_space<vmem>> -> memref<1x128xi32, #tpu.memory_space<vmem>>
          %dma_wait3A_821 = tpu.memref_squeeze %dma_wait3A_820 : memref<1x128xi32, #tpu.memory_space<vmem>> -> memref<128xi32, #tpu.memory_space<vmem>>
          %dma_wait3A_822 = arith.constant 0 : i32
          %dma_wait3A_823 = arith.constant 0 : i32
          %dma_wait3A_824 = tpu.memref_slice %arg10[%dma_wait3A_822, %dma_wait3A_823] : memref<10240x64xf32, #tpu.memory_space<vmem_shared>> -> memref<10240x64xf32, #tpu.memory_space<vmem_shared>>
          tpu.wait_indirect_dma semaphore(%arg20 : memref<!tpu.dma_semaphore, #tpu.memory_space<semaphore_mem>>) src(%dma_wait3A_818 : memref<128x64xf32, #tpu.memory_space<vmem>>) dst(%dma_wait3A_824 : memref<10240x64xf32, #tpu.memory_space<vmem_shared>>)
        } else {
        }
        %add3A_798 = arith.constant 4 : i32
        %add3A_799 = arith.addi %add3A_635, %add3A_798 : i32
        %dma_start3A_800 = arith.constant 512 : i32
        %dma_start3A_801 = arith.constant 0 : i32
        %dma_start3A_802 = tpu.memref_slice %arg8[%dma_start3A_800, %dma_start3A_801] : memref<640x64xf32, #tpu.memory_space<vmem>> -> memref<128x64xf32, #tpu.memory_space<vmem>>
        %dma_start3A_803 = arith.constant 0 : i32
        %dma_start3A_804 = tpu.memref_slice %arg6[%add3A_799, %dma_start3A_803] : memref<80x128xi32, #tpu.memory_space<vmem>> -> memref<1x128xi32, #tpu.memory_space<vmem>>
        %dma_start3A_805 = tpu.memref_squeeze %dma_start3A_804 : memref<1x128xi32, #tpu.memory_space<vmem>> -> memref<128xi32, #tpu.memory_space<vmem>>
        %dma_start3A_806 = arith.constant 0 : i32
        %dma_start3A_807 = arith.constant 0 : i32
        %dma_start3A_808 = tpu.memref_slice %arg2[%arg0, %dma_start3A_806, %dma_start3A_807] : memref<2x10240x64xf32, #tpu.memory_space<hbm>> -> memref<1x10240x64xf32, #tpu.memory_space<hbm>>
        %dma_start3A_809 = tpu.memref_squeeze %dma_start3A_808 : memref<1x10240x64xf32, #tpu.memory_space<hbm>> -> memref<10240x64xf32, #tpu.memory_space<hbm>>
        %dma_start3A_810 = arith.constant 0 : i32
        %dma_start3A_811 = arith.constant 0 : i32
        %dma_start3A_812 = tpu.memref_slice %dma_start3A_809[%dma_start3A_810, %dma_start3A_811] : memref<10240x64xf32, #tpu.memory_space<hbm>> -> memref<10240x64xf32, #tpu.memory_space<hbm>>
        tpu.enqueue_indirect_dma source(%dma_start3A_812 : memref<10240x64xf32, #tpu.memory_space<hbm>>) target(%dma_start3A_802 : memref<128x64xf32, #tpu.memory_space<vmem>>) offsets(%dma_start3A_805 : memref<128xi32, #tpu.memory_space<vmem>>) semaphore(%arg15 : memref<!tpu.dma_semaphore, #tpu.memory_space<semaphore_mem>>)
      } else {
      }
      %mul3A_662 = arith.constant 5 : i32
      %mul3A_663 = arith.muli %scan3A_631, %mul3A_662 : i32
      %add3A_664 = arith.constant 1 : i32
      %add3A_665 = arith.addi %mul3A_663, %add3A_664 : i32
      %dma_wait3A_666 = arith.constant 128 : i32
      %dma_wait3A_667 = arith.constant 0 : i32
      %dma_wait3A_668 = tpu.memref_slice %arg8[%dma_wait3A_666, %dma_wait3A_667] : memref<640x64xf32, #tpu.memory_space<vmem>> -> memref<128x64xf32, #tpu.memory_space<vmem>>
      %dma_wait3A_669 = arith.constant 0 : i32
      %dma_wait3A_670 = tpu.memref_slice %arg6[%add3A_665, %dma_wait3A_669] : memref<80x128xi32, #tpu.memory_space<vmem>> -> memref<1x128xi32, #tpu.memory_space<vmem>>
      %dma_wait3A_671 = tpu.memref_squeeze %dma_wait3A_670 : memref<1x128xi32, #tpu.memory_space<vmem>> -> memref<128xi32, #tpu.memory_space<vmem>>
      %dma_wait3A_672 = arith.constant 0 : i32
      %dma_wait3A_673 = arith.constant 0 : i32
      %dma_wait3A_674 = tpu.memref_slice %arg2[%arg0, %dma_wait3A_672, %dma_wait3A_673] : memref<2x10240x64xf32, #tpu.memory_space<hbm>> -> memref<1x10240x64xf32, #tpu.memory_space<hbm>>
      %dma_wait3A_675 = tpu.memref_squeeze %dma_wait3A_674 : memref<1x10240x64xf32, #tpu.memory_space<hbm>> -> memref<10240x64xf32, #tpu.memory_space<hbm>>
      %dma_wait3A_676 = arith.constant 0 : i32
      %dma_wait3A_677 = arith.constant 0 : i32
      %dma_wait3A_678 = tpu.memref_slice %dma_wait3A_675[%dma_wait3A_676, %dma_wait3A_677] : memref<10240x64xf32, #tpu.memory_space<hbm>> -> memref<10240x64xf32, #tpu.memory_space<hbm>>
      tpu.wait_indirect_dma semaphore(%arg12 : memref<!tpu.dma_semaphore, #tpu.memory_space<semaphore_mem>>) src(%dma_wait3A_678 : memref<10240x64xf32, #tpu.memory_space<hbm>>) dst(%dma_wait3A_668 : memref<128x64xf32, #tpu.memory_space<vmem>>)
      %dma_start3A_679 = arith.constant 128 : i32
      %dma_start3A_680 = arith.constant 0 : i32
      %dma_start3A_681 = tpu.memref_slice %arg8[%dma_start3A_679, %dma_start3A_680] : memref<640x64xf32, #tpu.memory_space<vmem>> -> memref<128x64xf32, #tpu.memory_space<vmem>>
      %dma_start3A_682 = arith.constant 0 : i32
      %dma_start3A_683 = tpu.memref_slice %arg7[%add3A_665, %dma_start3A_682] : memref<80x128xi32, #tpu.memory_space<vmem>> -> memref<1x128xi32, #tpu.memory_space<vmem>>
      %dma_start3A_684 = tpu.memref_squeeze %dma_start3A_683 : memref<1x128xi32, #tpu.memory_space<vmem>> -> memref<128xi32, #tpu.memory_space<vmem>>
      %dma_start3A_685 = arith.constant 0 : i32
      %dma_start3A_686 = arith.constant 0 : i32
      %dma_start3A_687 = tpu.memref_slice %arg10[%dma_start3A_685, %dma_start3A_686] : memref<10240x64xf32, #tpu.memory_space<vmem_shared>> -> memref<10240x64xf32, #tpu.memory_space<vmem_shared>>
      tpu.enqueue_indirect_dma source(%dma_start3A_681 : memref<128x64xf32, #tpu.memory_space<vmem>>) target(%dma_start3A_687 : memref<10240x64xf32, #tpu.memory_space<vmem_shared>>) offsets(%dma_start3A_684 : memref<128xi32, #tpu.memory_space<vmem>>) semaphore(%arg17 : memref<!tpu.dma_semaphore, #tpu.memory_space<semaphore_mem>>) {add = true}
      %add3A_688 = arith.constant 4 : i32
      %add3A_689 = arith.addi %add3A_665, %add3A_688 : i32
      %lt3A_690 = arith.constant 80 : i32
      %lt3A_691 = arith.cmpi slt, %add3A_689, %lt3A_690 : i32
      %convert_element_type3A_692 = arith.extui %lt3A_691 : i1 to i32
      %cond3A_693 = arith.constant 0 : i32
      %cond3A_694 = arith.cmpi ne, %convert_element_type3A_692, %cond3A_693 : i32
      scf.if %cond3A_694 {
        %ge3A = arith.constant 1 : i32
        %ge3A_794 = arith.cmpi sge, %add3A_665, %ge3A : i32
        %convert_element_type3A_795 = arith.extui %ge3A_794 : i1 to i32
        %cond3A_796 = arith.constant 0 : i32
        %cond3A_797 = arith.cmpi ne, %convert_element_type3A_795, %cond3A_796 : i32
        scf.if %cond3A_797 {
          %add3A_813 = arith.constant 4 : i32
          %add3A_814 = arith.addi %add3A_665, %add3A_813 : i32
          %sub3A = arith.constant 5 : i32
          %sub3A_815 = arith.subi %add3A_814, %sub3A : i32
          %dma_wait3A_816 = arith.constant 0 : i32
          %dma_wait3A_817 = arith.constant 0 : i32
          %dma_wait3A_818 = tpu.memref_slice %arg8[%dma_wait3A_816, %dma_wait3A_817] : memref<640x64xf32, #tpu.memory_space<vmem>> -> memref<128x64xf32, #tpu.memory_space<vmem>>
          %dma_wait3A_819 = arith.constant 0 : i32
          %dma_wait3A_820 = tpu.memref_slice %arg7[%sub3A_815, %dma_wait3A_819] : memref<80x128xi32, #tpu.memory_space<vmem>> -> memref<1x128xi32, #tpu.memory_space<vmem>>
          %dma_wait3A_821 = tpu.memref_squeeze %dma_wait3A_820 : memref<1x128xi32, #tpu.memory_space<vmem>> -> memref<128xi32, #tpu.memory_space<vmem>>
          %dma_wait3A_822 = arith.constant 0 : i32
          %dma_wait3A_823 = arith.constant 0 : i32
          %dma_wait3A_824 = tpu.memref_slice %arg10[%dma_wait3A_822, %dma_wait3A_823] : memref<10240x64xf32, #tpu.memory_space<vmem_shared>> -> memref<10240x64xf32, #tpu.memory_space<vmem_shared>>
          tpu.wait_indirect_dma semaphore(%arg16 : memref<!tpu.dma_semaphore, #tpu.memory_space<semaphore_mem>>) src(%dma_wait3A_818 : memref<128x64xf32, #tpu.memory_space<vmem>>) dst(%dma_wait3A_824 : memref<10240x64xf32, #tpu.memory_space<vmem_shared>>)
        } else {
        }
        %add3A_798 = arith.constant 4 : i32
        %add3A_799 = arith.addi %add3A_665, %add3A_798 : i32
        %dma_start3A_800 = arith.constant 0 : i32
        %dma_start3A_801 = arith.constant 0 : i32
        %dma_start3A_802 = tpu.memref_slice %arg8[%dma_start3A_800, %dma_start3A_801] : memref<640x64xf32, #tpu.memory_space<vmem>> -> memref<128x64xf32, #tpu.memory_space<vmem>>
        %dma_start3A_803 = arith.constant 0 : i32
        %dma_start3A_804 = tpu.memref_slice %arg6[%add3A_799, %dma_start3A_803] : memref<80x128xi32, #tpu.memory_space<vmem>> -> memref<1x128xi32, #tpu.memory_space<vmem>>
        %dma_start3A_805 = tpu.memref_squeeze %dma_start3A_804 : memref<1x128xi32, #tpu.memory_space<vmem>> -> memref<128xi32, #tpu.memory_space<vmem>>
        %dma_start3A_806 = arith.constant 0 : i32
        %dma_start3A_807 = arith.constant 0 : i32
        %dma_start3A_808 = tpu.memref_slice %arg2[%arg0, %dma_start3A_806, %dma_start3A_807] : memref<2x10240x64xf32, #tpu.memory_space<hbm>> -> memref<1x10240x64xf32, #tpu.memory_space<hbm>>
        %dma_start3A_809 = tpu.memref_squeeze %dma_start3A_808 : memref<1x10240x64xf32, #tpu.memory_space<hbm>> -> memref<10240x64xf32, #tpu.memory_space<hbm>>
        %dma_start3A_810 = arith.constant 0 : i32
        %dma_start3A_811 = arith.constant 0 : i32
        %dma_start3A_812 = tpu.memref_slice %dma_start3A_809[%dma_start3A_810, %dma_start3A_811] : memref<10240x64xf32, #tpu.memory_space<hbm>> -> memref<10240x64xf32, #tpu.memory_space<hbm>>
        tpu.enqueue_indirect_dma source(%dma_start3A_812 : memref<10240x64xf32, #tpu.memory_space<hbm>>) target(%dma_start3A_802 : memref<128x64xf32, #tpu.memory_space<vmem>>) offsets(%dma_start3A_805 : memref<128xi32, #tpu.memory_space<vmem>>) semaphore(%arg11 : memref<!tpu.dma_semaphore, #tpu.memory_space<semaphore_mem>>)
      } else {
      }
      %mul3A_695 = arith.constant 5 : i32
      %mul3A_696 = arith.muli %scan3A_631, %mul3A_695 : i32
      %add3A_697 = arith.constant 2 : i32
      %add3A_698 = arith.addi %mul3A_696, %add3A_697 : i32
      %dma_wait3A_699 = arith.constant 256 : i32
      %dma_wait3A_700 = arith.constant 0 : i32
      %dma_wait3A_701 = tpu.memref_slice %arg8[%dma_wait3A_699, %dma_wait3A_700] : memref<640x64xf32, #tpu.memory_space<vmem>> -> memref<128x64xf32, #tpu.memory_space<vmem>>
      %dma_wait3A_702 = arith.constant 0 : i32
      %dma_wait3A_703 = tpu.memref_slice %arg6[%add3A_698, %dma_wait3A_702] : memref<80x128xi32, #tpu.memory_space<vmem>> -> memref<1x128xi32, #tpu.memory_space<vmem>>
      %dma_wait3A_704 = tpu.memref_squeeze %dma_wait3A_703 : memref<1x128xi32, #tpu.memory_space<vmem>> -> memref<128xi32, #tpu.memory_space<vmem>>
      %dma_wait3A_705 = arith.constant 0 : i32
      %dma_wait3A_706 = arith.constant 0 : i32
      %dma_wait3A_707 = tpu.memref_slice %arg2[%arg0, %dma_wait3A_705, %dma_wait3A_706] : memref<2x10240x64xf32, #tpu.memory_space<hbm>> -> memref<1x10240x64xf32, #tpu.memory_space<hbm>>
      %dma_wait3A_708 = tpu.memref_squeeze %dma_wait3A_707 : memref<1x10240x64xf32, #tpu.memory_space<hbm>> -> memref<10240x64xf32, #tpu.memory_space<hbm>>
      %dma_wait3A_709 = arith.constant 0 : i32
      %dma_wait3A_710 = arith.constant 0 : i32
      %dma_wait3A_711 = tpu.memref_slice %dma_wait3A_708[%dma_wait3A_709, %dma_wait3A_710] : memref<10240x64xf32, #tpu.memory_space<hbm>> -> memref<10240x64xf32, #tpu.memory_space<hbm>>
      tpu.wait_indirect_dma semaphore(%arg13 : memref<!tpu.dma_semaphore, #tpu.memory_space<semaphore_mem>>) src(%dma_wait3A_711 : memref<10240x64xf32, #tpu.memory_space<hbm>>) dst(%dma_wait3A_701 : memref<128x64xf32, #tpu.memory_space<vmem>>)
      %dma_start3A_712 = arith.constant 256 : i32
      %dma_start3A_713 = arith.constant 0 : i32
      %dma_start3A_714 = tpu.memref_slice %arg8[%dma_start3A_712, %dma_start3A_713] : memref<640x64xf32, #tpu.memory_space<vmem>> -> memref<128x64xf32, #tpu.memory_space<vmem>>
      %dma_start3A_715 = arith.constant 0 : i32
      %dma_start3A_716 = tpu.memref_slice %arg7[%add3A_698, %dma_start3A_715] : memref<80x128xi32, #tpu.memory_space<vmem>> -> memref<1x128xi32, #tpu.memory_space<vmem>>
      %dma_start3A_717 = tpu.memref_squeeze %dma_start3A_716 : memref<1x128xi32, #tpu.memory_space<vmem>> -> memref<128xi32, #tpu.memory_space<vmem>>
      %dma_start3A_718 = arith.constant 0 : i32
      %dma_start3A_719 = arith.constant 0 : i32
      %dma_start3A_720 = tpu.memref_slice %arg10[%dma_start3A_718, %dma_start3A_719] : memref<10240x64xf32, #tpu.memory_space<vmem_shared>> -> memref<10240x64xf32, #tpu.memory_space<vmem_shared>>
      tpu.enqueue_indirect_dma source(%dma_start3A_714 : memref<128x64xf32, #tpu.memory_space<vmem>>) target(%dma_start3A_720 : memref<10240x64xf32, #tpu.memory_space<vmem_shared>>) offsets(%dma_start3A_717 : memref<128xi32, #tpu.memory_space<vmem>>) semaphore(%arg18 : memref<!tpu.dma_semaphore, #tpu.memory_space<semaphore_mem>>) {add = true}
      %add3A_721 = arith.constant 4 : i32
      %add3A_722 = arith.addi %add3A_698, %add3A_721 : i32
      %lt3A_723 = arith.constant 80 : i32
      %lt3A_724 = arith.cmpi slt, %add3A_722, %lt3A_723 : i32
      %convert_element_type3A_725 = arith.extui %lt3A_724 : i1 to i32
      %cond3A_726 = arith.constant 0 : i32
      %cond3A_727 = arith.cmpi ne, %convert_element_type3A_725, %cond3A_726 : i32
      scf.if %cond3A_727 {
        %ge3A = arith.constant 1 : i32
        %ge3A_794 = arith.cmpi sge, %add3A_698, %ge3A : i32
        %convert_element_type3A_795 = arith.extui %ge3A_794 : i1 to i32
        %cond3A_796 = arith.constant 0 : i32
        %cond3A_797 = arith.cmpi ne, %convert_element_type3A_795, %cond3A_796 : i32
        scf.if %cond3A_797 {
          %add3A_813 = arith.constant 4 : i32
          %add3A_814 = arith.addi %add3A_698, %add3A_813 : i32
          %sub3A = arith.constant 5 : i32
          %sub3A_815 = arith.subi %add3A_814, %sub3A : i32
          %dma_wait3A_816 = arith.constant 128 : i32
          %dma_wait3A_817 = arith.constant 0 : i32
          %dma_wait3A_818 = tpu.memref_slice %arg8[%dma_wait3A_816, %dma_wait3A_817] : memref<640x64xf32, #tpu.memory_space<vmem>> -> memref<128x64xf32, #tpu.memory_space<vmem>>
          %dma_wait3A_819 = arith.constant 0 : i32
          %dma_wait3A_820 = tpu.memref_slice %arg7[%sub3A_815, %dma_wait3A_819] : memref<80x128xi32, #tpu.memory_space<vmem>> -> memref<1x128xi32, #tpu.memory_space<vmem>>
          %dma_wait3A_821 = tpu.memref_squeeze %dma_wait3A_820 : memref<1x128xi32, #tpu.memory_space<vmem>> -> memref<128xi32, #tpu.memory_space<vmem>>
          %dma_wait3A_822 = arith.constant 0 : i32
          %dma_wait3A_823 = arith.constant 0 : i32
          %dma_wait3A_824 = tpu.memref_slice %arg10[%dma_wait3A_822, %dma_wait3A_823] : memref<10240x64xf32, #tpu.memory_space<vmem_shared>> -> memref<10240x64xf32, #tpu.memory_space<vmem_shared>>
          tpu.wait_indirect_dma semaphore(%arg17 : memref<!tpu.dma_semaphore, #tpu.memory_space<semaphore_mem>>) src(%dma_wait3A_818 : memref<128x64xf32, #tpu.memory_space<vmem>>) dst(%dma_wait3A_824 : memref<10240x64xf32, #tpu.memory_space<vmem_shared>>)
        } else {
        }
        %add3A_798 = arith.constant 4 : i32
        %add3A_799 = arith.addi %add3A_698, %add3A_798 : i32
        %dma_start3A_800 = arith.constant 128 : i32
        %dma_start3A_801 = arith.constant 0 : i32
        %dma_start3A_802 = tpu.memref_slice %arg8[%dma_start3A_800, %dma_start3A_801] : memref<640x64xf32, #tpu.memory_space<vmem>> -> memref<128x64xf32, #tpu.memory_space<vmem>>
        %dma_start3A_803 = arith.constant 0 : i32
        %dma_start3A_804 = tpu.memref_slice %arg6[%add3A_799, %dma_start3A_803] : memref<80x128xi32, #tpu.memory_space<vmem>> -> memref<1x128xi32, #tpu.memory_space<vmem>>
        %dma_start3A_805 = tpu.memref_squeeze %dma_start3A_804 : memref<1x128xi32, #tpu.memory_space<vmem>> -> memref<128xi32, #tpu.memory_space<vmem>>
        %dma_start3A_806 = arith.constant 0 : i32
        %dma_start3A_807 = arith.constant 0 : i32
        %dma_start3A_808 = tpu.memref_slice %arg2[%arg0, %dma_start3A_806, %dma_start3A_807] : memref<2x10240x64xf32, #tpu.memory_space<hbm>> -> memref<1x10240x64xf32, #tpu.memory_space<hbm>>
        %dma_start3A_809 = tpu.memref_squeeze %dma_start3A_808 : memref<1x10240x64xf32, #tpu.memory_space<hbm>> -> memref<10240x64xf32, #tpu.memory_space<hbm>>
        %dma_start3A_810 = arith.constant 0 : i32
        %dma_start3A_811 = arith.constant 0 : i32
        %dma_start3A_812 = tpu.memref_slice %dma_start3A_809[%dma_start3A_810, %dma_start3A_811] : memref<10240x64xf32, #tpu.memory_space<hbm>> -> memref<10240x64xf32, #tpu.memory_space<hbm>>
        tpu.enqueue_indirect_dma source(%dma_start3A_812 : memref<10240x64xf32, #tpu.memory_space<hbm>>) target(%dma_start3A_802 : memref<128x64xf32, #tpu.memory_space<vmem>>) offsets(%dma_start3A_805 : memref<128xi32, #tpu.memory_space<vmem>>) semaphore(%arg12 : memref<!tpu.dma_semaphore, #tpu.memory_space<semaphore_mem>>)
      } else {
      }
      %mul3A_728 = arith.constant 5 : i32
      %mul3A_729 = arith.muli %scan3A_631, %mul3A_728 : i32
      %add3A_730 = arith.constant 3 : i32
      %add3A_731 = arith.addi %mul3A_729, %add3A_730 : i32
      %dma_wait3A_732 = arith.constant 384 : i32
      %dma_wait3A_733 = arith.constant 0 : i32
      %dma_wait3A_734 = tpu.memref_slice %arg8[%dma_wait3A_732, %dma_wait3A_733] : memref<640x64xf32, #tpu.memory_space<vmem>> -> memref<128x64xf32, #tpu.memory_space<vmem>>
      %dma_wait3A_735 = arith.constant 0 : i32
      %dma_wait3A_736 = tpu.memref_slice %arg6[%add3A_731, %dma_wait3A_735] : memref<80x128xi32, #tpu.memory_space<vmem>> -> memref<1x128xi32, #tpu.memory_space<vmem>>
      %dma_wait3A_737 = tpu.memref_squeeze %dma_wait3A_736 : memref<1x128xi32, #tpu.memory_space<vmem>> -> memref<128xi32, #tpu.memory_space<vmem>>
      %dma_wait3A_738 = arith.constant 0 : i32
      %dma_wait3A_739 = arith.constant 0 : i32
      %dma_wait3A_740 = tpu.memref_slice %arg2[%arg0, %dma_wait3A_738, %dma_wait3A_739] : memref<2x10240x64xf32, #tpu.memory_space<hbm>> -> memref<1x10240x64xf32, #tpu.memory_space<hbm>>
      %dma_wait3A_741 = tpu.memref_squeeze %dma_wait3A_740 : memref<1x10240x64xf32, #tpu.memory_space<hbm>> -> memref<10240x64xf32, #tpu.memory_space<hbm>>
      %dma_wait3A_742 = arith.constant 0 : i32
      %dma_wait3A_743 = arith.constant 0 : i32
      %dma_wait3A_744 = tpu.memref_slice %dma_wait3A_741[%dma_wait3A_742, %dma_wait3A_743] : memref<10240x64xf32, #tpu.memory_space<hbm>> -> memref<10240x64xf32, #tpu.memory_space<hbm>>
      tpu.wait_indirect_dma semaphore(%arg14 : memref<!tpu.dma_semaphore, #tpu.memory_space<semaphore_mem>>) src(%dma_wait3A_744 : memref<10240x64xf32, #tpu.memory_space<hbm>>) dst(%dma_wait3A_734 : memref<128x64xf32, #tpu.memory_space<vmem>>)
      %dma_start3A_745 = arith.constant 384 : i32
      %dma_start3A_746 = arith.constant 0 : i32
      %dma_start3A_747 = tpu.memref_slice %arg8[%dma_start3A_745, %dma_start3A_746] : memref<640x64xf32, #tpu.memory_space<vmem>> -> memref<128x64xf32, #tpu.memory_space<vmem>>
      %dma_start3A_748 = arith.constant 0 : i32
      %dma_start3A_749 = tpu.memref_slice %arg7[%add3A_731, %dma_start3A_748] : memref<80x128xi32, #tpu.memory_space<vmem>> -> memref<1x128xi32, #tpu.memory_space<vmem>>
      %dma_start3A_750 = tpu.memref_squeeze %dma_start3A_749 : memref<1x128xi32, #tpu.memory_space<vmem>> -> memref<128xi32, #tpu.memory_space<vmem>>
      %dma_start3A_751 = arith.constant 0 : i32
      %dma_start3A_752 = arith.constant 0 : i32
      %dma_start3A_753 = tpu.memref_slice %arg10[%dma_start3A_751, %dma_start3A_752] : memref<10240x64xf32, #tpu.memory_space<vmem_shared>> -> memref<10240x64xf32, #tpu.memory_space<vmem_shared>>
      tpu.enqueue_indirect_dma source(%dma_start3A_747 : memref<128x64xf32, #tpu.memory_space<vmem>>) target(%dma_start3A_753 : memref<10240x64xf32, #tpu.memory_space<vmem_shared>>) offsets(%dma_start3A_750 : memref<128xi32, #tpu.memory_space<vmem>>) semaphore(%arg19 : memref<!tpu.dma_semaphore, #tpu.memory_space<semaphore_mem>>) {add = true}
      %add3A_754 = arith.constant 4 : i32
      %add3A_755 = arith.addi %add3A_731, %add3A_754 : i32
      %lt3A_756 = arith.constant 80 : i32
      %lt3A_757 = arith.cmpi slt, %add3A_755, %lt3A_756 : i32
      %convert_element_type3A_758 = arith.extui %lt3A_757 : i1 to i32
      %cond3A_759 = arith.constant 0 : i32
      %cond3A_760 = arith.cmpi ne, %convert_element_type3A_758, %cond3A_759 : i32
      scf.if %cond3A_760 {
        %ge3A = arith.constant 1 : i32
        %ge3A_794 = arith.cmpi sge, %add3A_731, %ge3A : i32
        %convert_element_type3A_795 = arith.extui %ge3A_794 : i1 to i32
        %cond3A_796 = arith.constant 0 : i32
        %cond3A_797 = arith.cmpi ne, %convert_element_type3A_795, %cond3A_796 : i32
        scf.if %cond3A_797 {
          %add3A_813 = arith.constant 4 : i32
          %add3A_814 = arith.addi %add3A_731, %add3A_813 : i32
          %sub3A = arith.constant 5 : i32
          %sub3A_815 = arith.subi %add3A_814, %sub3A : i32
          %dma_wait3A_816 = arith.constant 256 : i32
          %dma_wait3A_817 = arith.constant 0 : i32
          %dma_wait3A_818 = tpu.memref_slice %arg8[%dma_wait3A_816, %dma_wait3A_817] : memref<640x64xf32, #tpu.memory_space<vmem>> -> memref<128x64xf32, #tpu.memory_space<vmem>>
          %dma_wait3A_819 = arith.constant 0 : i32
          %dma_wait3A_820 = tpu.memref_slice %arg7[%sub3A_815, %dma_wait3A_819] : memref<80x128xi32, #tpu.memory_space<vmem>> -> memref<1x128xi32, #tpu.memory_space<vmem>>
          %dma_wait3A_821 = tpu.memref_squeeze %dma_wait3A_820 : memref<1x128xi32, #tpu.memory_space<vmem>> -> memref<128xi32, #tpu.memory_space<vmem>>
          %dma_wait3A_822 = arith.constant 0 : i32
          %dma_wait3A_823 = arith.constant 0 : i32
          %dma_wait3A_824 = tpu.memref_slice %arg10[%dma_wait3A_822, %dma_wait3A_823] : memref<10240x64xf32, #tpu.memory_space<vmem_shared>> -> memref<10240x64xf32, #tpu.memory_space<vmem_shared>>
          tpu.wait_indirect_dma semaphore(%arg18 : memref<!tpu.dma_semaphore, #tpu.memory_space<semaphore_mem>>) src(%dma_wait3A_818 : memref<128x64xf32, #tpu.memory_space<vmem>>) dst(%dma_wait3A_824 : memref<10240x64xf32, #tpu.memory_space<vmem_shared>>)
        } else {
        }
        %add3A_798 = arith.constant 4 : i32
        %add3A_799 = arith.addi %add3A_731, %add3A_798 : i32
        %dma_start3A_800 = arith.constant 256 : i32
        %dma_start3A_801 = arith.constant 0 : i32
        %dma_start3A_802 = tpu.memref_slice %arg8[%dma_start3A_800, %dma_start3A_801] : memref<640x64xf32, #tpu.memory_space<vmem>> -> memref<128x64xf32, #tpu.memory_space<vmem>>
        %dma_start3A_803 = arith.constant 0 : i32
        %dma_start3A_804 = tpu.memref_slice %arg6[%add3A_799, %dma_start3A_803] : memref<80x128xi32, #tpu.memory_space<vmem>> -> memref<1x128xi32, #tpu.memory_space<vmem>>
        %dma_start3A_805 = tpu.memref_squeeze %dma_start3A_804 : memref<1x128xi32, #tpu.memory_space<vmem>> -> memref<128xi32, #tpu.memory_space<vmem>>
        %dma_start3A_806 = arith.constant 0 : i32
        %dma_start3A_807 = arith.constant 0 : i32
        %dma_start3A_808 = tpu.memref_slice %arg2[%arg0, %dma_start3A_806, %dma_start3A_807] : memref<2x10240x64xf32, #tpu.memory_space<hbm>> -> memref<1x10240x64xf32, #tpu.memory_space<hbm>>
        %dma_start3A_809 = tpu.memref_squeeze %dma_start3A_808 : memref<1x10240x64xf32, #tpu.memory_space<hbm>> -> memref<10240x64xf32, #tpu.memory_space<hbm>>
        %dma_start3A_810 = arith.constant 0 : i32
        %dma_start3A_811 = arith.constant 0 : i32
        %dma_start3A_812 = tpu.memref_slice %dma_start3A_809[%dma_start3A_810, %dma_start3A_811] : memref<10240x64xf32, #tpu.memory_space<hbm>> -> memref<10240x64xf32, #tpu.memory_space<hbm>>
        tpu.enqueue_indirect_dma source(%dma_start3A_812 : memref<10240x64xf32, #tpu.memory_space<hbm>>) target(%dma_start3A_802 : memref<128x64xf32, #tpu.memory_space<vmem>>) offsets(%dma_start3A_805 : memref<128xi32, #tpu.memory_space<vmem>>) semaphore(%arg13 : memref<!tpu.dma_semaphore, #tpu.memory_space<semaphore_mem>>)
      } else {
      }
      %mul3A_761 = arith.constant 5 : i32
      %mul3A_762 = arith.muli %scan3A_631, %mul3A_761 : i32
      %add3A_763 = arith.constant 4 : i32
      %add3A_764 = arith.addi %mul3A_762, %add3A_763 : i32
      %dma_wait3A_765 = arith.constant 512 : i32
      %dma_wait3A_766 = arith.constant 0 : i32
      %dma_wait3A_767 = tpu.memref_slice %arg8[%dma_wait3A_765, %dma_wait3A_766] : memref<640x64xf32, #tpu.memory_space<vmem>> -> memref<128x64xf32, #tpu.memory_space<vmem>>
      %dma_wait3A_768 = arith.constant 0 : i32
      %dma_wait3A_769 = tpu.memref_slice %arg6[%add3A_764, %dma_wait3A_768] : memref<80x128xi32, #tpu.memory_space<vmem>> -> memref<1x128xi32, #tpu.memory_space<vmem>>
      %dma_wait3A_770 = tpu.memref_squeeze %dma_wait3A_769 : memref<1x128xi32, #tpu.memory_space<vmem>> -> memref<128xi32, #tpu.memory_space<vmem>>
      %dma_wait3A_771 = arith.constant 0 : i32
      %dma_wait3A_772 = arith.constant 0 : i32
      %dma_wait3A_773 = tpu.memref_slice %arg2[%arg0, %dma_wait3A_771, %dma_wait3A_772] : memref<2x10240x64xf32, #tpu.memory_space<hbm>> -> memref<1x10240x64xf32, #tpu.memory_space<hbm>>
      %dma_wait3A_774 = tpu.memref_squeeze %dma_wait3A_773 : memref<1x10240x64xf32, #tpu.memory_space<hbm>> -> memref<10240x64xf32, #tpu.memory_space<hbm>>
      %dma_wait3A_775 = arith.constant 0 : i32
      %dma_wait3A_776 = arith.constant 0 : i32
      %dma_wait3A_777 = tpu.memref_slice %dma_wait3A_774[%dma_wait3A_775, %dma_wait3A_776] : memref<10240x64xf32, #tpu.memory_space<hbm>> -> memref<10240x64xf32, #tpu.memory_space<hbm>>
      tpu.wait_indirect_dma semaphore(%arg15 : memref<!tpu.dma_semaphore, #tpu.memory_space<semaphore_mem>>) src(%dma_wait3A_777 : memref<10240x64xf32, #tpu.memory_space<hbm>>) dst(%dma_wait3A_767 : memref<128x64xf32, #tpu.memory_space<vmem>>)
      %dma_start3A_778 = arith.constant 512 : i32
      %dma_start3A_779 = arith.constant 0 : i32
      %dma_start3A_780 = tpu.memref_slice %arg8[%dma_start3A_778, %dma_start3A_779] : memref<640x64xf32, #tpu.memory_space<vmem>> -> memref<128x64xf32, #tpu.memory_space<vmem>>
      %dma_start3A_781 = arith.constant 0 : i32
      %dma_start3A_782 = tpu.memref_slice %arg7[%add3A_764, %dma_start3A_781] : memref<80x128xi32, #tpu.memory_space<vmem>> -> memref<1x128xi32, #tpu.memory_space<vmem>>
      %dma_start3A_783 = tpu.memref_squeeze %dma_start3A_782 : memref<1x128xi32, #tpu.memory_space<vmem>> -> memref<128xi32, #tpu.memory_space<vmem>>
      %dma_start3A_784 = arith.constant 0 : i32
      %dma_start3A_785 = arith.constant 0 : i32
      %dma_start3A_786 = tpu.memref_slice %arg10[%dma_start3A_784, %dma_start3A_785] : memref<10240x64xf32, #tpu.memory_space<vmem_shared>> -> memref<10240x64xf32, #tpu.memory_space<vmem_shared>>
      tpu.enqueue_indirect_dma source(%dma_start3A_780 : memref<128x64xf32, #tpu.memory_space<vmem>>) target(%dma_start3A_786 : memref<10240x64xf32, #tpu.memory_space<vmem_shared>>) offsets(%dma_start3A_783 : memref<128xi32, #tpu.memory_space<vmem>>) semaphore(%arg20 : memref<!tpu.dma_semaphore, #tpu.memory_space<semaphore_mem>>) {add = true}
      %add3A_787 = arith.constant 4 : i32
      %add3A_788 = arith.addi %add3A_764, %add3A_787 : i32
      %lt3A_789 = arith.constant 80 : i32
      %lt3A_790 = arith.cmpi slt, %add3A_788, %lt3A_789 : i32
      %convert_element_type3A_791 = arith.extui %lt3A_790 : i1 to i32
      %cond3A_792 = arith.constant 0 : i32
      %cond3A_793 = arith.cmpi ne, %convert_element_type3A_791, %cond3A_792 : i32
      scf.if %cond3A_793 {
        %ge3A = arith.constant 1 : i32
        %ge3A_794 = arith.cmpi sge, %add3A_764, %ge3A : i32
        %convert_element_type3A_795 = arith.extui %ge3A_794 : i1 to i32
        %cond3A_796 = arith.constant 0 : i32
        %cond3A_797 = arith.cmpi ne, %convert_element_type3A_795, %cond3A_796 : i32
        scf.if %cond3A_797 {
          %add3A_813 = arith.constant 4 : i32
          %add3A_814 = arith.addi %add3A_764, %add3A_813 : i32
          %sub3A = arith.constant 5 : i32
          %sub3A_815 = arith.subi %add3A_814, %sub3A : i32
          %dma_wait3A_816 = arith.constant 384 : i32
          %dma_wait3A_817 = arith.constant 0 : i32
          %dma_wait3A_818 = tpu.memref_slice %arg8[%dma_wait3A_816, %dma_wait3A_817] : memref<640x64xf32, #tpu.memory_space<vmem>> -> memref<128x64xf32, #tpu.memory_space<vmem>>
          %dma_wait3A_819 = arith.constant 0 : i32
          %dma_wait3A_820 = tpu.memref_slice %arg7[%sub3A_815, %dma_wait3A_819] : memref<80x128xi32, #tpu.memory_space<vmem>> -> memref<1x128xi32, #tpu.memory_space<vmem>>
          %dma_wait3A_821 = tpu.memref_squeeze %dma_wait3A_820 : memref<1x128xi32, #tpu.memory_space<vmem>> -> memref<128xi32, #tpu.memory_space<vmem>>
          %dma_wait3A_822 = arith.constant 0 : i32
          %dma_wait3A_823 = arith.constant 0 : i32
          %dma_wait3A_824 = tpu.memref_slice %arg10[%dma_wait3A_822, %dma_wait3A_823] : memref<10240x64xf32, #tpu.memory_space<vmem_shared>> -> memref<10240x64xf32, #tpu.memory_space<vmem_shared>>
          tpu.wait_indirect_dma semaphore(%arg19 : memref<!tpu.dma_semaphore, #tpu.memory_space<semaphore_mem>>) src(%dma_wait3A_818 : memref<128x64xf32, #tpu.memory_space<vmem>>) dst(%dma_wait3A_824 : memref<10240x64xf32, #tpu.memory_space<vmem_shared>>)
        } else {
        }
        %add3A_798 = arith.constant 4 : i32
        %add3A_799 = arith.addi %add3A_764, %add3A_798 : i32
        %dma_start3A_800 = arith.constant 384 : i32
        %dma_start3A_801 = arith.constant 0 : i32
        %dma_start3A_802 = tpu.memref_slice %arg8[%dma_start3A_800, %dma_start3A_801] : memref<640x64xf32, #tpu.memory_space<vmem>> -> memref<128x64xf32, #tpu.memory_space<vmem>>
        %dma_start3A_803 = arith.constant 0 : i32
        %dma_start3A_804 = tpu.memref_slice %arg6[%add3A_799, %dma_start3A_803] : memref<80x128xi32, #tpu.memory_space<vmem>> -> memref<1x128xi32, #tpu.memory_space<vmem>>
        %dma_start3A_805 = tpu.memref_squeeze %dma_start3A_804 : memref<1x128xi32, #tpu.memory_space<vmem>> -> memref<128xi32, #tpu.memory_space<vmem>>
        %dma_start3A_806 = arith.constant 0 : i32
        %dma_start3A_807 = arith.constant 0 : i32
        %dma_start3A_808 = tpu.memref_slice %arg2[%arg0, %dma_start3A_806, %dma_start3A_807] : memref<2x10240x64xf32, #tpu.memory_space<hbm>> -> memref<1x10240x64xf32, #tpu.memory_space<hbm>>
        %dma_start3A_809 = tpu.memref_squeeze %dma_start3A_808 : memref<1x10240x64xf32, #tpu.memory_space<hbm>> -> memref<10240x64xf32, #tpu.memory_space<hbm>>
        %dma_start3A_810 = arith.constant 0 : i32
        %dma_start3A_811 = arith.constant 0 : i32
        %dma_start3A_812 = tpu.memref_slice %dma_start3A_809[%dma_start3A_810, %dma_start3A_811] : memref<10240x64xf32, #tpu.memory_space<hbm>> -> memref<10240x64xf32, #tpu.memory_space<hbm>>
        tpu.enqueue_indirect_dma source(%dma_start3A_812 : memref<10240x64xf32, #tpu.memory_space<hbm>>) target(%dma_start3A_802 : memref<128x64xf32, #tpu.memory_space<vmem>>) offsets(%dma_start3A_805 : memref<128xi32, #tpu.memory_space<vmem>>) semaphore(%arg14 : memref<!tpu.dma_semaphore, #tpu.memory_space<semaphore_mem>>)
      } else {
      }
    }
    %scan3A_576 = arith.constant 16 : i32
    %dma_wait3A = arith.constant 75 : i32
    %dma_wait3A_577 = arith.constant 0 : i32
    %dma_wait3A_578 = arith.constant 0 : i32
    %dma_wait3A_579 = tpu.memref_slice %arg8[%dma_wait3A_577, %dma_wait3A_578] : memref<640x64xf32, #tpu.memory_space<vmem>> -> memref<128x64xf32, #tpu.memory_space<vmem>>
    %dma_wait3A_580 = arith.constant 0 : i32
    %dma_wait3A_581 = tpu.memref_slice %arg7[%dma_wait3A, %dma_wait3A_580] : memref<80x128xi32, #tpu.memory_space<vmem>> -> memref<1x128xi32, #tpu.memory_space<vmem>>
    %dma_wait3A_582 = tpu.memref_squeeze %dma_wait3A_581 : memref<1x128xi32, #tpu.memory_space<vmem>> -> memref<128xi32, #tpu.memory_space<vmem>>
    %dma_wait3A_583 = arith.constant 0 : i32
    %dma_wait3A_584 = arith.constant 0 : i32
    %dma_wait3A_585 = tpu.memref_slice %arg10[%dma_wait3A_583, %dma_wait3A_584] : memref<10240x64xf32, #tpu.memory_space<vmem_shared>> -> memref<10240x64xf32, #tpu.memory_space<vmem_shared>>
    tpu.wait_indirect_dma semaphore(%arg16 : memref<!tpu.dma_semaphore, #tpu.memory_space<semaphore_mem>>) src(%dma_wait3A_579 : memref<128x64xf32, #tpu.memory_space<vmem>>) dst(%dma_wait3A_585 : memref<10240x64xf32, #tpu.memory_space<vmem_shared>>)
    %dma_wait3A_586 = arith.constant 76 : i32
    %dma_wait3A_587 = arith.constant 128 : i32
    %dma_wait3A_588 = arith.constant 0 : i32
    %dma_wait3A_589 = tpu.memref_slice %arg8[%dma_wait3A_587, %dma_wait3A_588] : memref<640x64xf32, #tpu.memory_space<vmem>> -> memref<128x64xf32, #tpu.memory_space<vmem>>
    %dma_wait3A_590 = arith.constant 0 : i32
    %dma_wait3A_591 = tpu.memref_slice %arg7[%dma_wait3A_586, %dma_wait3A_590] : memref<80x128xi32, #tpu.memory_space<vmem>> -> memref<1x128xi32, #tpu.memory_space<vmem>>
    %dma_wait3A_592 = tpu.memref_squeeze %dma_wait3A_591 : memref<1x128xi32, #tpu.memory_space<vmem>> -> memref<128xi32, #tpu.memory_space<vmem>>
    %dma_wait3A_593 = arith.constant 0 : i32
    %dma_wait3A_594 = arith.constant 0 : i32
    %dma_wait3A_595 = tpu.memref_slice %arg10[%dma_wait3A_593, %dma_wait3A_594] : memref<10240x64xf32, #tpu.memory_space<vmem_shared>> -> memref<10240x64xf32, #tpu.memory_space<vmem_shared>>
    tpu.wait_indirect_dma semaphore(%arg17 : memref<!tpu.dma_semaphore, #tpu.memory_space<semaphore_mem>>) src(%dma_wait3A_589 : memref<128x64xf32, #tpu.memory_space<vmem>>) dst(%dma_wait3A_595 : memref<10240x64xf32, #tpu.memory_space<vmem_shared>>)
    %dma_wait3A_596 = arith.constant 77 : i32
    %dma_wait3A_597 = arith.constant 256 : i32
    %dma_wait3A_598 = arith.constant 0 : i32
    %dma_wait3A_599 = tpu.memref_slice %arg8[%dma_wait3A_597, %dma_wait3A_598] : memref<640x64xf32, #tpu.memory_space<vmem>> -> memref<128x64xf32, #tpu.memory_space<vmem>>
    %dma_wait3A_600 = arith.constant 0 : i32
    %dma_wait3A_601 = tpu.memref_slice %arg7[%dma_wait3A_596, %dma_wait3A_600] : memref<80x128xi32, #tpu.memory_space<vmem>> -> memref<1x128xi32, #tpu.memory_space<vmem>>
    %dma_wait3A_602 = tpu.memref_squeeze %dma_wait3A_601 : memref<1x128xi32, #tpu.memory_space<vmem>> -> memref<128xi32, #tpu.memory_space<vmem>>
    %dma_wait3A_603 = arith.constant 0 : i32
    %dma_wait3A_604 = arith.constant 0 : i32
    %dma_wait3A_605 = tpu.memref_slice %arg10[%dma_wait3A_603, %dma_wait3A_604] : memref<10240x64xf32, #tpu.memory_space<vmem_shared>> -> memref<10240x64xf32, #tpu.memory_space<vmem_shared>>
    tpu.wait_indirect_dma semaphore(%arg18 : memref<!tpu.dma_semaphore, #tpu.memory_space<semaphore_mem>>) src(%dma_wait3A_599 : memref<128x64xf32, #tpu.memory_space<vmem>>) dst(%dma_wait3A_605 : memref<10240x64xf32, #tpu.memory_space<vmem_shared>>)
    %dma_wait3A_606 = arith.constant 78 : i32
    %dma_wait3A_607 = arith.constant 384 : i32
    %dma_wait3A_608 = arith.constant 0 : i32
    %dma_wait3A_609 = tpu.memref_slice %arg8[%dma_wait3A_607, %dma_wait3A_608] : memref<640x64xf32, #tpu.memory_space<vmem>> -> memref<128x64xf32, #tpu.memory_space<vmem>>
    %dma_wait3A_610 = arith.constant 0 : i32
    %dma_wait3A_611 = tpu.memref_slice %arg7[%dma_wait3A_606, %dma_wait3A_610] : memref<80x128xi32, #tpu.memory_space<vmem>> -> memref<1x128xi32, #tpu.memory_space<vmem>>
    %dma_wait3A_612 = tpu.memref_squeeze %dma_wait3A_611 : memref<1x128xi32, #tpu.memory_space<vmem>> -> memref<128xi32, #tpu.memory_space<vmem>>
    %dma_wait3A_613 = arith.constant 0 : i32
    %dma_wait3A_614 = arith.constant 0 : i32
    %dma_wait3A_615 = tpu.memref_slice %arg10[%dma_wait3A_613, %dma_wait3A_614] : memref<10240x64xf32, #tpu.memory_space<vmem_shared>> -> memref<10240x64xf32, #tpu.memory_space<vmem_shared>>
    tpu.wait_indirect_dma semaphore(%arg19 : memref<!tpu.dma_semaphore, #tpu.memory_space<semaphore_mem>>) src(%dma_wait3A_609 : memref<128x64xf32, #tpu.memory_space<vmem>>) dst(%dma_wait3A_615 : memref<10240x64xf32, #tpu.memory_space<vmem_shared>>)
    %dma_wait3A_616 = arith.constant 79 : i32
    %dma_wait3A_617 = arith.constant 512 : i32
    %dma_wait3A_618 = arith.constant 0 : i32
    %dma_wait3A_619 = tpu.memref_slice %arg8[%dma_wait3A_617, %dma_wait3A_618] : memref<640x64xf32, #tpu.memory_space<vmem>> -> memref<128x64xf32, #tpu.memory_space<vmem>>
    %dma_wait3A_620 = arith.constant 0 : i32
    %dma_wait3A_621 = tpu.memref_slice %arg7[%dma_wait3A_616, %dma_wait3A_620] : memref<80x128xi32, #tpu.memory_space<vmem>> -> memref<1x128xi32, #tpu.memory_space<vmem>>
    %dma_wait3A_622 = tpu.memref_squeeze %dma_wait3A_621 : memref<1x128xi32, #tpu.memory_space<vmem>> -> memref<128xi32, #tpu.memory_space<vmem>>
    %dma_wait3A_623 = arith.constant 0 : i32
    %dma_wait3A_624 = arith.constant 0 : i32
    %dma_wait3A_625 = tpu.memref_slice %arg10[%dma_wait3A_623, %dma_wait3A_624] : memref<10240x64xf32, #tpu.memory_space<vmem_shared>> -> memref<10240x64xf32, #tpu.memory_space<vmem_shared>>
    tpu.wait_indirect_dma semaphore(%arg20 : memref<!tpu.dma_semaphore, #tpu.memory_space<semaphore_mem>>) src(%dma_wait3A_619 : memref<128x64xf32, #tpu.memory_space<vmem>>) dst(%dma_wait3A_625 : memref<10240x64xf32, #tpu.memory_space<vmem_shared>>)
    %barrier3A_626 = arith.constant 0 : index
    tpu.barrier barrier_id(%barrier3A_626)
    %mul3A_627 = arith.constant 640 : i32
    %mul3A_628 = arith.muli %arg1, %mul3A_627 : i32
    %mul3A_629 = arith.constant 640 : i32
    %mul3A_630 = arith.muli %arg1, %mul3A_629 : i32
    "tpu.region"() ({
      %run_scoped3A = tpu.sem_alloc : memref<!tpu.dma_semaphore, #tpu.memory_space<semaphore_mem>>
      %dma_start3A_631 = arith.constant 0 : i32
      %dma_start3A_632 = tpu.memref_slice %arg5[%arg0, %mul3A_630, %dma_start3A_631] : memref<2x10240x64xf32, #tpu.memory_space<hbm>> -> memref<1x640x64xf32, #tpu.memory_space<hbm>>
      %dma_start3A_633 = tpu.memref_squeeze %dma_start3A_632 : memref<1x640x64xf32, #tpu.memory_space<hbm>> -> memref<640x64xf32, #tpu.memory_space<hbm>>
      %dma_start3A_634 = arith.constant 0 : i32
      %dma_start3A_635 = tpu.memref_slice %arg10[%mul3A_628, %dma_start3A_634] : memref<10240x64xf32, #tpu.memory_space<vmem_shared>> -> memref<640x64xf32, #tpu.memory_space<vmem_shared>>
      tpu.enqueue_dma source(%dma_start3A_635 : memref<640x64xf32, #tpu.memory_space<vmem_shared>>) target(%dma_start3A_633 : memref<640x64xf32, #tpu.memory_space<hbm>>) target_semaphore(%run_scoped3A : memref<!tpu.dma_semaphore, #tpu.memory_space<semaphore_mem>>)
      %dma_wait3A_636 = arith.constant 0 : i32
      %dma_wait3A_637 = tpu.memref_slice %arg5[%arg0, %mul3A_630, %dma_wait3A_636] : memref<2x10240x64xf32, #tpu.memory_space<hbm>> -> memref<1x640x64xf32, #tpu.memory_space<hbm>>
      %dma_wait3A_638 = tpu.memref_squeeze %dma_wait3A_637 : memref<1x640x64xf32, #tpu.memory_space<hbm>> -> memref<640x64xf32, #tpu.memory_space<hbm>>
      %dma_wait3A_639 = arith.constant 0 : i32
      %dma_wait3A_640 = tpu.memref_slice %arg10[%mul3A_628, %dma_wait3A_639] : memref<10240x64xf32, #tpu.memory_space<vmem_shared>> -> memref<640x64xf32, #tpu.memory_space<vmem_shared>>
      tpu.wait_dma2 semaphore(%run_scoped3A : memref<!tpu.dma_semaphore, #tpu.memory_space<semaphore_mem>>) src(%dma_wait3A_640 : memref<640x64xf32, #tpu.memory_space<vmem_shared>>) dst(%dma_wait3A_638 : memref<640x64xf32, #tpu.memory_space<hbm>>)
      tpu.yield
    }) : () -> ()
    return
  }
}

module attributes {stable_mosaic.version = 14 : i64} {
  func.func @_prep_body(%arg0: i32, %arg1: memref<1024x128xf32, #tpu.memory_space<vmem>>, %arg2: memref<128x64xf32, #tpu.memory_space<vmem>>, %arg3: memref<2x1024x16xf32, #tpu.memory_space<vmem>>, %arg4: memref<1024x64xf32, #tpu.memory_space<vmem>>, %arg5: memref<2x1024x64xf32, #tpu.memory_space<vmem>>) attributes {dimension_semantics = [#tpu.dimension_semantics<arbitrary>], iteration_bounds = array<i64: 10>, scalar_prefetch = 0 : i64, scratch_operands = 0 : i64, tpu.core_type = #tpu.core_type<tc>, window_params = [{transform_indices = @transform_0, window_bounds = array<i64: 1024, 128>}, {pipeline_mode = #tpu.pipeline_mode<synchronous>, transform_indices = @transform_1, window_bounds = array<i64: 128, 64>}, {transform_indices = @transform_2, window_bounds = array<i64: 2, 1024, 16>}, {transform_indices = @transform_3, window_bounds = array<i64: 1024, 64>}, {transform_indices = @transform_4, window_bounds = array<i64: 2, 1024, 64>}]} {
    %get3A = arith.constant 0 : index
    %get3A_0 = arith.constant 0 : index
    %get3A_1 = vector.load %arg1[%get3A, %get3A_0] : memref<1024x128xf32, #tpu.memory_space<vmem>>, vector<1024x128xf32>
    %get3A_2 = arith.constant 0 : index
    %get3A_3 = arith.constant 0 : index
    %get3A_4 = vector.load %arg2[%get3A_2, %get3A_3] : memref<128x64xf32, #tpu.memory_space<vmem>>, vector<128x64xf32>
    %dot_general3A = arith.constant dense<0.000000e+00> : vector<1024x64xf32>
    %dot_general3A_5 = tpu.matmul %get3A_1, %get3A_4, %dot_general3A {dimension_numbers = #tpu.dot_dimension_numbers<[1], [0], [0], [1], [0, 0, 1, 1], [], []>, transpose_lhs_hint = false} : vector<1024x128xf32>, vector<128x64xf32>, vector<1024x64xf32> -> vector<1024x64xf32>
    %swap3A = arith.constant 0 : index
    %swap3A_6 = arith.constant 0 : index
    %swap3A_7 = vector.load %arg4[%swap3A, %swap3A_6] : memref<1024x64xf32, #tpu.memory_space<vmem>>, vector<1024x64xf32>
    tpu.vector_store %arg4[%swap3A, %swap3A_6], %dot_general3A_5 {strides = array<i32>} : memref<1024x64xf32, #tpu.memory_space<vmem>>, vector<1024x64xf32>,
    %get3A_8 = arith.constant 0 : index
    %get3A_9 = arith.constant 0 : index
    %get3A_10 = arith.constant 0 : index
    %get3A_11 = vector.load %arg3[%get3A_8, %get3A_9, %get3A_10] : memref<2x1024x16xf32, #tpu.memory_space<vmem>>, vector<1x1024x16xf32>
    %get3A_12 = vector.shape_cast %get3A_11 : vector<1x1024x16xf32> to vector<1024x16xf32>
    %get3A_13 = arith.constant 1 : index
    %get3A_14 = arith.constant 0 : index
    %get3A_15 = arith.constant 0 : index
    %get3A_16 = vector.load %arg3[%get3A_13, %get3A_14, %get3A_15] : memref<2x1024x16xf32, #tpu.memory_space<vmem>>, vector<1x1024x16xf32>
    %get3A_17 = vector.shape_cast %get3A_16 : vector<1x1024x16xf32> to vector<1024x16xf32>
    %add3A = arith.addf %get3A_12, %get3A_17 : vector<1024x16xf32>
    %slice3A = vector.extract_strided_slice %add3A {offsets = [0, 0], sizes = [1024, 1], strides = [1, 1]} : vector<1024x16xf32> to vector<1024x1xf32>
    %add3A_18 = arith.constant 1.000000e+00 : f32
    %add3A_19 = vector.broadcast %add3A_18 : f32 to vector<1024x1xf32>
    %add3A_20 = arith.addf %slice3A, %add3A_19 : vector<1024x1xf32>
    %rsqrt3A = math.rsqrt %add3A_20 : vector<1024x1xf32>
    %mul3A = vector.broadcast %rsqrt3A : vector<1024x1xf32> to vector<1024x64xf32>
    %mul3A_21 = arith.mulf %dot_general3A_5, %mul3A : vector<1024x64xf32>
    %swap3A_22 = arith.constant 0 : index
    %swap3A_23 = arith.constant 0 : index
    %swap3A_24 = arith.constant 0 : index
    %swap3A_25 = vector.load %arg5[%swap3A_22, %swap3A_23, %swap3A_24] : memref<2x1024x64xf32, #tpu.memory_space<vmem>>, vector<1x1024x64xf32>
    %swap3A_26 = vector.shape_cast %swap3A_25 : vector<1x1024x64xf32> to vector<1024x64xf32>
    %swap3A_27 = vector.shape_cast %mul3A_21 : vector<1024x64xf32> to vector<1x1024x64xf32>
    tpu.vector_store %arg5[%swap3A_22, %swap3A_23, %swap3A_24], %swap3A_27 {strides = array<i32>} : memref<2x1024x64xf32, #tpu.memory_space<vmem>>, vector<1x1024x64xf32>,
    %swap3A_28 = arith.constant 1 : index
    %swap3A_29 = arith.constant 0 : index
    %swap3A_30 = arith.constant 0 : index
    %swap3A_31 = vector.load %arg5[%swap3A_28, %swap3A_29, %swap3A_30] : memref<2x1024x64xf32, #tpu.memory_space<vmem>>, vector<1x1024x64xf32>
    %swap3A_32 = vector.shape_cast %swap3A_31 : vector<1x1024x64xf32> to vector<1024x64xf32>
    %swap3A_33 = vector.shape_cast %mul3A_21 : vector<1024x64xf32> to vector<1x1024x64xf32>
    tpu.vector_store %arg5[%swap3A_28, %swap3A_29, %swap3A_30], %swap3A_33 {strides = array<i32>} : memref<2x1024x64xf32, #tpu.memory_space<vmem>>, vector<1x1024x64xf32>,
    return
  }
  func.func @transform_0(%arg0: i32) -> (i32, i32) {
    %c0_i32 = arith.constant 0 : i32
    %c0_i32_0 = arith.constant 0 : i32
    return %arg0, %c0_i32 : i32, i32
  }
  func.func @transform_1(%arg0: i32) -> (i32, i32) {
    %c0_i32 = arith.constant 0 : i32
    %c0_i32_0 = arith.constant 0 : i32
    %c0_i32_1 = arith.constant 0 : i32
    return %c0_i32, %c0_i32_0 : i32, i32
  }
  func.func @transform_2(%arg0: i32) -> (i32, i32, i32) {
    %c0_i32 = arith.constant 0 : i32
    %c0_i32_0 = arith.constant 0 : i32
    %c0_i32_1 = arith.constant 0 : i32
    return %c0_i32, %arg0, %c0_i32_0 : i32, i32, i32
  }
  func.func @transform_3(%arg0: i32) -> (i32, i32) {
    %c0_i32 = arith.constant 0 : i32
    %c0_i32_0 = arith.constant 0 : i32
    return %arg0, %c0_i32 : i32, i32
  }
  func.func @transform_4(%arg0: i32) -> (i32, i32, i32) {
    %c0_i32 = arith.constant 0 : i32
    %c0_i32_0 = arith.constant 0 : i32
    %c0_i32_1 = arith.constant 0 : i32
    return %c0_i32, %arg0, %c0_i32_0 : i32, i32, i32
  }
}

module attributes {stable_mosaic.version = 14 : i64} {
  func.func @_mid_body(%arg0: i32, %arg1: memref<2x1024x64xf32, #tpu.memory_space<vmem>>, %arg2: memref<1024x64xf32, #tpu.memory_space<vmem>>, %arg3: memref<2x1024x16xf32, #tpu.memory_space<vmem>>, %arg4: memref<1x64xf32, #tpu.memory_space<vmem>>, %arg5: memref<64x128xf32, #tpu.memory_space<vmem>>, %arg6: memref<1024x128xf32, #tpu.memory_space<vmem>>, %arg7: memref<2x1024x64xf32, #tpu.memory_space<vmem>>) attributes {dimension_semantics = [#tpu.dimension_semantics<arbitrary>], iteration_bounds = array<i64: 10>, scalar_prefetch = 0 : i64, scratch_operands = 0 : i64, tpu.core_type = #tpu.core_type<tc>, window_params = [{transform_indices = @transform_0, window_bounds = array<i64: 2, 1024, 64>}, {transform_indices = @transform_1, window_bounds = array<i64: 1024, 64>}, {transform_indices = @transform_2, window_bounds = array<i64: 2, 1024, 16>}, {pipeline_mode = #tpu.pipeline_mode<synchronous>, transform_indices = @transform_3, window_bounds = array<i64: 1, 64>}, {pipeline_mode = #tpu.pipeline_mode<synchronous>, transform_indices = @transform_4, window_bounds = array<i64: 64, 128>}, {transform_indices = @transform_5, window_bounds = array<i64: 1024, 128>}, {transform_indices = @transform_6, window_bounds = array<i64: 2, 1024, 64>}]} {
    %get3A = arith.constant 0 : index
    %get3A_0 = arith.constant 0 : index
    %get3A_1 = arith.constant 0 : index
    %get3A_2 = vector.load %arg3[%get3A, %get3A_0, %get3A_1] : memref<2x1024x16xf32, #tpu.memory_space<vmem>>, vector<1x1024x16xf32>
    %get3A_3 = vector.shape_cast %get3A_2 : vector<1x1024x16xf32> to vector<1024x16xf32>
    %get3A_4 = arith.constant 1 : index
    %get3A_5 = arith.constant 0 : index
    %get3A_6 = arith.constant 0 : index
    %get3A_7 = vector.load %arg3[%get3A_4, %get3A_5, %get3A_6] : memref<2x1024x16xf32, #tpu.memory_space<vmem>>, vector<1x1024x16xf32>
    %get3A_8 = vector.shape_cast %get3A_7 : vector<1x1024x16xf32> to vector<1024x16xf32>
    %add3A = arith.addf %get3A_3, %get3A_8 : vector<1024x16xf32>
    %slice3A = vector.extract_strided_slice %add3A {offsets = [0, 0], sizes = [1024, 1], strides = [1, 1]} : vector<1024x16xf32> to vector<1024x1xf32>
    %add3A_9 = arith.constant 1.000000e+00 : f32
    %add3A_10 = vector.broadcast %add3A_9 : f32 to vector<1024x1xf32>
    %add3A_11 = arith.addf %slice3A, %add3A_10 : vector<1024x1xf32>
    %rsqrt3A = math.rsqrt %add3A_11 : vector<1024x1xf32>
    %get3A_12 = arith.constant 0 : index
    %get3A_13 = arith.constant 0 : index
    %get3A_14 = arith.constant 0 : index
    %get3A_15 = vector.load %arg1[%get3A_12, %get3A_13, %get3A_14] : memref<2x1024x64xf32, #tpu.memory_space<vmem>>, vector<1x1024x64xf32>
    %get3A_16 = vector.shape_cast %get3A_15 : vector<1x1024x64xf32> to vector<1024x64xf32>
    %get3A_17 = arith.constant 1 : index
    %get3A_18 = arith.constant 0 : index
    %get3A_19 = arith.constant 0 : index
    %get3A_20 = vector.load %arg1[%get3A_17, %get3A_18, %get3A_19] : memref<2x1024x64xf32, #tpu.memory_space<vmem>>, vector<1x1024x64xf32>
    %get3A_21 = vector.shape_cast %get3A_20 : vector<1x1024x64xf32> to vector<1024x64xf32>
    %add3A_22 = arith.addf %get3A_16, %get3A_21 : vector<1024x64xf32>
    %mul3A = vector.broadcast %rsqrt3A : vector<1024x1xf32> to vector<1024x64xf32>
    %mul3A_23 = arith.mulf %mul3A, %add3A_22 : vector<1024x64xf32>
    %mul3A_24 = arith.mulf %rsqrt3A, %rsqrt3A : vector<1024x1xf32>
    %get3A_25 = arith.constant 0 : index
    %get3A_26 = arith.constant 0 : index
    %get3A_27 = vector.load %arg2[%get3A_25, %get3A_26] : memref<1024x64xf32, #tpu.memory_space<vmem>>, vector<1024x64xf32>
    %mul3A_28 = vector.broadcast %mul3A_24 : vector<1024x1xf32> to vector<1024x64xf32>
    %mul3A_29 = arith.mulf %mul3A_28, %get3A_27 : vector<1024x64xf32>
    %add3A_30 = arith.addf %mul3A_23, %mul3A_29 : vector<1024x64xf32>
    %get3A_31 = arith.constant 0 : index
    %get3A_32 = arith.constant 0 : index
    %get3A_33 = vector.load %arg4[%get3A_31, %get3A_32] : memref<1x64xf32, #tpu.memory_space<vmem>>, vector<1x64xf32>
    %add3A_34 = vector.broadcast %get3A_33 : vector<1x64xf32> to vector<1024x64xf32>
    %add3A_35 = arith.addf %add3A_30, %add3A_34 : vector<1024x64xf32>
    %max3A = arith.constant 0.000000e+00 : f32
    %max3A_36 = vector.broadcast %max3A : f32 to vector<1024x64xf32>
    %max3A_37 = arith.maximumf %add3A_35, %max3A_36 : vector<1024x64xf32>
    %get3A_38 = arith.constant 0 : index
    %get3A_39 = arith.constant 0 : index
    %get3A_40 = vector.load %arg5[%get3A_38, %get3A_39] : memref<64x128xf32, #tpu.memory_space<vmem>>, vector<64x128xf32>
    %dot_general3A = arith.constant dense<0.000000e+00> : vector<1024x128xf32>
    %dot_general3A_41 = tpu.matmul %max3A_37, %get3A_40, %dot_general3A {dimension_numbers = #tpu.dot_dimension_numbers<[1], [0], [0], [1], [0, 0, 1, 1], [], []>, transpose_lhs_hint = false} : vector<1024x64xf32>, vector<64x128xf32>, vector<1024x128xf32> -> vector<1024x128xf32>
    %swap3A = arith.constant 0 : index
    %swap3A_42 = arith.constant 0 : index
    %swap3A_43 = vector.load %arg6[%swap3A, %swap3A_42] : memref<1024x128xf32, #tpu.memory_space<vmem>>, vector<1024x128xf32>
    tpu.vector_store %arg6[%swap3A, %swap3A_42], %dot_general3A_41 {strides = array<i32>} : memref<1024x128xf32, #tpu.memory_space<vmem>>, vector<1024x128xf32>,
    %mul3A_44 = vector.broadcast %rsqrt3A : vector<1024x1xf32> to vector<1024x128xf32>
    %mul3A_45 = arith.mulf %dot_general3A_41, %mul3A_44 : vector<1024x128xf32>
    %slice3A_46 = vector.extract_strided_slice %mul3A_45 {offsets = [0, 0], sizes = [1024, 64], strides = [1, 1]} : vector<1024x128xf32> to vector<1024x64xf32>
    %swap3A_47 = arith.constant 0 : index
    %swap3A_48 = arith.constant 0 : index
    %swap3A_49 = arith.constant 0 : index
    %swap3A_50 = vector.load %arg7[%swap3A_47, %swap3A_48, %swap3A_49] : memref<2x1024x64xf32, #tpu.memory_space<vmem>>, vector<1x1024x64xf32>
    %swap3A_51 = vector.shape_cast %swap3A_50 : vector<1x1024x64xf32> to vector<1024x64xf32>
    %swap3A_52 = vector.shape_cast %slice3A_46 : vector<1024x64xf32> to vector<1x1024x64xf32>
    tpu.vector_store %arg7[%swap3A_47, %swap3A_48, %swap3A_49], %swap3A_52 {strides = array<i32>} : memref<2x1024x64xf32, #tpu.memory_space<vmem>>, vector<1x1024x64xf32>,
    %slice3A_53 = vector.extract_strided_slice %mul3A_45 {offsets = [0, 64], sizes = [1024, 64], strides = [1, 1]} : vector<1024x128xf32> to vector<1024x64xf32>
    %swap3A_54 = arith.constant 1 : index
    %swap3A_55 = arith.constant 0 : index
    %swap3A_56 = arith.constant 0 : index
    %swap3A_57 = vector.load %arg7[%swap3A_54, %swap3A_55, %swap3A_56] : memref<2x1024x64xf32, #tpu.memory_space<vmem>>, vector<1x1024x64xf32>
    %swap3A_58 = vector.shape_cast %swap3A_57 : vector<1x1024x64xf32> to vector<1024x64xf32>
    %swap3A_59 = vector.shape_cast %slice3A_53 : vector<1024x64xf32> to vector<1x1024x64xf32>
    tpu.vector_store %arg7[%swap3A_54, %swap3A_55, %swap3A_56], %swap3A_59 {strides = array<i32>} : memref<2x1024x64xf32, #tpu.memory_space<vmem>>, vector<1x1024x64xf32>,
    return
  }
  func.func @transform_0(%arg0: i32) -> (i32, i32, i32) {
    %c0_i32 = arith.constant 0 : i32
    %c0_i32_0 = arith.constant 0 : i32
    %c0_i32_1 = arith.constant 0 : i32
    return %c0_i32, %arg0, %c0_i32_0 : i32, i32, i32
  }
  func.func @transform_1(%arg0: i32) -> (i32, i32) {
    %c0_i32 = arith.constant 0 : i32
    %c0_i32_0 = arith.constant 0 : i32
    return %arg0, %c0_i32 : i32, i32
  }
  func.func @transform_2(%arg0: i32) -> (i32, i32, i32) {
    %c0_i32 = arith.constant 0 : i32
    %c0_i32_0 = arith.constant 0 : i32
    %c0_i32_1 = arith.constant 0 : i32
    return %c0_i32, %arg0, %c0_i32_0 : i32, i32, i32
  }
  func.func @transform_3(%arg0: i32) -> (i32, i32) {
    %c0_i32 = arith.constant 0 : i32
    %c0_i32_0 = arith.constant 0 : i32
    %c0_i32_1 = arith.constant 0 : i32
    return %c0_i32, %c0_i32_0 : i32, i32
  }
  func.func @transform_4(%arg0: i32) -> (i32, i32) {
    %c0_i32 = arith.constant 0 : i32
    %c0_i32_0 = arith.constant 0 : i32
    %c0_i32_1 = arith.constant 0 : i32
    return %c0_i32, %c0_i32_0 : i32, i32
  }
  func.func @transform_5(%arg0: i32) -> (i32, i32) {
    %c0_i32 = arith.constant 0 : i32
    %c0_i32_0 = arith.constant 0 : i32
    return %arg0, %c0_i32 : i32, i32
  }
  func.func @transform_6(%arg0: i32) -> (i32, i32, i32) {
    %c0_i32 = arith.constant 0 : i32
    %c0_i32_0 = arith.constant 0 : i32
    %c0_i32_1 = arith.constant 0 : i32
    return %c0_i32, %arg0, %c0_i32_0 : i32, i32, i32
  }
}

module attributes {stable_mosaic.version = 14 : i64} {
  func.func @_post_body(%arg0: i32, %arg1: memref<2x1024x64xf32, #tpu.memory_space<vmem>>, %arg2: memref<1024x128xf32, #tpu.memory_space<vmem>>, %arg3: memref<2x1024x16xf32, #tpu.memory_space<vmem>>, %arg4: memref<1x128xf32, #tpu.memory_space<vmem>>, %arg5: memref<1024x128xf32, #tpu.memory_space<vmem>>) attributes {dimension_semantics = [#tpu.dimension_semantics<arbitrary>], iteration_bounds = array<i64: 10>, scalar_prefetch = 0 : i64, scratch_operands = 0 : i64, tpu.core_type = #tpu.core_type<tc>, window_params = [{transform_indices = @transform_0, window_bounds = array<i64: 2, 1024, 64>}, {transform_indices = @transform_1, window_bounds = array<i64: 1024, 128>}, {transform_indices = @transform_2, window_bounds = array<i64: 2, 1024, 16>}, {pipeline_mode = #tpu.pipeline_mode<synchronous>, transform_indices = @transform_3, window_bounds = array<i64: 1, 128>}, {transform_indices = @transform_4, window_bounds = array<i64: 1024, 128>}]} {
    %get3A = arith.constant 0 : index
    %get3A_0 = arith.constant 0 : index
    %get3A_1 = arith.constant 0 : index
    %get3A_2 = vector.load %arg3[%get3A, %get3A_0, %get3A_1] : memref<2x1024x16xf32, #tpu.memory_space<vmem>>, vector<1x1024x16xf32>
    %get3A_3 = vector.shape_cast %get3A_2 : vector<1x1024x16xf32> to vector<1024x16xf32>
    %get3A_4 = arith.constant 1 : index
    %get3A_5 = arith.constant 0 : index
    %get3A_6 = arith.constant 0 : index
    %get3A_7 = vector.load %arg3[%get3A_4, %get3A_5, %get3A_6] : memref<2x1024x16xf32, #tpu.memory_space<vmem>>, vector<1x1024x16xf32>
    %get3A_8 = vector.shape_cast %get3A_7 : vector<1x1024x16xf32> to vector<1024x16xf32>
    %add3A = arith.addf %get3A_3, %get3A_8 : vector<1024x16xf32>
    %slice3A = vector.extract_strided_slice %add3A {offsets = [0, 0], sizes = [1024, 1], strides = [1, 1]} : vector<1024x16xf32> to vector<1024x1xf32>
    %add3A_9 = arith.constant 1.000000e+00 : f32
    %add3A_10 = vector.broadcast %add3A_9 : f32 to vector<1024x1xf32>
    %add3A_11 = arith.addf %slice3A, %add3A_10 : vector<1024x1xf32>
    %rsqrt3A = math.rsqrt %add3A_11 : vector<1024x1xf32>
    %get3A_12 = arith.constant 0 : index
    %get3A_13 = arith.constant 0 : index
    %get3A_14 = arith.constant 0 : index
    %get3A_15 = vector.load %arg1[%get3A_12, %get3A_13, %get3A_14] : memref<2x1024x64xf32, #tpu.memory_space<vmem>>, vector<1x1024x64xf32>
    %get3A_16 = vector.shape_cast %get3A_15 : vector<1x1024x64xf32> to vector<1024x64xf32>
    %get3A_17 = arith.constant 1 : index
    %get3A_18 = arith.constant 0 : index
    %get3A_19 = arith.constant 0 : index
    %get3A_20 = vector.load %arg1[%get3A_17, %get3A_18, %get3A_19] : memref<2x1024x64xf32, #tpu.memory_space<vmem>>, vector<1x1024x64xf32>
    %get3A_21 = vector.shape_cast %get3A_20 : vector<1x1024x64xf32> to vector<1024x64xf32>
    %concatenate3A = tpu.concatenate %get3A_16, %get3A_21 in 1 : vector<1024x64xf32>, vector<1024x64xf32> -> vector<1024x128xf32>
    %mul3A = vector.broadcast %rsqrt3A : vector<1024x1xf32> to vector<1024x128xf32>
    %mul3A_22 = arith.mulf %mul3A, %concatenate3A : vector<1024x128xf32>
    %mul3A_23 = arith.mulf %rsqrt3A, %rsqrt3A : vector<1024x1xf32>
    %get3A_24 = arith.constant 0 : index
    %get3A_25 = arith.constant 0 : index
    %get3A_26 = vector.load %arg2[%get3A_24, %get3A_25] : memref<1024x128xf32, #tpu.memory_space<vmem>>, vector<1024x128xf32>
    %mul3A_27 = vector.broadcast %mul3A_23 : vector<1024x1xf32> to vector<1024x128xf32>
    %mul3A_28 = arith.mulf %mul3A_27, %get3A_26 : vector<1024x128xf32>
    %add3A_29 = arith.addf %mul3A_22, %mul3A_28 : vector<1024x128xf32>
    %get3A_30 = arith.constant 0 : index
    %get3A_31 = arith.constant 0 : index
    %get3A_32 = vector.load %arg4[%get3A_30, %get3A_31] : memref<1x128xf32, #tpu.memory_space<vmem>>, vector<1x128xf32>
    %add3A_33 = vector.broadcast %get3A_32 : vector<1x128xf32> to vector<1024x128xf32>
    %add3A_34 = arith.addf %add3A_29, %add3A_33 : vector<1024x128xf32>
    %max3A = arith.constant 0.000000e+00 : f32
    %max3A_35 = vector.broadcast %max3A : f32 to vector<1024x128xf32>
    %max3A_36 = arith.maximumf %add3A_34, %max3A_35 : vector<1024x128xf32>
    %swap3A = arith.constant 0 : index
    %swap3A_37 = arith.constant 0 : index
    %swap3A_38 = vector.load %arg5[%swap3A, %swap3A_37] : memref<1024x128xf32, #tpu.memory_space<vmem>>, vector<1024x128xf32>
    tpu.vector_store %arg5[%swap3A, %swap3A_37], %max3A_36 {strides = array<i32>} : memref<1024x128xf32, #tpu.memory_space<vmem>>, vector<1024x128xf32>,
    return
  }
  func.func @transform_0(%arg0: i32) -> (i32, i32, i32) {
    %c0_i32 = arith.constant 0 : i32
    %c0_i32_0 = arith.constant 0 : i32
    %c0_i32_1 = arith.constant 0 : i32
    return %c0_i32, %arg0, %c0_i32_0 : i32, i32, i32
  }
  func.func @transform_1(%arg0: i32) -> (i32, i32) {
    %c0_i32 = arith.constant 0 : i32
    %c0_i32_0 = arith.constant 0 : i32
    return %arg0, %c0_i32 : i32, i32
  }
  func.func @transform_2(%arg0: i32) -> (i32, i32, i32) {
    %c0_i32 = arith.constant 0 : i32
    %c0_i32_0 = arith.constant 0 : i32
    %c0_i32_1 = arith.constant 0 : i32
    return %c0_i32, %arg0, %c0_i32_0 : i32, i32, i32
  }
  func.func @transform_3(%arg0: i32) -> (i32, i32) {
    %c0_i32 = arith.constant 0 : i32
    %c0_i32_0 = arith.constant 0 : i32
    %c0_i32_1 = arith.constant 0 : i32
    return %c0_i32, %c0_i32_0 : i32, i32
  }
  func.func @transform_4(%arg0: i32) -> (i32, i32) {
    %c0_i32 = arith.constant 0 : i32
    %c0_i32_0 = arith.constant 0 : i32
    return %arg0, %c0_i32 : i32, i32
  }
}

module attributes {stable_mosaic.version = 14 : i64} {
  func.func @_lstm_in_body(%arg0: i32, %arg1: memref<104x512xf32, #tpu.memory_space<vmem>>, %arg2: memref<512x128xf32, #tpu.memory_space<vmem>>, %arg3: memref<1x128xf32, #tpu.memory_space<vmem>>, %arg4: memref<1x128xf32, #tpu.memory_space<vmem>>, %arg5: memref<104x128xf32, #tpu.memory_space<vmem>>) attributes {dimension_semantics = [#tpu.dimension_semantics<arbitrary>], iteration_bounds = array<i64: 25>, scalar_prefetch = 0 : i64, scratch_operands = 0 : i64, tpu.core_type = #tpu.core_type<tc>, window_params = [{transform_indices = @transform_0, window_bounds = array<i64: 104, 512>}, {transform_indices = @transform_1, window_bounds = array<i64: 512, 128>}, {pipeline_mode = #tpu.pipeline_mode<synchronous>, transform_indices = @transform_2, window_bounds = array<i64: 1, 128>}, {pipeline_mode = #tpu.pipeline_mode<synchronous>, transform_indices = @transform_3, window_bounds = array<i64: 1, 128>}, {pipeline_mode = #tpu.pipeline_mode<synchronous>, transform_indices = @transform_4, window_bounds = array<i64: 104, 128>}]} {
    %eq3A = arith.constant 0 : i32
    %eq3A_0 = arith.cmpi eq, %arg0, %eq3A : i32
    %convert_element_type3A = arith.extui %eq3A_0 : i1 to i32
    %cond3A = arith.constant 0 : i32
    %cond3A_1 = arith.cmpi ne, %convert_element_type3A, %cond3A : i32
    scf.if %cond3A_1 {
      %broadcast_in_dim3A = arith.constant 0.000000e+00 : f32
      %broadcast_in_dim3A_18 = vector.broadcast %broadcast_in_dim3A : f32 to vector<104x128xf32>
      %swap3A_19 = arith.constant 0 : index
      %swap3A_20 = arith.constant 0 : index
      %swap3A_21 = vector.load %arg5[%swap3A_19, %swap3A_20] : memref<104x128xf32, #tpu.memory_space<vmem>>, vector<104x128xf32>
      tpu.vector_store %arg5[%swap3A_19, %swap3A_20], %broadcast_in_dim3A_18 {strides = array<i32>} : memref<104x128xf32, #tpu.memory_space<vmem>>, vector<104x128xf32>,
    } else {
    }
    %get3A = arith.constant 0 : index
    %get3A_2 = arith.constant 0 : index
    %get3A_3 = vector.load %arg5[%get3A, %get3A_2] : memref<104x128xf32, #tpu.memory_space<vmem>>, vector<104x128xf32>
    %get3A_4 = arith.constant 0 : index
    %get3A_5 = arith.constant 0 : index
    %get3A_6 = vector.load %arg1[%get3A_4, %get3A_5] : memref<104x512xf32, #tpu.memory_space<vmem>>, vector<104x512xf32>
    %get3A_7 = arith.constant 0 : index
    %get3A_8 = arith.constant 0 : index
    %get3A_9 = vector.load %arg2[%get3A_7, %get3A_8] : memref<512x128xf32, #tpu.memory_space<vmem>>, vector<512x128xf32>
    %dot_general3A = arith.constant dense<0.000000e+00> : vector<104x128xf32>
    %dot_general3A_10 = tpu.matmul %get3A_6, %get3A_9, %dot_general3A {dimension_numbers = #tpu.dot_dimension_numbers<[1], [0], [0], [1], [0, 0, 1, 1], [], []>, transpose_lhs_hint = false} : vector<104x512xf32>, vector<512x128xf32>, vector<104x128xf32> -> vector<104x128xf32>
    %add3A = arith.addf %get3A_3, %dot_general3A_10 : vector<104x128xf32>
    %swap3A = arith.constant 0 : index
    %swap3A_11 = arith.constant 0 : index
    %swap3A_12 = vector.load %arg5[%swap3A, %swap3A_11] : memref<104x128xf32, #tpu.memory_space<vmem>>, vector<104x128xf32>
    tpu.vector_store %arg5[%swap3A, %swap3A_11], %add3A {strides = array<i32>} : memref<104x128xf32, #tpu.memory_space<vmem>>, vector<104x128xf32>,
    %eq3A_13 = arith.constant 24 : i32
    %eq3A_14 = arith.cmpi eq, %arg0, %eq3A_13 : i32
    %convert_element_type3A_15 = arith.extui %eq3A_14 : i1 to i32
    %cond3A_16 = arith.constant 0 : i32
    %cond3A_17 = arith.cmpi ne, %convert_element_type3A_15, %cond3A_16 : i32
    scf.if %cond3A_17 {
      %get3A_18 = arith.constant 0 : index
      %get3A_19 = arith.constant 0 : index
      %get3A_20 = vector.load %arg5[%get3A_18, %get3A_19] : memref<104x128xf32, #tpu.memory_space<vmem>>, vector<104x128xf32>
      %get3A_21 = arith.constant 0 : index
      %get3A_22 = arith.constant 0 : index
      %get3A_23 = vector.load %arg3[%get3A_21, %get3A_22] : memref<1x128xf32, #tpu.memory_space<vmem>>, vector<1x128xf32>
      %get3A_24 = arith.constant 0 : index
      %get3A_25 = arith.constant 0 : index
      %get3A_26 = vector.load %arg4[%get3A_24, %get3A_25] : memref<1x128xf32, #tpu.memory_space<vmem>>, vector<1x128xf32>
      %add3A_27 = arith.addf %get3A_23, %get3A_26 : vector<1x128xf32>
      %add3A_28 = vector.broadcast %add3A_27 : vector<1x128xf32> to vector<104x128xf32>
      %add3A_29 = arith.addf %get3A_20, %add3A_28 : vector<104x128xf32>
      %swap3A_30 = arith.constant 0 : index
      %swap3A_31 = arith.constant 0 : index
      %swap3A_32 = vector.load %arg5[%swap3A_30, %swap3A_31] : memref<104x128xf32, #tpu.memory_space<vmem>>, vector<104x128xf32>
      tpu.vector_store %arg5[%swap3A_30, %swap3A_31], %add3A_29 {strides = array<i32>} : memref<104x128xf32, #tpu.memory_space<vmem>>, vector<104x128xf32>,
    } else {
    }
    return
  }
  func.func @transform_0(%arg0: i32) -> (i32, i32) {
    %c0_i32 = arith.constant 0 : i32
    %c0_i32_0 = arith.constant 0 : i32
    return %c0_i32, %arg0 : i32, i32
  }
  func.func @transform_1(%arg0: i32) -> (i32, i32) {
    %c0_i32 = arith.constant 0 : i32
    %c0_i32_0 = arith.constant 0 : i32
    return %arg0, %c0_i32 : i32, i32
  }
  func.func @transform_2(%arg0: i32) -> (i32, i32) {
    %c0_i32 = arith.constant 0 : i32
    %c0_i32_0 = arith.constant 0 : i32
    %c0_i32_1 = arith.constant 0 : i32
    return %c0_i32, %c0_i32_0 : i32, i32
  }
  func.func @transform_3(%arg0: i32) -> (i32, i32) {
    %c0_i32 = arith.constant 0 : i32
    %c0_i32_0 = arith.constant 0 : i32
    %c0_i32_1 = arith.constant 0 : i32
    return %c0_i32, %c0_i32_0 : i32, i32
  }
  func.func @transform_4(%arg0: i32) -> (i32, i32) {
    %c0_i32 = arith.constant 0 : i32
    %c0_i32_0 = arith.constant 0 : i32
    %c0_i32_1 = arith.constant 0 : i32
    return %c0_i32, %c0_i32_0 : i32, i32
  }
}

module attributes {stable_mosaic.version = 14 : i64} {
  func.func @_lstm_fc_body(%arg0: memref<104x128xf32, #tpu.memory_space<vmem>>, %arg1: memref<32x128xf32, #tpu.memory_space<vmem>>, %arg2: memref<32x16xf32, #tpu.memory_space<vmem>>, %arg3: memref<1x16xf32, #tpu.memory_space<vmem>>, %arg4: memref<16x10xf32, #tpu.memory_space<vmem>>, %arg5: memref<1x10xf32, #tpu.memory_space<vmem>>, %arg6: memref<25x10xf32, #tpu.memory_space<vmem>>) attributes {dimension_semantics = [], scalar_prefetch = 0 : i64, scratch_operands = 0 : i64, tpu.core_type = #tpu.core_type<tc>} {
    %get3A = arith.constant 0 : index
    %get3A_0 = arith.constant 0 : index
    %get3A_1 = vector.load %arg1[%get3A, %get3A_0] : memref<32x128xf32, #tpu.memory_space<vmem>>, vector<32x128xf32>
    %broadcast_in_dim3A = arith.constant 0.000000e+00 : f32
    %broadcast_in_dim3A_2 = vector.broadcast %broadcast_in_dim3A : f32 to vector<5x32xf32>
    %broadcast_in_dim3A_3 = arith.constant 0.000000e+00 : f32
    %broadcast_in_dim3A_4 = vector.broadcast %broadcast_in_dim3A_3 : f32 to vector<5x32xf32>
    %get3A_5 = arith.constant 0 : index
    %get3A_6 = arith.constant 0 : index
    %get3A_7 = vector.load %arg0[%get3A_5, %get3A_6] : memref<104x128xf32, #tpu.memory_space<vmem>>, vector<1x128xf32>
    %get3A_8 = arith.constant 20 : index
    %get3A_9 = arith.constant 0 : index
    %get3A_10 = vector.load %arg0[%get3A_8, %get3A_9] : memref<104x128xf32, #tpu.memory_space<vmem>>, vector<1x128xf32>
    %get3A_11 = arith.constant 40 : index
    %get3A_12 = arith.constant 0 : index
    %get3A_13 = vector.load %arg0[%get3A_11, %get3A_12] : memref<104x128xf32, #tpu.memory_space<vmem>>, vector<1x128xf32>
    %get3A_14 = arith.constant 60 : index
    %get3A_15 = arith.constant 0 : index
    %get3A_16 = vector.load %arg0[%get3A_14, %get3A_15] : memref<104x128xf32, #tpu.memory_space<vmem>>, vector<1x128xf32>
    %get3A_17 = arith.constant 80 : index
    %get3A_18 = arith.constant 0 : index
    %get3A_19 = vector.load %arg0[%get3A_17, %get3A_18] : memref<104x128xf32, #tpu.memory_space<vmem>>, vector<1x128xf32>
    %concatenate3A = tpu.concatenate %get3A_7, %get3A_10, %get3A_13, %get3A_16, %get3A_19 in 0 : vector<1x128xf32>, vector<1x128xf32>, vector<1x128xf32>, vector<1x128xf32>, vector<1x128xf32> -> vector<5x128xf32>
    %dot_general3A = arith.constant dense<0.000000e+00> : vector<5x128xf32>
    %dot_general3A_20 = tpu.matmul %broadcast_in_dim3A_2, %get3A_1, %dot_general3A {dimension_numbers = #tpu.dot_dimension_numbers<[1], [0], [0], [1], [0, 0, 1, 1], [], []>, transpose_lhs_hint = false} : vector<5x32xf32>, vector<32x128xf32>, vector<5x128xf32> -> vector<5x128xf32>
    %add3A = arith.addf %concatenate3A, %dot_general3A_20 : vector<5x128xf32>
    %slice3A = vector.extract_strided_slice %add3A {offsets = [0, 0], sizes = [5, 32], strides = [1, 1]} : vector<5x128xf32> to vector<5x32xf32>
    %logistic3A = arith.negf %slice3A : vector<5x32xf32>
    %logistic3A_21 = math.exp %logistic3A : vector<5x32xf32>
    %logistic3A_22 = arith.constant 1.000000e+00 : f32
    %logistic3A_23 = vector.broadcast %logistic3A_22 : f32 to vector<5x32xf32>
    %logistic3A_24 = arith.addf %logistic3A_23, %logistic3A_21 : vector<5x32xf32>
    %logistic3A_25 = arith.divf %logistic3A_23, %logistic3A_24 : vector<5x32xf32>
    %slice3A_26 = vector.extract_strided_slice %add3A {offsets = [0, 32], sizes = [5, 32], strides = [1, 1]} : vector<5x128xf32> to vector<5x32xf32>
    %logistic3A_27 = arith.negf %slice3A_26 : vector<5x32xf32>
    %logistic3A_28 = math.exp %logistic3A_27 : vector<5x32xf32>
    %logistic3A_29 = arith.constant 1.000000e+00 : f32
    %logistic3A_30 = vector.broadcast %logistic3A_29 : f32 to vector<5x32xf32>
    %logistic3A_31 = arith.addf %logistic3A_30, %logistic3A_28 : vector<5x32xf32>
    %logistic3A_32 = arith.divf %logistic3A_30, %logistic3A_31 : vector<5x32xf32>
    %slice3A_33 = vector.extract_strided_slice %add3A {offsets = [0, 64], sizes = [5, 32], strides = [1, 1]} : vector<5x128xf32> to vector<5x32xf32>
    %tanh3A = math.tanh %slice3A_33 : vector<5x32xf32>
    %slice3A_34 = vector.extract_strided_slice %add3A {offsets = [0, 96], sizes = [5, 32], strides = [1, 1]} : vector<5x128xf32> to vector<5x32xf32>
    %logistic3A_35 = arith.negf %slice3A_34 : vector<5x32xf32>
    %logistic3A_36 = math.exp %logistic3A_35 : vector<5x32xf32>
    %logistic3A_37 = arith.constant 1.000000e+00 : f32
    %logistic3A_38 = vector.broadcast %logistic3A_37 : f32 to vector<5x32xf32>
    %logistic3A_39 = arith.addf %logistic3A_38, %logistic3A_36 : vector<5x32xf32>
    %logistic3A_40 = arith.divf %logistic3A_38, %logistic3A_39 : vector<5x32xf32>
    %mul3A = arith.mulf %logistic3A_32, %broadcast_in_dim3A_4 : vector<5x32xf32>
    %mul3A_41 = arith.mulf %logistic3A_25, %tanh3A : vector<5x32xf32>
    %add3A_42 = arith.addf %mul3A, %mul3A_41 : vector<5x32xf32>
    %tanh3A_43 = math.tanh %add3A_42 : vector<5x32xf32>
    %mul3A_44 = arith.mulf %logistic3A_40, %tanh3A_43 : vector<5x32xf32>
    %get3A_45 = arith.constant 1 : index
    %get3A_46 = arith.constant 0 : index
    %get3A_47 = vector.load %arg0[%get3A_45, %get3A_46] : memref<104x128xf32, #tpu.memory_space<vmem>>, vector<1x128xf32>
    %get3A_48 = arith.constant 21 : index
    %get3A_49 = arith.constant 0 : index
    %get3A_50 = vector.load %arg0[%get3A_48, %get3A_49] : memref<104x128xf32, #tpu.memory_space<vmem>>, vector<1x128xf32>
    %get3A_51 = arith.constant 41 : index
    %get3A_52 = arith.constant 0 : index
    %get3A_53 = vector.load %arg0[%get3A_51, %get3A_52] : memref<104x128xf32, #tpu.memory_space<vmem>>, vector<1x128xf32>
    %get3A_54 = arith.constant 61 : index
    %get3A_55 = arith.constant 0 : index
    %get3A_56 = vector.load %arg0[%get3A_54, %get3A_55] : memref<104x128xf32, #tpu.memory_space<vmem>>, vector<1x128xf32>
    %get3A_57 = arith.constant 81 : index
    %get3A_58 = arith.constant 0 : index
    %get3A_59 = vector.load %arg0[%get3A_57, %get3A_58] : memref<104x128xf32, #tpu.memory_space<vmem>>, vector<1x128xf32>
    %concatenate3A_60 = tpu.concatenate %get3A_47, %get3A_50, %get3A_53, %get3A_56, %get3A_59 in 0 : vector<1x128xf32>, vector<1x128xf32>, vector<1x128xf32>, vector<1x128xf32>, vector<1x128xf32> -> vector<5x128xf32>
    %dot_general3A_61 = arith.constant dense<0.000000e+00> : vector<5x128xf32>
    %dot_general3A_62 = tpu.matmul %mul3A_44, %get3A_1, %dot_general3A_61 {dimension_numbers = #tpu.dot_dimension_numbers<[1], [0], [0], [1], [0, 0, 1, 1], [], []>, transpose_lhs_hint = false} : vector<5x32xf32>, vector<32x128xf32>, vector<5x128xf32> -> vector<5x128xf32>
    %add3A_63 = arith.addf %concatenate3A_60, %dot_general3A_62 : vector<5x128xf32>
    %slice3A_64 = vector.extract_strided_slice %add3A_63 {offsets = [0, 0], sizes = [5, 32], strides = [1, 1]} : vector<5x128xf32> to vector<5x32xf32>
    %logistic3A_65 = arith.negf %slice3A_64 : vector<5x32xf32>
    %logistic3A_66 = math.exp %logistic3A_65 : vector<5x32xf32>
    %logistic3A_67 = arith.constant 1.000000e+00 : f32
    %logistic3A_68 = vector.broadcast %logistic3A_67 : f32 to vector<5x32xf32>
    %logistic3A_69 = arith.addf %logistic3A_68, %logistic3A_66 : vector<5x32xf32>
    %logistic3A_70 = arith.divf %logistic3A_68, %logistic3A_69 : vector<5x32xf32>
    %slice3A_71 = vector.extract_strided_slice %add3A_63 {offsets = [0, 32], sizes = [5, 32], strides = [1, 1]} : vector<5x128xf32> to vector<5x32xf32>
    %logistic3A_72 = arith.negf %slice3A_71 : vector<5x32xf32>
    %logistic3A_73 = math.exp %logistic3A_72 : vector<5x32xf32>
    %logistic3A_74 = arith.constant 1.000000e+00 : f32
    %logistic3A_75 = vector.broadcast %logistic3A_74 : f32 to vector<5x32xf32>
    %logistic3A_76 = arith.addf %logistic3A_75, %logistic3A_73 : vector<5x32xf32>
    %logistic3A_77 = arith.divf %logistic3A_75, %logistic3A_76 : vector<5x32xf32>
    %slice3A_78 = vector.extract_strided_slice %add3A_63 {offsets = [0, 64], sizes = [5, 32], strides = [1, 1]} : vector<5x128xf32> to vector<5x32xf32>
    %tanh3A_79 = math.tanh %slice3A_78 : vector<5x32xf32>
    %slice3A_80 = vector.extract_strided_slice %add3A_63 {offsets = [0, 96], sizes = [5, 32], strides = [1, 1]} : vector<5x128xf32> to vector<5x32xf32>
    %logistic3A_81 = arith.negf %slice3A_80 : vector<5x32xf32>
    %logistic3A_82 = math.exp %logistic3A_81 : vector<5x32xf32>
    %logistic3A_83 = arith.constant 1.000000e+00 : f32
    %logistic3A_84 = vector.broadcast %logistic3A_83 : f32 to vector<5x32xf32>
    %logistic3A_85 = arith.addf %logistic3A_84, %logistic3A_82 : vector<5x32xf32>
    %logistic3A_86 = arith.divf %logistic3A_84, %logistic3A_85 : vector<5x32xf32>
    %mul3A_87 = arith.mulf %logistic3A_77, %add3A_42 : vector<5x32xf32>
    %mul3A_88 = arith.mulf %logistic3A_70, %tanh3A_79 : vector<5x32xf32>
    %add3A_89 = arith.addf %mul3A_87, %mul3A_88 : vector<5x32xf32>
    %tanh3A_90 = math.tanh %add3A_89 : vector<5x32xf32>
    %mul3A_91 = arith.mulf %logistic3A_86, %tanh3A_90 : vector<5x32xf32>
    %get3A_92 = arith.constant 2 : index
    %get3A_93 = arith.constant 0 : index
    %get3A_94 = vector.load %arg0[%get3A_92, %get3A_93] : memref<104x128xf32, #tpu.memory_space<vmem>>, vector<1x128xf32>
    %get3A_95 = arith.constant 22 : index
    %get3A_96 = arith.constant 0 : index
    %get3A_97 = vector.load %arg0[%get3A_95, %get3A_96] : memref<104x128xf32, #tpu.memory_space<vmem>>, vector<1x128xf32>
    %get3A_98 = arith.constant 42 : index
    %get3A_99 = arith.constant 0 : index
    %get3A_100 = vector.load %arg0[%get3A_98, %get3A_99] : memref<104x128xf32, #tpu.memory_space<vmem>>, vector<1x128xf32>
    %get3A_101 = arith.constant 62 : index
    %get3A_102 = arith.constant 0 : index
    %get3A_103 = vector.load %arg0[%get3A_101, %get3A_102] : memref<104x128xf32, #tpu.memory_space<vmem>>, vector<1x128xf32>
    %get3A_104 = arith.constant 82 : index
    %get3A_105 = arith.constant 0 : index
    %get3A_106 = vector.load %arg0[%get3A_104, %get3A_105] : memref<104x128xf32, #tpu.memory_space<vmem>>, vector<1x128xf32>
    %concatenate3A_107 = tpu.concatenate %get3A_94, %get3A_97, %get3A_100, %get3A_103, %get3A_106 in 0 : vector<1x128xf32>, vector<1x128xf32>, vector<1x128xf32>, vector<1x128xf32>, vector<1x128xf32> -> vector<5x128xf32>
    %dot_general3A_108 = arith.constant dense<0.000000e+00> : vector<5x128xf32>
    %dot_general3A_109 = tpu.matmul %mul3A_91, %get3A_1, %dot_general3A_108 {dimension_numbers = #tpu.dot_dimension_numbers<[1], [0], [0], [1], [0, 0, 1, 1], [], []>, transpose_lhs_hint = false} : vector<5x32xf32>, vector<32x128xf32>, vector<5x128xf32> -> vector<5x128xf32>
    %add3A_110 = arith.addf %concatenate3A_107, %dot_general3A_109 : vector<5x128xf32>
    %slice3A_111 = vector.extract_strided_slice %add3A_110 {offsets = [0, 0], sizes = [5, 32], strides = [1, 1]} : vector<5x128xf32> to vector<5x32xf32>
    %logistic3A_112 = arith.negf %slice3A_111 : vector<5x32xf32>
    %logistic3A_113 = math.exp %logistic3A_112 : vector<5x32xf32>
    %logistic3A_114 = arith.constant 1.000000e+00 : f32
    %logistic3A_115 = vector.broadcast %logistic3A_114 : f32 to vector<5x32xf32>
    %logistic3A_116 = arith.addf %logistic3A_115, %logistic3A_113 : vector<5x32xf32>
    %logistic3A_117 = arith.divf %logistic3A_115, %logistic3A_116 : vector<5x32xf32>
    %slice3A_118 = vector.extract_strided_slice %add3A_110 {offsets = [0, 32], sizes = [5, 32], strides = [1, 1]} : vector<5x128xf32> to vector<5x32xf32>
    %logistic3A_119 = arith.negf %slice3A_118 : vector<5x32xf32>
    %logistic3A_120 = math.exp %logistic3A_119 : vector<5x32xf32>
    %logistic3A_121 = arith.constant 1.000000e+00 : f32
    %logistic3A_122 = vector.broadcast %logistic3A_121 : f32 to vector<5x32xf32>
    %logistic3A_123 = arith.addf %logistic3A_122, %logistic3A_120 : vector<5x32xf32>
    %logistic3A_124 = arith.divf %logistic3A_122, %logistic3A_123 : vector<5x32xf32>
    %slice3A_125 = vector.extract_strided_slice %add3A_110 {offsets = [0, 64], sizes = [5, 32], strides = [1, 1]} : vector<5x128xf32> to vector<5x32xf32>
    %tanh3A_126 = math.tanh %slice3A_125 : vector<5x32xf32>
    %slice3A_127 = vector.extract_strided_slice %add3A_110 {offsets = [0, 96], sizes = [5, 32], strides = [1, 1]} : vector<5x128xf32> to vector<5x32xf32>
    %logistic3A_128 = arith.negf %slice3A_127 : vector<5x32xf32>
    %logistic3A_129 = math.exp %logistic3A_128 : vector<5x32xf32>
    %logistic3A_130 = arith.constant 1.000000e+00 : f32
    %logistic3A_131 = vector.broadcast %logistic3A_130 : f32 to vector<5x32xf32>
    %logistic3A_132 = arith.addf %logistic3A_131, %logistic3A_129 : vector<5x32xf32>
    %logistic3A_133 = arith.divf %logistic3A_131, %logistic3A_132 : vector<5x32xf32>
    %mul3A_134 = arith.mulf %logistic3A_124, %add3A_89 : vector<5x32xf32>
    %mul3A_135 = arith.mulf %logistic3A_117, %tanh3A_126 : vector<5x32xf32>
    %add3A_136 = arith.addf %mul3A_134, %mul3A_135 : vector<5x32xf32>
    %tanh3A_137 = math.tanh %add3A_136 : vector<5x32xf32>
    %mul3A_138 = arith.mulf %logistic3A_133, %tanh3A_137 : vector<5x32xf32>
    %get3A_139 = arith.constant 3 : index
    %get3A_140 = arith.constant 0 : index
    %get3A_141 = vector.load %arg0[%get3A_139, %get3A_140] : memref<104x128xf32, #tpu.memory_space<vmem>>, vector<1x128xf32>
    %get3A_142 = arith.constant 23 : index
    %get3A_143 = arith.constant 0 : index
    %get3A_144 = vector.load %arg0[%get3A_142, %get3A_143] : memref<104x128xf32, #tpu.memory_space<vmem>>, vector<1x128xf32>
    %get3A_145 = arith.constant 43 : index
    %get3A_146 = arith.constant 0 : index
    %get3A_147 = vector.load %arg0[%get3A_145, %get3A_146] : memref<104x128xf32, #tpu.memory_space<vmem>>, vector<1x128xf32>
    %get3A_148 = arith.constant 63 : index
    %get3A_149 = arith.constant 0 : index
    %get3A_150 = vector.load %arg0[%get3A_148, %get3A_149] : memref<104x128xf32, #tpu.memory_space<vmem>>, vector<1x128xf32>
    %get3A_151 = arith.constant 83 : index
    %get3A_152 = arith.constant 0 : index
    %get3A_153 = vector.load %arg0[%get3A_151, %get3A_152] : memref<104x128xf32, #tpu.memory_space<vmem>>, vector<1x128xf32>
    %concatenate3A_154 = tpu.concatenate %get3A_141, %get3A_144, %get3A_147, %get3A_150, %get3A_153 in 0 : vector<1x128xf32>, vector<1x128xf32>, vector<1x128xf32>, vector<1x128xf32>, vector<1x128xf32> -> vector<5x128xf32>
    %dot_general3A_155 = arith.constant dense<0.000000e+00> : vector<5x128xf32>
    %dot_general3A_156 = tpu.matmul %mul3A_138, %get3A_1, %dot_general3A_155 {dimension_numbers = #tpu.dot_dimension_numbers<[1], [0], [0], [1], [0, 0, 1, 1], [], []>, transpose_lhs_hint = false} : vector<5x32xf32>, vector<32x128xf32>, vector<5x128xf32> -> vector<5x128xf32>
    %add3A_157 = arith.addf %concatenate3A_154, %dot_general3A_156 : vector<5x128xf32>
    %slice3A_158 = vector.extract_strided_slice %add3A_157 {offsets = [0, 0], sizes = [5, 32], strides = [1, 1]} : vector<5x128xf32> to vector<5x32xf32>
    %logistic3A_159 = arith.negf %slice3A_158 : vector<5x32xf32>
    %logistic3A_160 = math.exp %logistic3A_159 : vector<5x32xf32>
    %logistic3A_161 = arith.constant 1.000000e+00 : f32
    %logistic3A_162 = vector.broadcast %logistic3A_161 : f32 to vector<5x32xf32>
    %logistic3A_163 = arith.addf %logistic3A_162, %logistic3A_160 : vector<5x32xf32>
    %logistic3A_164 = arith.divf %logistic3A_162, %logistic3A_163 : vector<5x32xf32>
    %slice3A_165 = vector.extract_strided_slice %add3A_157 {offsets = [0, 32], sizes = [5, 32], strides = [1, 1]} : vector<5x128xf32> to vector<5x32xf32>
    %logistic3A_166 = arith.negf %slice3A_165 : vector<5x32xf32>
    %logistic3A_167 = math.exp %logistic3A_166 : vector<5x32xf32>
    %logistic3A_168 = arith.constant 1.000000e+00 : f32
    %logistic3A_169 = vector.broadcast %logistic3A_168 : f32 to vector<5x32xf32>
    %logistic3A_170 = arith.addf %logistic3A_169, %logistic3A_167 : vector<5x32xf32>
    %logistic3A_171 = arith.divf %logistic3A_169, %logistic3A_170 : vector<5x32xf32>
    %slice3A_172 = vector.extract_strided_slice %add3A_157 {offsets = [0, 64], sizes = [5, 32], strides = [1, 1]} : vector<5x128xf32> to vector<5x32xf32>
    %tanh3A_173 = math.tanh %slice3A_172 : vector<5x32xf32>
    %slice3A_174 = vector.extract_strided_slice %add3A_157 {offsets = [0, 96], sizes = [5, 32], strides = [1, 1]} : vector<5x128xf32> to vector<5x32xf32>
    %logistic3A_175 = arith.negf %slice3A_174 : vector<5x32xf32>
    %logistic3A_176 = math.exp %logistic3A_175 : vector<5x32xf32>
    %logistic3A_177 = arith.constant 1.000000e+00 : f32
    %logistic3A_178 = vector.broadcast %logistic3A_177 : f32 to vector<5x32xf32>
    %logistic3A_179 = arith.addf %logistic3A_178, %logistic3A_176 : vector<5x32xf32>
    %logistic3A_180 = arith.divf %logistic3A_178, %logistic3A_179 : vector<5x32xf32>
    %mul3A_181 = arith.mulf %logistic3A_171, %add3A_136 : vector<5x32xf32>
    %mul3A_182 = arith.mulf %logistic3A_164, %tanh3A_173 : vector<5x32xf32>
    %add3A_183 = arith.addf %mul3A_181, %mul3A_182 : vector<5x32xf32>
    %tanh3A_184 = math.tanh %add3A_183 : vector<5x32xf32>
    %mul3A_185 = arith.mulf %logistic3A_180, %tanh3A_184 : vector<5x32xf32>
    %get3A_186 = arith.constant 4 : index
    %get3A_187 = arith.constant 0 : index
    %get3A_188 = vector.load %arg0[%get3A_186, %get3A_187] : memref<104x128xf32, #tpu.memory_space<vmem>>, vector<1x128xf32>
    %get3A_189 = arith.constant 24 : index
    %get3A_190 = arith.constant 0 : index
    %get3A_191 = vector.load %arg0[%get3A_189, %get3A_190] : memref<104x128xf32, #tpu.memory_space<vmem>>, vector<1x128xf32>
    %get3A_192 = arith.constant 44 : index
    %get3A_193 = arith.constant 0 : index
    %get3A_194 = vector.load %arg0[%get3A_192, %get3A_193] : memref<104x128xf32, #tpu.memory_space<vmem>>, vector<1x128xf32>
    %get3A_195 = arith.constant 64 : index
    %get3A_196 = arith.constant 0 : index
    %get3A_197 = vector.load %arg0[%get3A_195, %get3A_196] : memref<104x128xf32, #tpu.memory_space<vmem>>, vector<1x128xf32>
    %get3A_198 = arith.constant 84 : index
    %get3A_199 = arith.constant 0 : index
    %get3A_200 = vector.load %arg0[%get3A_198, %get3A_199] : memref<104x128xf32, #tpu.memory_space<vmem>>, vector<1x128xf32>
    %concatenate3A_201 = tpu.concatenate %get3A_188, %get3A_191, %get3A_194, %get3A_197, %get3A_200 in 0 : vector<1x128xf32>, vector<1x128xf32>, vector<1x128xf32>, vector<1x128xf32>, vector<1x128xf32> -> vector<5x128xf32>
    %dot_general3A_202 = arith.constant dense<0.000000e+00> : vector<5x128xf32>
    %dot_general3A_203 = tpu.matmul %mul3A_185, %get3A_1, %dot_general3A_202 {dimension_numbers = #tpu.dot_dimension_numbers<[1], [0], [0], [1], [0, 0, 1, 1], [], []>, transpose_lhs_hint = false} : vector<5x32xf32>, vector<32x128xf32>, vector<5x128xf32> -> vector<5x128xf32>
    %add3A_204 = arith.addf %concatenate3A_201, %dot_general3A_203 : vector<5x128xf32>
    %slice3A_205 = vector.extract_strided_slice %add3A_204 {offsets = [0, 0], sizes = [5, 32], strides = [1, 1]} : vector<5x128xf32> to vector<5x32xf32>
    %logistic3A_206 = arith.negf %slice3A_205 : vector<5x32xf32>
    %logistic3A_207 = math.exp %logistic3A_206 : vector<5x32xf32>
    %logistic3A_208 = arith.constant 1.000000e+00 : f32
    %logistic3A_209 = vector.broadcast %logistic3A_208 : f32 to vector<5x32xf32>
    %logistic3A_210 = arith.addf %logistic3A_209, %logistic3A_207 : vector<5x32xf32>
    %logistic3A_211 = arith.divf %logistic3A_209, %logistic3A_210 : vector<5x32xf32>
    %slice3A_212 = vector.extract_strided_slice %add3A_204 {offsets = [0, 32], sizes = [5, 32], strides = [1, 1]} : vector<5x128xf32> to vector<5x32xf32>
    %logistic3A_213 = arith.negf %slice3A_212 : vector<5x32xf32>
    %logistic3A_214 = math.exp %logistic3A_213 : vector<5x32xf32>
    %logistic3A_215 = arith.constant 1.000000e+00 : f32
    %logistic3A_216 = vector.broadcast %logistic3A_215 : f32 to vector<5x32xf32>
    %logistic3A_217 = arith.addf %logistic3A_216, %logistic3A_214 : vector<5x32xf32>
    %logistic3A_218 = arith.divf %logistic3A_216, %logistic3A_217 : vector<5x32xf32>
    %slice3A_219 = vector.extract_strided_slice %add3A_204 {offsets = [0, 64], sizes = [5, 32], strides = [1, 1]} : vector<5x128xf32> to vector<5x32xf32>
    %tanh3A_220 = math.tanh %slice3A_219 : vector<5x32xf32>
    %slice3A_221 = vector.extract_strided_slice %add3A_204 {offsets = [0, 96], sizes = [5, 32], strides = [1, 1]} : vector<5x128xf32> to vector<5x32xf32>
    %logistic3A_222 = arith.negf %slice3A_221 : vector<5x32xf32>
    %logistic3A_223 = math.exp %logistic3A_222 : vector<5x32xf32>
    %logistic3A_224 = arith.constant 1.000000e+00 : f32
    %logistic3A_225 = vector.broadcast %logistic3A_224 : f32 to vector<5x32xf32>
    %logistic3A_226 = arith.addf %logistic3A_225, %logistic3A_223 : vector<5x32xf32>
    %logistic3A_227 = arith.divf %logistic3A_225, %logistic3A_226 : vector<5x32xf32>
    %mul3A_228 = arith.mulf %logistic3A_218, %add3A_183 : vector<5x32xf32>
    %mul3A_229 = arith.mulf %logistic3A_211, %tanh3A_220 : vector<5x32xf32>
    %add3A_230 = arith.addf %mul3A_228, %mul3A_229 : vector<5x32xf32>
    %tanh3A_231 = math.tanh %add3A_230 : vector<5x32xf32>
    %mul3A_232 = arith.mulf %logistic3A_227, %tanh3A_231 : vector<5x32xf32>
    %get3A_233 = arith.constant 5 : index
    %get3A_234 = arith.constant 0 : index
    %get3A_235 = vector.load %arg0[%get3A_233, %get3A_234] : memref<104x128xf32, #tpu.memory_space<vmem>>, vector<1x128xf32>
    %get3A_236 = arith.constant 25 : index
    %get3A_237 = arith.constant 0 : index
    %get3A_238 = vector.load %arg0[%get3A_236, %get3A_237] : memref<104x128xf32, #tpu.memory_space<vmem>>, vector<1x128xf32>
    %get3A_239 = arith.constant 45 : index
    %get3A_240 = arith.constant 0 : index
    %get3A_241 = vector.load %arg0[%get3A_239, %get3A_240] : memref<104x128xf32, #tpu.memory_space<vmem>>, vector<1x128xf32>
    %get3A_242 = arith.constant 65 : index
    %get3A_243 = arith.constant 0 : index
    %get3A_244 = vector.load %arg0[%get3A_242, %get3A_243] : memref<104x128xf32, #tpu.memory_space<vmem>>, vector<1x128xf32>
    %get3A_245 = arith.constant 85 : index
    %get3A_246 = arith.constant 0 : index
    %get3A_247 = vector.load %arg0[%get3A_245, %get3A_246] : memref<104x128xf32, #tpu.memory_space<vmem>>, vector<1x128xf32>
    %concatenate3A_248 = tpu.concatenate %get3A_235, %get3A_238, %get3A_241, %get3A_244, %get3A_247 in 0 : vector<1x128xf32>, vector<1x128xf32>, vector<1x128xf32>, vector<1x128xf32>, vector<1x128xf32> -> vector<5x128xf32>
    %dot_general3A_249 = arith.constant dense<0.000000e+00> : vector<5x128xf32>
    %dot_general3A_250 = tpu.matmul %mul3A_232, %get3A_1, %dot_general3A_249 {dimension_numbers = #tpu.dot_dimension_numbers<[1], [0], [0], [1], [0, 0, 1, 1], [], []>, transpose_lhs_hint = false} : vector<5x32xf32>, vector<32x128xf32>, vector<5x128xf32> -> vector<5x128xf32>
    %add3A_251 = arith.addf %concatenate3A_248, %dot_general3A_250 : vector<5x128xf32>
    %slice3A_252 = vector.extract_strided_slice %add3A_251 {offsets = [0, 0], sizes = [5, 32], strides = [1, 1]} : vector<5x128xf32> to vector<5x32xf32>
    %logistic3A_253 = arith.negf %slice3A_252 : vector<5x32xf32>
    %logistic3A_254 = math.exp %logistic3A_253 : vector<5x32xf32>
    %logistic3A_255 = arith.constant 1.000000e+00 : f32
    %logistic3A_256 = vector.broadcast %logistic3A_255 : f32 to vector<5x32xf32>
    %logistic3A_257 = arith.addf %logistic3A_256, %logistic3A_254 : vector<5x32xf32>
    %logistic3A_258 = arith.divf %logistic3A_256, %logistic3A_257 : vector<5x32xf32>
    %slice3A_259 = vector.extract_strided_slice %add3A_251 {offsets = [0, 32], sizes = [5, 32], strides = [1, 1]} : vector<5x128xf32> to vector<5x32xf32>
    %logistic3A_260 = arith.negf %slice3A_259 : vector<5x32xf32>
    %logistic3A_261 = math.exp %logistic3A_260 : vector<5x32xf32>
    %logistic3A_262 = arith.constant 1.000000e+00 : f32
    %logistic3A_263 = vector.broadcast %logistic3A_262 : f32 to vector<5x32xf32>
    %logistic3A_264 = arith.addf %logistic3A_263, %logistic3A_261 : vector<5x32xf32>
    %logistic3A_265 = arith.divf %logistic3A_263, %logistic3A_264 : vector<5x32xf32>
    %slice3A_266 = vector.extract_strided_slice %add3A_251 {offsets = [0, 64], sizes = [5, 32], strides = [1, 1]} : vector<5x128xf32> to vector<5x32xf32>
    %tanh3A_267 = math.tanh %slice3A_266 : vector<5x32xf32>
    %slice3A_268 = vector.extract_strided_slice %add3A_251 {offsets = [0, 96], sizes = [5, 32], strides = [1, 1]} : vector<5x128xf32> to vector<5x32xf32>
    %logistic3A_269 = arith.negf %slice3A_268 : vector<5x32xf32>
    %logistic3A_270 = math.exp %logistic3A_269 : vector<5x32xf32>
    %logistic3A_271 = arith.constant 1.000000e+00 : f32
    %logistic3A_272 = vector.broadcast %logistic3A_271 : f32 to vector<5x32xf32>
    %logistic3A_273 = arith.addf %logistic3A_272, %logistic3A_270 : vector<5x32xf32>
    %logistic3A_274 = arith.divf %logistic3A_272, %logistic3A_273 : vector<5x32xf32>
    %mul3A_275 = arith.mulf %logistic3A_265, %add3A_230 : vector<5x32xf32>
    %mul3A_276 = arith.mulf %logistic3A_258, %tanh3A_267 : vector<5x32xf32>
    %add3A_277 = arith.addf %mul3A_275, %mul3A_276 : vector<5x32xf32>
    %tanh3A_278 = math.tanh %add3A_277 : vector<5x32xf32>
    %mul3A_279 = arith.mulf %logistic3A_274, %tanh3A_278 : vector<5x32xf32>
    %get3A_280 = arith.constant 6 : index
    %get3A_281 = arith.constant 0 : index
    %get3A_282 = vector.load %arg0[%get3A_280, %get3A_281] : memref<104x128xf32, #tpu.memory_space<vmem>>, vector<1x128xf32>
    %get3A_283 = arith.constant 26 : index
    %get3A_284 = arith.constant 0 : index
    %get3A_285 = vector.load %arg0[%get3A_283, %get3A_284] : memref<104x128xf32, #tpu.memory_space<vmem>>, vector<1x128xf32>
    %get3A_286 = arith.constant 46 : index
    %get3A_287 = arith.constant 0 : index
    %get3A_288 = vector.load %arg0[%get3A_286, %get3A_287] : memref<104x128xf32, #tpu.memory_space<vmem>>, vector<1x128xf32>
    %get3A_289 = arith.constant 66 : index
    %get3A_290 = arith.constant 0 : index
    %get3A_291 = vector.load %arg0[%get3A_289, %get3A_290] : memref<104x128xf32, #tpu.memory_space<vmem>>, vector<1x128xf32>
    %get3A_292 = arith.constant 86 : index
    %get3A_293 = arith.constant 0 : index
    %get3A_294 = vector.load %arg0[%get3A_292, %get3A_293] : memref<104x128xf32, #tpu.memory_space<vmem>>, vector<1x128xf32>
    %concatenate3A_295 = tpu.concatenate %get3A_282, %get3A_285, %get3A_288, %get3A_291, %get3A_294 in 0 : vector<1x128xf32>, vector<1x128xf32>, vector<1x128xf32>, vector<1x128xf32>, vector<1x128xf32> -> vector<5x128xf32>
    %dot_general3A_296 = arith.constant dense<0.000000e+00> : vector<5x128xf32>
    %dot_general3A_297 = tpu.matmul %mul3A_279, %get3A_1, %dot_general3A_296 {dimension_numbers = #tpu.dot_dimension_numbers<[1], [0], [0], [1], [0, 0, 1, 1], [], []>, transpose_lhs_hint = false} : vector<5x32xf32>, vector<32x128xf32>, vector<5x128xf32> -> vector<5x128xf32>
    %add3A_298 = arith.addf %concatenate3A_295, %dot_general3A_297 : vector<5x128xf32>
    %slice3A_299 = vector.extract_strided_slice %add3A_298 {offsets = [0, 0], sizes = [5, 32], strides = [1, 1]} : vector<5x128xf32> to vector<5x32xf32>
    %logistic3A_300 = arith.negf %slice3A_299 : vector<5x32xf32>
    %logistic3A_301 = math.exp %logistic3A_300 : vector<5x32xf32>
    %logistic3A_302 = arith.constant 1.000000e+00 : f32
    %logistic3A_303 = vector.broadcast %logistic3A_302 : f32 to vector<5x32xf32>
    %logistic3A_304 = arith.addf %logistic3A_303, %logistic3A_301 : vector<5x32xf32>
    %logistic3A_305 = arith.divf %logistic3A_303, %logistic3A_304 : vector<5x32xf32>
    %slice3A_306 = vector.extract_strided_slice %add3A_298 {offsets = [0, 32], sizes = [5, 32], strides = [1, 1]} : vector<5x128xf32> to vector<5x32xf32>
    %logistic3A_307 = arith.negf %slice3A_306 : vector<5x32xf32>
    %logistic3A_308 = math.exp %logistic3A_307 : vector<5x32xf32>
    %logistic3A_309 = arith.constant 1.000000e+00 : f32
    %logistic3A_310 = vector.broadcast %logistic3A_309 : f32 to vector<5x32xf32>
    %logistic3A_311 = arith.addf %logistic3A_310, %logistic3A_308 : vector<5x32xf32>
    %logistic3A_312 = arith.divf %logistic3A_310, %logistic3A_311 : vector<5x32xf32>
    %slice3A_313 = vector.extract_strided_slice %add3A_298 {offsets = [0, 64], sizes = [5, 32], strides = [1, 1]} : vector<5x128xf32> to vector<5x32xf32>
    %tanh3A_314 = math.tanh %slice3A_313 : vector<5x32xf32>
    %slice3A_315 = vector.extract_strided_slice %add3A_298 {offsets = [0, 96], sizes = [5, 32], strides = [1, 1]} : vector<5x128xf32> to vector<5x32xf32>
    %logistic3A_316 = arith.negf %slice3A_315 : vector<5x32xf32>
    %logistic3A_317 = math.exp %logistic3A_316 : vector<5x32xf32>
    %logistic3A_318 = arith.constant 1.000000e+00 : f32
    %logistic3A_319 = vector.broadcast %logistic3A_318 : f32 to vector<5x32xf32>
    %logistic3A_320 = arith.addf %logistic3A_319, %logistic3A_317 : vector<5x32xf32>
    %logistic3A_321 = arith.divf %logistic3A_319, %logistic3A_320 : vector<5x32xf32>
    %mul3A_322 = arith.mulf %logistic3A_312, %add3A_277 : vector<5x32xf32>
    %mul3A_323 = arith.mulf %logistic3A_305, %tanh3A_314 : vector<5x32xf32>
    %add3A_324 = arith.addf %mul3A_322, %mul3A_323 : vector<5x32xf32>
    %tanh3A_325 = math.tanh %add3A_324 : vector<5x32xf32>
    %mul3A_326 = arith.mulf %logistic3A_321, %tanh3A_325 : vector<5x32xf32>
    %get3A_327 = arith.constant 7 : index
    %get3A_328 = arith.constant 0 : index
    %get3A_329 = vector.load %arg0[%get3A_327, %get3A_328] : memref<104x128xf32, #tpu.memory_space<vmem>>, vector<1x128xf32>
    %get3A_330 = arith.constant 27 : index
    %get3A_331 = arith.constant 0 : index
    %get3A_332 = vector.load %arg0[%get3A_330, %get3A_331] : memref<104x128xf32, #tpu.memory_space<vmem>>, vector<1x128xf32>
    %get3A_333 = arith.constant 47 : index
    %get3A_334 = arith.constant 0 : index
    %get3A_335 = vector.load %arg0[%get3A_333, %get3A_334] : memref<104x128xf32, #tpu.memory_space<vmem>>, vector<1x128xf32>
    %get3A_336 = arith.constant 67 : index
    %get3A_337 = arith.constant 0 : index
    %get3A_338 = vector.load %arg0[%get3A_336, %get3A_337] : memref<104x128xf32, #tpu.memory_space<vmem>>, vector<1x128xf32>
    %get3A_339 = arith.constant 87 : index
    %get3A_340 = arith.constant 0 : index
    %get3A_341 = vector.load %arg0[%get3A_339, %get3A_340] : memref<104x128xf32, #tpu.memory_space<vmem>>, vector<1x128xf32>
    %concatenate3A_342 = tpu.concatenate %get3A_329, %get3A_332, %get3A_335, %get3A_338, %get3A_341 in 0 : vector<1x128xf32>, vector<1x128xf32>, vector<1x128xf32>, vector<1x128xf32>, vector<1x128xf32> -> vector<5x128xf32>
    %dot_general3A_343 = arith.constant dense<0.000000e+00> : vector<5x128xf32>
    %dot_general3A_344 = tpu.matmul %mul3A_326, %get3A_1, %dot_general3A_343 {dimension_numbers = #tpu.dot_dimension_numbers<[1], [0], [0], [1], [0, 0, 1, 1], [], []>, transpose_lhs_hint = false} : vector<5x32xf32>, vector<32x128xf32>, vector<5x128xf32> -> vector<5x128xf32>
    %add3A_345 = arith.addf %concatenate3A_342, %dot_general3A_344 : vector<5x128xf32>
    %slice3A_346 = vector.extract_strided_slice %add3A_345 {offsets = [0, 0], sizes = [5, 32], strides = [1, 1]} : vector<5x128xf32> to vector<5x32xf32>
    %logistic3A_347 = arith.negf %slice3A_346 : vector<5x32xf32>
    %logistic3A_348 = math.exp %logistic3A_347 : vector<5x32xf32>
    %logistic3A_349 = arith.constant 1.000000e+00 : f32
    %logistic3A_350 = vector.broadcast %logistic3A_349 : f32 to vector<5x32xf32>
    %logistic3A_351 = arith.addf %logistic3A_350, %logistic3A_348 : vector<5x32xf32>
    %logistic3A_352 = arith.divf %logistic3A_350, %logistic3A_351 : vector<5x32xf32>
    %slice3A_353 = vector.extract_strided_slice %add3A_345 {offsets = [0, 32], sizes = [5, 32], strides = [1, 1]} : vector<5x128xf32> to vector<5x32xf32>
    %logistic3A_354 = arith.negf %slice3A_353 : vector<5x32xf32>
    %logistic3A_355 = math.exp %logistic3A_354 : vector<5x32xf32>
    %logistic3A_356 = arith.constant 1.000000e+00 : f32
    %logistic3A_357 = vector.broadcast %logistic3A_356 : f32 to vector<5x32xf32>
    %logistic3A_358 = arith.addf %logistic3A_357, %logistic3A_355 : vector<5x32xf32>
    %logistic3A_359 = arith.divf %logistic3A_357, %logistic3A_358 : vector<5x32xf32>
    %slice3A_360 = vector.extract_strided_slice %add3A_345 {offsets = [0, 64], sizes = [5, 32], strides = [1, 1]} : vector<5x128xf32> to vector<5x32xf32>
    %tanh3A_361 = math.tanh %slice3A_360 : vector<5x32xf32>
    %slice3A_362 = vector.extract_strided_slice %add3A_345 {offsets = [0, 96], sizes = [5, 32], strides = [1, 1]} : vector<5x128xf32> to vector<5x32xf32>
    %logistic3A_363 = arith.negf %slice3A_362 : vector<5x32xf32>
    %logistic3A_364 = math.exp %logistic3A_363 : vector<5x32xf32>
    %logistic3A_365 = arith.constant 1.000000e+00 : f32
    %logistic3A_366 = vector.broadcast %logistic3A_365 : f32 to vector<5x32xf32>
    %logistic3A_367 = arith.addf %logistic3A_366, %logistic3A_364 : vector<5x32xf32>
    %logistic3A_368 = arith.divf %logistic3A_366, %logistic3A_367 : vector<5x32xf32>
    %mul3A_369 = arith.mulf %logistic3A_359, %add3A_324 : vector<5x32xf32>
    %mul3A_370 = arith.mulf %logistic3A_352, %tanh3A_361 : vector<5x32xf32>
    %add3A_371 = arith.addf %mul3A_369, %mul3A_370 : vector<5x32xf32>
    %tanh3A_372 = math.tanh %add3A_371 : vector<5x32xf32>
    %mul3A_373 = arith.mulf %logistic3A_368, %tanh3A_372 : vector<5x32xf32>
    %get3A_374 = arith.constant 8 : index
    %get3A_375 = arith.constant 0 : index
    %get3A_376 = vector.load %arg0[%get3A_374, %get3A_375] : memref<104x128xf32, #tpu.memory_space<vmem>>, vector<1x128xf32>
    %get3A_377 = arith.constant 28 : index
    %get3A_378 = arith.constant 0 : index
    %get3A_379 = vector.load %arg0[%get3A_377, %get3A_378] : memref<104x128xf32, #tpu.memory_space<vmem>>, vector<1x128xf32>
    %get3A_380 = arith.constant 48 : index
    %get3A_381 = arith.constant 0 : index
    %get3A_382 = vector.load %arg0[%get3A_380, %get3A_381] : memref<104x128xf32, #tpu.memory_space<vmem>>, vector<1x128xf32>
    %get3A_383 = arith.constant 68 : index
    %get3A_384 = arith.constant 0 : index
    %get3A_385 = vector.load %arg0[%get3A_383, %get3A_384] : memref<104x128xf32, #tpu.memory_space<vmem>>, vector<1x128xf32>
    %get3A_386 = arith.constant 88 : index
    %get3A_387 = arith.constant 0 : index
    %get3A_388 = vector.load %arg0[%get3A_386, %get3A_387] : memref<104x128xf32, #tpu.memory_space<vmem>>, vector<1x128xf32>
    %concatenate3A_389 = tpu.concatenate %get3A_376, %get3A_379, %get3A_382, %get3A_385, %get3A_388 in 0 : vector<1x128xf32>, vector<1x128xf32>, vector<1x128xf32>, vector<1x128xf32>, vector<1x128xf32> -> vector<5x128xf32>
    %dot_general3A_390 = arith.constant dense<0.000000e+00> : vector<5x128xf32>
    %dot_general3A_391 = tpu.matmul %mul3A_373, %get3A_1, %dot_general3A_390 {dimension_numbers = #tpu.dot_dimension_numbers<[1], [0], [0], [1], [0, 0, 1, 1], [], []>, transpose_lhs_hint = false} : vector<5x32xf32>, vector<32x128xf32>, vector<5x128xf32> -> vector<5x128xf32>
    %add3A_392 = arith.addf %concatenate3A_389, %dot_general3A_391 : vector<5x128xf32>
    %slice3A_393 = vector.extract_strided_slice %add3A_392 {offsets = [0, 0], sizes = [5, 32], strides = [1, 1]} : vector<5x128xf32> to vector<5x32xf32>
    %logistic3A_394 = arith.negf %slice3A_393 : vector<5x32xf32>
    %logistic3A_395 = math.exp %logistic3A_394 : vector<5x32xf32>
    %logistic3A_396 = arith.constant 1.000000e+00 : f32
    %logistic3A_397 = vector.broadcast %logistic3A_396 : f32 to vector<5x32xf32>
    %logistic3A_398 = arith.addf %logistic3A_397, %logistic3A_395 : vector<5x32xf32>
    %logistic3A_399 = arith.divf %logistic3A_397, %logistic3A_398 : vector<5x32xf32>
    %slice3A_400 = vector.extract_strided_slice %add3A_392 {offsets = [0, 32], sizes = [5, 32], strides = [1, 1]} : vector<5x128xf32> to vector<5x32xf32>
    %logistic3A_401 = arith.negf %slice3A_400 : vector<5x32xf32>
    %logistic3A_402 = math.exp %logistic3A_401 : vector<5x32xf32>
    %logistic3A_403 = arith.constant 1.000000e+00 : f32
    %logistic3A_404 = vector.broadcast %logistic3A_403 : f32 to vector<5x32xf32>
    %logistic3A_405 = arith.addf %logistic3A_404, %logistic3A_402 : vector<5x32xf32>
    %logistic3A_406 = arith.divf %logistic3A_404, %logistic3A_405 : vector<5x32xf32>
    %slice3A_407 = vector.extract_strided_slice %add3A_392 {offsets = [0, 64], sizes = [5, 32], strides = [1, 1]} : vector<5x128xf32> to vector<5x32xf32>
    %tanh3A_408 = math.tanh %slice3A_407 : vector<5x32xf32>
    %slice3A_409 = vector.extract_strided_slice %add3A_392 {offsets = [0, 96], sizes = [5, 32], strides = [1, 1]} : vector<5x128xf32> to vector<5x32xf32>
    %logistic3A_410 = arith.negf %slice3A_409 : vector<5x32xf32>
    %logistic3A_411 = math.exp %logistic3A_410 : vector<5x32xf32>
    %logistic3A_412 = arith.constant 1.000000e+00 : f32
    %logistic3A_413 = vector.broadcast %logistic3A_412 : f32 to vector<5x32xf32>
    %logistic3A_414 = arith.addf %logistic3A_413, %logistic3A_411 : vector<5x32xf32>
    %logistic3A_415 = arith.divf %logistic3A_413, %logistic3A_414 : vector<5x32xf32>
    %mul3A_416 = arith.mulf %logistic3A_406, %add3A_371 : vector<5x32xf32>
    %mul3A_417 = arith.mulf %logistic3A_399, %tanh3A_408 : vector<5x32xf32>
    %add3A_418 = arith.addf %mul3A_416, %mul3A_417 : vector<5x32xf32>
    %tanh3A_419 = math.tanh %add3A_418 : vector<5x32xf32>
    %mul3A_420 = arith.mulf %logistic3A_415, %tanh3A_419 : vector<5x32xf32>
    %get3A_421 = arith.constant 9 : index
    %get3A_422 = arith.constant 0 : index
    %get3A_423 = vector.load %arg0[%get3A_421, %get3A_422] : memref<104x128xf32, #tpu.memory_space<vmem>>, vector<1x128xf32>
    %get3A_424 = arith.constant 29 : index
    %get3A_425 = arith.constant 0 : index
    %get3A_426 = vector.load %arg0[%get3A_424, %get3A_425] : memref<104x128xf32, #tpu.memory_space<vmem>>, vector<1x128xf32>
    %get3A_427 = arith.constant 49 : index
    %get3A_428 = arith.constant 0 : index
    %get3A_429 = vector.load %arg0[%get3A_427, %get3A_428] : memref<104x128xf32, #tpu.memory_space<vmem>>, vector<1x128xf32>
    %get3A_430 = arith.constant 69 : index
    %get3A_431 = arith.constant 0 : index
    %get3A_432 = vector.load %arg0[%get3A_430, %get3A_431] : memref<104x128xf32, #tpu.memory_space<vmem>>, vector<1x128xf32>
    %get3A_433 = arith.constant 89 : index
    %get3A_434 = arith.constant 0 : index
    %get3A_435 = vector.load %arg0[%get3A_433, %get3A_434] : memref<104x128xf32, #tpu.memory_space<vmem>>, vector<1x128xf32>
    %concatenate3A_436 = tpu.concatenate %get3A_423, %get3A_426, %get3A_429, %get3A_432, %get3A_435 in 0 : vector<1x128xf32>, vector<1x128xf32>, vector<1x128xf32>, vector<1x128xf32>, vector<1x128xf32> -> vector<5x128xf32>
    %dot_general3A_437 = arith.constant dense<0.000000e+00> : vector<5x128xf32>
    %dot_general3A_438 = tpu.matmul %mul3A_420, %get3A_1, %dot_general3A_437 {dimension_numbers = #tpu.dot_dimension_numbers<[1], [0], [0], [1], [0, 0, 1, 1], [], []>, transpose_lhs_hint = false} : vector<5x32xf32>, vector<32x128xf32>, vector<5x128xf32> -> vector<5x128xf32>
    %add3A_439 = arith.addf %concatenate3A_436, %dot_general3A_438 : vector<5x128xf32>
    %slice3A_440 = vector.extract_strided_slice %add3A_439 {offsets = [0, 0], sizes = [5, 32], strides = [1, 1]} : vector<5x128xf32> to vector<5x32xf32>
    %logistic3A_441 = arith.negf %slice3A_440 : vector<5x32xf32>
    %logistic3A_442 = math.exp %logistic3A_441 : vector<5x32xf32>
    %logistic3A_443 = arith.constant 1.000000e+00 : f32
    %logistic3A_444 = vector.broadcast %logistic3A_443 : f32 to vector<5x32xf32>
    %logistic3A_445 = arith.addf %logistic3A_444, %logistic3A_442 : vector<5x32xf32>
    %logistic3A_446 = arith.divf %logistic3A_444, %logistic3A_445 : vector<5x32xf32>
    %slice3A_447 = vector.extract_strided_slice %add3A_439 {offsets = [0, 32], sizes = [5, 32], strides = [1, 1]} : vector<5x128xf32> to vector<5x32xf32>
    %logistic3A_448 = arith.negf %slice3A_447 : vector<5x32xf32>
    %logistic3A_449 = math.exp %logistic3A_448 : vector<5x32xf32>
    %logistic3A_450 = arith.constant 1.000000e+00 : f32
    %logistic3A_451 = vector.broadcast %logistic3A_450 : f32 to vector<5x32xf32>
    %logistic3A_452 = arith.addf %logistic3A_451, %logistic3A_449 : vector<5x32xf32>
    %logistic3A_453 = arith.divf %logistic3A_451, %logistic3A_452 : vector<5x32xf32>
    %slice3A_454 = vector.extract_strided_slice %add3A_439 {offsets = [0, 64], sizes = [5, 32], strides = [1, 1]} : vector<5x128xf32> to vector<5x32xf32>
    %tanh3A_455 = math.tanh %slice3A_454 : vector<5x32xf32>
    %slice3A_456 = vector.extract_strided_slice %add3A_439 {offsets = [0, 96], sizes = [5, 32], strides = [1, 1]} : vector<5x128xf32> to vector<5x32xf32>
    %logistic3A_457 = arith.negf %slice3A_456 : vector<5x32xf32>
    %logistic3A_458 = math.exp %logistic3A_457 : vector<5x32xf32>
    %logistic3A_459 = arith.constant 1.000000e+00 : f32
    %logistic3A_460 = vector.broadcast %logistic3A_459 : f32 to vector<5x32xf32>
    %logistic3A_461 = arith.addf %logistic3A_460, %logistic3A_458 : vector<5x32xf32>
    %logistic3A_462 = arith.divf %logistic3A_460, %logistic3A_461 : vector<5x32xf32>
    %mul3A_463 = arith.mulf %logistic3A_453, %add3A_418 : vector<5x32xf32>
    %mul3A_464 = arith.mulf %logistic3A_446, %tanh3A_455 : vector<5x32xf32>
    %add3A_465 = arith.addf %mul3A_463, %mul3A_464 : vector<5x32xf32>
    %tanh3A_466 = math.tanh %add3A_465 : vector<5x32xf32>
    %mul3A_467 = arith.mulf %logistic3A_462, %tanh3A_466 : vector<5x32xf32>
    %get3A_468 = arith.constant 10 : index
    %get3A_469 = arith.constant 0 : index
    %get3A_470 = vector.load %arg0[%get3A_468, %get3A_469] : memref<104x128xf32, #tpu.memory_space<vmem>>, vector<1x128xf32>
    %get3A_471 = arith.constant 30 : index
    %get3A_472 = arith.constant 0 : index
    %get3A_473 = vector.load %arg0[%get3A_471, %get3A_472] : memref<104x128xf32, #tpu.memory_space<vmem>>, vector<1x128xf32>
    %get3A_474 = arith.constant 50 : index
    %get3A_475 = arith.constant 0 : index
    %get3A_476 = vector.load %arg0[%get3A_474, %get3A_475] : memref<104x128xf32, #tpu.memory_space<vmem>>, vector<1x128xf32>
    %get3A_477 = arith.constant 70 : index
    %get3A_478 = arith.constant 0 : index
    %get3A_479 = vector.load %arg0[%get3A_477, %get3A_478] : memref<104x128xf32, #tpu.memory_space<vmem>>, vector<1x128xf32>
    %get3A_480 = arith.constant 90 : index
    %get3A_481 = arith.constant 0 : index
    %get3A_482 = vector.load %arg0[%get3A_480, %get3A_481] : memref<104x128xf32, #tpu.memory_space<vmem>>, vector<1x128xf32>
    %concatenate3A_483 = tpu.concatenate %get3A_470, %get3A_473, %get3A_476, %get3A_479, %get3A_482 in 0 : vector<1x128xf32>, vector<1x128xf32>, vector<1x128xf32>, vector<1x128xf32>, vector<1x128xf32> -> vector<5x128xf32>
    %dot_general3A_484 = arith.constant dense<0.000000e+00> : vector<5x128xf32>
    %dot_general3A_485 = tpu.matmul %mul3A_467, %get3A_1, %dot_general3A_484 {dimension_numbers = #tpu.dot_dimension_numbers<[1], [0], [0], [1], [0, 0, 1, 1], [], []>, transpose_lhs_hint = false} : vector<5x32xf32>, vector<32x128xf32>, vector<5x128xf32> -> vector<5x128xf32>
    %add3A_486 = arith.addf %concatenate3A_483, %dot_general3A_485 : vector<5x128xf32>
    %slice3A_487 = vector.extract_strided_slice %add3A_486 {offsets = [0, 0], sizes = [5, 32], strides = [1, 1]} : vector<5x128xf32> to vector<5x32xf32>
    %logistic3A_488 = arith.negf %slice3A_487 : vector<5x32xf32>
    %logistic3A_489 = math.exp %logistic3A_488 : vector<5x32xf32>
    %logistic3A_490 = arith.constant 1.000000e+00 : f32
    %logistic3A_491 = vector.broadcast %logistic3A_490 : f32 to vector<5x32xf32>
    %logistic3A_492 = arith.addf %logistic3A_491, %logistic3A_489 : vector<5x32xf32>
    %logistic3A_493 = arith.divf %logistic3A_491, %logistic3A_492 : vector<5x32xf32>
    %slice3A_494 = vector.extract_strided_slice %add3A_486 {offsets = [0, 32], sizes = [5, 32], strides = [1, 1]} : vector<5x128xf32> to vector<5x32xf32>
    %logistic3A_495 = arith.negf %slice3A_494 : vector<5x32xf32>
    %logistic3A_496 = math.exp %logistic3A_495 : vector<5x32xf32>
    %logistic3A_497 = arith.constant 1.000000e+00 : f32
    %logistic3A_498 = vector.broadcast %logistic3A_497 : f32 to vector<5x32xf32>
    %logistic3A_499 = arith.addf %logistic3A_498, %logistic3A_496 : vector<5x32xf32>
    %logistic3A_500 = arith.divf %logistic3A_498, %logistic3A_499 : vector<5x32xf32>
    %slice3A_501 = vector.extract_strided_slice %add3A_486 {offsets = [0, 64], sizes = [5, 32], strides = [1, 1]} : vector<5x128xf32> to vector<5x32xf32>
    %tanh3A_502 = math.tanh %slice3A_501 : vector<5x32xf32>
    %slice3A_503 = vector.extract_strided_slice %add3A_486 {offsets = [0, 96], sizes = [5, 32], strides = [1, 1]} : vector<5x128xf32> to vector<5x32xf32>
    %logistic3A_504 = arith.negf %slice3A_503 : vector<5x32xf32>
    %logistic3A_505 = math.exp %logistic3A_504 : vector<5x32xf32>
    %logistic3A_506 = arith.constant 1.000000e+00 : f32
    %logistic3A_507 = vector.broadcast %logistic3A_506 : f32 to vector<5x32xf32>
    %logistic3A_508 = arith.addf %logistic3A_507, %logistic3A_505 : vector<5x32xf32>
    %logistic3A_509 = arith.divf %logistic3A_507, %logistic3A_508 : vector<5x32xf32>
    %mul3A_510 = arith.mulf %logistic3A_500, %add3A_465 : vector<5x32xf32>
    %mul3A_511 = arith.mulf %logistic3A_493, %tanh3A_502 : vector<5x32xf32>
    %add3A_512 = arith.addf %mul3A_510, %mul3A_511 : vector<5x32xf32>
    %tanh3A_513 = math.tanh %add3A_512 : vector<5x32xf32>
    %mul3A_514 = arith.mulf %logistic3A_509, %tanh3A_513 : vector<5x32xf32>
    %get3A_515 = arith.constant 11 : index
    %get3A_516 = arith.constant 0 : index
    %get3A_517 = vector.load %arg0[%get3A_515, %get3A_516] : memref<104x128xf32, #tpu.memory_space<vmem>>, vector<1x128xf32>
    %get3A_518 = arith.constant 31 : index
    %get3A_519 = arith.constant 0 : index
    %get3A_520 = vector.load %arg0[%get3A_518, %get3A_519] : memref<104x128xf32, #tpu.memory_space<vmem>>, vector<1x128xf32>
    %get3A_521 = arith.constant 51 : index
    %get3A_522 = arith.constant 0 : index
    %get3A_523 = vector.load %arg0[%get3A_521, %get3A_522] : memref<104x128xf32, #tpu.memory_space<vmem>>, vector<1x128xf32>
    %get3A_524 = arith.constant 71 : index
    %get3A_525 = arith.constant 0 : index
    %get3A_526 = vector.load %arg0[%get3A_524, %get3A_525] : memref<104x128xf32, #tpu.memory_space<vmem>>, vector<1x128xf32>
    %get3A_527 = arith.constant 91 : index
    %get3A_528 = arith.constant 0 : index
    %get3A_529 = vector.load %arg0[%get3A_527, %get3A_528] : memref<104x128xf32, #tpu.memory_space<vmem>>, vector<1x128xf32>
    %concatenate3A_530 = tpu.concatenate %get3A_517, %get3A_520, %get3A_523, %get3A_526, %get3A_529 in 0 : vector<1x128xf32>, vector<1x128xf32>, vector<1x128xf32>, vector<1x128xf32>, vector<1x128xf32> -> vector<5x128xf32>
    %dot_general3A_531 = arith.constant dense<0.000000e+00> : vector<5x128xf32>
    %dot_general3A_532 = tpu.matmul %mul3A_514, %get3A_1, %dot_general3A_531 {dimension_numbers = #tpu.dot_dimension_numbers<[1], [0], [0], [1], [0, 0, 1, 1], [], []>, transpose_lhs_hint = false} : vector<5x32xf32>, vector<32x128xf32>, vector<5x128xf32> -> vector<5x128xf32>
    %add3A_533 = arith.addf %concatenate3A_530, %dot_general3A_532 : vector<5x128xf32>
    %slice3A_534 = vector.extract_strided_slice %add3A_533 {offsets = [0, 0], sizes = [5, 32], strides = [1, 1]} : vector<5x128xf32> to vector<5x32xf32>
    %logistic3A_535 = arith.negf %slice3A_534 : vector<5x32xf32>
    %logistic3A_536 = math.exp %logistic3A_535 : vector<5x32xf32>
    %logistic3A_537 = arith.constant 1.000000e+00 : f32
    %logistic3A_538 = vector.broadcast %logistic3A_537 : f32 to vector<5x32xf32>
    %logistic3A_539 = arith.addf %logistic3A_538, %logistic3A_536 : vector<5x32xf32>
    %logistic3A_540 = arith.divf %logistic3A_538, %logistic3A_539 : vector<5x32xf32>
    %slice3A_541 = vector.extract_strided_slice %add3A_533 {offsets = [0, 32], sizes = [5, 32], strides = [1, 1]} : vector<5x128xf32> to vector<5x32xf32>
    %logistic3A_542 = arith.negf %slice3A_541 : vector<5x32xf32>
    %logistic3A_543 = math.exp %logistic3A_542 : vector<5x32xf32>
    %logistic3A_544 = arith.constant 1.000000e+00 : f32
    %logistic3A_545 = vector.broadcast %logistic3A_544 : f32 to vector<5x32xf32>
    %logistic3A_546 = arith.addf %logistic3A_545, %logistic3A_543 : vector<5x32xf32>
    %logistic3A_547 = arith.divf %logistic3A_545, %logistic3A_546 : vector<5x32xf32>
    %slice3A_548 = vector.extract_strided_slice %add3A_533 {offsets = [0, 64], sizes = [5, 32], strides = [1, 1]} : vector<5x128xf32> to vector<5x32xf32>
    %tanh3A_549 = math.tanh %slice3A_548 : vector<5x32xf32>
    %slice3A_550 = vector.extract_strided_slice %add3A_533 {offsets = [0, 96], sizes = [5, 32], strides = [1, 1]} : vector<5x128xf32> to vector<5x32xf32>
    %logistic3A_551 = arith.negf %slice3A_550 : vector<5x32xf32>
    %logistic3A_552 = math.exp %logistic3A_551 : vector<5x32xf32>
    %logistic3A_553 = arith.constant 1.000000e+00 : f32
    %logistic3A_554 = vector.broadcast %logistic3A_553 : f32 to vector<5x32xf32>
    %logistic3A_555 = arith.addf %logistic3A_554, %logistic3A_552 : vector<5x32xf32>
    %logistic3A_556 = arith.divf %logistic3A_554, %logistic3A_555 : vector<5x32xf32>
    %mul3A_557 = arith.mulf %logistic3A_547, %add3A_512 : vector<5x32xf32>
    %mul3A_558 = arith.mulf %logistic3A_540, %tanh3A_549 : vector<5x32xf32>
    %add3A_559 = arith.addf %mul3A_557, %mul3A_558 : vector<5x32xf32>
    %tanh3A_560 = math.tanh %add3A_559 : vector<5x32xf32>
    %mul3A_561 = arith.mulf %logistic3A_556, %tanh3A_560 : vector<5x32xf32>
    %get3A_562 = arith.constant 12 : index
    %get3A_563 = arith.constant 0 : index
    %get3A_564 = vector.load %arg0[%get3A_562, %get3A_563] : memref<104x128xf32, #tpu.memory_space<vmem>>, vector<1x128xf32>
    %get3A_565 = arith.constant 32 : index
    %get3A_566 = arith.constant 0 : index
    %get3A_567 = vector.load %arg0[%get3A_565, %get3A_566] : memref<104x128xf32, #tpu.memory_space<vmem>>, vector<1x128xf32>
    %get3A_568 = arith.constant 52 : index
    %get3A_569 = arith.constant 0 : index
    %get3A_570 = vector.load %arg0[%get3A_568, %get3A_569] : memref<104x128xf32, #tpu.memory_space<vmem>>, vector<1x128xf32>
    %get3A_571 = arith.constant 72 : index
    %get3A_572 = arith.constant 0 : index
    %get3A_573 = vector.load %arg0[%get3A_571, %get3A_572] : memref<104x128xf32, #tpu.memory_space<vmem>>, vector<1x128xf32>
    %get3A_574 = arith.constant 92 : index
    %get3A_575 = arith.constant 0 : index
    %get3A_576 = vector.load %arg0[%get3A_574, %get3A_575] : memref<104x128xf32, #tpu.memory_space<vmem>>, vector<1x128xf32>
    %concatenate3A_577 = tpu.concatenate %get3A_564, %get3A_567, %get3A_570, %get3A_573, %get3A_576 in 0 : vector<1x128xf32>, vector<1x128xf32>, vector<1x128xf32>, vector<1x128xf32>, vector<1x128xf32> -> vector<5x128xf32>
    %dot_general3A_578 = arith.constant dense<0.000000e+00> : vector<5x128xf32>
    %dot_general3A_579 = tpu.matmul %mul3A_561, %get3A_1, %dot_general3A_578 {dimension_numbers = #tpu.dot_dimension_numbers<[1], [0], [0], [1], [0, 0, 1, 1], [], []>, transpose_lhs_hint = false} : vector<5x32xf32>, vector<32x128xf32>, vector<5x128xf32> -> vector<5x128xf32>
    %add3A_580 = arith.addf %concatenate3A_577, %dot_general3A_579 : vector<5x128xf32>
    %slice3A_581 = vector.extract_strided_slice %add3A_580 {offsets = [0, 0], sizes = [5, 32], strides = [1, 1]} : vector<5x128xf32> to vector<5x32xf32>
    %logistic3A_582 = arith.negf %slice3A_581 : vector<5x32xf32>
    %logistic3A_583 = math.exp %logistic3A_582 : vector<5x32xf32>
    %logistic3A_584 = arith.constant 1.000000e+00 : f32
    %logistic3A_585 = vector.broadcast %logistic3A_584 : f32 to vector<5x32xf32>
    %logistic3A_586 = arith.addf %logistic3A_585, %logistic3A_583 : vector<5x32xf32>
    %logistic3A_587 = arith.divf %logistic3A_585, %logistic3A_586 : vector<5x32xf32>
    %slice3A_588 = vector.extract_strided_slice %add3A_580 {offsets = [0, 32], sizes = [5, 32], strides = [1, 1]} : vector<5x128xf32> to vector<5x32xf32>
    %logistic3A_589 = arith.negf %slice3A_588 : vector<5x32xf32>
    %logistic3A_590 = math.exp %logistic3A_589 : vector<5x32xf32>
    %logistic3A_591 = arith.constant 1.000000e+00 : f32
    %logistic3A_592 = vector.broadcast %logistic3A_591 : f32 to vector<5x32xf32>
    %logistic3A_593 = arith.addf %logistic3A_592, %logistic3A_590 : vector<5x32xf32>
    %logistic3A_594 = arith.divf %logistic3A_592, %logistic3A_593 : vector<5x32xf32>
    %slice3A_595 = vector.extract_strided_slice %add3A_580 {offsets = [0, 64], sizes = [5, 32], strides = [1, 1]} : vector<5x128xf32> to vector<5x32xf32>
    %tanh3A_596 = math.tanh %slice3A_595 : vector<5x32xf32>
    %slice3A_597 = vector.extract_strided_slice %add3A_580 {offsets = [0, 96], sizes = [5, 32], strides = [1, 1]} : vector<5x128xf32> to vector<5x32xf32>
    %logistic3A_598 = arith.negf %slice3A_597 : vector<5x32xf32>
    %logistic3A_599 = math.exp %logistic3A_598 : vector<5x32xf32>
    %logistic3A_600 = arith.constant 1.000000e+00 : f32
    %logistic3A_601 = vector.broadcast %logistic3A_600 : f32 to vector<5x32xf32>
    %logistic3A_602 = arith.addf %logistic3A_601, %logistic3A_599 : vector<5x32xf32>
    %logistic3A_603 = arith.divf %logistic3A_601, %logistic3A_602 : vector<5x32xf32>
    %mul3A_604 = arith.mulf %logistic3A_594, %add3A_559 : vector<5x32xf32>
    %mul3A_605 = arith.mulf %logistic3A_587, %tanh3A_596 : vector<5x32xf32>
    %add3A_606 = arith.addf %mul3A_604, %mul3A_605 : vector<5x32xf32>
    %tanh3A_607 = math.tanh %add3A_606 : vector<5x32xf32>
    %mul3A_608 = arith.mulf %logistic3A_603, %tanh3A_607 : vector<5x32xf32>
    %get3A_609 = arith.constant 13 : index
    %get3A_610 = arith.constant 0 : index
    %get3A_611 = vector.load %arg0[%get3A_609, %get3A_610] : memref<104x128xf32, #tpu.memory_space<vmem>>, vector<1x128xf32>
    %get3A_612 = arith.constant 33 : index
    %get3A_613 = arith.constant 0 : index
    %get3A_614 = vector.load %arg0[%get3A_612, %get3A_613] : memref<104x128xf32, #tpu.memory_space<vmem>>, vector<1x128xf32>
    %get3A_615 = arith.constant 53 : index
    %get3A_616 = arith.constant 0 : index
    %get3A_617 = vector.load %arg0[%get3A_615, %get3A_616] : memref<104x128xf32, #tpu.memory_space<vmem>>, vector<1x128xf32>
    %get3A_618 = arith.constant 73 : index
    %get3A_619 = arith.constant 0 : index
    %get3A_620 = vector.load %arg0[%get3A_618, %get3A_619] : memref<104x128xf32, #tpu.memory_space<vmem>>, vector<1x128xf32>
    %get3A_621 = arith.constant 93 : index
    %get3A_622 = arith.constant 0 : index
    %get3A_623 = vector.load %arg0[%get3A_621, %get3A_622] : memref<104x128xf32, #tpu.memory_space<vmem>>, vector<1x128xf32>
    %concatenate3A_624 = tpu.concatenate %get3A_611, %get3A_614, %get3A_617, %get3A_620, %get3A_623 in 0 : vector<1x128xf32>, vector<1x128xf32>, vector<1x128xf32>, vector<1x128xf32>, vector<1x128xf32> -> vector<5x128xf32>
    %dot_general3A_625 = arith.constant dense<0.000000e+00> : vector<5x128xf32>
    %dot_general3A_626 = tpu.matmul %mul3A_608, %get3A_1, %dot_general3A_625 {dimension_numbers = #tpu.dot_dimension_numbers<[1], [0], [0], [1], [0, 0, 1, 1], [], []>, transpose_lhs_hint = false} : vector<5x32xf32>, vector<32x128xf32>, vector<5x128xf32> -> vector<5x128xf32>
    %add3A_627 = arith.addf %concatenate3A_624, %dot_general3A_626 : vector<5x128xf32>
    %slice3A_628 = vector.extract_strided_slice %add3A_627 {offsets = [0, 0], sizes = [5, 32], strides = [1, 1]} : vector<5x128xf32> to vector<5x32xf32>
    %logistic3A_629 = arith.negf %slice3A_628 : vector<5x32xf32>
    %logistic3A_630 = math.exp %logistic3A_629 : vector<5x32xf32>
    %logistic3A_631 = arith.constant 1.000000e+00 : f32
    %logistic3A_632 = vector.broadcast %logistic3A_631 : f32 to vector<5x32xf32>
    %logistic3A_633 = arith.addf %logistic3A_632, %logistic3A_630 : vector<5x32xf32>
    %logistic3A_634 = arith.divf %logistic3A_632, %logistic3A_633 : vector<5x32xf32>
    %slice3A_635 = vector.extract_strided_slice %add3A_627 {offsets = [0, 32], sizes = [5, 32], strides = [1, 1]} : vector<5x128xf32> to vector<5x32xf32>
    %logistic3A_636 = arith.negf %slice3A_635 : vector<5x32xf32>
    %logistic3A_637 = math.exp %logistic3A_636 : vector<5x32xf32>
    %logistic3A_638 = arith.constant 1.000000e+00 : f32
    %logistic3A_639 = vector.broadcast %logistic3A_638 : f32 to vector<5x32xf32>
    %logistic3A_640 = arith.addf %logistic3A_639, %logistic3A_637 : vector<5x32xf32>
    %logistic3A_641 = arith.divf %logistic3A_639, %logistic3A_640 : vector<5x32xf32>
    %slice3A_642 = vector.extract_strided_slice %add3A_627 {offsets = [0, 64], sizes = [5, 32], strides = [1, 1]} : vector<5x128xf32> to vector<5x32xf32>
    %tanh3A_643 = math.tanh %slice3A_642 : vector<5x32xf32>
    %slice3A_644 = vector.extract_strided_slice %add3A_627 {offsets = [0, 96], sizes = [5, 32], strides = [1, 1]} : vector<5x128xf32> to vector<5x32xf32>
    %logistic3A_645 = arith.negf %slice3A_644 : vector<5x32xf32>
    %logistic3A_646 = math.exp %logistic3A_645 : vector<5x32xf32>
    %logistic3A_647 = arith.constant 1.000000e+00 : f32
    %logistic3A_648 = vector.broadcast %logistic3A_647 : f32 to vector<5x32xf32>
    %logistic3A_649 = arith.addf %logistic3A_648, %logistic3A_646 : vector<5x32xf32>
    %logistic3A_650 = arith.divf %logistic3A_648, %logistic3A_649 : vector<5x32xf32>
    %mul3A_651 = arith.mulf %logistic3A_641, %add3A_606 : vector<5x32xf32>
    %mul3A_652 = arith.mulf %logistic3A_634, %tanh3A_643 : vector<5x32xf32>
    %add3A_653 = arith.addf %mul3A_651, %mul3A_652 : vector<5x32xf32>
    %tanh3A_654 = math.tanh %add3A_653 : vector<5x32xf32>
    %mul3A_655 = arith.mulf %logistic3A_650, %tanh3A_654 : vector<5x32xf32>
    %get3A_656 = arith.constant 14 : index
    %get3A_657 = arith.constant 0 : index
    %get3A_658 = vector.load %arg0[%get3A_656, %get3A_657] : memref<104x128xf32, #tpu.memory_space<vmem>>, vector<1x128xf32>
    %get3A_659 = arith.constant 34 : index
    %get3A_660 = arith.constant 0 : index
    %get3A_661 = vector.load %arg0[%get3A_659, %get3A_660] : memref<104x128xf32, #tpu.memory_space<vmem>>, vector<1x128xf32>
    %get3A_662 = arith.constant 54 : index
    %get3A_663 = arith.constant 0 : index
    %get3A_664 = vector.load %arg0[%get3A_662, %get3A_663] : memref<104x128xf32, #tpu.memory_space<vmem>>, vector<1x128xf32>
    %get3A_665 = arith.constant 74 : index
    %get3A_666 = arith.constant 0 : index
    %get3A_667 = vector.load %arg0[%get3A_665, %get3A_666] : memref<104x128xf32, #tpu.memory_space<vmem>>, vector<1x128xf32>
    %get3A_668 = arith.constant 94 : index
    %get3A_669 = arith.constant 0 : index
    %get3A_670 = vector.load %arg0[%get3A_668, %get3A_669] : memref<104x128xf32, #tpu.memory_space<vmem>>, vector<1x128xf32>
    %concatenate3A_671 = tpu.concatenate %get3A_658, %get3A_661, %get3A_664, %get3A_667, %get3A_670 in 0 : vector<1x128xf32>, vector<1x128xf32>, vector<1x128xf32>, vector<1x128xf32>, vector<1x128xf32> -> vector<5x128xf32>
    %dot_general3A_672 = arith.constant dense<0.000000e+00> : vector<5x128xf32>
    %dot_general3A_673 = tpu.matmul %mul3A_655, %get3A_1, %dot_general3A_672 {dimension_numbers = #tpu.dot_dimension_numbers<[1], [0], [0], [1], [0, 0, 1, 1], [], []>, transpose_lhs_hint = false} : vector<5x32xf32>, vector<32x128xf32>, vector<5x128xf32> -> vector<5x128xf32>
    %add3A_674 = arith.addf %concatenate3A_671, %dot_general3A_673 : vector<5x128xf32>
    %slice3A_675 = vector.extract_strided_slice %add3A_674 {offsets = [0, 0], sizes = [5, 32], strides = [1, 1]} : vector<5x128xf32> to vector<5x32xf32>
    %logistic3A_676 = arith.negf %slice3A_675 : vector<5x32xf32>
    %logistic3A_677 = math.exp %logistic3A_676 : vector<5x32xf32>
    %logistic3A_678 = arith.constant 1.000000e+00 : f32
    %logistic3A_679 = vector.broadcast %logistic3A_678 : f32 to vector<5x32xf32>
    %logistic3A_680 = arith.addf %logistic3A_679, %logistic3A_677 : vector<5x32xf32>
    %logistic3A_681 = arith.divf %logistic3A_679, %logistic3A_680 : vector<5x32xf32>
    %slice3A_682 = vector.extract_strided_slice %add3A_674 {offsets = [0, 32], sizes = [5, 32], strides = [1, 1]} : vector<5x128xf32> to vector<5x32xf32>
    %logistic3A_683 = arith.negf %slice3A_682 : vector<5x32xf32>
    %logistic3A_684 = math.exp %logistic3A_683 : vector<5x32xf32>
    %logistic3A_685 = arith.constant 1.000000e+00 : f32
    %logistic3A_686 = vector.broadcast %logistic3A_685 : f32 to vector<5x32xf32>
    %logistic3A_687 = arith.addf %logistic3A_686, %logistic3A_684 : vector<5x32xf32>
    %logistic3A_688 = arith.divf %logistic3A_686, %logistic3A_687 : vector<5x32xf32>
    %slice3A_689 = vector.extract_strided_slice %add3A_674 {offsets = [0, 64], sizes = [5, 32], strides = [1, 1]} : vector<5x128xf32> to vector<5x32xf32>
    %tanh3A_690 = math.tanh %slice3A_689 : vector<5x32xf32>
    %slice3A_691 = vector.extract_strided_slice %add3A_674 {offsets = [0, 96], sizes = [5, 32], strides = [1, 1]} : vector<5x128xf32> to vector<5x32xf32>
    %logistic3A_692 = arith.negf %slice3A_691 : vector<5x32xf32>
    %logistic3A_693 = math.exp %logistic3A_692 : vector<5x32xf32>
    %logistic3A_694 = arith.constant 1.000000e+00 : f32
    %logistic3A_695 = vector.broadcast %logistic3A_694 : f32 to vector<5x32xf32>
    %logistic3A_696 = arith.addf %logistic3A_695, %logistic3A_693 : vector<5x32xf32>
    %logistic3A_697 = arith.divf %logistic3A_695, %logistic3A_696 : vector<5x32xf32>
    %mul3A_698 = arith.mulf %logistic3A_688, %add3A_653 : vector<5x32xf32>
    %mul3A_699 = arith.mulf %logistic3A_681, %tanh3A_690 : vector<5x32xf32>
    %add3A_700 = arith.addf %mul3A_698, %mul3A_699 : vector<5x32xf32>
    %tanh3A_701 = math.tanh %add3A_700 : vector<5x32xf32>
    %mul3A_702 = arith.mulf %logistic3A_697, %tanh3A_701 : vector<5x32xf32>
    %get3A_703 = arith.constant 15 : index
    %get3A_704 = arith.constant 0 : index
    %get3A_705 = vector.load %arg0[%get3A_703, %get3A_704] : memref<104x128xf32, #tpu.memory_space<vmem>>, vector<1x128xf32>
    %get3A_706 = arith.constant 35 : index
    %get3A_707 = arith.constant 0 : index
    %get3A_708 = vector.load %arg0[%get3A_706, %get3A_707] : memref<104x128xf32, #tpu.memory_space<vmem>>, vector<1x128xf32>
    %get3A_709 = arith.constant 55 : index
    %get3A_710 = arith.constant 0 : index
    %get3A_711 = vector.load %arg0[%get3A_709, %get3A_710] : memref<104x128xf32, #tpu.memory_space<vmem>>, vector<1x128xf32>
    %get3A_712 = arith.constant 75 : index
    %get3A_713 = arith.constant 0 : index
    %get3A_714 = vector.load %arg0[%get3A_712, %get3A_713] : memref<104x128xf32, #tpu.memory_space<vmem>>, vector<1x128xf32>
    %get3A_715 = arith.constant 95 : index
    %get3A_716 = arith.constant 0 : index
    %get3A_717 = vector.load %arg0[%get3A_715, %get3A_716] : memref<104x128xf32, #tpu.memory_space<vmem>>, vector<1x128xf32>
    %concatenate3A_718 = tpu.concatenate %get3A_705, %get3A_708, %get3A_711, %get3A_714, %get3A_717 in 0 : vector<1x128xf32>, vector<1x128xf32>, vector<1x128xf32>, vector<1x128xf32>, vector<1x128xf32> -> vector<5x128xf32>
    %dot_general3A_719 = arith.constant dense<0.000000e+00> : vector<5x128xf32>
    %dot_general3A_720 = tpu.matmul %mul3A_702, %get3A_1, %dot_general3A_719 {dimension_numbers = #tpu.dot_dimension_numbers<[1], [0], [0], [1], [0, 0, 1, 1], [], []>, transpose_lhs_hint = false} : vector<5x32xf32>, vector<32x128xf32>, vector<5x128xf32> -> vector<5x128xf32>
    %add3A_721 = arith.addf %concatenate3A_718, %dot_general3A_720 : vector<5x128xf32>
    %slice3A_722 = vector.extract_strided_slice %add3A_721 {offsets = [0, 0], sizes = [5, 32], strides = [1, 1]} : vector<5x128xf32> to vector<5x32xf32>
    %logistic3A_723 = arith.negf %slice3A_722 : vector<5x32xf32>
    %logistic3A_724 = math.exp %logistic3A_723 : vector<5x32xf32>
    %logistic3A_725 = arith.constant 1.000000e+00 : f32
    %logistic3A_726 = vector.broadcast %logistic3A_725 : f32 to vector<5x32xf32>
    %logistic3A_727 = arith.addf %logistic3A_726, %logistic3A_724 : vector<5x32xf32>
    %logistic3A_728 = arith.divf %logistic3A_726, %logistic3A_727 : vector<5x32xf32>
    %slice3A_729 = vector.extract_strided_slice %add3A_721 {offsets = [0, 32], sizes = [5, 32], strides = [1, 1]} : vector<5x128xf32> to vector<5x32xf32>
    %logistic3A_730 = arith.negf %slice3A_729 : vector<5x32xf32>
    %logistic3A_731 = math.exp %logistic3A_730 : vector<5x32xf32>
    %logistic3A_732 = arith.constant 1.000000e+00 : f32
    %logistic3A_733 = vector.broadcast %logistic3A_732 : f32 to vector<5x32xf32>
    %logistic3A_734 = arith.addf %logistic3A_733, %logistic3A_731 : vector<5x32xf32>
    %logistic3A_735 = arith.divf %logistic3A_733, %logistic3A_734 : vector<5x32xf32>
    %slice3A_736 = vector.extract_strided_slice %add3A_721 {offsets = [0, 64], sizes = [5, 32], strides = [1, 1]} : vector<5x128xf32> to vector<5x32xf32>
    %tanh3A_737 = math.tanh %slice3A_736 : vector<5x32xf32>
    %slice3A_738 = vector.extract_strided_slice %add3A_721 {offsets = [0, 96], sizes = [5, 32], strides = [1, 1]} : vector<5x128xf32> to vector<5x32xf32>
    %logistic3A_739 = arith.negf %slice3A_738 : vector<5x32xf32>
    %logistic3A_740 = math.exp %logistic3A_739 : vector<5x32xf32>
    %logistic3A_741 = arith.constant 1.000000e+00 : f32
    %logistic3A_742 = vector.broadcast %logistic3A_741 : f32 to vector<5x32xf32>
    %logistic3A_743 = arith.addf %logistic3A_742, %logistic3A_740 : vector<5x32xf32>
    %logistic3A_744 = arith.divf %logistic3A_742, %logistic3A_743 : vector<5x32xf32>
    %mul3A_745 = arith.mulf %logistic3A_735, %add3A_700 : vector<5x32xf32>
    %mul3A_746 = arith.mulf %logistic3A_728, %tanh3A_737 : vector<5x32xf32>
    %add3A_747 = arith.addf %mul3A_745, %mul3A_746 : vector<5x32xf32>
    %tanh3A_748 = math.tanh %add3A_747 : vector<5x32xf32>
    %mul3A_749 = arith.mulf %logistic3A_744, %tanh3A_748 : vector<5x32xf32>
    %get3A_750 = arith.constant 16 : index
    %get3A_751 = arith.constant 0 : index
    %get3A_752 = vector.load %arg0[%get3A_750, %get3A_751] : memref<104x128xf32, #tpu.memory_space<vmem>>, vector<1x128xf32>
    %get3A_753 = arith.constant 36 : index
    %get3A_754 = arith.constant 0 : index
    %get3A_755 = vector.load %arg0[%get3A_753, %get3A_754] : memref<104x128xf32, #tpu.memory_space<vmem>>, vector<1x128xf32>
    %get3A_756 = arith.constant 56 : index
    %get3A_757 = arith.constant 0 : index
    %get3A_758 = vector.load %arg0[%get3A_756, %get3A_757] : memref<104x128xf32, #tpu.memory_space<vmem>>, vector<1x128xf32>
    %get3A_759 = arith.constant 76 : index
    %get3A_760 = arith.constant 0 : index
    %get3A_761 = vector.load %arg0[%get3A_759, %get3A_760] : memref<104x128xf32, #tpu.memory_space<vmem>>, vector<1x128xf32>
    %get3A_762 = arith.constant 96 : index
    %get3A_763 = arith.constant 0 : index
    %get3A_764 = vector.load %arg0[%get3A_762, %get3A_763] : memref<104x128xf32, #tpu.memory_space<vmem>>, vector<1x128xf32>
    %concatenate3A_765 = tpu.concatenate %get3A_752, %get3A_755, %get3A_758, %get3A_761, %get3A_764 in 0 : vector<1x128xf32>, vector<1x128xf32>, vector<1x128xf32>, vector<1x128xf32>, vector<1x128xf32> -> vector<5x128xf32>
    %dot_general3A_766 = arith.constant dense<0.000000e+00> : vector<5x128xf32>
    %dot_general3A_767 = tpu.matmul %mul3A_749, %get3A_1, %dot_general3A_766 {dimension_numbers = #tpu.dot_dimension_numbers<[1], [0], [0], [1], [0, 0, 1, 1], [], []>, transpose_lhs_hint = false} : vector<5x32xf32>, vector<32x128xf32>, vector<5x128xf32> -> vector<5x128xf32>
    %add3A_768 = arith.addf %concatenate3A_765, %dot_general3A_767 : vector<5x128xf32>
    %slice3A_769 = vector.extract_strided_slice %add3A_768 {offsets = [0, 0], sizes = [5, 32], strides = [1, 1]} : vector<5x128xf32> to vector<5x32xf32>
    %logistic3A_770 = arith.negf %slice3A_769 : vector<5x32xf32>
    %logistic3A_771 = math.exp %logistic3A_770 : vector<5x32xf32>
    %logistic3A_772 = arith.constant 1.000000e+00 : f32
    %logistic3A_773 = vector.broadcast %logistic3A_772 : f32 to vector<5x32xf32>
    %logistic3A_774 = arith.addf %logistic3A_773, %logistic3A_771 : vector<5x32xf32>
    %logistic3A_775 = arith.divf %logistic3A_773, %logistic3A_774 : vector<5x32xf32>
    %slice3A_776 = vector.extract_strided_slice %add3A_768 {offsets = [0, 32], sizes = [5, 32], strides = [1, 1]} : vector<5x128xf32> to vector<5x32xf32>
    %logistic3A_777 = arith.negf %slice3A_776 : vector<5x32xf32>
    %logistic3A_778 = math.exp %logistic3A_777 : vector<5x32xf32>
    %logistic3A_779 = arith.constant 1.000000e+00 : f32
    %logistic3A_780 = vector.broadcast %logistic3A_779 : f32 to vector<5x32xf32>
    %logistic3A_781 = arith.addf %logistic3A_780, %logistic3A_778 : vector<5x32xf32>
    %logistic3A_782 = arith.divf %logistic3A_780, %logistic3A_781 : vector<5x32xf32>
    %slice3A_783 = vector.extract_strided_slice %add3A_768 {offsets = [0, 64], sizes = [5, 32], strides = [1, 1]} : vector<5x128xf32> to vector<5x32xf32>
    %tanh3A_784 = math.tanh %slice3A_783 : vector<5x32xf32>
    %slice3A_785 = vector.extract_strided_slice %add3A_768 {offsets = [0, 96], sizes = [5, 32], strides = [1, 1]} : vector<5x128xf32> to vector<5x32xf32>
    %logistic3A_786 = arith.negf %slice3A_785 : vector<5x32xf32>
    %logistic3A_787 = math.exp %logistic3A_786 : vector<5x32xf32>
    %logistic3A_788 = arith.constant 1.000000e+00 : f32
    %logistic3A_789 = vector.broadcast %logistic3A_788 : f32 to vector<5x32xf32>
    %logistic3A_790 = arith.addf %logistic3A_789, %logistic3A_787 : vector<5x32xf32>
    %logistic3A_791 = arith.divf %logistic3A_789, %logistic3A_790 : vector<5x32xf32>
    %mul3A_792 = arith.mulf %logistic3A_782, %add3A_747 : vector<5x32xf32>
    %mul3A_793 = arith.mulf %logistic3A_775, %tanh3A_784 : vector<5x32xf32>
    %add3A_794 = arith.addf %mul3A_792, %mul3A_793 : vector<5x32xf32>
    %tanh3A_795 = math.tanh %add3A_794 : vector<5x32xf32>
    %mul3A_796 = arith.mulf %logistic3A_791, %tanh3A_795 : vector<5x32xf32>
    %get3A_797 = arith.constant 17 : index
    %get3A_798 = arith.constant 0 : index
    %get3A_799 = vector.load %arg0[%get3A_797, %get3A_798] : memref<104x128xf32, #tpu.memory_space<vmem>>, vector<1x128xf32>
    %get3A_800 = arith.constant 37 : index
    %get3A_801 = arith.constant 0 : index
    %get3A_802 = vector.load %arg0[%get3A_800, %get3A_801] : memref<104x128xf32, #tpu.memory_space<vmem>>, vector<1x128xf32>
    %get3A_803 = arith.constant 57 : index
    %get3A_804 = arith.constant 0 : index
    %get3A_805 = vector.load %arg0[%get3A_803, %get3A_804] : memref<104x128xf32, #tpu.memory_space<vmem>>, vector<1x128xf32>
    %get3A_806 = arith.constant 77 : index
    %get3A_807 = arith.constant 0 : index
    %get3A_808 = vector.load %arg0[%get3A_806, %get3A_807] : memref<104x128xf32, #tpu.memory_space<vmem>>, vector<1x128xf32>
    %get3A_809 = arith.constant 97 : index
    %get3A_810 = arith.constant 0 : index
    %get3A_811 = vector.load %arg0[%get3A_809, %get3A_810] : memref<104x128xf32, #tpu.memory_space<vmem>>, vector<1x128xf32>
    %concatenate3A_812 = tpu.concatenate %get3A_799, %get3A_802, %get3A_805, %get3A_808, %get3A_811 in 0 : vector<1x128xf32>, vector<1x128xf32>, vector<1x128xf32>, vector<1x128xf32>, vector<1x128xf32> -> vector<5x128xf32>
    %dot_general3A_813 = arith.constant dense<0.000000e+00> : vector<5x128xf32>
    %dot_general3A_814 = tpu.matmul %mul3A_796, %get3A_1, %dot_general3A_813 {dimension_numbers = #tpu.dot_dimension_numbers<[1], [0], [0], [1], [0, 0, 1, 1], [], []>, transpose_lhs_hint = false} : vector<5x32xf32>, vector<32x128xf32>, vector<5x128xf32> -> vector<5x128xf32>
    %add3A_815 = arith.addf %concatenate3A_812, %dot_general3A_814 : vector<5x128xf32>
    %slice3A_816 = vector.extract_strided_slice %add3A_815 {offsets = [0, 0], sizes = [5, 32], strides = [1, 1]} : vector<5x128xf32> to vector<5x32xf32>
    %logistic3A_817 = arith.negf %slice3A_816 : vector<5x32xf32>
    %logistic3A_818 = math.exp %logistic3A_817 : vector<5x32xf32>
    %logistic3A_819 = arith.constant 1.000000e+00 : f32
    %logistic3A_820 = vector.broadcast %logistic3A_819 : f32 to vector<5x32xf32>
    %logistic3A_821 = arith.addf %logistic3A_820, %logistic3A_818 : vector<5x32xf32>
    %logistic3A_822 = arith.divf %logistic3A_820, %logistic3A_821 : vector<5x32xf32>
    %slice3A_823 = vector.extract_strided_slice %add3A_815 {offsets = [0, 32], sizes = [5, 32], strides = [1, 1]} : vector<5x128xf32> to vector<5x32xf32>
    %logistic3A_824 = arith.negf %slice3A_823 : vector<5x32xf32>
    %logistic3A_825 = math.exp %logistic3A_824 : vector<5x32xf32>
    %logistic3A_826 = arith.constant 1.000000e+00 : f32
    %logistic3A_827 = vector.broadcast %logistic3A_826 : f32 to vector<5x32xf32>
    %logistic3A_828 = arith.addf %logistic3A_827, %logistic3A_825 : vector<5x32xf32>
    %logistic3A_829 = arith.divf %logistic3A_827, %logistic3A_828 : vector<5x32xf32>
    %slice3A_830 = vector.extract_strided_slice %add3A_815 {offsets = [0, 64], sizes = [5, 32], strides = [1, 1]} : vector<5x128xf32> to vector<5x32xf32>
    %tanh3A_831 = math.tanh %slice3A_830 : vector<5x32xf32>
    %slice3A_832 = vector.extract_strided_slice %add3A_815 {offsets = [0, 96], sizes = [5, 32], strides = [1, 1]} : vector<5x128xf32> to vector<5x32xf32>
    %logistic3A_833 = arith.negf %slice3A_832 : vector<5x32xf32>
    %logistic3A_834 = math.exp %logistic3A_833 : vector<5x32xf32>
    %logistic3A_835 = arith.constant 1.000000e+00 : f32
    %logistic3A_836 = vector.broadcast %logistic3A_835 : f32 to vector<5x32xf32>
    %logistic3A_837 = arith.addf %logistic3A_836, %logistic3A_834 : vector<5x32xf32>
    %logistic3A_838 = arith.divf %logistic3A_836, %logistic3A_837 : vector<5x32xf32>
    %mul3A_839 = arith.mulf %logistic3A_829, %add3A_794 : vector<5x32xf32>
    %mul3A_840 = arith.mulf %logistic3A_822, %tanh3A_831 : vector<5x32xf32>
    %add3A_841 = arith.addf %mul3A_839, %mul3A_840 : vector<5x32xf32>
    %tanh3A_842 = math.tanh %add3A_841 : vector<5x32xf32>
    %mul3A_843 = arith.mulf %logistic3A_838, %tanh3A_842 : vector<5x32xf32>
    %get3A_844 = arith.constant 18 : index
    %get3A_845 = arith.constant 0 : index
    %get3A_846 = vector.load %arg0[%get3A_844, %get3A_845] : memref<104x128xf32, #tpu.memory_space<vmem>>, vector<1x128xf32>
    %get3A_847 = arith.constant 38 : index
    %get3A_848 = arith.constant 0 : index
    %get3A_849 = vector.load %arg0[%get3A_847, %get3A_848] : memref<104x128xf32, #tpu.memory_space<vmem>>, vector<1x128xf32>
    %get3A_850 = arith.constant 58 : index
    %get3A_851 = arith.constant 0 : index
    %get3A_852 = vector.load %arg0[%get3A_850, %get3A_851] : memref<104x128xf32, #tpu.memory_space<vmem>>, vector<1x128xf32>
    %get3A_853 = arith.constant 78 : index
    %get3A_854 = arith.constant 0 : index
    %get3A_855 = vector.load %arg0[%get3A_853, %get3A_854] : memref<104x128xf32, #tpu.memory_space<vmem>>, vector<1x128xf32>
    %get3A_856 = arith.constant 98 : index
    %get3A_857 = arith.constant 0 : index
    %get3A_858 = vector.load %arg0[%get3A_856, %get3A_857] : memref<104x128xf32, #tpu.memory_space<vmem>>, vector<1x128xf32>
    %concatenate3A_859 = tpu.concatenate %get3A_846, %get3A_849, %get3A_852, %get3A_855, %get3A_858 in 0 : vector<1x128xf32>, vector<1x128xf32>, vector<1x128xf32>, vector<1x128xf32>, vector<1x128xf32> -> vector<5x128xf32>
    %dot_general3A_860 = arith.constant dense<0.000000e+00> : vector<5x128xf32>
    %dot_general3A_861 = tpu.matmul %mul3A_843, %get3A_1, %dot_general3A_860 {dimension_numbers = #tpu.dot_dimension_numbers<[1], [0], [0], [1], [0, 0, 1, 1], [], []>, transpose_lhs_hint = false} : vector<5x32xf32>, vector<32x128xf32>, vector<5x128xf32> -> vector<5x128xf32>
    %add3A_862 = arith.addf %concatenate3A_859, %dot_general3A_861 : vector<5x128xf32>
    %slice3A_863 = vector.extract_strided_slice %add3A_862 {offsets = [0, 0], sizes = [5, 32], strides = [1, 1]} : vector<5x128xf32> to vector<5x32xf32>
    %logistic3A_864 = arith.negf %slice3A_863 : vector<5x32xf32>
    %logistic3A_865 = math.exp %logistic3A_864 : vector<5x32xf32>
    %logistic3A_866 = arith.constant 1.000000e+00 : f32
    %logistic3A_867 = vector.broadcast %logistic3A_866 : f32 to vector<5x32xf32>
    %logistic3A_868 = arith.addf %logistic3A_867, %logistic3A_865 : vector<5x32xf32>
    %logistic3A_869 = arith.divf %logistic3A_867, %logistic3A_868 : vector<5x32xf32>
    %slice3A_870 = vector.extract_strided_slice %add3A_862 {offsets = [0, 32], sizes = [5, 32], strides = [1, 1]} : vector<5x128xf32> to vector<5x32xf32>
    %logistic3A_871 = arith.negf %slice3A_870 : vector<5x32xf32>
    %logistic3A_872 = math.exp %logistic3A_871 : vector<5x32xf32>
    %logistic3A_873 = arith.constant 1.000000e+00 : f32
    %logistic3A_874 = vector.broadcast %logistic3A_873 : f32 to vector<5x32xf32>
    %logistic3A_875 = arith.addf %logistic3A_874, %logistic3A_872 : vector<5x32xf32>
    %logistic3A_876 = arith.divf %logistic3A_874, %logistic3A_875 : vector<5x32xf32>
    %slice3A_877 = vector.extract_strided_slice %add3A_862 {offsets = [0, 64], sizes = [5, 32], strides = [1, 1]} : vector<5x128xf32> to vector<5x32xf32>
    %tanh3A_878 = math.tanh %slice3A_877 : vector<5x32xf32>
    %slice3A_879 = vector.extract_strided_slice %add3A_862 {offsets = [0, 96], sizes = [5, 32], strides = [1, 1]} : vector<5x128xf32> to vector<5x32xf32>
    %logistic3A_880 = arith.negf %slice3A_879 : vector<5x32xf32>
    %logistic3A_881 = math.exp %logistic3A_880 : vector<5x32xf32>
    %logistic3A_882 = arith.constant 1.000000e+00 : f32
    %logistic3A_883 = vector.broadcast %logistic3A_882 : f32 to vector<5x32xf32>
    %logistic3A_884 = arith.addf %logistic3A_883, %logistic3A_881 : vector<5x32xf32>
    %logistic3A_885 = arith.divf %logistic3A_883, %logistic3A_884 : vector<5x32xf32>
    %mul3A_886 = arith.mulf %logistic3A_876, %add3A_841 : vector<5x32xf32>
    %mul3A_887 = arith.mulf %logistic3A_869, %tanh3A_878 : vector<5x32xf32>
    %add3A_888 = arith.addf %mul3A_886, %mul3A_887 : vector<5x32xf32>
    %tanh3A_889 = math.tanh %add3A_888 : vector<5x32xf32>
    %mul3A_890 = arith.mulf %logistic3A_885, %tanh3A_889 : vector<5x32xf32>
    %get3A_891 = arith.constant 19 : index
    %get3A_892 = arith.constant 0 : index
    %get3A_893 = vector.load %arg0[%get3A_891, %get3A_892] : memref<104x128xf32, #tpu.memory_space<vmem>>, vector<1x128xf32>
    %get3A_894 = arith.constant 39 : index
    %get3A_895 = arith.constant 0 : index
    %get3A_896 = vector.load %arg0[%get3A_894, %get3A_895] : memref<104x128xf32, #tpu.memory_space<vmem>>, vector<1x128xf32>
    %get3A_897 = arith.constant 59 : index
    %get3A_898 = arith.constant 0 : index
    %get3A_899 = vector.load %arg0[%get3A_897, %get3A_898] : memref<104x128xf32, #tpu.memory_space<vmem>>, vector<1x128xf32>
    %get3A_900 = arith.constant 79 : index
    %get3A_901 = arith.constant 0 : index
    %get3A_902 = vector.load %arg0[%get3A_900, %get3A_901] : memref<104x128xf32, #tpu.memory_space<vmem>>, vector<1x128xf32>
    %get3A_903 = arith.constant 99 : index
    %get3A_904 = arith.constant 0 : index
    %get3A_905 = vector.load %arg0[%get3A_903, %get3A_904] : memref<104x128xf32, #tpu.memory_space<vmem>>, vector<1x128xf32>
    %concatenate3A_906 = tpu.concatenate %get3A_893, %get3A_896, %get3A_899, %get3A_902, %get3A_905 in 0 : vector<1x128xf32>, vector<1x128xf32>, vector<1x128xf32>, vector<1x128xf32>, vector<1x128xf32> -> vector<5x128xf32>
    %dot_general3A_907 = arith.constant dense<0.000000e+00> : vector<5x128xf32>
    %dot_general3A_908 = tpu.matmul %mul3A_890, %get3A_1, %dot_general3A_907 {dimension_numbers = #tpu.dot_dimension_numbers<[1], [0], [0], [1], [0, 0, 1, 1], [], []>, transpose_lhs_hint = false} : vector<5x32xf32>, vector<32x128xf32>, vector<5x128xf32> -> vector<5x128xf32>
    %add3A_909 = arith.addf %concatenate3A_906, %dot_general3A_908 : vector<5x128xf32>
    %slice3A_910 = vector.extract_strided_slice %add3A_909 {offsets = [0, 0], sizes = [5, 32], strides = [1, 1]} : vector<5x128xf32> to vector<5x32xf32>
    %logistic3A_911 = arith.negf %slice3A_910 : vector<5x32xf32>
    %logistic3A_912 = math.exp %logistic3A_911 : vector<5x32xf32>
    %logistic3A_913 = arith.constant 1.000000e+00 : f32
    %logistic3A_914 = vector.broadcast %logistic3A_913 : f32 to vector<5x32xf32>
    %logistic3A_915 = arith.addf %logistic3A_914, %logistic3A_912 : vector<5x32xf32>
    %logistic3A_916 = arith.divf %logistic3A_914, %logistic3A_915 : vector<5x32xf32>
    %slice3A_917 = vector.extract_strided_slice %add3A_909 {offsets = [0, 32], sizes = [5, 32], strides = [1, 1]} : vector<5x128xf32> to vector<5x32xf32>
    %logistic3A_918 = arith.negf %slice3A_917 : vector<5x32xf32>
    %logistic3A_919 = math.exp %logistic3A_918 : vector<5x32xf32>
    %logistic3A_920 = arith.constant 1.000000e+00 : f32
    %logistic3A_921 = vector.broadcast %logistic3A_920 : f32 to vector<5x32xf32>
    %logistic3A_922 = arith.addf %logistic3A_921, %logistic3A_919 : vector<5x32xf32>
    %logistic3A_923 = arith.divf %logistic3A_921, %logistic3A_922 : vector<5x32xf32>
    %slice3A_924 = vector.extract_strided_slice %add3A_909 {offsets = [0, 64], sizes = [5, 32], strides = [1, 1]} : vector<5x128xf32> to vector<5x32xf32>
    %tanh3A_925 = math.tanh %slice3A_924 : vector<5x32xf32>
    %slice3A_926 = vector.extract_strided_slice %add3A_909 {offsets = [0, 96], sizes = [5, 32], strides = [1, 1]} : vector<5x128xf32> to vector<5x32xf32>
    %logistic3A_927 = arith.negf %slice3A_926 : vector<5x32xf32>
    %logistic3A_928 = math.exp %logistic3A_927 : vector<5x32xf32>
    %logistic3A_929 = arith.constant 1.000000e+00 : f32
    %logistic3A_930 = vector.broadcast %logistic3A_929 : f32 to vector<5x32xf32>
    %logistic3A_931 = arith.addf %logistic3A_930, %logistic3A_928 : vector<5x32xf32>
    %logistic3A_932 = arith.divf %logistic3A_930, %logistic3A_931 : vector<5x32xf32>
    %mul3A_933 = arith.mulf %logistic3A_923, %add3A_888 : vector<5x32xf32>
    %mul3A_934 = arith.mulf %logistic3A_916, %tanh3A_925 : vector<5x32xf32>
    %add3A_935 = arith.addf %mul3A_933, %mul3A_934 : vector<5x32xf32>
    %tanh3A_936 = math.tanh %add3A_935 : vector<5x32xf32>
    %mul3A_937 = arith.mulf %logistic3A_932, %tanh3A_936 : vector<5x32xf32>
    %concatenate3A_938 = tpu.concatenate %mul3A_749, %mul3A_796, %mul3A_843, %mul3A_890, %mul3A_937 in 0 : vector<5x32xf32>, vector<5x32xf32>, vector<5x32xf32>, vector<5x32xf32>, vector<5x32xf32> -> vector<25x32xf32>
    %get3A_939 = arith.constant 0 : index
    %get3A_940 = arith.constant 0 : index
    %get3A_941 = vector.load %arg2[%get3A_939, %get3A_940] : memref<32x16xf32, #tpu.memory_space<vmem>>, vector<32x16xf32>
    %dot_general3A_942 = arith.constant dense<0.000000e+00> : vector<25x16xf32>
    %dot_general3A_943 = tpu.matmul %concatenate3A_938, %get3A_941, %dot_general3A_942 {dimension_numbers = #tpu.dot_dimension_numbers<[1], [0], [0], [1], [0, 0, 1, 1], [], []>, transpose_lhs_hint = false} : vector<25x32xf32>, vector<32x16xf32>, vector<25x16xf32> -> vector<25x16xf32>
    %get3A_944 = arith.constant 0 : index
    %get3A_945 = arith.constant 0 : index
    %get3A_946 = vector.load %arg3[%get3A_944, %get3A_945] : memref<1x16xf32, #tpu.memory_space<vmem>>, vector<1x16xf32>
    %add3A_947 = vector.broadcast %get3A_946 : vector<1x16xf32> to vector<25x16xf32>
    %add3A_948 = arith.addf %dot_general3A_943, %add3A_947 : vector<25x16xf32>
    %max3A = arith.constant 0.000000e+00 : f32
    %max3A_949 = vector.broadcast %max3A : f32 to vector<25x16xf32>
    %max3A_950 = arith.maximumf %add3A_948, %max3A_949 : vector<25x16xf32>
    %get3A_951 = arith.constant 0 : index
    %get3A_952 = arith.constant 0 : index
    %get3A_953 = vector.load %arg4[%get3A_951, %get3A_952] : memref<16x10xf32, #tpu.memory_space<vmem>>, vector<16x10xf32>
    %dot_general3A_954 = arith.constant dense<0.000000e+00> : vector<25x10xf32>
    %dot_general3A_955 = tpu.matmul %max3A_950, %get3A_953, %dot_general3A_954 {dimension_numbers = #tpu.dot_dimension_numbers<[1], [0], [0], [1], [0, 0, 1, 1], [], []>, transpose_lhs_hint = false} : vector<25x16xf32>, vector<16x10xf32>, vector<25x10xf32> -> vector<25x10xf32>
    %get3A_956 = arith.constant 0 : index
    %get3A_957 = arith.constant 0 : index
    %get3A_958 = vector.load %arg5[%get3A_956, %get3A_957] : memref<1x10xf32, #tpu.memory_space<vmem>>, vector<1x10xf32>
    %add3A_959 = vector.broadcast %get3A_958 : vector<1x10xf32> to vector<25x10xf32>
    %add3A_960 = arith.addf %dot_general3A_955, %add3A_959 : vector<25x10xf32>
    %swap3A = arith.constant 0 : index
    %swap3A_961 = arith.constant 0 : index
    %swap3A_962 = vector.load %arg6[%swap3A, %swap3A_961] : memref<25x10xf32, #tpu.memory_space<vmem>>, vector<25x10xf32>
    tpu.vector_store %arg6[%swap3A, %swap3A_961], %add3A_960 {strides = array<i32>} : memref<25x10xf32, #tpu.memory_space<vmem>>, vector<25x10xf32>,
    return
  }
}

</mosaic_0001>

<sc_bundles>
// kernel: kernel.10.cloned.1.call-start
scs
__scs_entry_jumppad:
0x0: {  	(pc) =	sbr.rel $0x88, $3  }
0x1: {  	(tag) =	ssettag $0x0;
	lr =	simm.s32 $0x1  }
0x2: {  	[smem:$0x3F93] =	sst lr;
	_ =	strace $0xD0000000  }
0x3: {  	_ = 	snop  }
0x4: {  	_ = 	snop  }
0x5: {  	_ = 	snop  }
0x6: {  	_ = 	snop  }
0x7: {  	_ = 	snop  }
__scs_overlays_trampoline_lowered:
0x8: {  	[smem:$0x3FA2] =	sst s0  }
0x9: {  	[smem:$0x3FA3] =	sst s1  }
0xa: {  	[smem:$0x3FA4] =	sst s2  }
0xb: {  	[smem:$0x3FA5] =	sst s3  }
0xc: {  	[smem:$0x3FA6] =	sst s4  }
0xd: {  	[smem:$0x3FA7] =	sst s5  }
0xe: {  	[smem:$0x3FA8] =	sst s6  }
0xf: {  	[smem:$0x3FA9] =	sst s7  }
0x10: {  	[smem:$0x3FAA] =	sst s8  }
0x11: {  	[smem:$0x3FAB] =	sst s9;
	s0 =	simm.s32 @!p0 $0x0  }
0x12: {  	s1 =	sld [smem:$0x3F91];
	s0 =	simm.s32 @p0 $0x1  }
0x13: {  	[smem:$0x3FAC] =	sst s0;
	s0 =	simm.s32 @!p1 $0x0  }
0x14: {  	s2 =	sld [smem:$0x3F90];
	s0 =	simm.s32 @p1 $0x1  }
0x15: {  	[smem:$0x3FAD] =	sst s0;
	s0 =	simm.s32 @!p2 $0x0  }
0x16: {  	s3 =	sld [smem:$0x3FDB];
	s0 =	simm.s32 @p2 $0x1  }
0x17: {  	s4 =	simm.s32 $0x1BF5;
	[smem:$0x3FAF] =	sst s0  }
0x18: {  	s0 =	sld [smem:$0x3F92];
	_ =	swait.ge [sflag:s4], $0x0  }
0x19: {  	s7 =	sld [smem:$0x3F93]  }
0x1a: {  	s8 =	sadd.s32 $0xFFFFE003, lr  }
0x1b: {  	s9 =	sadd.s32 $0xFFFFFEF7, lr;
	s5 =	simm.s32 $0xFFFFFFFF;
	p2 =	slt.u32 s8, $0xFFFFF086  }
0x1c: {  	p1 =	slt.u32 s9, $0xF7A;
	s5 =	simm.s32 @!p2 $0x0  }
0x1d: {  	s5 =	simm.s32 @p1 $0x1;
	p0 =	seq.s32 s7, s2  }
0x1e: {  	s7 =	smul.u32 @!p0 $0xF7A, s2;
	p2 =	seq.s32 @!p0 s5, $0x0  }
0x1f: {  	s9 =	smul.u32 $0xF7A, s1;
	s8 =	simm.s32 @!p0 $0x1BF5;
	p2 =	por !p2, p0  }
0x20: {  	[sflag:s8] =	ssyncset.s32 @!p0 $0xFFFFF086;
	s6 =	sadd.s32 @!p0 s3, s7;
	s7 =	simm.s32 @!p0 $0x108  }
0x21: {  	s3 =	sadd.s32 s3, s9;
	s6 =	sadd.s32 @!p0 $0x88, s6;
	s7 =	simm.s32 @p2 $0x1082  }
0x22: {  	[simem:s7], [sflag:s8] =	dma.local @!p0 [hbm:s6], $0xF7A  }
0x23: {  	s9 =	sor.u32 $0xD0000000, s2;
	s6 =	simm.s32 $0x108;
	_ =	swait.ge @!p0 [sflag:s8], $0x0  }
0x24: {  	s3 =	sadd.s32 $0x88, s3;
	s6 =	simm.s32 @!p1 $0x1082;
	[sflag:s4] =	ssyncset.s32 $0xFFFFF086  }
0x25: {  	[simem:s6], [sflag:s4] =	dma.local [hbm:s3], $0xF7A  }
0x26: {  	[smem:$0x3F93] =	sst s1;
	(tag) =	ssettag s2;
	_ =	strace s9  }
0x27: {  	s1 =	sld [smem:$0x3FA3]  }
0x28: {  	s2 =	sld [smem:$0x3FA4]  }
0x29: {  	s4 =	sld [smem:$0x3FA6]  }
0x2a: {  	p0 =	seq.s32 s5, $0x0;
	s5 =	sld [smem:$0x3FA7]  }
0x2b: {  	s6 =	sld [smem:$0x3FA8]  }
0x2c: {  	s7 =	sld [smem:$0x3FA9]  }
0x2d: {  	s3 =	simm.s32 $0x108;
	s8 =	sld [smem:$0x3FAA]  }
0x2e: {  	s3 =	simm.s32 @!p0 $0x1082;
	s9 =	sld [smem:$0x3FAB]  }
0x2f: {  	lr =	sadd.s32 s0, s3;
	s0 =	sld [smem:$0x3FA2]  }
0x30: {  	s3 =	sld [smem:$0x3FA5]  }
0x31: {  	[smem:$0x3FAE] =	sst s10  }
0x32: {  	s10 =	sld [smem:$0x3FAC];
	_ =	sdelay $0x3  }
0x33: {  	p0 =	seq.s32 s10, $0x1;
	s10 =	sld [smem:$0x3FAE];
	_ =	sdelay $0x3  }
0x34: {  	[smem:$0x3FAE] =	sst s10  }
0x35: {  	s10 =	sld [smem:$0x3FAD];
	_ =	sdelay $0x3  }
0x36: {  	p1 =	seq.s32 s10, $0x1;
	s10 =	sld [smem:$0x3FAE];
	_ =	sdelay $0x3  }
0x37: {  	[smem:$0x3FAE] =	sst s10  }
0x38: {  	s10 =	sld [smem:$0x3FAF]  }
0x39: {  	_ = 	snop;
	(pc) =	sbr.ind lr, $3  }
0x3a: {  	_ = 	snop  }
0x3b: {  	_ = 	snop  }
0x3c: {  	p2 =	seq.s32 s10, $0x1;
	s10 =	sld [smem:$0x3FAE]  }
0x3d: {  	_ =	shalt  }
0x3e: {  	_ =	shalt  }
0x3f: {  	_ =	shalt  }
0x40: {  	_ =	shalt  }
0x41: {  	_ =	shalt  }
0x42: {  	_ =	shalt  }
0x43: {  	_ =	shalt  }
0x44: {  	_ =	shalt  }
0x45: {  	_ =	shalt  }
0x46: {  	_ =	shalt  }
0x47: {  	_ =	shalt  }
0x48: {  	_ =	shalt  }
0x49: {  	_ =	shalt  }
0x4a: {  	_ =	shalt  }
0x4b: {  	_ =	shalt  }
0x4c: {  	_ =	shalt  }
0x4d: {  	_ =	shalt  }
0x4e: {  	_ =	shalt  }
0x4f: {  	_ =	shalt  }
0x50: {  	_ =	shalt  }
0x51: {  	_ =	shalt  }
0x52: {  	_ =	shalt  }
0x53: {  	_ =	shalt  }
0x54: {  	_ =	shalt  }
0x55: {  	_ =	shalt  }
0x56: {  	_ =	shalt  }
0x57: {  	_ =	shalt  }
0x58: {  	_ =	shalt  }
0x59: {  	_ =	shalt  }
0x5a: {  	_ =	shalt  }
0x5b: {  	_ =	shalt  }
0x5c: {  	_ =	shalt  }
0x5d: {  	_ =	shalt  }
0x5e: {  	_ =	shalt  }
0x5f: {  	_ =	shalt  }
0x60: {  	_ =	shalt  }
0x61: {  	_ =	shalt  }
0x62: {  	_ =	shalt  }
0x63: {  	_ =	shalt  }
0x64: {  	_ =	shalt  }
0x65: {  	_ =	shalt  }
0x66: {  	_ =	shalt  }
0x67: {  	_ =	shalt  }
0x68: {  	_ =	shalt  }
0x69: {  	_ =	shalt  }
0x6a: {  	_ =	shalt  }
0x6b: {  	_ =	shalt  }
0x6c: {  	_ =	shalt  }
0x6d: {  	_ =	shalt  }
0x6e: {  	_ =	shalt  }
0x6f: {  	_ =	shalt  }
0x70: {  	_ =	shalt  }
0x71: {  	_ =	shalt  }
0x72: {  	_ =	shalt  }
0x73: {  	_ =	shalt  }
0x74: {  	_ =	shalt  }
0x75: {  	_ =	shalt  }
0x76: {  	_ =	shalt  }
0x77: {  	_ =	shalt  }
0x78: {  	_ =	shalt  }
0x79: {  	_ =	shalt  }
0x7a: {  	_ =	shalt  }
0x7b: {  	_ =	shalt  }
0x7c: {  	_ =	shalt  }
0x7d: {  	_ =	shalt  }
0x7e: {  	_ =	shalt  }
0x7f: {  	_ =	shalt  }
0x80: {  	_ =	shalt  }
0x81: {  	_ =	shalt  }
0x82: {  	_ =	shalt  }
0x83: {  	_ =	shalt  }
0x84: {  	_ =	shalt  }
0x85: {  	_ =	shalt  }
0x86: {  	_ =	shalt  }
0x87: {  	_ =	shalt  }
.Lfunc_end0:
.L_simem_size_0:
called_computation_lowered:
.L_overlay_start_0:
0x88: {  	s2 =	sld [smem:$0x3FD9]  }
0x89: {  	s3 =	sld [smem:$0x3FFE];
	_ =	sdelay $0x1  }
0x8a: {  	s1 =	srdreg.scid  }
0x8b: {  	s0 =	sand.u32 $0x1, s1  }
0x8c: {  	s16 =	sshll.u32 s0, $0xA;
	s2 =	sadd.s32 s3, s2  }
0x8d: {  	s2 =	sadd.s32 s2, s16  }
0x8e: {  	[smem:$0x3FBA] =	sst s2  }
0x8f: {  	_ = 	snop  }
0x90: {  	(tm) =	ssettm $0x1  }
0x91: {  	s17 =	sld [smem:$0x3FFB];
	_ =	sdelay $0x3  }
0x92: {  	_ =	strace s17  }
0x93: {  	s2 =	sld [smem:$0x3FFC];
	_ =	sdelay $0x3  }
0x94: {  	_ =	strace s2  }
0x95: {  	s2 =	sld [smem:$0x3FFD];
	_ =	sdelay $0x3  }
0x96: {  	_ =	strace s2  }
0x97: {  	_ =	strace $0x8FFFFFFF  }
0x98: {  	s18 =	sld [smem:$0x3FDB];
	_ =	sdelay $0x1  }
0x99: {  	s19 =	simm.s32 $_scs_section_size  }
0x9a: {  	s4 =	simm.s32 $_size__tile_overlayer_lowered;
	s5 =	simm.s32 $_tile_overlayer_lowered  }
0x9b: {  	s22 =	simm.s32 $0x1BFF;
	s21 =	sshll.u32 s5, $0x1;
	s2 =	sadd.s32 s19, s18  }
0x9c: {  	s6 =	simm.s32 $0x0;
	s20 =	sshll.u32 s4, $0x1;
	s4 =	sadd.s32 s21, s2  }
0x9d: {  	[timem:s6], [sflag:s22] =	dma.local [hbm:s4], s20  }
0x9e: {  	_ =	swait.ge [sflag:s22], s20  }
0x9f: {  	s3 =	ssub.s32 $0x0, s20;
	[sflag:s22] =	ssyncset.done $0x0  }
0xa0: {  	[sflag:s22] =	ssyncadd.s32 s3;
	_ =	sdelay $0x1  }
0xa1: {  	s23 =	simm.s32 $0x1B8B  }
0xa2: {  	_ =	swait.ge [sflag:s23], $0x1  }
0xa3: {  	[sflag:s23] =	ssyncset.done $0x0  }
0xa4: {  	s25 =	simm.s32 $0x1B8E;
	s24 =	sld [smem:$0x3FFE];
	[sflag:s23] =	ssyncadd.s32 $0xFFFFFFFF  }
0xa5: {  	s26 =	simm.s32 $execute0_lowered;
	[smem:$0x3FD2] =	sst s25  }
0xa6: {  	s4 =	sshll.u32 s26, $0x1;
	_ =	strace $0x80000046;
	[dreg:$0x1] =	wrdreg $0xFFFFFFFF  }
0xa7: {  	s28 =	simm.s32 $_size_execute0_lowered;
	s2 =	sadd.s32 s2, s4;
	[dreg:$0x0] =	wrdreg $0x0  }
0xa8: {  	s4 =	sshll.u32 s28, $0x1;
	[dreg:$0x2] =	wrdreg s2  }
0xa9: {  	[dreg:$0x3] =	wrdreg s4  }
0xaa: {  	[dreg:$0x4] =	wrdreg $0xC0  }
0xab: {  	_ =	task [dreg:s6], $0x5FFFF  }
0xac: {  	[dreg:$0x1] =	wrdreg $0xFFFFFFFF  }
0xad: {  	[dreg:$0x0] =	wrdreg $0x60  }
0xae: {  	[dreg:$0x2] =	wrdreg s24  }
0xaf: {  	[dreg:$0x3] =	wrdreg $0x31000  }
0xb0: {  	[dreg:$0x4] =	wrdreg $0x9  }
0xb1: {  	_ =	task.clear_ibuf [dreg:s6], $0x5FFFF;
	_ =	strace $0x90000046  }
0xb2: {  	s29 =	simm.s32 $0x9;
	_ =	strace $0x80000048  }
0xb3: {  	_ =	swait.ge [sflag:s29], $0x1  }
0xb4: {  	[sflag:s29] =	ssyncadd.s32 $0xFFFFFFFF  }
0xb5: {  	_ =	strace $0x90000048  }
0xb6: {  	_ =	sfence  }
0xb7: {  	s30 =	sld [smem:$0x0];
	_ =	sdelay $0x2  }
0xb8: {  	s31 =	sshll.u32 s1, $0xD;
	s1 =	sshrl.u32 s1, $0x2  }
0xb9: {  	s3 =	sand.u32 $0x4000, s31;
	s1 =	sadd.s32 s1, s30  }
0xba: {  	s0 =	sor.u32 s3, s0;
	s1 =	sshll.u32 s1, $0x11  }
0xbb: {  	s0 =	sor.u32 s1, s0  }
0xbc: {  	s0 =	sadd.s32 $0x8F2B, s0  }
0xbd: {  	[sflag:s0] =	ssyncadd.remote.s32 $0x1  }
0xbe: {  	_ =	sfence.sel $0xFFFF  }
0xbf: {  	[dreg:$0x0] =	wrdreg $0xFFFFFFFF;
	(pc) =	sbr.abs _section_cstart, $3  }
0xc0: {  	[dreg:$0x1] =	wrdreg $0xFFFFFFFF  }
0xc1: {  	_ =	task.clear_ibuf [dreg:s6], $0x2FFFF;
	_ =	strace $0x9FFFFFFF  }
0xc2: {  	(tm) =	ssettm $0x7FFFFFFF  }
0xc3: {  	_ =	shalt  }
tec
execute0_lowered:
.L_overlay_start_1:
0x0: {  	(tag) =	ssettag $0x1  }
0x1: {  	s4 =	rddreg [dreg:$0x0]  }
0x2: {  	s2 =	rddreg [dreg:$0x1];
	s1 =	srdreg.scid  }
0x3: {  	s0 =	rddreg [dreg:$0x2];
	s3 =	simm.s32 $0x0;
	s5 =	sand.u32 $0x1, s1  }
0x4: {  	s11 =	simm.s32 $0x2800;
	s1 =	stileid.u32;
	s6 =	smul.u32 $0x28000, s5  }
0x5: {  	s14 =	simm.s32 $0x0;
	[smem:$0x7FF] =	sst s3;
	s8 =	smul.u32 $0x2800, s1  }
0x6: {  	s7 =	sshll.u32 s1, $0x1;
	_ =	strace $0x80000047;
	s9 =	smul.u32 $0xA000, s1  }
0x7: {  	s12 =	sshll.u32 s1, $0x6;
	s7 =	sor.u32 s5, s7;
	s5 =	ssub.s32 $0x2, s5  }
0x8: {  	s12 =	sor.u32 $0x1C01, s12;
	s7 =	smul.u32 $0x500, s7;
	s6 =	sadd.s32 s8, s6  }
0x9: {  	s30 =	sshrl.u32 s5, $0x1;
	s31 =	sshrl.u32 s9, $0x2;
	s13 =	sadd.s32 s8, s2  }
0xa: {  	s8 =	simm.s32 $0x1;
	s9 =	simm.s32 $0x3000;
	s6 =	sshrl.u32 s6, $0x3  }
0xb: {  	s10 =	ssub.s32 s5, s30;
	s5 =	sadd.s32 s31, s2;
	s7 =	sadd.s32 s7, s4  }
0xc: {  	s13 =	sshrl.u32 s13, $0x3;
	s6 =	sadd.s32 s6, s4;
	s4 =	sadd.s32 $0x2E00, s7  }
0xd: {  	v0 =	vimm.f32 $0.0e+00;
	v1 =	vimm.f32 $1.000000000e+00;
	s6 =	sadd.s32 $0xCE00, s6;
	s7 =	smax.u32 s10, $0x1;
	s10 =	simm.s32 $0x80  }
.LBB2_1:
0xe: {  	[tilespmem:s3], [sflag:$0x1] =	stream.linear.gather [hbm4b:s4+s3], $0x2800, $0x38;
	[tilespmem:$0x5900] =	vst v63  }
0xf: {  	_ =	swait.ge [sflag:s8], $0x2800  }
0x10: {  	[sflag:s8] =	ssyncset.done $0x0  }
0x11: {  	[sflag:s8] =	ssyncadd.s32 $0xFFFFD800  }
0x12: {  	[tilespmem:$0x3000] =	vst v0  }
0x13: {  	[tilespmem:$0x3010] =	vst v0  }
0x14: {  	[tilespmem:$0x3020] =	vst v0  }
0x15: {  	[tilespmem:$0x3030] =	vst v0  }
0x16: {  	[tilespmem:$0x3040] =	vst v0  }
0x17: {  	[tilespmem:$0x3050] =	vst v0  }
0x18: {  	[tilespmem:$0x3060] =	vst v0  }
0x19: {  	[tilespmem:$0x3070] =	vst v0  }
0x1a: {  	[tilespmem:$0x3080] =	vst v0  }
0x1b: {  	[tilespmem:$0x3090] =	vst v0  }
0x1c: {  	[tilespmem:$0x30A0] =	vst v0  }
0x1d: {  	[tilespmem:$0x30B0] =	vst v0  }
0x1e: {  	[tilespmem:$0x30C0] =	vst v0  }
0x1f: {  	[tilespmem:$0x30D0] =	vst v0  }
0x20: {  	[tilespmem:$0x30E0] =	vst v0  }
0x21: {  	[tilespmem:$0x30F0] =	vst v0  }
0x22: {  	[tilespmem:$0x2800] =	vst v1  }
0x23: {  	[tilespmem:$0x2810] =	vst v1  }
0x24: {  	[tilespmem:$0x2820] =	vst v1  }
0x25: {  	[tilespmem:$0x2830] =	vst v1  }
0x26: {  	[tilespmem:$0x2840] =	vst v1  }
0x27: {  	[tilespmem:$0x2850] =	vst v1  }
0x28: {  	[tilespmem:$0x2860] =	vst v1  }
0x29: {  	[tilespmem:$0x2870] =	vst v1  }
0x2a: {  	[tilespmem:$0x2880] =	vst v1  }
0x2b: {  	[tilespmem:$0x2890] =	vst v1  }
0x2c: {  	[tilespmem:$0x28A0] =	vst v1  }
0x2d: {  	[tilespmem:$0x28B0] =	vst v1  }
0x2e: {  	[tilespmem:$0x28C0] =	vst v1  }
0x2f: {  	[tilespmem:$0x28D0] =	vst v1  }
0x30: {  	[tilespmem:$0x28E0] =	vst v1  }
0x31: {  	[tilespmem:$0x28F0] =	vst v1  }
0x32: {  	[tilespmem:$0x2900] =	vst v1  }
0x33: {  	[tilespmem:$0x2910] =	vst v1  }
0x34: {  	[tilespmem:$0x2920] =	vst v1  }
0x35: {  	[tilespmem:$0x2930] =	vst v1  }
0x36: {  	[tilespmem:$0x2940] =	vst v1  }
0x37: {  	[tilespmem:$0x2950] =	vst v1  }
0x38: {  	[tilespmem:$0x2960] =	vst v1  }
0x39: {  	[tilespmem:$0x2970] =	vst v1  }
0x3a: {  	[tilespmem:$0x2980] =	vst v1  }
0x3b: {  	[tilespmem:$0x2990] =	vst v1  }
0x3c: {  	[tilespmem:$0x29A0] =	vst v1  }
0x3d: {  	[tilespmem:$0x29B0] =	vst v1  }
0x3e: {  	[tilespmem:$0x29C0] =	vst v1  }
0x3f: {  	[tilespmem:$0x29D0] =	vst v1  }
0x40: {  	[tilespmem:$0x29E0] =	vst v1  }
0x41: {  	[tilespmem:$0x29F0] =	vst v1  }
0x42: {  	[tilespmem:$0x2A00] =	vst v1  }
0x43: {  	[tilespmem:$0x2A10] =	vst v1  }
0x44: {  	[tilespmem:$0x2A20] =	vst v1  }
0x45: {  	[tilespmem:$0x2A30] =	vst v1  }
0x46: {  	[tilespmem:$0x2A40] =	vst v1  }
0x47: {  	[tilespmem:$0x2A50] =	vst v1  }
0x48: {  	[tilespmem:$0x2A60] =	vst v1  }
0x49: {  	[tilespmem:$0x2A70] =	vst v1  }
0x4a: {  	[tilespmem:$0x2A80] =	vst v1  }
0x4b: {  	[tilespmem:$0x2A90] =	vst v1  }
0x4c: {  	[tilespmem:$0x2AA0] =	vst v1  }
0x4d: {  	[tilespmem:$0x2AB0] =	vst v1  }
0x4e: {  	[tilespmem:$0x2AC0] =	vst v1  }
0x4f: {  	[tilespmem:$0x2AD0] =	vst v1  }
0x50: {  	[tilespmem:$0x2AE0] =	vst v1  }
0x51: {  	[tilespmem:$0x2AF0] =	vst v1  }
0x52: {  	[tilespmem:$0x2B00] =	vst v1  }
0x53: {  	[tilespmem:$0x2B10] =	vst v1  }
0x54: {  	[tilespmem:$0x2B20] =	vst v1  }
0x55: {  	[tilespmem:$0x2B30] =	vst v1  }
0x56: {  	[tilespmem:$0x2B40] =	vst v1  }
0x57: {  	[tilespmem:$0x2B50] =	vst v1  }
0x58: {  	[tilespmem:$0x2B60] =	vst v1  }
0x59: {  	[tilespmem:$0x2B70] =	vst v1  }
0x5a: {  	[tilespmem:$0x2B80] =	vst v1  }
0x5b: {  	[tilespmem:$0x2B90] =	vst v1  }
0x5c: {  	[tilespmem:$0x2BA0] =	vst v1  }
0x5d: {  	[tilespmem:$0x2BB0] =	vst v1  }
0x5e: {  	[tilespmem:$0x2BC0] =	vst v1  }
0x5f: {  	[tilespmem:$0x2BD0] =	vst v1  }
0x60: {  	[tilespmem:$0x2BE0] =	vst v1  }
0x61: {  	[tilespmem:$0x2BF0] =	vst v1  }
0x62: {  	[tilespmem:$0x2C00] =	vst v1  }
0x63: {  	[tilespmem:$0x2C10] =	vst v1  }
0x64: {  	[tilespmem:$0x2C20] =	vst v1  }
0x65: {  	[tilespmem:$0x2C30] =	vst v1  }
0x66: {  	[tilespmem:$0x2C40] =	vst v1  }
0x67: {  	[tilespmem:$0x2C50] =	vst v1  }
0x68: {  	[tilespmem:$0x2C60] =	vst v1  }
0x69: {  	[tilespmem:$0x2C70] =	vst v1  }
0x6a: {  	[tilespmem:$0x2C80] =	vst v1  }
0x6b: {  	[tilespmem:$0x2C90] =	vst v1  }
0x6c: {  	[tilespmem:$0x2CA0] =	vst v1  }
0x6d: {  	[tilespmem:$0x2CB0] =	vst v1  }
0x6e: {  	[tilespmem:$0x2CC0] =	vst v1  }
0x6f: {  	[tilespmem:$0x2CD0] =	vst v1  }
0x70: {  	[tilespmem:$0x2CE0] =	vst v1  }
0x71: {  	[tilespmem:$0x2CF0] =	vst v1  }
0x72: {  	[tilespmem:$0x2D00] =	vst v1  }
0x73: {  	[tilespmem:$0x2D10] =	vst v1  }
0x74: {  	[tilespmem:$0x2D20] =	vst v1  }
0x75: {  	[tilespmem:$0x2D30] =	vst v1  }
0x76: {  	[tilespmem:$0x2D40] =	vst v1  }
0x77: {  	[tilespmem:$0x2D50] =	vst v1  }
0x78: {  	[tilespmem:$0x2D60] =	vst v1  }
0x79: {  	[tilespmem:$0x2D70] =	vst v1  }
0x7a: {  	[tilespmem:$0x2D80] =	vst v1  }
0x7b: {  	[tilespmem:$0x2D90] =	vst v1  }
0x7c: {  	[tilespmem:$0x2DA0] =	vst v1  }
0x7d: {  	[tilespmem:$0x2DB0] =	vst v1  }
0x7e: {  	[tilespmem:$0x2DC0] =	vst v1  }
0x7f: {  	[tilespmem:$0x2DD0] =	vst v1  }
0x80: {  	[tilespmem:$0x2DE0] =	vst v1  }
0x81: {  	[tilespmem:$0x2DF0] =	vst v1  }
0x82: {  	[tilespmem:$0x2E00] =	vst v1  }
0x83: {  	[tilespmem:$0x2E10] =	vst v1  }
0x84: {  	[tilespmem:$0x2E20] =	vst v1  }
0x85: {  	[tilespmem:$0x2E30] =	vst v1  }
0x86: {  	[tilespmem:$0x2E40] =	vst v1  }
0x87: {  	[tilespmem:$0x2E50] =	vst v1  }
0x88: {  	[tilespmem:$0x2E60] =	vst v1  }
0x89: {  	[tilespmem:$0x2E70] =	vst v1  }
0x8a: {  	[tilespmem:$0x2E80] =	vst v1  }
0x8b: {  	[tilespmem:$0x2E90] =	vst v1  }
0x8c: {  	[tilespmem:$0x2EA0] =	vst v1  }
0x8d: {  	[tilespmem:$0x2EB0] =	vst v1  }
0x8e: {  	[tilespmem:$0x2EC0] =	vst v1  }
0x8f: {  	[tilespmem:$0x2ED0] =	vst v1  }
0x90: {  	[tilespmem:$0x2EE0] =	vst v1  }
0x91: {  	[tilespmem:$0x2EF0] =	vst v1  }
0x92: {  	[tilespmem:$0x2F00] =	vst v1  }
0x93: {  	[tilespmem:$0x2F10] =	vst v1  }
0x94: {  	[tilespmem:$0x2F20] =	vst v1  }
0x95: {  	[tilespmem:$0x2F30] =	vst v1  }
0x96: {  	[tilespmem:$0x2F40] =	vst v1  }
0x97: {  	[tilespmem:$0x2F50] =	vst v1  }
0x98: {  	[tilespmem:$0x2F60] =	vst v1  }
0x99: {  	[tilespmem:$0x2F70] =	vst v1  }
0x9a: {  	[tilespmem:$0x2F80] =	vst v1  }
0x9b: {  	[tilespmem:$0x2F90] =	vst v1  }
0x9c: {  	[tilespmem:$0x2FA0] =	vst v1  }
0x9d: {  	[tilespmem:$0x2FB0] =	vst v1  }
0x9e: {  	[tilespmem:$0x2FC0] =	vst v1  }
0x9f: {  	[tilespmem:$0x2FD0] =	vst v1  }
0xa0: {  	[tilespmem:$0x2FE0] =	vst v1  }
0xa1: {  	s15 =	sadd.s32 $0x0, s5;
	[tilespmem:$0x2FF0] =	vst v1  }
0xa2: {  	[spmem:s15] =	stream.linear.scatter [tilespmem:s9], [sflag:$0x1], $0x100, $0x38;
	[tilespmem:$0x5900] =	vst v63  }
0xa3: {  	s15 =	simm.s32 $0x400;
	_ =	swait.ge [sflag:s8], $0x100  }
.LBB2_2:
0xa4: {  	s16 =	sshra.s32 s15, $0x2;
	[sflag:s8] =	ssyncset.done $0x0;
	p0 =	sne.s32 s15, $0x9C00  }
.Ltmp0:
0xa5: {  	s16 =	sadd.s32 s16, s5;
	[sflag:s8] =	ssyncadd.s32 $0xFFFFFF00;
	(pc) =	sbr.rel @p0 .LBB2_2-.Ltmp0, $3  }
0xa6: {  	[spmem:s16] =	stream.linear.scatter [tilespmem:s9], [sflag:$0x1], $0x100, $0x38;
	[tilespmem:$0x5900] =	vst v63  }
0xa7: {  	s15 =	sadd.s32 $0x400, s15;
	_ =	sdelay $0x1  }
0xa8: {  	_ =	swait.ge [sflag:s8], $0x100  }
0xa9: {  	[sflag:s8] =	ssyncset.done $0x0  }
0xaa: {  	[sflag:s8] =	ssyncadd.s32 $0xFFFFFF00  }
0xab: {  	s15 =	simm.s32 $0x0;
	[bflag:$0x0] =	sbarrier.arrive $0xFFFF  }
0xac: {  	[spmem:s2] =	stream.indirect.scatter.add.f32 [tilespmem:s11], [sflag:$0x1], $0x10, s15, s10, $0xb8;
	[tilespmem:$0x5900] =	vst v63  }
0xad: {  	_ =	swait.ge [sflag:s8], $0x800  }
0xae: {  	s15 =	simm.s32 $0x200;
	[sflag:s8] =	ssyncset.done $0x0  }
.LBB2_4:
0xaf: {  	s16 =	sshra.s32 s15, $0x2;
	[sflag:s8] =	ssyncadd.s32 $0xFFFFF800;
	p0 =	sne.s32 s15, $0x9E00  }
0xb0: {  	[spmem:s2] =	stream.indirect.scatter.add.f32 [tilespmem:s11], [sflag:$0x1], $0x10, s16, s10, $0xb8;
	[tilespmem:$0x5900] =	vst v63  }
.Ltmp1:
0xb1: {  	_ = 	snop;
	(pc) =	sbr.rel @p0 .LBB2_4-.Ltmp1, $4  }
0xb2: {  	_ = 	snop  }
0xb3: {  	s15 =	sadd.s32 $0x200, s15  }
0xb4: {  	_ =	swait.ge [sflag:s8], $0x800  }
0xb5: {  	[sflag:s8] =	ssyncset.done $0x0  }
0xb6: {  	s14 =	sadd.s32 $0x1, s14  }
0xb7: {  	[sflag:s8] =	ssyncadd.s32 $0xFFFFF800;
	p0 =	sne.s32 s14, s7  }
.Ltmp2:
0xb8: {  	[bflag:$0x0] =	sbarrier.arrive $0xFFFF;
	(pc) =	sbr.rel @p0 .LBB2_1-.Ltmp2, $4  }
0xb9: {  	[hbm:s6], [sflag:s12] =	dma.local [spmem:s13], $0x500  }
0xba: {  	_ =	swait.ge [sflag:s8], $0x500  }
0xbb: {  	[sflag:s8] =	ssyncset.done $0x0  }
0xbc: {  	[sflag:s8] =	ssyncadd.s32 $0xFFFFFB00  }
0xbd: {  	_ =	sfence.sel $0x180000  }
0xbe: {  	[bflag:$0x0] =	sbarrier.arrive $0xFFFF  }
0xbf: {  	p0 =	sne.s32 s1, $0x0;
	_ =	strace $0x90000047  }
0xc0: {  	s0 =	sadd.s32 @!p0 $0x100000, s0;
	[bflag:$0x2] =	sbarrier.arrive $0xFFFF  }
0xc1: {  	[sflag:s0] =	ssyncadd.tile.s32 @!p0 $0x1;
	_ =	shalt  }
.Lfunc_end2:
_tile_overlayer_lowered:
.L_overlay_start_2:
0xc2: {  	(tag) =	ssettag $0x2  }
0xc3: {  	s0 =	rddreg [dreg:$0x0];
	s2 =	stileid.u32  }
0xc4: {  	s1 =	rddreg [dreg:$0x1];
	p0 =	sne.s32 s2, $0x0  }
0xc5: {  	s3 =	rddreg [dreg:$0x2];
	[bflag:$0x3] =	sbarrier.arrive $0xFFFF;
	s2 =	simm.s32 @!p0 $0x1C01  }
0xc6: {  	[timem:s3], [sflag:s2] =	dma.local @!p0 [hbm:s0], s1  }
0xc7: {  	s0 =	simm.s32 @!p0 $0x1  }
0xc8: {  	_ =	swait.ge @!p0 [sflag:s0], s1  }
0xc9: {  	s1 =	ssub.s32 @!p0 $0x0, s1;
	[sflag:s0] =	ssyncset.done @!p0 $0x0  }
0xca: {  	[sflag:s0] =	ssyncadd.s32 @!p0 s1  }
0xcb: {  	[bflag:$0x3] =	sbarrier.arrive $0xFFFF  }
0xcc: {  	_ =	shalt  }

// kernel: kernel.13.cloned.1.call-start
scs
__scs_entry_jumppad:
0x0: {  	(pc) =	sbr.rel $0x88, $3  }
0x1: {  	(tag) =	ssettag $0x0;
	lr =	simm.s32 $0x1  }
0x2: {  	[smem:$0x3F93] =	sst lr;
	_ =	strace $0xD0000000  }
0x3: {  	_ = 	snop  }
0x4: {  	_ = 	snop  }
0x5: {  	_ = 	snop  }
0x6: {  	_ = 	snop  }
0x7: {  	_ = 	snop  }
__scs_overlays_trampoline_lowered:
0x8: {  	[smem:$0x3FA2] =	sst s0  }
0x9: {  	[smem:$0x3FA3] =	sst s1  }
0xa: {  	[smem:$0x3FA4] =	sst s2  }
0xb: {  	[smem:$0x3FA5] =	sst s3  }
0xc: {  	[smem:$0x3FA6] =	sst s4  }
0xd: {  	[smem:$0x3FA7] =	sst s5  }
0xe: {  	[smem:$0x3FA8] =	sst s6  }
0xf: {  	[smem:$0x3FA9] =	sst s7  }
0x10: {  	[smem:$0x3FAA] =	sst s8  }
0x11: {  	[smem:$0x3FAB] =	sst s9;
	s0 =	simm.s32 @!p0 $0x0  }
0x12: {  	s1 =	sld [smem:$0x3F91];
	s0 =	simm.s32 @p0 $0x1  }
0x13: {  	[smem:$0x3FAC] =	sst s0;
	s0 =	simm.s32 @!p1 $0x0  }
0x14: {  	s2 =	sld [smem:$0x3F90];
	s0 =	simm.s32 @p1 $0x1  }
0x15: {  	[smem:$0x3FAD] =	sst s0;
	s0 =	simm.s32 @!p2 $0x0  }
0x16: {  	s3 =	sld [smem:$0x3FDB];
	s0 =	simm.s32 @p2 $0x1  }
0x17: {  	s4 =	simm.s32 $0x1BF5;
	[smem:$0x3FAF] =	sst s0  }
0x18: {  	s0 =	sld [smem:$0x3F92];
	_ =	swait.ge [sflag:s4], $0x0  }
0x19: {  	s7 =	sld [smem:$0x3F93]  }
0x1a: {  	s8 =	sadd.s32 $0xFFFFE003, lr  }
0x1b: {  	s9 =	sadd.s32 $0xFFFFFEF7, lr;
	s5 =	simm.s32 $0xFFFFFFFF;
	p2 =	slt.u32 s8, $0xFFFFF086  }
0x1c: {  	p1 =	slt.u32 s9, $0xF7A;
	s5 =	simm.s32 @!p2 $0x0  }
0x1d: {  	s5 =	simm.s32 @p1 $0x1;
	p0 =	seq.s32 s7, s2  }
0x1e: {  	s7 =	smul.u32 @!p0 $0xF7A, s2;
	p2 =	seq.s32 @!p0 s5, $0x0  }
0x1f: {  	s9 =	smul.u32 $0xF7A, s1;
	s8 =	simm.s32 @!p0 $0x1BF5;
	p2 =	por !p2, p0  }
0x20: {  	[sflag:s8] =	ssyncset.s32 @!p0 $0xFFFFF086;
	s6 =	sadd.s32 @!p0 s3, s7;
	s7 =	simm.s32 @!p0 $0x108  }
0x21: {  	s3 =	sadd.s32 s3, s9;
	s6 =	sadd.s32 @!p0 $0x88, s6;
	s7 =	simm.s32 @p2 $0x1082  }
0x22: {  	[simem:s7], [sflag:s8] =	dma.local @!p0 [hbm:s6], $0xF7A  }
0x23: {  	s9 =	sor.u32 $0xD0000000, s2;
	s6 =	simm.s32 $0x108;
	_ =	swait.ge @!p0 [sflag:s8], $0x0  }
0x24: {  	s3 =	sadd.s32 $0x88, s3;
	s6 =	simm.s32 @!p1 $0x1082;
	[sflag:s4] =	ssyncset.s32 $0xFFFFF086  }
0x25: {  	[simem:s6], [sflag:s4] =	dma.local [hbm:s3], $0xF7A  }
0x26: {  	[smem:$0x3F93] =	sst s1;
	(tag) =	ssettag s2;
	_ =	strace s9  }
0x27: {  	s1 =	sld [smem:$0x3FA3]  }
0x28: {  	s2 =	sld [smem:$0x3FA4]  }
0x29: {  	s4 =	sld [smem:$0x3FA6]  }
0x2a: {  	p0 =	seq.s32 s5, $0x0;
	s5 =	sld [smem:$0x3FA7]  }
0x2b: {  	s6 =	sld [smem:$0x3FA8]  }
0x2c: {  	s7 =	sld [smem:$0x3FA9]  }
0x2d: {  	s3 =	simm.s32 $0x108;
	s8 =	sld [smem:$0x3FAA]  }
0x2e: {  	s3 =	simm.s32 @!p0 $0x1082;
	s9 =	sld [smem:$0x3FAB]  }
0x2f: {  	lr =	sadd.s32 s0, s3;
	s0 =	sld [smem:$0x3FA2]  }
0x30: {  	s3 =	sld [smem:$0x3FA5]  }
0x31: {  	[smem:$0x3FAE] =	sst s10  }
0x32: {  	s10 =	sld [smem:$0x3FAC];
	_ =	sdelay $0x3  }
0x33: {  	p0 =	seq.s32 s10, $0x1;
	s10 =	sld [smem:$0x3FAE];
	_ =	sdelay $0x3  }
0x34: {  	[smem:$0x3FAE] =	sst s10  }
0x35: {  	s10 =	sld [smem:$0x3FAD];
	_ =	sdelay $0x3  }
0x36: {  	p1 =	seq.s32 s10, $0x1;
	s10 =	sld [smem:$0x3FAE];
	_ =	sdelay $0x3  }
0x37: {  	[smem:$0x3FAE] =	sst s10  }
0x38: {  	s10 =	sld [smem:$0x3FAF]  }
0x39: {  	_ = 	snop;
	(pc) =	sbr.ind lr, $3  }
0x3a: {  	_ = 	snop  }
0x3b: {  	_ = 	snop  }
0x3c: {  	p2 =	seq.s32 s10, $0x1;
	s10 =	sld [smem:$0x3FAE]  }
0x3d: {  	_ =	shalt  }
0x3e: {  	_ =	shalt  }
0x3f: {  	_ =	shalt  }
0x40: {  	_ =	shalt  }
0x41: {  	_ =	shalt  }
0x42: {  	_ =	shalt  }
0x43: {  	_ =	shalt  }
0x44: {  	_ =	shalt  }
0x45: {  	_ =	shalt  }
0x46: {  	_ =	shalt  }
0x47: {  	_ =	shalt  }
0x48: {  	_ =	shalt  }
0x49: {  	_ =	shalt  }
0x4a: {  	_ =	shalt  }
0x4b: {  	_ =	shalt  }
0x4c: {  	_ =	shalt  }
0x4d: {  	_ =	shalt  }
0x4e: {  	_ =	shalt  }
0x4f: {  	_ =	shalt  }
0x50: {  	_ =	shalt  }
0x51: {  	_ =	shalt  }
0x52: {  	_ =	shalt  }
0x53: {  	_ =	shalt  }
0x54: {  	_ =	shalt  }
0x55: {  	_ =	shalt  }
0x56: {  	_ =	shalt  }
0x57: {  	_ =	shalt  }
0x58: {  	_ =	shalt  }
0x59: {  	_ =	shalt  }
0x5a: {  	_ =	shalt  }
0x5b: {  	_ =	shalt  }
0x5c: {  	_ =	shalt  }
0x5d: {  	_ =	shalt  }
0x5e: {  	_ =	shalt  }
0x5f: {  	_ =	shalt  }
0x60: {  	_ =	shalt  }
0x61: {  	_ =	shalt  }
0x62: {  	_ =	shalt  }
0x63: {  	_ =	shalt  }
0x64: {  	_ =	shalt  }
0x65: {  	_ =	shalt  }
0x66: {  	_ =	shalt  }
0x67: {  	_ =	shalt  }
0x68: {  	_ =	shalt  }
0x69: {  	_ =	shalt  }
0x6a: {  	_ =	shalt  }
0x6b: {  	_ =	shalt  }
0x6c: {  	_ =	shalt  }
0x6d: {  	_ =	shalt  }
0x6e: {  	_ =	shalt  }
0x6f: {  	_ =	shalt  }
0x70: {  	_ =	shalt  }
0x71: {  	_ =	shalt  }
0x72: {  	_ =	shalt  }
0x73: {  	_ =	shalt  }
0x74: {  	_ =	shalt  }
0x75: {  	_ =	shalt  }
0x76: {  	_ =	shalt  }
0x77: {  	_ =	shalt  }
0x78: {  	_ =	shalt  }
0x79: {  	_ =	shalt  }
0x7a: {  	_ =	shalt  }
0x7b: {  	_ =	shalt  }
0x7c: {  	_ =	shalt  }
0x7d: {  	_ =	shalt  }
0x7e: {  	_ =	shalt  }
0x7f: {  	_ =	shalt  }
0x80: {  	_ =	shalt  }
0x81: {  	_ =	shalt  }
0x82: {  	_ =	shalt  }
0x83: {  	_ =	shalt  }
0x84: {  	_ =	shalt  }
0x85: {  	_ =	shalt  }
0x86: {  	_ =	shalt  }
0x87: {  	_ =	shalt  }
.Lfunc_end0:
.L_simem_size_0:
called_computation.1_lowered:
.L_overlay_start_0:
0x88: {  	s2 =	sld [smem:$0x3FD9]  }
0x89: {  	s3 =	sld [smem:$0x3FFE];
	_ =	sdelay $0x1  }
0x8a: {  	s1 =	srdreg.scid  }
0x8b: {  	s0 =	sand.u32 $0x1, s1  }
0x8c: {  	s16 =	sshll.u32 s0, $0xA;
	s2 =	sadd.s32 s3, s2  }
0x8d: {  	s2 =	sadd.s32 s2, s16  }
0x8e: {  	[smem:$0x3FBA] =	sst s2  }
0x8f: {  	_ = 	snop  }
0x90: {  	(tm) =	ssettm $0x1  }
0x91: {  	s17 =	sld [smem:$0x3FFB];
	_ =	sdelay $0x3  }
0x92: {  	_ =	strace s17  }
0x93: {  	s2 =	sld [smem:$0x3FFC];
	_ =	sdelay $0x3  }
0x94: {  	_ =	strace s2  }
0x95: {  	s2 =	sld [smem:$0x3FFD];
	_ =	sdelay $0x3  }
0x96: {  	_ =	strace s2  }
0x97: {  	_ =	strace $0x8FFFFFFF  }
0x98: {  	s18 =	sld [smem:$0x3FDB];
	_ =	sdelay $0x1  }
0x99: {  	s19 =	simm.s32 $_scs_section_size  }
0x9a: {  	s4 =	simm.s32 $_size__tile_overlayer_lowered;
	s5 =	simm.s32 $_tile_overlayer_lowered  }
0x9b: {  	s22 =	simm.s32 $0x1BFF;
	s21 =	sshll.u32 s5, $0x1;
	s2 =	sadd.s32 s19, s18  }
0x9c: {  	s6 =	simm.s32 $0x0;
	s20 =	sshll.u32 s4, $0x1;
	s4 =	sadd.s32 s21, s2  }
0x9d: {  	[timem:s6], [sflag:s22] =	dma.local [hbm:s4], s20  }
0x9e: {  	_ =	swait.ge [sflag:s22], s20  }
0x9f: {  	s3 =	ssub.s32 $0x0, s20;
	[sflag:s22] =	ssyncset.done $0x0  }
0xa0: {  	[sflag:s22] =	ssyncadd.s32 s3;
	_ =	sdelay $0x1  }
0xa1: {  	s23 =	simm.s32 $0x1B8B  }
0xa2: {  	_ =	swait.ge [sflag:s23], $0x1  }
0xa3: {  	[sflag:s23] =	ssyncset.done $0x0  }
0xa4: {  	s25 =	simm.s32 $0x1B8E;
	s24 =	sld [smem:$0x3FFE];
	[sflag:s23] =	ssyncadd.s32 $0xFFFFFFFF  }
0xa5: {  	s26 =	simm.s32 $execute0_lowered;
	[smem:$0x3FD2] =	sst s25  }
0xa6: {  	s4 =	sshll.u32 s26, $0x1;
	_ =	strace $0x80000049;
	[dreg:$0x1] =	wrdreg $0xFFFFFFFF  }
0xa7: {  	s28 =	simm.s32 $_size_execute0_lowered;
	s2 =	sadd.s32 s2, s4;
	[dreg:$0x0] =	wrdreg $0x0  }
0xa8: {  	s4 =	sshll.u32 s28, $0x1;
	[dreg:$0x2] =	wrdreg s2  }
0xa9: {  	[dreg:$0x3] =	wrdreg s4  }
0xaa: {  	[dreg:$0x4] =	wrdreg $0xC0  }
0xab: {  	_ =	task [dreg:s6], $0x5FFFF  }
0xac: {  	[dreg:$0x1] =	wrdreg $0xFFFFFFFF  }
0xad: {  	[dreg:$0x0] =	wrdreg $0x60  }
0xae: {  	[dreg:$0x2] =	wrdreg s24  }
0xaf: {  	[dreg:$0x3] =	wrdreg $0xF4000  }
0xb0: {  	[dreg:$0x4] =	wrdreg $0x9  }
0xb1: {  	_ =	task.clear_ibuf [dreg:s6], $0x5FFFF;
	_ =	strace $0x90000049  }
0xb2: {  	s29 =	simm.s32 $0x9;
	_ =	strace $0x8000004B  }
0xb3: {  	_ =	swait.ge [sflag:s29], $0x1  }
0xb4: {  	[sflag:s29] =	ssyncadd.s32 $0xFFFFFFFF  }
0xb5: {  	_ =	strace $0x9000004B  }
0xb6: {  	_ =	sfence  }
0xb7: {  	s30 =	sld [smem:$0x0];
	_ =	sdelay $0x2  }
0xb8: {  	s31 =	sshll.u32 s1, $0xD;
	s1 =	sshrl.u32 s1, $0x2  }
0xb9: {  	s3 =	sand.u32 $0x4000, s31;
	s1 =	sadd.s32 s1, s30  }
0xba: {  	s0 =	sor.u32 s3, s0;
	s1 =	sshll.u32 s1, $0x11  }
0xbb: {  	s0 =	sor.u32 s1, s0  }
0xbc: {  	s0 =	sadd.s32 $0x8F2B, s0  }
0xbd: {  	[sflag:s0] =	ssyncadd.remote.s32 $0x1  }
0xbe: {  	_ =	sfence.sel $0xFFFF  }
0xbf: {  	[dreg:$0x0] =	wrdreg $0xFFFFFFFF;
	(pc) =	sbr.abs _section_cstart, $3  }
0xc0: {  	[dreg:$0x1] =	wrdreg $0xFFFFFFFF  }
0xc1: {  	_ =	task.clear_ibuf [dreg:s6], $0x2FFFF;
	_ =	strace $0x9FFFFFFF  }
0xc2: {  	(tm) =	ssettm $0x7FFFFFFF  }
0xc3: {  	_ =	shalt  }
tec
execute0_lowered:
.L_overlay_start_1:
0x0: {  	(tag) =	ssettag $0x1  }
0x1: {  	s0 =	rddreg [dreg:$0x0]  }
0x2: {  	s1 =	rddreg [dreg:$0x1];
	s2 =	srdreg.scid;
	s4 =	simm.s32 $0x0  }
0x3: {  	s6 =	stileid.u32;
	s10 =	simm.s32 $0xB;
	s12 =	simm.s32 $0xF000  }
0x4: {  	s13 =	simm.s32 $0x80;
	s14 =	simm.s32 $0x5000;
	s15 =	simm.s32 $0x7000  }
0x5: {  	s17 =	simm.s32 $0x9000;
	s19 =	simm.s32 $0xB000;
	s29 =	simm.s32 $0x3  }
0x6: {  	s31 =	simm.s32 $0x7;
	s16 =	simm.s32 $0x4;
	s18 =	simm.s32 $0x8  }
0x7: {  	s30 =	simm.s32 $0x9;
	s2 =	sand.u32 $0x1, s2;
	s9 =	smul.u32 $0xA000, s6  }
0x8: {  	[smem:$0x7FF] =	sst s4;
	s20 =	sshll.u32 s6, $0x1;
	s21 =	smul.u32 $0x28000, s6  }
0x9: {  	s3 =	smul.u32 $0xA0000, s2;
	s4 =	sor.u32 s2, s20;
	_ =	strace $0x8000004A  }
0xa: {  	s2 =	ssub.s32 $0x2, s2;
	s20 =	simm.s32 $0x1;
	s4 =	smul.u32 $0x500, s4  }
0xb: {  	s23 =	sshrl.u32 s2, $0x1;
	s24 =	sshrl.u32 s21, $0x2;
	s28 =	sadd.s32 s9, s1  }
0xc: {  	s21 =	simm.s32 $0x0;
	s5 =	sshrl.u32 s3, $0x3;
	s3 =	sadd.s32 s9, s3  }
0xd: {  	s2 =	ssub.s32 s2, s23;
	s6 =	sadd.s32 s24, s1;
	s23 =	simm.s32 $0x2  }
0xe: {  	s24 =	simm.s32 $0x5;
	s7 =	sadd.s32 s5, s0;
	s22 =	sadd.s32 s4, s0  }
.Ltmp0:
0xf: {  	s3 =	sshrl.u32 s3, $0x3;
	s9 =	smax.u32 s2, $0x1;
	(pc) =	sbr.rel .LBB2_1-.Ltmp0, $4  }
0x10: {  	s4 =	simm.s32 $0x2800;
	s2 =	simm.s32 $0xA;
	s25 =	sadd.s32 $0x16E00, s22  }
0x11: {  	s0 =	sadd.s32 s3, s0;
	s26 =	sadd.s32 $0x2E00, s22;
	[dreg:$0x3] =	wrdreg s25  }
0x12: {  	s7 =	sadd.s32 $0x70E00, s7;
	s22 =	simm.s32 $0xD000;
	[dreg:$0x4] =	wrdreg s26  }
0x13: {  	v0 =	vimm.f32 $0.0e+00;
	s8 =	sadd.s32 $0x98E00, s0;
	s25 =	sshrl.u32 s28, $0x3;
	s26 =	simm.s32 $0x6  }
.LBB2_6:
0x14: {  	_ =	swait.ge [sflag:s24], $0x2000  }
0x15: {  	[sflag:s24] =	ssyncset.done $0x0  }
0x16: {  	[sflag:s24] =	ssyncadd.s32 $0xFFFFE000  }
0x17: {  	[spmem:s1] =	stream.indirect.scatter.add.f32 [tilespmem:s22], [sflag:$0xA], $0x40, s3, s13, $0xb8;
	[tilespmem:$0x19400] =	vst v63  }
0x18: {  	_ =	swait.ge [sflag:s26], $0x2000  }
0x19: {  	[sflag:s26] =	ssyncset.done $0x0  }
0x1a: {  	[sflag:s26] =	ssyncadd.s32 $0xFFFFE000  }
0x1b: {  	_ =	swait.ge [sflag:s31], $0x2000  }
0x1c: {  	[sflag:s31] =	ssyncset.done $0x0  }
0x1d: {  	[sflag:s31] =	ssyncadd.s32 $0xFFFFE000  }
0x1e: {  	_ =	swait.ge [sflag:s18], $0x2000  }
0x1f: {  	[sflag:s18] =	ssyncset.done $0x0  }
0x20: {  	[sflag:s18] =	ssyncadd.s32 $0xFFFFE000  }
0x21: {  	_ =	swait.ge [sflag:s30], $0x2000  }
0x22: {  	[sflag:s30] =	ssyncset.done $0x0  }
0x23: {  	[sflag:s30] =	ssyncadd.s32 $0xFFFFE000  }
0x24: {  	_ =	swait.ge [sflag:s2], $0x2000  }
0x25: {  	s0 =	stileid.u32;
	s21 =	sadd.s32 $0x1, s21;
	[sflag:s2] =	ssyncset.done $0x0  }
0x26: {  	s0 =	sshll.u32 s0, $0x6;
	p0 =	sne.s32 s21, s9;
	[sflag:s2] =	ssyncadd.s32 $0xFFFFE000  }
.Ltmp1:
0x27: {  	s0 =	sor.u32 $0x1C0B, s0;
	[bflag:$0x0] =	sbarrier.arrive $0xFFFF;
	(pc) =	sbr.rel @!p0 .LBB2_7-.Ltmp1, $4  }
0x28: {  	[hbm:s8], [sflag:s0] =	dma.local [spmem:s25], $0x1400  }
0x29: {  	_ =	swait.ge [sflag:s10], $0x1400  }
0x2a: {  	[sflag:s10] =	ssyncset.done $0x0  }
0x2b: {  	s4 =	simm.s32 $0x2800;
	[sflag:s10] =	ssyncadd.s32 $0xFFFFEC00  }
.LBB2_1:
0x2c: {  	s0 =	simm.s32 $0x0;
	s3 =	rddreg [dreg:$0x3]  }
0x2d: {  	[tilespmem:s0], [sflag:$0xB] =	stream.linear.gather [hbm4b:s3+s0], $0x2800, $0x38;
	[tilespmem:$0x19400] =	vst v63  }
0x2e: {  	_ =	swait.ge [sflag:s10], $0x2800  }
0x2f: {  	[sflag:s10] =	ssyncset.done $0x0  }
0x30: {  	s11 =	rddreg [dreg:$0x4];
	[sflag:s10] =	ssyncadd.s32 $0xFFFFD800  }
0x31: {  	[tilespmem:s4], [sflag:$0xB] =	stream.linear.gather [hbm4b:s11+s0], $0x2800, $0x38;
	[tilespmem:$0x19400] =	vst v63  }
0x32: {  	_ =	swait.ge [sflag:s10], $0x2800  }
0x33: {  	[sflag:s10] =	ssyncset.done $0x0  }
0x34: {  	[sflag:s10] =	ssyncadd.s32 $0xFFFFD800  }
0x35: {  	[tilespmem:$0xF000] =	vst v0  }
0x36: {  	[tilespmem:$0xF010] =	vst v0  }
0x37: {  	[tilespmem:$0xF020] =	vst v0  }
0x38: {  	[tilespmem:$0xF030] =	vst v0  }
0x39: {  	[tilespmem:$0xF040] =	vst v0  }
0x3a: {  	[tilespmem:$0xF050] =	vst v0  }
0x3b: {  	[tilespmem:$0xF060] =	vst v0  }
0x3c: {  	[tilespmem:$0xF070] =	vst v0  }
0x3d: {  	[tilespmem:$0xF080] =	vst v0  }
0x3e: {  	[tilespmem:$0xF090] =	vst v0  }
0x3f: {  	[tilespmem:$0xF0A0] =	vst v0  }
0x40: {  	[tilespmem:$0xF0B0] =	vst v0  }
0x41: {  	[tilespmem:$0xF0C0] =	vst v0  }
0x42: {  	[tilespmem:$0xF0D0] =	vst v0  }
0x43: {  	[tilespmem:$0xF0E0] =	vst v0  }
0x44: {  	[tilespmem:$0xF0F0] =	vst v0  }
0x45: {  	[tilespmem:$0xF100] =	vst v0  }
0x46: {  	[tilespmem:$0xF110] =	vst v0  }
0x47: {  	[tilespmem:$0xF120] =	vst v0  }
0x48: {  	[tilespmem:$0xF130] =	vst v0  }
0x49: {  	[tilespmem:$0xF140] =	vst v0  }
0x4a: {  	[tilespmem:$0xF150] =	vst v0  }
0x4b: {  	[tilespmem:$0xF160] =	vst v0  }
0x4c: {  	[tilespmem:$0xF170] =	vst v0  }
0x4d: {  	[tilespmem:$0xF180] =	vst v0  }
0x4e: {  	[tilespmem:$0xF190] =	vst v0  }
0x4f: {  	[tilespmem:$0xF1A0] =	vst v0  }
0x50: {  	[tilespmem:$0xF1B0] =	vst v0  }
0x51: {  	[tilespmem:$0xF1C0] =	vst v0  }
0x52: {  	[tilespmem:$0xF1D0] =	vst v0  }
0x53: {  	[tilespmem:$0xF1E0] =	vst v0  }
0x54: {  	[tilespmem:$0xF1F0] =	vst v0  }
0x55: {  	[tilespmem:$0xF200] =	vst v0  }
0x56: {  	[tilespmem:$0xF210] =	vst v0  }
0x57: {  	[tilespmem:$0xF220] =	vst v0  }
0x58: {  	[tilespmem:$0xF230] =	vst v0  }
0x59: {  	[tilespmem:$0xF240] =	vst v0  }
0x5a: {  	[tilespmem:$0xF250] =	vst v0  }
0x5b: {  	[tilespmem:$0xF260] =	vst v0  }
0x5c: {  	[tilespmem:$0xF270] =	vst v0  }
0x5d: {  	[tilespmem:$0xF280] =	vst v0  }
0x5e: {  	[tilespmem:$0xF290] =	vst v0  }
0x5f: {  	[tilespmem:$0xF2A0] =	vst v0  }
0x60: {  	[tilespmem:$0xF2B0] =	vst v0  }
0x61: {  	[tilespmem:$0xF2C0] =	vst v0  }
0x62: {  	[tilespmem:$0xF2D0] =	vst v0  }
0x63: {  	[tilespmem:$0xF2E0] =	vst v0  }
0x64: {  	[tilespmem:$0xF2F0] =	vst v0  }
0x65: {  	[tilespmem:$0xF300] =	vst v0  }
0x66: {  	[tilespmem:$0xF310] =	vst v0  }
0x67: {  	[tilespmem:$0xF320] =	vst v0  }
0x68: {  	[tilespmem:$0xF330] =	vst v0  }
0x69: {  	[tilespmem:$0xF340] =	vst v0  }
0x6a: {  	[tilespmem:$0xF350] =	vst v0  }
0x6b: {  	[tilespmem:$0xF360] =	vst v0  }
0x6c: {  	[tilespmem:$0xF370] =	vst v0  }
0x6d: {  	[tilespmem:$0xF380] =	vst v0  }
0x6e: {  	[tilespmem:$0xF390] =	vst v0  }
0x6f: {  	[tilespmem:$0xF3A0] =	vst v0  }
0x70: {  	[tilespmem:$0xF3B0] =	vst v0  }
0x71: {  	[tilespmem:$0xF3C0] =	vst v0  }
0x72: {  	[tilespmem:$0xF3D0] =	vst v0  }
0x73: {  	[tilespmem:$0xF3E0] =	vst v0  }
0x74: {  	s28 =	sadd.s32 $0x0, s6;
	[tilespmem:$0xF3F0] =	vst v0  }
0x75: {  	[spmem:s28] =	stream.linear.scatter [tilespmem:s12], [sflag:$0xB], $0x400, $0x38;
	[tilespmem:$0x19400] =	vst v63  }
0x76: {  	s0 =	simm.s32 $0x1000;
	_ =	swait.ge [sflag:s10], $0x400  }
.LBB2_2:
0x77: {  	s3 =	sshra.s32 s0, $0x2;
	[sflag:s10] =	ssyncset.done $0x0;
	p0 =	sne.s32 s0, $0x27000  }
.Ltmp2:
0x78: {  	s3 =	sadd.s32 s3, s6;
	[sflag:s10] =	ssyncadd.s32 $0xFFFFFC00;
	(pc) =	sbr.rel @p0 .LBB2_2-.Ltmp2, $3  }
0x79: {  	[spmem:s3] =	stream.linear.scatter [tilespmem:s12], [sflag:$0xB], $0x400, $0x38;
	[tilespmem:$0x19400] =	vst v63  }
0x7a: {  	s0 =	sadd.s32 $0x1000, s0;
	_ =	sdelay $0x1  }
0x7b: {  	_ =	swait.ge [sflag:s10], $0x400  }
0x7c: {  	[sflag:s10] =	ssyncset.done $0x0  }
0x7d: {  	[sflag:s10] =	ssyncadd.s32 $0xFFFFFC00  }
0x7e: {  	s28 =	simm.s32 $0x0;
	[bflag:$0x0] =	sbarrier.arrive $0xFFFF  }
0x7f: {  	[tilespmem:s14], [sflag:$0x1] =	stream.indirect.gather [hbm4b:s7+s13], $0x40, s28, s13, $0xb8;
	[tilespmem:$0x19400] =	vst v63  }
0x80: {  	_ = 	snop  }
0x81: {  	[tilespmem:s15], [sflag:$0x2] =	stream.indirect.gather [hbm4b:s7+s13], $0x40, s13, s13, $0xb8;
	[tilespmem:$0x19400] =	vst v63  }
0x82: {  	s0 =	simm.s32 $0x100  }
0x83: {  	[tilespmem:s17], [sflag:$0x3] =	stream.indirect.gather [hbm4b:s7+s13], $0x40, s0, s13, $0xb8;
	[tilespmem:$0x19400] =	vst v63  }
0x84: {  	s5 =	simm.s32 $0x180  }
0x85: {  	[tilespmem:s19], [sflag:$0x4] =	stream.indirect.gather [hbm4b:s7+s13], $0x40, s5, s13, $0xb8;
	[tilespmem:$0x19400] =	vst v63  }
0x86: {  	_ =	swait.ge [sflag:s20], $0x2000  }
0x87: {  	[sflag:s20] =	ssyncset.done $0x0  }
0x88: {  	[sflag:s20] =	ssyncadd.s32 $0xFFFFE000  }
0x89: {  	[spmem:s1] =	stream.indirect.scatter.add.f32 [tilespmem:s14], [sflag:$0x6], $0x40, s4, s13, $0xb8;
	[tilespmem:$0x19400] =	vst v63  }
0x8a: {  	s11 =	simm.s32 $0x200  }
0x8b: {  	[tilespmem:s22], [sflag:$0x5] =	stream.indirect.gather [hbm4b:s7+s13], $0x40, s11, s13, $0xb8;
	[tilespmem:$0x19400] =	vst v63  }
0x8c: {  	_ =	swait.ge [sflag:s23], $0x2000  }
0x8d: {  	[sflag:s23] =	ssyncset.done $0x0  }
0x8e: {  	s3 =	simm.s32 $0x2880;
	[sflag:s23] =	ssyncadd.s32 $0xFFFFE000  }
0x8f: {  	[spmem:s1] =	stream.indirect.scatter.add.f32 [tilespmem:s15], [sflag:$0x7], $0x40, s3, s13, $0xb8;
	[tilespmem:$0x19400] =	vst v63  }
0x90: {  	_ =	swait.ge [sflag:s26], $0x2000  }
0x91: {  	[sflag:s26] =	ssyncset.done $0x0  }
0x92: {  	s4 =	simm.s32 $0x280;
	[sflag:s26] =	ssyncadd.s32 $0xFFFFE000  }
0x93: {  	[tilespmem:s14], [sflag:$0x1] =	stream.indirect.gather [hbm4b:s7+s13], $0x40, s4, s13, $0xb8;
	[tilespmem:$0x19400] =	vst v63  }
0x94: {  	_ =	swait.ge [sflag:s29], $0x2000  }
0x95: {  	[sflag:s29] =	ssyncset.done $0x0  }
0x96: {  	s5 =	simm.s32 $0x2900;
	[sflag:s29] =	ssyncadd.s32 $0xFFFFE000  }
0x97: {  	[spmem:s1] =	stream.indirect.scatter.add.f32 [tilespmem:s17], [sflag:$0x8], $0x40, s5, s13, $0xb8;
	[tilespmem:$0x19400] =	vst v63  }
0x98: {  	_ =	swait.ge [sflag:s31], $0x2000  }
0x99: {  	[sflag:s31] =	ssyncset.done $0x0  }
0x9a: {  	s11 =	simm.s32 $0x300;
	[sflag:s31] =	ssyncadd.s32 $0xFFFFE000  }
0x9b: {  	[tilespmem:s15], [sflag:$0x2] =	stream.indirect.gather [hbm4b:s7+s13], $0x40, s11, s13, $0xb8;
	[tilespmem:$0x19400] =	vst v63  }
0x9c: {  	_ =	swait.ge [sflag:s16], $0x2000  }
0x9d: {  	[sflag:s16] =	ssyncset.done $0x0  }
0x9e: {  	s3 =	simm.s32 $0x2980;
	[sflag:s16] =	ssyncadd.s32 $0xFFFFE000  }
0x9f: {  	[spmem:s1] =	stream.indirect.scatter.add.f32 [tilespmem:s19], [sflag:$0x9], $0x40, s3, s13, $0xb8;
	[tilespmem:$0x19400] =	vst v63  }
0xa0: {  	_ =	swait.ge [sflag:s18], $0x2000  }
0xa1: {  	[sflag:s18] =	ssyncset.done $0x0  }
0xa2: {  	s4 =	simm.s32 $0x380;
	[sflag:s18] =	ssyncadd.s32 $0xFFFFE000  }
0xa3: {  	[tilespmem:s17], [sflag:$0x3] =	stream.indirect.gather [hbm4b:s7+s13], $0x40, s4, s13, $0xb8;
	[tilespmem:$0x19400] =	vst v63  }
0xa4: {  	_ =	swait.ge [sflag:s24], $0x2000  }
0xa5: {  	[sflag:s24] =	ssyncset.done $0x0  }
0xa6: {  	s5 =	simm.s32 $0x2A00;
	[sflag:s24] =	ssyncadd.s32 $0xFFFFE000  }
0xa7: {  	[spmem:s1] =	stream.indirect.scatter.add.f32 [tilespmem:s22], [sflag:$0xA], $0x40, s5, s13, $0xb8;
	[tilespmem:$0x19400] =	vst v63  }
0xa8: {  	_ =	swait.ge [sflag:s30], $0x2000  }
0xa9: {  	[sflag:s30] =	ssyncset.done $0x0  }
0xaa: {  	s11 =	simm.s32 $0x400;
	[sflag:s30] =	ssyncadd.s32 $0xFFFFE000  }
0xab: {  	[tilespmem:s19], [sflag:$0x4] =	stream.indirect.gather [hbm4b:s7+s13], $0x40, s11, s13, $0xb8;
	[tilespmem:$0x19400] =	vst v63  }
.LBB2_4:
0xac: {  	_ =	swait.ge [sflag:s20], $0x2000  }
0xad: {  	s0 =	sshra.s32 s28, $0x2;
	[sflag:s20] =	ssyncset.done $0x0  }
0xae: {  	s3 =	sadd.s32 $0x2A80, s0;
	[sflag:s20] =	ssyncadd.s32 $0xFFFFE000  }
0xaf: {  	[spmem:s1] =	stream.indirect.scatter.add.f32 [tilespmem:s14], [sflag:$0x6], $0x40, s3, s13, $0xb8;
	[tilespmem:$0x19400] =	vst v63  }
0xb0: {  	_ =	swait.ge [sflag:s2], $0x2000  }
0xb1: {  	[sflag:s2] =	ssyncset.done $0x0  }
0xb2: {  	s4 =	sadd.s32 $0x480, s0;
	[sflag:s2] =	ssyncadd.s32 $0xFFFFE000  }
0xb3: {  	[tilespmem:s22], [sflag:$0x5] =	stream.indirect.gather [hbm4b:s7+s13], $0x40, s4, s13, $0xb8;
	[tilespmem:$0x19400] =	vst v63  }
0xb4: {  	_ =	swait.ge [sflag:s23], $0x2000  }
0xb5: {  	p0 =	seq.s32 s28, $0x8C00;
	[sflag:s23] =	ssyncset.done $0x0  }
0xb6: {  	s5 =	sadd.s32 $0x2B00, s0;
	s3 =	simm.s32 @p0 $0x3;
	[sflag:s23] =	ssyncadd.s32 $0xFFFFE000  }
0xb7: {  	[spmem:s1] =	stream.indirect.scatter.add.f32 [tilespmem:s15], [sflag:$0x7], $0x40, s5, s13, $0xb8;
	[tilespmem:$0x19400] =	vst v63  }
0xb8: {  	_ =	swait.ge @p0 [sflag:s3], $0x2000  }
0xb9: {  	[sflag:s3] =	ssyncset.done @p0 $0x0  }
0xba: {  	[sflag:s3] =	ssyncadd.s32 @p0 $0xFFFFE000;
	s3 =	sshra.s32 @p0 s28, $0x2  }
0xbb: {  	s4 =	simm.s32 @p0 $0x80;
	s5 =	simm.s32 @p0 $0x9000;
	s3 =	sadd.s32 @p0 $0x2B80, s3  }
0xbc: {  	[spmem:s1] =	stream.indirect.scatter.add.f32 @p0 [tilespmem:s5], [sflag:$0x8], $0x40, s3, s4, $0xb8;
	[tilespmem:$0x19400] =	vst v63  }
0xbd: {  	s3 =	simm.s32 @!p0 $0x6  }
0xbe: {  	_ =	swait.ge @!p0 [sflag:s3], $0x2000  }
0xbf: {  	[sflag:s3] =	ssyncset.done @!p0 $0x0  }
0xc0: {  	[sflag:s3] =	ssyncadd.s32 @!p0 $0xFFFFE000;
	s3 =	sshra.s32 @!p0 s28, $0x2  }
0xc1: {  	s11 =	simm.s32 @!p0 $0x5000;
	s5 =	simm.s32 @!p0 $0x80;
	s4 =	sadd.s32 @!p0 $0x500, s3  }
0xc2: {  	[tilespmem:s11], [sflag:$0x1] =	stream.indirect.gather @!p0 [hbm4b:s7+s5], $0x40, s4, s5, $0xb8;
	[tilespmem:$0x19400] =	vst v63  }
0xc3: {  	s4 =	simm.s32 @!p0 $0x3  }
0xc4: {  	_ =	swait.ge @!p0 [sflag:s4], $0x2000  }
0xc5: {  	[sflag:s4] =	ssyncset.done @!p0 $0x0  }
0xc6: {  	s11 =	simm.s32 @!p0 $0x9000;
	[sflag:s4] =	ssyncadd.s32 @!p0 $0xFFFFE000;
	s4 =	sadd.s32 @!p0 $0x2B80, s3  }
0xc7: {  	[spmem:s1] =	stream.indirect.scatter.add.f32 @!p0 [tilespmem:s11], [sflag:$0x8], $0x40, s4, s5, $0xb8;
	[tilespmem:$0x19400] =	vst v63  }
0xc8: {  	s4 =	simm.s32 @!p0 $0x7  }
0xc9: {  	_ =	swait.ge @!p0 [sflag:s4], $0x2000  }
0xca: {  	[sflag:s4] =	ssyncset.done @!p0 $0x0  }
0xcb: {  	s3 =	sadd.s32 @!p0 $0x580, s3;
	[sflag:s4] =	ssyncadd.s32 @!p0 $0xFFFFE000;
	s4 =	simm.s32 @!p0 $0x7000  }
0xcc: {  	[tilespmem:s4], [sflag:$0x2] =	stream.indirect.gather @!p0 [hbm4b:s7+s5], $0x40, s3, s5, $0xb8;
	[tilespmem:$0x19400] =	vst v63  }
.Ltmp3:
0xcd: {  	_ = 	snop;
	(pc) =	sbr.rel @p0 .LBB2_6-.Ltmp3, $4  }
0xce: {  	_ =	swait.ge [sflag:s16], $0x2000  }
0xcf: {  	[sflag:s16] =	ssyncset.done $0x0  }
0xd0: {  	s11 =	sadd.s32 $0x2C00, s0;
	s3 =	sadd.s32 $0x2C80, s0;
	[sflag:s16] =	ssyncadd.s32 $0xFFFFE000  }
0xd1: {  	[spmem:s1] =	stream.indirect.scatter.add.f32 [tilespmem:s19], [sflag:$0x9], $0x40, s11, s13, $0xb8;
	[tilespmem:$0x19400] =	vst v63  }
0xd2: {  	_ =	swait.ge [sflag:s18], $0x2000  }
0xd3: {  	[sflag:s18] =	ssyncset.done $0x0  }
0xd4: {  	s4 =	sadd.s32 $0x600, s0;
	[sflag:s18] =	ssyncadd.s32 $0xFFFFE000  }
0xd5: {  	[tilespmem:s17], [sflag:$0x3] =	stream.indirect.gather [hbm4b:s7+s13], $0x40, s4, s13, $0xb8;
	[tilespmem:$0x19400] =	vst v63  }
0xd6: {  	_ =	swait.ge [sflag:s24], $0x2000  }
0xd7: {  	[sflag:s24] =	ssyncset.done $0x0  }
0xd8: {  	[sflag:s24] =	ssyncadd.s32 $0xFFFFE000  }
0xd9: {  	[spmem:s1] =	stream.indirect.scatter.add.f32 [tilespmem:s22], [sflag:$0xA], $0x40, s3, s13, $0xb8;
	[tilespmem:$0x19400] =	vst v63  }
.Ltmp4:
0xda: {  	_ = 	snop;
	(pc) =	sbr.rel .LBB2_4-.Ltmp4, $4  }
0xdb: {  	_ =	swait.ge [sflag:s30], $0x2000  }
0xdc: {  	[sflag:s30] =	ssyncset.done $0x0  }
0xdd: {  	s11 =	sadd.s32 $0x680, s0;
	s28 =	sadd.s32 $0xA00, s28;
	[sflag:s30] =	ssyncadd.s32 $0xFFFFE000  }
0xde: {  	[tilespmem:s19], [sflag:$0x4] =	stream.indirect.gather [hbm4b:s7+s13], $0x40, s11, s13, $0xb8;
	[tilespmem:$0x19400] =	vst v63  }
.LBB2_7:
0xdf: {  	_ =	sfence.sel $0x180000  }
0xe0: {  	[bflag:$0x0] =	sbarrier.arrive $0xFFFF  }
0xe1: {  	_ =	strace $0x9000004A  }
0xe2: {  	s0 =	stileid.u32;
	[bflag:$0x2] =	sbarrier.arrive $0xFFFF  }
0xe3: {  	p0 =	sne.s32 s0, $0x0;
	s0 =	rddreg [dreg:$0x2]  }
0xe4: {  	s0 =	sadd.s32 @!p0 $0x100000, s0  }
0xe5: {  	[sflag:s0] =	ssyncadd.tile.s32 @!p0 $0x1;
	_ =	shalt  }
.Lfunc_end2:
_tile_overlayer_lowered:
.L_overlay_start_2:
0xe6: {  	(tag) =	ssettag $0x2  }
0xe7: {  	s0 =	rddreg [dreg:$0x0];
	s2 =	stileid.u32  }
0xe8: {  	s1 =	rddreg [dreg:$0x1];
	p0 =	sne.s32 s2, $0x0  }
0xe9: {  	s3 =	rddreg [dreg:$0x2];
	[bflag:$0x3] =	sbarrier.arrive $0xFFFF;
	s2 =	simm.s32 @!p0 $0x1C0B  }
0xea: {  	[timem:s3], [sflag:s2] =	dma.local @!p0 [hbm:s0], s1  }
0xeb: {  	s0 =	simm.s32 @!p0 $0xB  }
0xec: {  	_ =	swait.ge @!p0 [sflag:s0], s1  }
0xed: {  	s1 =	ssub.s32 @!p0 $0x0, s1;
	[sflag:s0] =	ssyncset.done @!p0 $0x0  }
0xee: {  	[sflag:s0] =	ssyncadd.s32 @!p0 s1  }
0xef: {  	[bflag:$0x3] =	sbarrier.arrive $0xFFFF  }
0xf0: {  	_ =	shalt  }

// kernel: kernel.16.cloned.1.call-start
scs
__scs_entry_jumppad:
0x0: {  	(pc) =	sbr.rel $0x88, $3  }
0x1: {  	(tag) =	ssettag $0x0;
	lr =	simm.s32 $0x1  }
0x2: {  	[smem:$0x3F93] =	sst lr;
	_ =	strace $0xD0000000  }
0x3: {  	_ = 	snop  }
0x4: {  	_ = 	snop  }
0x5: {  	_ = 	snop  }
0x6: {  	_ = 	snop  }
0x7: {  	_ = 	snop  }
__scs_overlays_trampoline_lowered:
0x8: {  	[smem:$0x3FA2] =	sst s0  }
0x9: {  	[smem:$0x3FA3] =	sst s1  }
0xa: {  	[smem:$0x3FA4] =	sst s2  }
0xb: {  	[smem:$0x3FA5] =	sst s3  }
0xc: {  	[smem:$0x3FA6] =	sst s4  }
0xd: {  	[smem:$0x3FA7] =	sst s5  }
0xe: {  	[smem:$0x3FA8] =	sst s6  }
0xf: {  	[smem:$0x3FA9] =	sst s7  }
0x10: {  	[smem:$0x3FAA] =	sst s8  }
0x11: {  	[smem:$0x3FAB] =	sst s9;
	s0 =	simm.s32 @!p0 $0x0  }
0x12: {  	s1 =	sld [smem:$0x3F91];
	s0 =	simm.s32 @p0 $0x1  }
0x13: {  	[smem:$0x3FAC] =	sst s0;
	s0 =	simm.s32 @!p1 $0x0  }
0x14: {  	s2 =	sld [smem:$0x3F90];
	s0 =	simm.s32 @p1 $0x1  }
0x15: {  	[smem:$0x3FAD] =	sst s0;
	s0 =	simm.s32 @!p2 $0x0  }
0x16: {  	s3 =	sld [smem:$0x3FDB];
	s0 =	simm.s32 @p2 $0x1  }
0x17: {  	s4 =	simm.s32 $0x1BF5;
	[smem:$0x3FAF] =	sst s0  }
0x18: {  	s0 =	sld [smem:$0x3F92];
	_ =	swait.ge [sflag:s4], $0x0  }
0x19: {  	s7 =	sld [smem:$0x3F93]  }
0x1a: {  	s8 =	sadd.s32 $0xFFFFE003, lr  }
0x1b: {  	s9 =	sadd.s32 $0xFFFFFEF7, lr;
	s5 =	simm.s32 $0xFFFFFFFF;
	p2 =	slt.u32 s8, $0xFFFFF086  }
0x1c: {  	p1 =	slt.u32 s9, $0xF7A;
	s5 =	simm.s32 @!p2 $0x0  }
0x1d: {  	s5 =	simm.s32 @p1 $0x1;
	p0 =	seq.s32 s7, s2  }
0x1e: {  	s7 =	smul.u32 @!p0 $0xF7A, s2;
	p2 =	seq.s32 @!p0 s5, $0x0  }
0x1f: {  	s9 =	smul.u32 $0xF7A, s1;
	s8 =	simm.s32 @!p0 $0x1BF5;
	p2 =	por !p2, p0  }
0x20: {  	[sflag:s8] =	ssyncset.s32 @!p0 $0xFFFFF086;
	s6 =	sadd.s32 @!p0 s3, s7;
	s7 =	simm.s32 @!p0 $0x108  }
0x21: {  	s3 =	sadd.s32 s3, s9;
	s6 =	sadd.s32 @!p0 $0x88, s6;
	s7 =	simm.s32 @p2 $0x1082  }
0x22: {  	[simem:s7], [sflag:s8] =	dma.local @!p0 [hbm:s6], $0xF7A  }
0x23: {  	s9 =	sor.u32 $0xD0000000, s2;
	s6 =	simm.s32 $0x108;
	_ =	swait.ge @!p0 [sflag:s8], $0x0  }
0x24: {  	s3 =	sadd.s32 $0x88, s3;
	s6 =	simm.s32 @!p1 $0x1082;
	[sflag:s4] =	ssyncset.s32 $0xFFFFF086  }
0x25: {  	[simem:s6], [sflag:s4] =	dma.local [hbm:s3], $0xF7A  }
0x26: {  	[smem:$0x3F93] =	sst s1;
	(tag) =	ssettag s2;
	_ =	strace s9  }
0x27: {  	s1 =	sld [smem:$0x3FA3]  }
0x28: {  	s2 =	sld [smem:$0x3FA4]  }
0x29: {  	s4 =	sld [smem:$0x3FA6]  }
0x2a: {  	p0 =	seq.s32 s5, $0x0;
	s5 =	sld [smem:$0x3FA7]  }
0x2b: {  	s6 =	sld [smem:$0x3FA8]  }
0x2c: {  	s7 =	sld [smem:$0x3FA9]  }
0x2d: {  	s3 =	simm.s32 $0x108;
	s8 =	sld [smem:$0x3FAA]  }
0x2e: {  	s3 =	simm.s32 @!p0 $0x1082;
	s9 =	sld [smem:$0x3FAB]  }
0x2f: {  	lr =	sadd.s32 s0, s3;
	s0 =	sld [smem:$0x3FA2]  }
0x30: {  	s3 =	sld [smem:$0x3FA5]  }
0x31: {  	[smem:$0x3FAE] =	sst s10  }
0x32: {  	s10 =	sld [smem:$0x3FAC];
	_ =	sdelay $0x3  }
0x33: {  	p0 =	seq.s32 s10, $0x1;
	s10 =	sld [smem:$0x3FAE];
	_ =	sdelay $0x3  }
0x34: {  	[smem:$0x3FAE] =	sst s10  }
0x35: {  	s10 =	sld [smem:$0x3FAD];
	_ =	sdelay $0x3  }
0x36: {  	p1 =	seq.s32 s10, $0x1;
	s10 =	sld [smem:$0x3FAE];
	_ =	sdelay $0x3  }
0x37: {  	[smem:$0x3FAE] =	sst s10  }
0x38: {  	s10 =	sld [smem:$0x3FAF]  }
0x39: {  	_ = 	snop;
	(pc) =	sbr.ind lr, $3  }
0x3a: {  	_ = 	snop  }
0x3b: {  	_ = 	snop  }
0x3c: {  	p2 =	seq.s32 s10, $0x1;
	s10 =	sld [smem:$0x3FAE]  }
0x3d: {  	_ =	shalt  }
0x3e: {  	_ =	shalt  }
0x3f: {  	_ =	shalt  }
0x40: {  	_ =	shalt  }
0x41: {  	_ =	shalt  }
0x42: {  	_ =	shalt  }
0x43: {  	_ =	shalt  }
0x44: {  	_ =	shalt  }
0x45: {  	_ =	shalt  }
0x46: {  	_ =	shalt  }
0x47: {  	_ =	shalt  }
0x48: {  	_ =	shalt  }
0x49: {  	_ =	shalt  }
0x4a: {  	_ =	shalt  }
0x4b: {  	_ =	shalt  }
0x4c: {  	_ =	shalt  }
0x4d: {  	_ =	shalt  }
0x4e: {  	_ =	shalt  }
0x4f: {  	_ =	shalt  }
0x50: {  	_ =	shalt  }
0x51: {  	_ =	shalt  }
0x52: {  	_ =	shalt  }
0x53: {  	_ =	shalt  }
0x54: {  	_ =	shalt  }
0x55: {  	_ =	shalt  }
0x56: {  	_ =	shalt  }
0x57: {  	_ =	shalt  }
0x58: {  	_ =	shalt  }
0x59: {  	_ =	shalt  }
0x5a: {  	_ =	shalt  }
0x5b: {  	_ =	shalt  }
0x5c: {  	_ =	shalt  }
0x5d: {  	_ =	shalt  }
0x5e: {  	_ =	shalt  }
0x5f: {  	_ =	shalt  }
0x60: {  	_ =	shalt  }
0x61: {  	_ =	shalt  }
0x62: {  	_ =	shalt  }
0x63: {  	_ =	shalt  }
0x64: {  	_ =	shalt  }
0x65: {  	_ =	shalt  }
0x66: {  	_ =	shalt  }
0x67: {  	_ =	shalt  }
0x68: {  	_ =	shalt  }
0x69: {  	_ =	shalt  }
0x6a: {  	_ =	shalt  }
0x6b: {  	_ =	shalt  }
0x6c: {  	_ =	shalt  }
0x6d: {  	_ =	shalt  }
0x6e: {  	_ =	shalt  }
0x6f: {  	_ =	shalt  }
0x70: {  	_ =	shalt  }
0x71: {  	_ =	shalt  }
0x72: {  	_ =	shalt  }
0x73: {  	_ =	shalt  }
0x74: {  	_ =	shalt  }
0x75: {  	_ =	shalt  }
0x76: {  	_ =	shalt  }
0x77: {  	_ =	shalt  }
0x78: {  	_ =	shalt  }
0x79: {  	_ =	shalt  }
0x7a: {  	_ =	shalt  }
0x7b: {  	_ =	shalt  }
0x7c: {  	_ =	shalt  }
0x7d: {  	_ =	shalt  }
0x7e: {  	_ =	shalt  }
0x7f: {  	_ =	shalt  }
0x80: {  	_ =	shalt  }
0x81: {  	_ =	shalt  }
0x82: {  	_ =	shalt  }
0x83: {  	_ =	shalt  }
0x84: {  	_ =	shalt  }
0x85: {  	_ =	shalt  }
0x86: {  	_ =	shalt  }
0x87: {  	_ =	shalt  }
.Lfunc_end0:
.L_simem_size_0:
called_computation.2_lowered:
.L_overlay_start_0:
0x88: {  	s2 =	sld [smem:$0x3FD9]  }
0x89: {  	s3 =	sld [smem:$0x3FFE];
	_ =	sdelay $0x1  }
0x8a: {  	s1 =	srdreg.scid  }
0x8b: {  	s0 =	sand.u32 $0x1, s1  }
0x8c: {  	s16 =	sshll.u32 s0, $0xA;
	s2 =	sadd.s32 s3, s2  }
0x8d: {  	s2 =	sadd.s32 s2, s16  }
0x8e: {  	[smem:$0x3FBA] =	sst s2  }
0x8f: {  	_ = 	snop  }
0x90: {  	(tm) =	ssettm $0x1  }
0x91: {  	s17 =	sld [smem:$0x3FFB];
	_ =	sdelay $0x3  }
0x92: {  	_ =	strace s17  }
0x93: {  	s2 =	sld [smem:$0x3FFC];
	_ =	sdelay $0x3  }
0x94: {  	_ =	strace s2  }
0x95: {  	s2 =	sld [smem:$0x3FFD];
	_ =	sdelay $0x3  }
0x96: {  	_ =	strace s2  }
0x97: {  	_ =	strace $0x8FFFFFFF  }
0x98: {  	s18 =	sld [smem:$0x3FDB];
	_ =	sdelay $0x1  }
0x99: {  	s19 =	simm.s32 $_scs_section_size  }
0x9a: {  	s4 =	simm.s32 $_size__tile_overlayer_lowered;
	s5 =	simm.s32 $_tile_overlayer_lowered  }
0x9b: {  	s22 =	simm.s32 $0x1BFF;
	s21 =	sshll.u32 s5, $0x1;
	s2 =	sadd.s32 s19, s18  }
0x9c: {  	s6 =	simm.s32 $0x0;
	s20 =	sshll.u32 s4, $0x1;
	s4 =	sadd.s32 s21, s2  }
0x9d: {  	[timem:s6], [sflag:s22] =	dma.local [hbm:s4], s20  }
0x9e: {  	_ =	swait.ge [sflag:s22], s20  }
0x9f: {  	s3 =	ssub.s32 $0x0, s20;
	[sflag:s22] =	ssyncset.done $0x0  }
0xa0: {  	[sflag:s22] =	ssyncadd.s32 s3;
	_ =	sdelay $0x1  }
0xa1: {  	s23 =	simm.s32 $0x1B8B  }
0xa2: {  	_ =	swait.ge [sflag:s23], $0x1  }
0xa3: {  	[sflag:s23] =	ssyncset.done $0x0  }
0xa4: {  	s25 =	simm.s32 $0x1B8E;
	s24 =	sld [smem:$0x3FFE];
	[sflag:s23] =	ssyncadd.s32 $0xFFFFFFFF  }
0xa5: {  	s26 =	simm.s32 $execute0_lowered;
	[smem:$0x3FD2] =	sst s25  }
0xa6: {  	s4 =	sshll.u32 s26, $0x1;
	_ =	strace $0x8000004C;
	[dreg:$0x1] =	wrdreg $0xFFFFFFFF  }
0xa7: {  	s28 =	simm.s32 $_size_execute0_lowered;
	s2 =	sadd.s32 s2, s4;
	[dreg:$0x0] =	wrdreg $0x0  }
0xa8: {  	s4 =	sshll.u32 s28, $0x1;
	[dreg:$0x2] =	wrdreg s2  }
0xa9: {  	[dreg:$0x3] =	wrdreg s4  }
0xaa: {  	[dreg:$0x4] =	wrdreg $0xC0  }
0xab: {  	_ =	task [dreg:s6], $0x5FFFF  }
0xac: {  	[dreg:$0x1] =	wrdreg $0xFFFFFFFF  }
0xad: {  	[dreg:$0x0] =	wrdreg $0x60  }
0xae: {  	[dreg:$0x2] =	wrdreg s24  }
0xaf: {  	[dreg:$0x3] =	wrdreg $0x144000  }
0xb0: {  	[dreg:$0x4] =	wrdreg $0x9  }
0xb1: {  	_ =	task.clear_ibuf [dreg:s6], $0x5FFFF;
	_ =	strace $0x9000004C  }
0xb2: {  	s29 =	simm.s32 $0x9;
	_ =	strace $0x8000004E  }
0xb3: {  	_ =	swait.ge [sflag:s29], $0x1  }
0xb4: {  	[sflag:s29] =	ssyncadd.s32 $0xFFFFFFFF  }
0xb5: {  	_ =	strace $0x9000004E  }
0xb6: {  	_ =	sfence  }
0xb7: {  	s30 =	sld [smem:$0x0];
	_ =	sdelay $0x2  }
0xb8: {  	s31 =	sshll.u32 s1, $0xD;
	s1 =	sshrl.u32 s1, $0x2  }
0xb9: {  	s3 =	sand.u32 $0x4000, s31;
	s1 =	sadd.s32 s1, s30  }
0xba: {  	s0 =	sor.u32 s3, s0;
	s1 =	sshll.u32 s1, $0x11  }
0xbb: {  	s0 =	sor.u32 s1, s0  }
0xbc: {  	s0 =	sadd.s32 $0x8F2B, s0  }
0xbd: {  	[sflag:s0] =	ssyncadd.remote.s32 $0x1  }
0xbe: {  	_ =	sfence.sel $0xFFFF  }
0xbf: {  	[dreg:$0x0] =	wrdreg $0xFFFFFFFF;
	(pc) =	sbr.abs _section_cstart, $3  }
0xc0: {  	[dreg:$0x1] =	wrdreg $0xFFFFFFFF  }
0xc1: {  	_ =	task.clear_ibuf [dreg:s6], $0x2FFFF;
	_ =	strace $0x9FFFFFFF  }
0xc2: {  	(tm) =	ssettm $0x7FFFFFFF  }
0xc3: {  	_ =	shalt  }
tec
execute0_lowered:
.L_overlay_start_1:
0x0: {  	(tag) =	ssettag $0x1  }
0x1: {  	s0 =	srdreg.scid;
	s1 =	rddreg [dreg:$0x0]  }
0x2: {  	s2 =	rddreg [dreg:$0x1];
	s4 =	simm.s32 $0x0;
	s5 =	stileid.u32  }
0x3: {  	s10 =	simm.s32 $0xB;
	s12 =	simm.s32 $0x14000;
	s13 =	simm.s32 $0x80  }
0x4: {  	s14 =	simm.s32 $0xA000;
	s15 =	simm.s32 $0xC000;
	s17 =	simm.s32 $0xE000  }
0x5: {  	s19 =	simm.s32 $0x10000;
	s20 =	simm.s32 $0x1;
	s29 =	simm.s32 $0x3  }
0x6: {  	s31 =	simm.s32 $0x7;
	s16 =	simm.s32 $0x4;
	s9 =	smul.u32 $0xA000, s5  }
0x7: {  	s30 =	simm.s32 $0x9;
	s18 =	simm.s32 $0xA;
	s22 =	smul.u32 $0xA00, s5  }
0x8: {  	s0 =	sand.u32 $0x1, s0;
	[smem:$0x7FF] =	sst s4;
	s5 =	smul.u32 $0x28000, s5  }
0x9: {  	s4 =	simm.s32 $0x5000;
	s3 =	smul.u32 $0xA0000, s0;
	s0 =	ssub.s32 $0x2, s0  }
0xa: {  	_ =	strace $0x8000004D;
	s6 =	sadd.s32 s22, s1;
	s23 =	sshrl.u32 s0, $0x1  }
0xb: {  	s24 =	sshrl.u32 s5, $0x2;
	s28 =	sadd.s32 s9, s2;
	s22 =	simm.s32 $0x12000  }
0xc: {  	s21 =	sshrl.u32 s3, $0x3;
	s3 =	sadd.s32 s9, s3;
	s0 =	ssub.s32 s0, s23  }
0xd: {  	s25 =	sadd.s32 $0x16E00, s6;
	s26 =	sadd.s32 $0x2E00, s6;
	s6 =	sadd.s32 s24, s2  }
.Ltmp0:
0xe: {  	s23 =	simm.s32 $0x2;
	s24 =	simm.s32 $0x5;
	(pc) =	sbr.rel .LBB2_1-.Ltmp0, $4  }
0xf: {  	s7 =	sadd.s32 s21, s1;
	s3 =	sshrl.u32 s3, $0x3;
	[dreg:$0x3] =	wrdreg s25  }
0x10: {  	[dreg:$0x4] =	wrdreg s26;
	s9 =	smax.u32 s0, $0x1;
	s25 =	sshrl.u32 s28, $0x3  }
0x11: {  	s26 =	simm.s32 $0x6;
	s21 =	simm.s32 $0x0;
	s1 =	sadd.s32 s3, s1  }
0x12: {  	v0 =	vimm.f32 $0.0e+00;
	s7 =	sadd.s32 $0x70E00, s7;
	s8 =	sadd.s32 $0x98E00, s1;
	s1 =	simm.s32 $0x8  }
.LBB2_6:
0x13: {  	_ =	swait.ge [sflag:s24], $0x2000  }
0x14: {  	[sflag:s24] =	ssyncset.done $0x0  }
0x15: {  	[sflag:s24] =	ssyncadd.s32 $0xFFFFE000  }
0x16: {  	[spmem:s2] =	stream.indirect.scatter.add.f32 [tilespmem:s22], [sflag:$0xA], $0x40, s3, s13, $0xb8;
	[tilespmem:$0x1E400] =	vst v63  }
0x17: {  	_ =	swait.ge [sflag:s26], $0x2000  }
0x18: {  	[sflag:s26] =	ssyncset.done $0x0  }
0x19: {  	[sflag:s26] =	ssyncadd.s32 $0xFFFFE000  }
0x1a: {  	_ =	swait.ge [sflag:s31], $0x2000  }
0x1b: {  	[sflag:s31] =	ssyncset.done $0x0  }
0x1c: {  	[sflag:s31] =	ssyncadd.s32 $0xFFFFE000  }
0x1d: {  	_ =	swait.ge [sflag:s1], $0x2000  }
0x1e: {  	[sflag:s1] =	ssyncset.done $0x0  }
0x1f: {  	[sflag:s1] =	ssyncadd.s32 $0xFFFFE000  }
0x20: {  	_ =	swait.ge [sflag:s30], $0x2000  }
0x21: {  	[sflag:s30] =	ssyncset.done $0x0  }
0x22: {  	[sflag:s30] =	ssyncadd.s32 $0xFFFFE000  }
0x23: {  	_ =	swait.ge [sflag:s18], $0x2000  }
0x24: {  	s0 =	stileid.u32;
	s21 =	sadd.s32 $0x1, s21;
	[sflag:s18] =	ssyncset.done $0x0  }
0x25: {  	s0 =	sshll.u32 s0, $0x6;
	p0 =	sne.s32 s21, s9;
	[sflag:s18] =	ssyncadd.s32 $0xFFFFE000  }
.Ltmp1:
0x26: {  	s0 =	sor.u32 $0x1C0B, s0;
	[bflag:$0x0] =	sbarrier.arrive $0xFFFF;
	(pc) =	sbr.rel @!p0 .LBB2_7-.Ltmp1, $4  }
0x27: {  	[hbm:s8], [sflag:s0] =	dma.local [spmem:s25], $0x1400  }
0x28: {  	_ =	swait.ge [sflag:s10], $0x1400  }
0x29: {  	[sflag:s10] =	ssyncset.done $0x0  }
0x2a: {  	s4 =	simm.s32 $0x5000;
	[sflag:s10] =	ssyncadd.s32 $0xFFFFEC00  }
.LBB2_1:
0x2b: {  	s0 =	simm.s32 $0x0;
	s3 =	rddreg [dreg:$0x3]  }
0x2c: {  	[tilespmem:s0], [sflag:$0xB] =	stream.linear.gather [hbm4b:s3+s0], $0x5000, $0x38;
	[tilespmem:$0x1E400] =	vst v63  }
0x2d: {  	_ =	swait.ge [sflag:s10], $0x5000  }
0x2e: {  	[sflag:s10] =	ssyncset.done $0x0  }
0x2f: {  	s11 =	rddreg [dreg:$0x4];
	[sflag:s10] =	ssyncadd.s32 $0xFFFFB000  }
0x30: {  	[tilespmem:s4], [sflag:$0xB] =	stream.linear.gather [hbm4b:s11+s0], $0x5000, $0x38;
	[tilespmem:$0x1E400] =	vst v63  }
0x31: {  	_ =	swait.ge [sflag:s10], $0x5000  }
0x32: {  	[sflag:s10] =	ssyncset.done $0x0  }
0x33: {  	[sflag:s10] =	ssyncadd.s32 $0xFFFFB000  }
0x34: {  	[tilespmem:$0x14000] =	vst v0  }
0x35: {  	[tilespmem:$0x14010] =	vst v0  }
0x36: {  	[tilespmem:$0x14020] =	vst v0  }
0x37: {  	[tilespmem:$0x14030] =	vst v0  }
0x38: {  	[tilespmem:$0x14040] =	vst v0  }
0x39: {  	[tilespmem:$0x14050] =	vst v0  }
0x3a: {  	[tilespmem:$0x14060] =	vst v0  }
0x3b: {  	[tilespmem:$0x14070] =	vst v0  }
0x3c: {  	[tilespmem:$0x14080] =	vst v0  }
0x3d: {  	[tilespmem:$0x14090] =	vst v0  }
0x3e: {  	[tilespmem:$0x140A0] =	vst v0  }
0x3f: {  	[tilespmem:$0x140B0] =	vst v0  }
0x40: {  	[tilespmem:$0x140C0] =	vst v0  }
0x41: {  	[tilespmem:$0x140D0] =	vst v0  }
0x42: {  	[tilespmem:$0x140E0] =	vst v0  }
0x43: {  	[tilespmem:$0x140F0] =	vst v0  }
0x44: {  	[tilespmem:$0x14100] =	vst v0  }
0x45: {  	[tilespmem:$0x14110] =	vst v0  }
0x46: {  	[tilespmem:$0x14120] =	vst v0  }
0x47: {  	[tilespmem:$0x14130] =	vst v0  }
0x48: {  	[tilespmem:$0x14140] =	vst v0  }
0x49: {  	[tilespmem:$0x14150] =	vst v0  }
0x4a: {  	[tilespmem:$0x14160] =	vst v0  }
0x4b: {  	[tilespmem:$0x14170] =	vst v0  }
0x4c: {  	[tilespmem:$0x14180] =	vst v0  }
0x4d: {  	[tilespmem:$0x14190] =	vst v0  }
0x4e: {  	[tilespmem:$0x141A0] =	vst v0  }
0x4f: {  	[tilespmem:$0x141B0] =	vst v0  }
0x50: {  	[tilespmem:$0x141C0] =	vst v0  }
0x51: {  	[tilespmem:$0x141D0] =	vst v0  }
0x52: {  	[tilespmem:$0x141E0] =	vst v0  }
0x53: {  	[tilespmem:$0x141F0] =	vst v0  }
0x54: {  	[tilespmem:$0x14200] =	vst v0  }
0x55: {  	[tilespmem:$0x14210] =	vst v0  }
0x56: {  	[tilespmem:$0x14220] =	vst v0  }
0x57: {  	[tilespmem:$0x14230] =	vst v0  }
0x58: {  	[tilespmem:$0x14240] =	vst v0  }
0x59: {  	[tilespmem:$0x14250] =	vst v0  }
0x5a: {  	[tilespmem:$0x14260] =	vst v0  }
0x5b: {  	[tilespmem:$0x14270] =	vst v0  }
0x5c: {  	[tilespmem:$0x14280] =	vst v0  }
0x5d: {  	[tilespmem:$0x14290] =	vst v0  }
0x5e: {  	[tilespmem:$0x142A0] =	vst v0  }
0x5f: {  	[tilespmem:$0x142B0] =	vst v0  }
0x60: {  	[tilespmem:$0x142C0] =	vst v0  }
0x61: {  	[tilespmem:$0x142D0] =	vst v0  }
0x62: {  	[tilespmem:$0x142E0] =	vst v0  }
0x63: {  	[tilespmem:$0x142F0] =	vst v0  }
0x64: {  	[tilespmem:$0x14300] =	vst v0  }
0x65: {  	[tilespmem:$0x14310] =	vst v0  }
0x66: {  	[tilespmem:$0x14320] =	vst v0  }
0x67: {  	[tilespmem:$0x14330] =	vst v0  }
0x68: {  	[tilespmem:$0x14340] =	vst v0  }
0x69: {  	[tilespmem:$0x14350] =	vst v0  }
0x6a: {  	[tilespmem:$0x14360] =	vst v0  }
0x6b: {  	[tilespmem:$0x14370] =	vst v0  }
0x6c: {  	[tilespmem:$0x14380] =	vst v0  }
0x6d: {  	[tilespmem:$0x14390] =	vst v0  }
0x6e: {  	[tilespmem:$0x143A0] =	vst v0  }
0x6f: {  	[tilespmem:$0x143B0] =	vst v0  }
0x70: {  	[tilespmem:$0x143C0] =	vst v0  }
0x71: {  	[tilespmem:$0x143D0] =	vst v0  }
0x72: {  	[tilespmem:$0x143E0] =	vst v0  }
0x73: {  	s28 =	sadd.s32 $0x0, s6;
	[tilespmem:$0x143F0] =	vst v0  }
0x74: {  	[spmem:s28] =	stream.linear.scatter [tilespmem:s12], [sflag:$0xB], $0x400, $0x38;
	[tilespmem:$0x1E400] =	vst v63  }
0x75: {  	s0 =	simm.s32 $0x1000;
	_ =	swait.ge [sflag:s10], $0x400  }
.LBB2_2:
0x76: {  	s3 =	sshra.s32 s0, $0x2;
	[sflag:s10] =	ssyncset.done $0x0;
	p0 =	sne.s32 s0, $0x27000  }
.Ltmp2:
0x77: {  	s3 =	sadd.s32 s3, s6;
	[sflag:s10] =	ssyncadd.s32 $0xFFFFFC00;
	(pc) =	sbr.rel @p0 .LBB2_2-.Ltmp2, $3  }
0x78: {  	[spmem:s3] =	stream.linear.scatter [tilespmem:s12], [sflag:$0xB], $0x400, $0x38;
	[tilespmem:$0x1E400] =	vst v63  }
0x79: {  	s0 =	sadd.s32 $0x1000, s0;
	_ =	sdelay $0x1  }
0x7a: {  	_ =	swait.ge [sflag:s10], $0x400  }
0x7b: {  	[sflag:s10] =	ssyncset.done $0x0  }
0x7c: {  	[sflag:s10] =	ssyncadd.s32 $0xFFFFFC00  }
0x7d: {  	s28 =	simm.s32 $0x0;
	[bflag:$0x0] =	sbarrier.arrive $0xFFFF  }
0x7e: {  	[tilespmem:s14], [sflag:$0x1] =	stream.indirect.gather [hbm4b:s7+s13], $0x40, s28, s13, $0xb8;
	[tilespmem:$0x1E400] =	vst v63  }
0x7f: {  	_ = 	snop  }
0x80: {  	[tilespmem:s15], [sflag:$0x2] =	stream.indirect.gather [hbm4b:s7+s13], $0x40, s13, s13, $0xb8;
	[tilespmem:$0x1E400] =	vst v63  }
0x81: {  	s0 =	simm.s32 $0x100  }
0x82: {  	[tilespmem:s17], [sflag:$0x3] =	stream.indirect.gather [hbm4b:s7+s13], $0x40, s0, s13, $0xb8;
	[tilespmem:$0x1E400] =	vst v63  }
0x83: {  	s5 =	simm.s32 $0x180  }
0x84: {  	[tilespmem:s19], [sflag:$0x4] =	stream.indirect.gather [hbm4b:s7+s13], $0x40, s5, s13, $0xb8;
	[tilespmem:$0x1E400] =	vst v63  }
0x85: {  	_ =	swait.ge [sflag:s20], $0x2000  }
0x86: {  	[sflag:s20] =	ssyncset.done $0x0  }
0x87: {  	[sflag:s20] =	ssyncadd.s32 $0xFFFFE000  }
0x88: {  	[spmem:s2] =	stream.indirect.scatter.add.f32 [tilespmem:s14], [sflag:$0x6], $0x40, s4, s13, $0xb8;
	[tilespmem:$0x1E400] =	vst v63  }
0x89: {  	s11 =	simm.s32 $0x200  }
0x8a: {  	[tilespmem:s22], [sflag:$0x5] =	stream.indirect.gather [hbm4b:s7+s13], $0x40, s11, s13, $0xb8;
	[tilespmem:$0x1E400] =	vst v63  }
0x8b: {  	_ =	swait.ge [sflag:s23], $0x2000  }
0x8c: {  	[sflag:s23] =	ssyncset.done $0x0  }
0x8d: {  	s3 =	simm.s32 $0x5080;
	[sflag:s23] =	ssyncadd.s32 $0xFFFFE000  }
0x8e: {  	[spmem:s2] =	stream.indirect.scatter.add.f32 [tilespmem:s15], [sflag:$0x7], $0x40, s3, s13, $0xb8;
	[tilespmem:$0x1E400] =	vst v63  }
0x8f: {  	_ =	swait.ge [sflag:s26], $0x2000  }
0x90: {  	[sflag:s26] =	ssyncset.done $0x0  }
0x91: {  	s4 =	simm.s32 $0x280;
	[sflag:s26] =	ssyncadd.s32 $0xFFFFE000  }
0x92: {  	[tilespmem:s14], [sflag:$0x1] =	stream.indirect.gather [hbm4b:s7+s13], $0x40, s4, s13, $0xb8;
	[tilespmem:$0x1E400] =	vst v63  }
0x93: {  	_ =	swait.ge [sflag:s29], $0x2000  }
0x94: {  	[sflag:s29] =	ssyncset.done $0x0  }
0x95: {  	s5 =	simm.s32 $0x5100;
	[sflag:s29] =	ssyncadd.s32 $0xFFFFE000  }
0x96: {  	[spmem:s2] =	stream.indirect.scatter.add.f32 [tilespmem:s17], [sflag:$0x8], $0x40, s5, s13, $0xb8;
	[tilespmem:$0x1E400] =	vst v63  }
0x97: {  	_ =	swait.ge [sflag:s31], $0x2000  }
0x98: {  	[sflag:s31] =	ssyncset.done $0x0  }
0x99: {  	s11 =	simm.s32 $0x300;
	[sflag:s31] =	ssyncadd.s32 $0xFFFFE000  }
0x9a: {  	[tilespmem:s15], [sflag:$0x2] =	stream.indirect.gather [hbm4b:s7+s13], $0x40, s11, s13, $0xb8;
	[tilespmem:$0x1E400] =	vst v63  }
0x9b: {  	_ =	swait.ge [sflag:s16], $0x2000  }
0x9c: {  	[sflag:s16] =	ssyncset.done $0x0  }
0x9d: {  	s3 =	simm.s32 $0x5180;
	[sflag:s16] =	ssyncadd.s32 $0xFFFFE000  }
0x9e: {  	[spmem:s2] =	stream.indirect.scatter.add.f32 [tilespmem:s19], [sflag:$0x9], $0x40, s3, s13, $0xb8;
	[tilespmem:$0x1E400] =	vst v63  }
0x9f: {  	_ =	swait.ge [sflag:s1], $0x2000  }
0xa0: {  	[sflag:s1] =	ssyncset.done $0x0  }
0xa1: {  	s4 =	simm.s32 $0x380;
	[sflag:s1] =	ssyncadd.s32 $0xFFFFE000  }
0xa2: {  	[tilespmem:s17], [sflag:$0x3] =	stream.indirect.gather [hbm4b:s7+s13], $0x40, s4, s13, $0xb8;
	[tilespmem:$0x1E400] =	vst v63  }
0xa3: {  	_ =	swait.ge [sflag:s24], $0x2000  }
0xa4: {  	[sflag:s24] =	ssyncset.done $0x0  }
0xa5: {  	s5 =	simm.s32 $0x5200;
	[sflag:s24] =	ssyncadd.s32 $0xFFFFE000  }
0xa6: {  	[spmem:s2] =	stream.indirect.scatter.add.f32 [tilespmem:s22], [sflag:$0xA], $0x40, s5, s13, $0xb8;
	[tilespmem:$0x1E400] =	vst v63  }
0xa7: {  	_ =	swait.ge [sflag:s30], $0x2000  }
0xa8: {  	[sflag:s30] =	ssyncset.done $0x0  }
0xa9: {  	s11 =	simm.s32 $0x400;
	[sflag:s30] =	ssyncadd.s32 $0xFFFFE000  }
0xaa: {  	[tilespmem:s19], [sflag:$0x4] =	stream.indirect.gather [hbm4b:s7+s13], $0x40, s11, s13, $0xb8;
	[tilespmem:$0x1E400] =	vst v63  }
.LBB2_4:
0xab: {  	_ =	swait.ge [sflag:s20], $0x2000  }
0xac: {  	s0 =	sshra.s32 s28, $0x2;
	[sflag:s20] =	ssyncset.done $0x0  }
0xad: {  	s3 =	sadd.s32 $0x5280, s0;
	[sflag:s20] =	ssyncadd.s32 $0xFFFFE000  }
0xae: {  	[spmem:s2] =	stream.indirect.scatter.add.f32 [tilespmem:s14], [sflag:$0x6], $0x40, s3, s13, $0xb8;
	[tilespmem:$0x1E400] =	vst v63  }
0xaf: {  	_ =	swait.ge [sflag:s18], $0x2000  }
0xb0: {  	[sflag:s18] =	ssyncset.done $0x0  }
0xb1: {  	s4 =	sadd.s32 $0x480, s0;
	[sflag:s18] =	ssyncadd.s32 $0xFFFFE000  }
0xb2: {  	[tilespmem:s22], [sflag:$0x5] =	stream.indirect.gather [hbm4b:s7+s13], $0x40, s4, s13, $0xb8;
	[tilespmem:$0x1E400] =	vst v63  }
0xb3: {  	_ =	swait.ge [sflag:s23], $0x2000  }
0xb4: {  	p0 =	seq.s32 s28, $0x12C00;
	[sflag:s23] =	ssyncset.done $0x0  }
0xb5: {  	s5 =	sadd.s32 $0x5300, s0;
	s3 =	simm.s32 @p0 $0x3;
	[sflag:s23] =	ssyncadd.s32 $0xFFFFE000  }
0xb6: {  	[spmem:s2] =	stream.indirect.scatter.add.f32 [tilespmem:s15], [sflag:$0x7], $0x40, s5, s13, $0xb8;
	[tilespmem:$0x1E400] =	vst v63  }
0xb7: {  	_ =	swait.ge @p0 [sflag:s3], $0x2000  }
0xb8: {  	[sflag:s3] =	ssyncset.done @p0 $0x0  }
0xb9: {  	[sflag:s3] =	ssyncadd.s32 @p0 $0xFFFFE000;
	s3 =	sshra.s32 @p0 s28, $0x2  }
0xba: {  	s4 =	simm.s32 @p0 $0x80;
	s5 =	simm.s32 @p0 $0xE000;
	s3 =	sadd.s32 @p0 $0x5380, s3  }
0xbb: {  	[spmem:s2] =	stream.indirect.scatter.add.f32 @p0 [tilespmem:s5], [sflag:$0x8], $0x40, s3, s4, $0xb8;
	[tilespmem:$0x1E400] =	vst v63  }
0xbc: {  	s3 =	simm.s32 @!p0 $0x6  }
0xbd: {  	_ =	swait.ge @!p0 [sflag:s3], $0x2000  }
0xbe: {  	[sflag:s3] =	ssyncset.done @!p0 $0x0  }
0xbf: {  	[sflag:s3] =	ssyncadd.s32 @!p0 $0xFFFFE000;
	s3 =	sshra.s32 @!p0 s28, $0x2  }
0xc0: {  	s11 =	simm.s32 @!p0 $0xA000;
	s5 =	simm.s32 @!p0 $0x80;
	s4 =	sadd.s32 @!p0 $0x500, s3  }
0xc1: {  	[tilespmem:s11], [sflag:$0x1] =	stream.indirect.gather @!p0 [hbm4b:s7+s5], $0x40, s4, s5, $0xb8;
	[tilespmem:$0x1E400] =	vst v63  }
0xc2: {  	s4 =	simm.s32 @!p0 $0x3  }
0xc3: {  	_ =	swait.ge @!p0 [sflag:s4], $0x2000  }
0xc4: {  	[sflag:s4] =	ssyncset.done @!p0 $0x0  }
0xc5: {  	s11 =	simm.s32 @!p0 $0xE000;
	[sflag:s4] =	ssyncadd.s32 @!p0 $0xFFFFE000;
	s4 =	sadd.s32 @!p0 $0x5380, s3  }
0xc6: {  	[spmem:s2] =	stream.indirect.scatter.add.f32 @!p0 [tilespmem:s11], [sflag:$0x8], $0x40, s4, s5, $0xb8;
	[tilespmem:$0x1E400] =	vst v63  }
0xc7: {  	s4 =	simm.s32 @!p0 $0x7  }
0xc8: {  	_ =	swait.ge @!p0 [sflag:s4], $0x2000  }
0xc9: {  	[sflag:s4] =	ssyncset.done @!p0 $0x0  }
0xca: {  	s3 =	sadd.s32 @!p0 $0x580, s3;
	[sflag:s4] =	ssyncadd.s32 @!p0 $0xFFFFE000;
	s4 =	simm.s32 @!p0 $0xC000  }
0xcb: {  	[tilespmem:s4], [sflag:$0x2] =	stream.indirect.gather @!p0 [hbm4b:s7+s5], $0x40, s3, s5, $0xb8;
	[tilespmem:$0x1E400] =	vst v63  }
.Ltmp3:
0xcc: {  	_ = 	snop;
	(pc) =	sbr.rel @p0 .LBB2_6-.Ltmp3, $4  }
0xcd: {  	_ =	swait.ge [sflag:s16], $0x2000  }
0xce: {  	[sflag:s16] =	ssyncset.done $0x0  }
0xcf: {  	s11 =	sadd.s32 $0x5400, s0;
	s3 =	sadd.s32 $0x5480, s0;
	[sflag:s16] =	ssyncadd.s32 $0xFFFFE000  }
0xd0: {  	[spmem:s2] =	stream.indirect.scatter.add.f32 [tilespmem:s19], [sflag:$0x9], $0x40, s11, s13, $0xb8;
	[tilespmem:$0x1E400] =	vst v63  }
0xd1: {  	_ =	swait.ge [sflag:s1], $0x2000  }
0xd2: {  	[sflag:s1] =	ssyncset.done $0x0  }
0xd3: {  	s4 =	sadd.s32 $0x600, s0;
	[sflag:s1] =	ssyncadd.s32 $0xFFFFE000  }
0xd4: {  	[tilespmem:s17], [sflag:$0x3] =	stream.indirect.gather [hbm4b:s7+s13], $0x40, s4, s13, $0xb8;
	[tilespmem:$0x1E400] =	vst v63  }
0xd5: {  	_ =	swait.ge [sflag:s24], $0x2000  }
0xd6: {  	[sflag:s24] =	ssyncset.done $0x0  }
0xd7: {  	[sflag:s24] =	ssyncadd.s32 $0xFFFFE000  }
0xd8: {  	[spmem:s2] =	stream.indirect.scatter.add.f32 [tilespmem:s22], [sflag:$0xA], $0x40, s3, s13, $0xb8;
	[tilespmem:$0x1E400] =	vst v63  }
.Ltmp4:
0xd9: {  	_ = 	snop;
	(pc) =	sbr.rel .LBB2_4-.Ltmp4, $4  }
0xda: {  	_ =	swait.ge [sflag:s30], $0x2000  }
0xdb: {  	[sflag:s30] =	ssyncset.done $0x0  }
0xdc: {  	s11 =	sadd.s32 $0x680, s0;
	s28 =	sadd.s32 $0xA00, s28;
	[sflag:s30] =	ssyncadd.s32 $0xFFFFE000  }
0xdd: {  	[tilespmem:s19], [sflag:$0x4] =	stream.indirect.gather [hbm4b:s7+s13], $0x40, s11, s13, $0xb8;
	[tilespmem:$0x1E400] =	vst v63  }
.LBB2_7:
0xde: {  	_ =	sfence.sel $0x180000  }
0xdf: {  	[bflag:$0x0] =	sbarrier.arrive $0xFFFF  }
0xe0: {  	_ =	strace $0x9000004D  }
0xe1: {  	s0 =	stileid.u32;
	[bflag:$0x2] =	sbarrier.arrive $0xFFFF  }
0xe2: {  	p0 =	sne.s32 s0, $0x0;
	s0 =	rddreg [dreg:$0x2]  }
0xe3: {  	s0 =	sadd.s32 @!p0 $0x100000, s0  }
0xe4: {  	[sflag:s0] =	ssyncadd.tile.s32 @!p0 $0x1;
	_ =	shalt  }
.Lfunc_end2:
_tile_overlayer_lowered:
.L_overlay_start_2:
0xe5: {  	(tag) =	ssettag $0x2  }
0xe6: {  	s0 =	rddreg [dreg:$0x0];
	s2 =	stileid.u32  }
0xe7: {  	s1 =	rddreg [dreg:$0x1];
	p0 =	sne.s32 s2, $0x0  }
0xe8: {  	s3 =	rddreg [dreg:$0x2];
	[bflag:$0x3] =	sbarrier.arrive $0xFFFF;
	s2 =	simm.s32 @!p0 $0x1C0B  }
0xe9: {  	[timem:s3], [sflag:s2] =	dma.local @!p0 [hbm:s0], s1  }
0xea: {  	s0 =	simm.s32 @!p0 $0xB  }
0xeb: {  	_ =	swait.ge @!p0 [sflag:s0], s1  }
0xec: {  	s1 =	ssub.s32 @!p0 $0x0, s1;
	[sflag:s0] =	ssyncset.done @!p0 $0x0  }
0xed: {  	[sflag:s0] =	ssyncadd.s32 @!p0 s1  }
0xee: {  	[bflag:$0x3] =	sbarrier.arrive $0xFFFF  }
0xef: {  	_ =	shalt  }

</sc_bundles>
